<compile_context>
chip_gen: v7x
topology: tpu7x:2x2x1
jax: 0.10.2.dev20260603
libtpu: 0.0.44.dev20260713+nightly
codegen_flags: <defaults>
</compile_context>

<pallas_src>
import functools

import jax
import jax.numpy as jnp
from jax import lax
from jax.experimental import pallas as pl
from jax.experimental.pallas import tpu as pltpu
from jax.experimental.pallas import tpu_sc as plsc

G, P = 16, 256
EPS = 1e-5
KPAD = 16



def _knn_body(k, f_ref, idx_ref):
    f = f_ref[0]
    gbase = pl.program_id(0) * P
    sq = jnp.sum(f * f, axis=1, keepdims=True)
    d2 = sq + jnp.reshape(sq, (1, P)) - 2.0 * lax.dot_general(
        f, f, (((1,), (1,)), ((), ())))
    row = lax.broadcasted_iota(jnp.int32, (P, P), 0)
    cols = lax.broadcasted_iota(jnp.int32, (P, P), 1)
    d2 = d2 + jnp.where(row == cols, jnp.float32(1e9), jnp.float32(0.0))
    outs = []
    for _ in range(k):
        m = jnp.min(d2, axis=1, keepdims=True)
        amin = jnp.min(jnp.where(d2 <= m, cols, P), axis=1, keepdims=True)
        outs.append(amin + gbase)
        d2 = jnp.where(cols == amin, jnp.float32(3e38), d2)
    idx_ref[0] = jnp.concatenate(outs, axis=1)


def _knn(f, k):
    C = f.shape[-1]
    return pl.pallas_call(
        functools.partial(_knn_body, k),
        grid=(G,),
        in_specs=[pl.BlockSpec((1, P, C), lambda g: (g, 0, 0))],
        out_specs=pl.BlockSpec((1, P, k), lambda g: (g, 0, 0)),
        out_shape=jax.ShapeDtypeStruct((G, P, k), jnp.int32),
    )(f.reshape(G, P, C))



def _gather_rows(x, idxflat, K):
    C = x.shape[1]
    EH = P * K // 2
    CHN = 128
    NCH = EH // CHN
    NBUF = min(3 if C > 128 else 4, NCH)
    mesh = plsc.VectorSubcoreMesh(core_axis_name="c", subcore_axis_name="s")

    @functools.partial(
        pl.kernel,
        out_type=jax.ShapeDtypeStruct((G * P * K, C), jnp.float32),
        mesh=mesh,
        scratch_types=[pltpu.VMEM((EH,), jnp.int32)]
        + [pltpu.VMEM((CHN, C), jnp.float32)] * NBUF
        + [pltpu.SemaphoreType.DMA] * NBUF,
    )
    def gather_kernel(x_hbm, idx_hbm, xj_hbm, idx_v, *scr):
        rows = scr[:NBUF]
        sems = scr[NBUF:]
        wid = lax.axis_index("s") * 2 + lax.axis_index("c")
        g = wid // 2
        q = wid % 2
        base = g * P * K + q * EH
        pltpu.sync_copy(idx_hbm.at[g, pl.ds(q * EH, EH)], idx_v)

        def fire(c):
            return pltpu.async_copy(
                x_hbm.at[idx_v.at[pl.ds(c * CHN, CHN)]],
                rows[c % NBUF], sems[c % NBUF])

        pend = [fire(c) for c in range(NBUF)]
        for c in range(NCH):
            pend[c % NBUF].wait()
            pltpu.sync_copy(rows[c % NBUF],
                            xj_hbm.at[pl.ds(base + c * CHN, CHN), :])
            if c + NBUF < NCH:
                pend[c % NBUF] = fire(c + NBUF)

    return gather_kernel(x, idxflat)



def _edge_reduce_body(K, xj_ref, xi_ref, an_ref, Wb_ref, s_ref, s2p_ref):
    Cin = xi_ref.shape[1]
    Cout = Wb_ref.shape[1]
    dif = xj_ref[...].reshape(P, K, Cin) - xi_ref[...][:, None, :]
    t = jnp.dot(dif.reshape(P * K, Cin), Wb_ref[...],
                preferred_element_type=jnp.float32)
    e = jnp.maximum(t.reshape(P, K, Cout) + an_ref[...][:, None, :], 0.0)
    s_ref[...] = jnp.sum(e, axis=1)
    s2p_ref[...] = jnp.sum(e * e, axis=(0, 1)).reshape(1, 1, Cout)


def _edge_reduce(xj, xi, anode, Wb, K):
    Cin = xi.shape[1]
    Cout = Wb.shape[1]
    s, s2p = pl.pallas_call(
        functools.partial(_edge_reduce_body, K),
        grid=(G,),
        in_specs=[
            pl.BlockSpec((P * K, Cin), lambda g: (g, 0)),
            pl.BlockSpec((P, Cin), lambda g: (g, 0)),
            pl.BlockSpec((P, Cout), lambda g: (g, 0)),
            pl.BlockSpec((Cin, Cout), lambda g: (0, 0)),
        ],
        out_specs=[
            pl.BlockSpec((P, Cout), lambda g: (g, 0)),
            pl.BlockSpec((1, 1, Cout), lambda g: (g, 0, 0)),
        ],
        out_shape=[
            jax.ShapeDtypeStruct((G * P, Cout), jnp.float32),
            jax.ShapeDtypeStruct((G, 1, Cout), jnp.float32),
        ],
    )(xj, xi, anode, Wb)
    return s, s2p.reshape(G, Cout)


def _layer_edges(table, idx, anode, Wb, K):
    idxf = idx.reshape(G, P * K)
    xj = _gather_rows(table, idxf, K)
    return _edge_reduce(xj, table, anode, Wb, K)




def _bnproj_body(kprev, s_ref, s2p_ref, g_ref, be_ref, W_ref, bias_ref,
                 h_ref, an_ref):
    s = s_ref[...]
    n = jnp.float32(G * P * kprev)
    m = jnp.sum(s, axis=0) / n
    v = jnp.sum(s2p_ref[...], axis=0) / n - m * m
    h = (s * jnp.float32(1.0 / kprev) - m) * lax.rsqrt(v + EPS) * g_ref[...] \
        + be_ref[...]
    h_ref[...] = h
    an_ref[...] = (
        jnp.dot(h, W_ref[...], preferred_element_type=jnp.float32)
        + bias_ref[...]
    )


def _bnproj(s, s2p, g, be, kprev, Wa, bias):
    Cp = s.shape[1]
    return pl.pallas_call(
        functools.partial(_bnproj_body, kprev),
        out_shape=[
            jax.ShapeDtypeStruct((G * P, Cp), jnp.float32),
            jax.ShapeDtypeStruct((G * P, Wa.shape[1]), jnp.float32),
        ],
    )(s, s2p, g, be, Wa, bias)


def _anode1_body(x_ref, W_ref, b_ref, o_ref):
    o_ref[...] = (
        jnp.dot(x_ref[...], W_ref[...], preferred_element_type=jnp.float32)
        + b_ref[...]
    )


def _anode1(x, Wa, b):
    return pl.pallas_call(
        _anode1_body,
        out_shape=jax.ShapeDtypeStruct((G * P, Wa.shape[1]), jnp.float32),
    )(x, Wa, b)



def _head_body(s_ref, s2p_ref, g3_ref, be3_ref, Wc1_ref, bc1_ref, gc1_ref,
               bec1_ref, Wc2_ref, bc2_ref, gc2_ref, bec2_ref, o_ref):
    s = s_ref[...]
    n = jnp.float32(G * P * 16)
    m = jnp.sum(s, axis=0) / n
    v = jnp.sum(s2p_ref[...], axis=0) / n - m * m
    h = (s * jnp.float32(1.0 / 16.0) - m) * lax.rsqrt(v + EPS) * g3_ref[...] \
        + be3_ref[...]
    pooled = jnp.mean(h.reshape(G, P, h.shape[-1]), axis=1)
    c = jnp.maximum(
        jnp.dot(pooled, Wc1_ref[...], preferred_element_type=jnp.float32)
        + bc1_ref[...], 0.0)
    m1 = jnp.mean(c, axis=0)
    v1 = jnp.mean(jnp.square(c - m1), axis=0)
    c = (c - m1) * lax.rsqrt(v1 + EPS) * gc1_ref[...] + bec1_ref[...]
    c2 = jnp.maximum(
        jnp.dot(c, Wc2_ref[...], preferred_element_type=jnp.float32)
        + bc2_ref[...], 0.0)
    m2 = jnp.mean(c2, axis=0)
    v2 = jnp.mean(jnp.square(c2 - m2), axis=0)
    c2 = (c2 - m2) * lax.rsqrt(v2 + EPS) * gc2_ref[...] + bec2_ref[...]
    o_ref[...] = jax.nn.sigmoid(c2[:, 0])


def _head(s, s2p, g3, be3, Wc1, bc1, gc1, bec1, Wc2, bc2, gc2, bec2):
    return pl.pallas_call(
        _head_body,
        out_shape=jax.ShapeDtypeStruct((G,), jnp.float32),
    )(s, s2p, g3, be3, Wc1, bc1, gc1, bec1, Wc2, bc2, gc2, bec2)



def kernel(x, pos, batch, W1, b1, g1, be1, W2, b2, g2, be2, W3, b3, g3, be3,
           Wc1, bc1, gc1, bec1, Wc2, bc2, gc2, bec2):
    del batch

    x128 = jnp.pad(x, ((0, 0), (0, 93)))
    Wb1 = jnp.pad(W1[35:], ((0, 93), (0, 0)))
    idx = _knn(pos, 12)
    an = _anode1(x, W1[:35], b1)
    s, s2p = _layer_edges(x128, idx, an, Wb1, 12)

    h, an = _bnproj(s, s2p, g1, be1, 12, W2[:128], b2)
    idx = _knn(h, 14)
    s, s2p = _layer_edges(h, idx, an, W2[128:], 14)

    h, an = _bnproj(s, s2p, g2, be2, 14, W3[:256], b3)
    idx = _knn(h, 16)
    s, s2p = _layer_edges(h, idx, an, W3[256:], 16)

    return _head(s, s2p, g3, be3, Wc1, bc1, gc1, bec1, Wc2, bc2, gc2, bec2)

# --- scband reference (transcript-rebuilt; emitter-appended) ---
"""Pipeline reference for scband-ecn3-85237920956778 (READ-ONLY COPY).

The authoritative reference and input builder live on the scoring server;
editing this copy changes nothing except your own understanding.
"""

import jax, jax.numpy as jnp
import numpy as np

G, P, K = 16, 256, 12
EPS = 1e-5


def _init_linear(key, fan_in, fan_out):
    k1, k2 = jax.random.split(key)
    lim = 1.0 / np.sqrt(fan_in)
    W = jax.random.uniform(k1, (fan_in, fan_out), jnp.float32, -lim, lim)
    b = jax.random.uniform(k2, (fan_out,), jnp.float32, -lim, lim)
    return W, b


def setup_inputs(seed: int = 0):
    key = jax.random.key(seed)
    ks = jax.random.split(key, 8)
    W1, b1 = _init_linear(ks[2], 70, 128)
    W2, b2 = _init_linear(ks[3], 256, 256)
    W3, b3 = _init_linear(ks[4], 512, 512)
    Wc1, bc1 = _init_linear(ks[5], 512, 512)
    Wc2, bc2 = _init_linear(ks[6], 512, 1)
    return {
        "x": jax.random.normal(ks[0], (G * P, 35), jnp.float32),
        "pos": jax.random.normal(ks[1], (G * P, 3), jnp.float32),
        "batch": jnp.repeat(jnp.arange(G, dtype=jnp.int32), P),
        "W1": W1, "b1": b1, "g1": jnp.ones((128,), jnp.float32), "be1": jnp.zeros((128,), jnp.float32),
        "W2": W2, "b2": b2, "g2": jnp.ones((256,), jnp.float32), "be2": jnp.zeros((256,), jnp.float32),
        "W3": W3, "b3": b3, "g3": jnp.ones((512,), jnp.float32), "be3": jnp.zeros((512,), jnp.float32),
        "Wc1": Wc1, "bc1": bc1, "gc1": jnp.ones((512,), jnp.float32), "bec1": jnp.zeros((512,), jnp.float32),
        "Wc2": Wc2, "bc2": bc2, "gc2": jnp.ones((1,), jnp.float32), "bec2": jnp.zeros((1,), jnp.float32),
    }


def _bn(h, g, b):
    axes = tuple(range(h.ndim - 1))
    m = jnp.mean(h, axis=axes, keepdims=True)
    v = jnp.mean(jnp.square(h - m), axis=axes, keepdims=True)
    return (h - m) / jnp.sqrt(v + EPS) * g + b


def _knn(feat, k):
    f = feat.reshape(G, P, -1)
    sq = jnp.sum(f * f, axis=-1)
    d2 = sq[:, :, None] + sq[:, None, :] - 2.0 * jnp.einsum('gpd,gqd->gpq', f, f)
    d2 = d2 + jnp.eye(P, dtype=f.dtype)[None] * 1e9
    _, idx = jax.lax.top_k(-d2, k)
    return idx


def _edge_conv(x, idx, W, b, g, be):
    xg = x.reshape(G, P, -1)
    xj = jax.vmap(lambda xg_, ig_: xg_[ig_])(xg, idx)
    xi = jnp.broadcast_to(xg[:, :, None, :], xj.shape)
    msg = jnp.concatenate([xi, xj - xi], axis=-1)
    h = jax.nn.relu(msg @ W + b)
    h = _bn(h, g, be)
    return jnp.mean(h, axis=2).reshape(G * P, -1)


def reference(x, pos, batch, W1, b1, g1, be1, W2, b2, g2, be2, W3, b3, g3, be3, Wc1, bc1, gc1, bec1, Wc2, bc2, gc2, bec2):
    idx = _knn(pos, K)
    h = _edge_conv(x, idx, W1, b1, g1, be1)
    idx = _knn(h, K + 2)
    h = _edge_conv(h, idx, W2, b2, g2, be2)
    idx = _knn(h, K + 4)
    h = _edge_conv(h, idx, W3, b3, g3, be3)
    pooled = jnp.mean(h.reshape(G, P, -1), axis=1)
    c = _bn(jax.nn.relu(pooled @ Wc1 + bc1), gc1, bec1)
    c = _bn(jax.nn.relu(c @ Wc2 + bc2), gc2, bec2)
    return jax.nn.sigmoid(c)[:, 0]

if __name__ == "__main__":
    import jax
    _d = setup_inputs()
    print(jax.jit(kernel)(*tuple(_d.values())))

</pallas_src>

<mosaic_0001>
#map = affine_map<(d0, d1) -> (0, 0)>
module attributes {stable_mosaic.version = 14 : i64} {
  func.func @gather_kernel(%arg0: i32, %arg1: i32, %arg2: memref<4096x128xf32, #tpu.memory_space<hbm>>, %arg3: memref<16x3072xi32, #tpu.memory_space<hbm>>, %arg4: memref<49152x128xf32, #tpu.memory_space<hbm>>, %arg5: memref<1536xi32, #tpu.memory_space<vmem>>, %arg6: memref<128x128xf32, #tpu.memory_space<vmem>>, %arg7: memref<128x128xf32, #tpu.memory_space<vmem>>, %arg8: memref<128x128xf32, #tpu.memory_space<vmem>>, %arg9: memref<128x128xf32, #tpu.memory_space<vmem>>, %arg10: memref<!tpu.dma_semaphore, #tpu.memory_space<semaphore_mem>>, %arg11: memref<!tpu.dma_semaphore, #tpu.memory_space<semaphore_mem>>, %arg12: memref<!tpu.dma_semaphore, #tpu.memory_space<semaphore_mem>>, %arg13: memref<!tpu.dma_semaphore, #tpu.memory_space<semaphore_mem>>) attributes {dimension_semantics = [#tpu.dimension_semantics<core_parallel>, #tpu.dimension_semantics<subcore_parallel>], iteration_bounds = array<i64: 2, 16>, scalar_prefetch = 0 : i64, scratch_operands = 9 : i64, tpu.core_type = #tpu.core_type<sc_vector_subcore>, window_params = [{transform_indices = #map}, {transform_indices = #map}, {transform_indices = #map}]} {
    %mul3A = arith.constant 2 : i32
    %mul3A_0 = arith.muli %arg1, %mul3A : i32
    %add3A = arith.addi %mul3A_0, %arg0 : i32
    %jit3A = arith.constant 2 : i32
    %div3A = arith.divsi %add3A, %jit3A : i32
    %sign3A = arith.constant 0 : i32
    %sign3A_1 = arith.cmpi sgt, %add3A, %sign3A : i32
    %sign3A_2 = arith.extui %sign3A_1 : i1 to i32
    %sign3A_3 = arith.constant 0 : i32
    %sign3A_4 = arith.cmpi slt, %add3A, %sign3A_3 : i32
    %sign3A_5 = arith.extui %sign3A_4 : i1 to i32
    %sign3A_6 = arith.subi %sign3A_2, %sign3A_5 : i32
    %sign3A_7 = arith.constant 0 : i32
    %sign3A_8 = arith.cmpi sgt, %jit3A, %sign3A_7 : i32
    %sign3A_9 = arith.extui %sign3A_8 : i1 to i32
    %sign3A_10 = arith.constant 0 : i32
    %sign3A_11 = arith.cmpi slt, %jit3A, %sign3A_10 : i32
    %sign3A_12 = arith.extui %sign3A_11 : i1 to i32
    %sign3A_13 = arith.subi %sign3A_9, %sign3A_12 : i32
    %ne3A = arith.cmpi ne, %sign3A_6, %sign3A_13 : i32
    %rem3A = arith.remsi %add3A, %jit3A : i32
    %ne3A_14 = arith.constant 0 : i32
    %ne3A_15 = arith.cmpi ne, %rem3A, %ne3A_14 : i32
    %and3A = arith.andi %ne3A, %ne3A_15 : i1
    %sub3A = arith.constant 1 : i32
    %sub3A_16 = arith.subi %div3A, %sub3A : i32
    %select_n3A = arith.select %and3A, %sub3A_16, %div3A : i32
    %jit3A_17 = arith.constant 2 : i32
    %eq3A = arith.constant 0 : i32
    %eq3A_18 = arith.cmpi eq, %jit3A_17, %eq3A : i32
    %jit3A_19 = arith.constant 1 : i32
    %select_n3A_20 = arith.select %eq3A_18, %jit3A_19, %jit3A_17 : i32
    %rem3A_21 = arith.remsi %add3A, %select_n3A_20 : i32
    %ne3A_22 = arith.constant 0 : i32
    %ne3A_23 = arith.cmpi ne, %rem3A_21, %ne3A_22 : i32
    %lt3A = arith.constant 0 : i32
    %lt3A_24 = arith.cmpi slt, %rem3A_21, %lt3A : i32
    %lt3A_25 = arith.constant 0 : i32
    %lt3A_26 = arith.cmpi slt, %select_n3A_20, %lt3A_25 : i32
    %ne3A_27 = arith.xori %lt3A_24, %lt3A_26 : i1
    %and3A_28 = arith.andi %ne3A_27, %ne3A_23 : i1
    %add3A_29 = arith.addi %rem3A_21, %select_n3A_20 : i32
    %select_n3A_30 = arith.select %and3A_28, %add3A_29, %rem3A_21 : i32
    %mul3A_31 = arith.constant 256 : i32
    %mul3A_32 = arith.muli %select_n3A, %mul3A_31 : i32
    %mul3A_33 = arith.constant 12 : i32
    %mul3A_34 = arith.muli %mul3A_32, %mul3A_33 : i32
    %mul3A_35 = arith.constant 1536 : i32
    %mul3A_36 = arith.muli %select_n3A_30, %mul3A_35 : i32
    %add3A_37 = arith.addi %mul3A_34, %mul3A_36 : i32
    %mul3A_38 = arith.constant 1536 : i32
    %mul3A_39 = arith.muli %select_n3A_30, %mul3A_38 : i32
    "tpu.region"() ({
      %run_scoped3A = tpu.sem_alloc : memref<!tpu.dma_semaphore, #tpu.memory_space<semaphore_mem>>
      %dma_start3A_182 = tpu.memref_slice %arg3[%select_n3A, %mul3A_39] : memref<16x3072xi32, #tpu.memory_space<hbm>> -> memref<1x1536xi32, #tpu.memory_space<hbm>>
      %dma_start3A_183 = tpu.memref_squeeze %dma_start3A_182 : memref<1x1536xi32, #tpu.memory_space<hbm>> -> memref<1536xi32, #tpu.memory_space<hbm>>
      %dma_start3A_184 = tpu.memref_slice %arg3[%select_n3A, %mul3A_39] : memref<16x3072xi32, #tpu.memory_space<hbm>> -> memref<1x1536xi32, #tpu.memory_space<hbm>>
      %dma_start3A_185 = tpu.memref_squeeze %dma_start3A_184 : memref<1x1536xi32, #tpu.memory_space<hbm>> -> memref<1536xi32, #tpu.memory_space<hbm>>
      tpu.enqueue_dma source(%dma_start3A_185 : memref<1536xi32, #tpu.memory_space<hbm>>) target(%arg5 : memref<1536xi32, #tpu.memory_space<vmem>>) target_semaphore(%run_scoped3A : memref<!tpu.dma_semaphore, #tpu.memory_space<semaphore_mem>>)
      %dma_wait3A_186 = tpu.memref_slice %arg3[%select_n3A, %mul3A_39] : memref<16x3072xi32, #tpu.memory_space<hbm>> -> memref<1x1536xi32, #tpu.memory_space<hbm>>
      %dma_wait3A_187 = tpu.memref_squeeze %dma_wait3A_186 : memref<1x1536xi32, #tpu.memory_space<hbm>> -> memref<1536xi32, #tpu.memory_space<hbm>>
      %dma_wait3A_188 = tpu.memref_slice %arg3[%select_n3A, %mul3A_39] : memref<16x3072xi32, #tpu.memory_space<hbm>> -> memref<1x1536xi32, #tpu.memory_space<hbm>>
      %dma_wait3A_189 = tpu.memref_squeeze %dma_wait3A_188 : memref<1x1536xi32, #tpu.memory_space<hbm>> -> memref<1536xi32, #tpu.memory_space<hbm>>
      tpu.wait_dma2 semaphore(%run_scoped3A : memref<!tpu.dma_semaphore, #tpu.memory_space<semaphore_mem>>) src(%dma_wait3A_189 : memref<1536xi32, #tpu.memory_space<hbm>>) dst(%arg5 : memref<1536xi32, #tpu.memory_space<vmem>>)
      tpu.yield
    }) : () -> ()
    %dma_start3A = arith.constant 0 : i32
    %dma_start3A_40 = tpu.memref_slice %arg5[%dma_start3A] : memref<1536xi32, #tpu.memory_space<vmem>> -> memref<128xi32, #tpu.memory_space<vmem>>
    %dma_start3A_41 = arith.constant 0 : i32
    %dma_start3A_42 = arith.constant 0 : i32
    %dma_start3A_43 = tpu.memref_slice %arg2[%dma_start3A_41, %dma_start3A_42] : memref<4096x128xf32, #tpu.memory_space<hbm>> -> memref<4096x128xf32, #tpu.memory_space<hbm>>
    tpu.enqueue_indirect_dma source(%dma_start3A_43 : memref<4096x128xf32, #tpu.memory_space<hbm>>) target(%arg6 : memref<128x128xf32, #tpu.memory_space<vmem>>) offsets(%dma_start3A_40 : memref<128xi32, #tpu.memory_space<vmem>>) semaphore(%arg10 : memref<!tpu.dma_semaphore, #tpu.memory_space<semaphore_mem>>)
    %dma_start3A_44 = arith.constant 128 : i32
    %dma_start3A_45 = tpu.memref_slice %arg5[%dma_start3A_44] : memref<1536xi32, #tpu.memory_space<vmem>> -> memref<128xi32, #tpu.memory_space<vmem>>
    %dma_start3A_46 = arith.constant 0 : i32
    %dma_start3A_47 = arith.constant 0 : i32
    %dma_start3A_48 = tpu.memref_slice %arg2[%dma_start3A_46, %dma_start3A_47] : memref<4096x128xf32, #tpu.memory_space<hbm>> -> memref<4096x128xf32, #tpu.memory_space<hbm>>
    tpu.enqueue_indirect_dma source(%dma_start3A_48 : memref<4096x128xf32, #tpu.memory_space<hbm>>) target(%arg7 : memref<128x128xf32, #tpu.memory_space<vmem>>) offsets(%dma_start3A_45 : memref<128xi32, #tpu.memory_space<vmem>>) semaphore(%arg11 : memref<!tpu.dma_semaphore, #tpu.memory_space<semaphore_mem>>)
    %dma_start3A_49 = arith.constant 256 : i32
    %dma_start3A_50 = tpu.memref_slice %arg5[%dma_start3A_49] : memref<1536xi32, #tpu.memory_space<vmem>> -> memref<128xi32, #tpu.memory_space<vmem>>
    %dma_start3A_51 = arith.constant 0 : i32
    %dma_start3A_52 = arith.constant 0 : i32
    %dma_start3A_53 = tpu.memref_slice %arg2[%dma_start3A_51, %dma_start3A_52] : memref<4096x128xf32, #tpu.memory_space<hbm>> -> memref<4096x128xf32, #tpu.memory_space<hbm>>
    tpu.enqueue_indirect_dma source(%dma_start3A_53 : memref<4096x128xf32, #tpu.memory_space<hbm>>) target(%arg8 : memref<128x128xf32, #tpu.memory_space<vmem>>) offsets(%dma_start3A_50 : memref<128xi32, #tpu.memory_space<vmem>>) semaphore(%arg12 : memref<!tpu.dma_semaphore, #tpu.memory_space<semaphore_mem>>)
    %dma_start3A_54 = arith.constant 384 : i32
    %dma_start3A_55 = tpu.memref_slice %arg5[%dma_start3A_54] : memref<1536xi32, #tpu.memory_space<vmem>> -> memref<128xi32, #tpu.memory_space<vmem>>
    %dma_start3A_56 = arith.constant 0 : i32
    %dma_start3A_57 = arith.constant 0 : i32
    %dma_start3A_58 = tpu.memref_slice %arg2[%dma_start3A_56, %dma_start3A_57] : memref<4096x128xf32, #tpu.memory_space<hbm>> -> memref<4096x128xf32, #tpu.memory_space<hbm>>
    tpu.enqueue_indirect_dma source(%dma_start3A_58 : memref<4096x128xf32, #tpu.memory_space<hbm>>) target(%arg9 : memref<128x128xf32, #tpu.memory_space<vmem>>) offsets(%dma_start3A_55 : memref<128xi32, #tpu.memory_space<vmem>>) semaphore(%arg13 : memref<!tpu.dma_semaphore, #tpu.memory_space<semaphore_mem>>)
    %dma_wait3A = arith.constant 0 : i32
    %dma_wait3A_59 = tpu.memref_slice %arg5[%dma_wait3A] : memref<1536xi32, #tpu.memory_space<vmem>> -> memref<128xi32, #tpu.memory_space<vmem>>
    %dma_wait3A_60 = arith.constant 0 : i32
    %dma_wait3A_61 = arith.constant 0 : i32
    %dma_wait3A_62 = tpu.memref_slice %arg2[%dma_wait3A_60, %dma_wait3A_61] : memref<4096x128xf32, #tpu.memory_space<hbm>> -> memref<4096x128xf32, #tpu.memory_space<hbm>>
    tpu.wait_indirect_dma semaphore(%arg10 : memref<!tpu.dma_semaphore, #tpu.memory_space<semaphore_mem>>) src(%dma_wait3A_62 : memref<4096x128xf32, #tpu.memory_space<hbm>>) dst(%arg6 : memref<128x128xf32, #tpu.memory_space<vmem>>)
    %add3A_63 = arith.constant 0 : i32
    %add3A_64 = arith.addi %add3A_37, %add3A_63 : i32
    "tpu.region"() ({
      %run_scoped3A = tpu.sem_alloc : memref<!tpu.dma_semaphore, #tpu.memory_space<semaphore_mem>>
      %dma_start3A_182 = arith.constant 0 : i32
      %dma_start3A_183 = tpu.memref_slice %arg4[%add3A_64, %dma_start3A_182] : memref<49152x128xf32, #tpu.memory_space<hbm>> -> memref<128x128xf32, #tpu.memory_space<hbm>>
      %dma_start3A_184 = arith.constant 0 : i32
      %dma_start3A_185 = tpu.memref_slice %arg4[%add3A_64, %dma_start3A_184] : memref<49152x128xf32, #tpu.memory_space<hbm>> -> memref<128x128xf32, #tpu.memory_space<hbm>>
      tpu.enqueue_dma source(%arg6 : memref<128x128xf32, #tpu.memory_space<vmem>>) target(%dma_start3A_185 : memref<128x128xf32, #tpu.memory_space<hbm>>) target_semaphore(%run_scoped3A : memref<!tpu.dma_semaphore, #tpu.memory_space<semaphore_mem>>)
      %dma_wait3A_186 = arith.constant 0 : i32
      %dma_wait3A_187 = tpu.memref_slice %arg4[%add3A_64, %dma_wait3A_186] : memref<49152x128xf32, #tpu.memory_space<hbm>> -> memref<128x128xf32, #tpu.memory_space<hbm>>
      %dma_wait3A_188 = arith.constant 0 : i32
      %dma_wait3A_189 = tpu.memref_slice %arg4[%add3A_64, %dma_wait3A_188] : memref<49152x128xf32, #tpu.memory_space<hbm>> -> memref<128x128xf32, #tpu.memory_space<hbm>>
      tpu.wait_dma2 semaphore(%run_scoped3A : memref<!tpu.dma_semaphore, #tpu.memory_space<semaphore_mem>>) src(%arg6 : memref<128x128xf32, #tpu.memory_space<vmem>>) dst(%dma_wait3A_189 : memref<128x128xf32, #tpu.memory_space<hbm>>)
      tpu.yield
    }) : () -> ()
    %dma_start3A_65 = arith.constant 512 : i32
    %dma_start3A_66 = tpu.memref_slice %arg5[%dma_start3A_65] : memref<1536xi32, #tpu.memory_space<vmem>> -> memref<128xi32, #tpu.memory_space<vmem>>
    %dma_start3A_67 = arith.constant 0 : i32
    %dma_start3A_68 = arith.constant 0 : i32
    %dma_start3A_69 = tpu.memref_slice %arg2[%dma_start3A_67, %dma_start3A_68] : memref<4096x128xf32, #tpu.memory_space<hbm>> -> memref<4096x128xf32, #tpu.memory_space<hbm>>
    tpu.enqueue_indirect_dma source(%dma_start3A_69 : memref<4096x128xf32, #tpu.memory_space<hbm>>) target(%arg6 : memref<128x128xf32, #tpu.memory_space<vmem>>) offsets(%dma_start3A_66 : memref<128xi32, #tpu.memory_space<vmem>>) semaphore(%arg10 : memref<!tpu.dma_semaphore, #tpu.memory_space<semaphore_mem>>)
    %dma_wait3A_70 = arith.constant 128 : i32
    %dma_wait3A_71 = tpu.memref_slice %arg5[%dma_wait3A_70] : memref<1536xi32, #tpu.memory_space<vmem>> -> memref<128xi32, #tpu.memory_space<vmem>>
    %dma_wait3A_72 = arith.constant 0 : i32
    %dma_wait3A_73 = arith.constant 0 : i32
    %dma_wait3A_74 = tpu.memref_slice %arg2[%dma_wait3A_72, %dma_wait3A_73] : memref<4096x128xf32, #tpu.memory_space<hbm>> -> memref<4096x128xf32, #tpu.memory_space<hbm>>
    tpu.wait_indirect_dma semaphore(%arg11 : memref<!tpu.dma_semaphore, #tpu.memory_space<semaphore_mem>>) src(%dma_wait3A_74 : memref<4096x128xf32, #tpu.memory_space<hbm>>) dst(%arg7 : memref<128x128xf32, #tpu.memory_space<vmem>>)
    %add3A_75 = arith.constant 128 : i32
    %add3A_76 = arith.addi %add3A_37, %add3A_75 : i32
    "tpu.region"() ({
      %run_scoped3A = tpu.sem_alloc : memref<!tpu.dma_semaphore, #tpu.memory_space<semaphore_mem>>
      %dma_start3A_182 = arith.constant 0 : i32
      %dma_start3A_183 = tpu.memref_slice %arg4[%add3A_76, %dma_start3A_182] : memref<49152x128xf32, #tpu.memory_space<hbm>> -> memref<128x128xf32, #tpu.memory_space<hbm>>
      %dma_start3A_184 = arith.constant 0 : i32
      %dma_start3A_185 = tpu.memref_slice %arg4[%add3A_76, %dma_start3A_184] : memref<49152x128xf32, #tpu.memory_space<hbm>> -> memref<128x128xf32, #tpu.memory_space<hbm>>
      tpu.enqueue_dma source(%arg7 : memref<128x128xf32, #tpu.memory_space<vmem>>) target(%dma_start3A_185 : memref<128x128xf32, #tpu.memory_space<hbm>>) target_semaphore(%run_scoped3A : memref<!tpu.dma_semaphore, #tpu.memory_space<semaphore_mem>>)
      %dma_wait3A_186 = arith.constant 0 : i32
      %dma_wait3A_187 = tpu.memref_slice %arg4[%add3A_76, %dma_wait3A_186] : memref<49152x128xf32, #tpu.memory_space<hbm>> -> memref<128x128xf32, #tpu.memory_space<hbm>>
      %dma_wait3A_188 = arith.constant 0 : i32
      %dma_wait3A_189 = tpu.memref_slice %arg4[%add3A_76, %dma_wait3A_188] : memref<49152x128xf32, #tpu.memory_space<hbm>> -> memref<128x128xf32, #tpu.memory_space<hbm>>
      tpu.wait_dma2 semaphore(%run_scoped3A : memref<!tpu.dma_semaphore, #tpu.memory_space<semaphore_mem>>) src(%arg7 : memref<128x128xf32, #tpu.memory_space<vmem>>) dst(%dma_wait3A_189 : memref<128x128xf32, #tpu.memory_space<hbm>>)
      tpu.yield
    }) : () -> ()
    %dma_start3A_77 = arith.constant 640 : i32
    %dma_start3A_78 = tpu.memref_slice %arg5[%dma_start3A_77] : memref<1536xi32, #tpu.memory_space<vmem>> -> memref<128xi32, #tpu.memory_space<vmem>>
    %dma_start3A_79 = arith.constant 0 : i32
    %dma_start3A_80 = arith.constant 0 : i32
    %dma_start3A_81 = tpu.memref_slice %arg2[%dma_start3A_79, %dma_start3A_80] : memref<4096x128xf32, #tpu.memory_space<hbm>> -> memref<4096x128xf32, #tpu.memory_space<hbm>>
    tpu.enqueue_indirect_dma source(%dma_start3A_81 : memref<4096x128xf32, #tpu.memory_space<hbm>>) target(%arg7 : memref<128x128xf32, #tpu.memory_space<vmem>>) offsets(%dma_start3A_78 : memref<128xi32, #tpu.memory_space<vmem>>) semaphore(%arg11 : memref<!tpu.dma_semaphore, #tpu.memory_space<semaphore_mem>>)
    %dma_wait3A_82 = arith.constant 256 : i32
    %dma_wait3A_83 = tpu.memref_slice %arg5[%dma_wait3A_82] : memref<1536xi32, #tpu.memory_space<vmem>> -> memref<128xi32, #tpu.memory_space<vmem>>
    %dma_wait3A_84 = arith.constant 0 : i32
    %dma_wait3A_85 = arith.constant 0 : i32
    %dma_wait3A_86 = tpu.memref_slice %arg2[%dma_wait3A_84, %dma_wait3A_85] : memref<4096x128xf32, #tpu.memory_space<hbm>> -> memref<4096x128xf32, #tpu.memory_space<hbm>>
    tpu.wait_indirect_dma semaphore(%arg12 : memref<!tpu.dma_semaphore, #tpu.memory_space<semaphore_mem>>) src(%dma_wait3A_86 : memref<4096x128xf32, #tpu.memory_space<hbm>>) dst(%arg8 : memref<128x128xf32, #tpu.memory_space<vmem>>)
    %add3A_87 = arith.constant 256 : i32
    %add3A_88 = arith.addi %add3A_37, %add3A_87 : i32
    "tpu.region"() ({
      %run_scoped3A = tpu.sem_alloc : memref<!tpu.dma_semaphore, #tpu.memory_space<semaphore_mem>>
      %dma_start3A_182 = arith.constant 0 : i32
      %dma_start3A_183 = tpu.memref_slice %arg4[%add3A_88, %dma_start3A_182] : memref<49152x128xf32, #tpu.memory_space<hbm>> -> memref<128x128xf32, #tpu.memory_space<hbm>>
      %dma_start3A_184 = arith.constant 0 : i32
      %dma_start3A_185 = tpu.memref_slice %arg4[%add3A_88, %dma_start3A_184] : memref<49152x128xf32, #tpu.memory_space<hbm>> -> memref<128x128xf32, #tpu.memory_space<hbm>>
      tpu.enqueue_dma source(%arg8 : memref<128x128xf32, #tpu.memory_space<vmem>>) target(%dma_start3A_185 : memref<128x128xf32, #tpu.memory_space<hbm>>) target_semaphore(%run_scoped3A : memref<!tpu.dma_semaphore, #tpu.memory_space<semaphore_mem>>)
      %dma_wait3A_186 = arith.constant 0 : i32
      %dma_wait3A_187 = tpu.memref_slice %arg4[%add3A_88, %dma_wait3A_186] : memref<49152x128xf32, #tpu.memory_space<hbm>> -> memref<128x128xf32, #tpu.memory_space<hbm>>
      %dma_wait3A_188 = arith.constant 0 : i32
      %dma_wait3A_189 = tpu.memref_slice %arg4[%add3A_88, %dma_wait3A_188] : memref<49152x128xf32, #tpu.memory_space<hbm>> -> memref<128x128xf32, #tpu.memory_space<hbm>>
      tpu.wait_dma2 semaphore(%run_scoped3A : memref<!tpu.dma_semaphore, #tpu.memory_space<semaphore_mem>>) src(%arg8 : memref<128x128xf32, #tpu.memory_space<vmem>>) dst(%dma_wait3A_189 : memref<128x128xf32, #tpu.memory_space<hbm>>)
      tpu.yield
    }) : () -> ()
    %dma_start3A_89 = arith.constant 768 : i32
    %dma_start3A_90 = tpu.memref_slice %arg5[%dma_start3A_89] : memref<1536xi32, #tpu.memory_space<vmem>> -> memref<128xi32, #tpu.memory_space<vmem>>
    %dma_start3A_91 = arith.constant 0 : i32
    %dma_start3A_92 = arith.constant 0 : i32
    %dma_start3A_93 = tpu.memref_slice %arg2[%dma_start3A_91, %dma_start3A_92] : memref<4096x128xf32, #tpu.memory_space<hbm>> -> memref<4096x128xf32, #tpu.memory_space<hbm>>
    tpu.enqueue_indirect_dma source(%dma_start3A_93 : memref<4096x128xf32, #tpu.memory_space<hbm>>) target(%arg8 : memref<128x128xf32, #tpu.memory_space<vmem>>) offsets(%dma_start3A_90 : memref<128xi32, #tpu.memory_space<vmem>>) semaphore(%arg12 : memref<!tpu.dma_semaphore, #tpu.memory_space<semaphore_mem>>)
    %dma_wait3A_94 = arith.constant 384 : i32
    %dma_wait3A_95 = tpu.memref_slice %arg5[%dma_wait3A_94] : memref<1536xi32, #tpu.memory_space<vmem>> -> memref<128xi32, #tpu.memory_space<vmem>>
    %dma_wait3A_96 = arith.constant 0 : i32
    %dma_wait3A_97 = arith.constant 0 : i32
    %dma_wait3A_98 = tpu.memref_slice %arg2[%dma_wait3A_96, %dma_wait3A_97] : memref<4096x128xf32, #tpu.memory_space<hbm>> -> memref<4096x128xf32, #tpu.memory_space<hbm>>
    tpu.wait_indirect_dma semaphore(%arg13 : memref<!tpu.dma_semaphore, #tpu.memory_space<semaphore_mem>>) src(%dma_wait3A_98 : memref<4096x128xf32, #tpu.memory_space<hbm>>) dst(%arg9 : memref<128x128xf32, #tpu.memory_space<vmem>>)
    %add3A_99 = arith.constant 384 : i32
    %add3A_100 = arith.addi %add3A_37, %add3A_99 : i32
    "tpu.region"() ({
      %run_scoped3A = tpu.sem_alloc : memref<!tpu.dma_semaphore, #tpu.memory_space<semaphore_mem>>
      %dma_start3A_182 = arith.constant 0 : i32
      %dma_start3A_183 = tpu.memref_slice %arg4[%add3A_100, %dma_start3A_182] : memref<49152x128xf32, #tpu.memory_space<hbm>> -> memref<128x128xf32, #tpu.memory_space<hbm>>
      %dma_start3A_184 = arith.constant 0 : i32
      %dma_start3A_185 = tpu.memref_slice %arg4[%add3A_100, %dma_start3A_184] : memref<49152x128xf32, #tpu.memory_space<hbm>> -> memref<128x128xf32, #tpu.memory_space<hbm>>
      tpu.enqueue_dma source(%arg9 : memref<128x128xf32, #tpu.memory_space<vmem>>) target(%dma_start3A_185 : memref<128x128xf32, #tpu.memory_space<hbm>>) target_semaphore(%run_scoped3A : memref<!tpu.dma_semaphore, #tpu.memory_space<semaphore_mem>>)
      %dma_wait3A_186 = arith.constant 0 : i32
      %dma_wait3A_187 = tpu.memref_slice %arg4[%add3A_100, %dma_wait3A_186] : memref<49152x128xf32, #tpu.memory_space<hbm>> -> memref<128x128xf32, #tpu.memory_space<hbm>>
      %dma_wait3A_188 = arith.constant 0 : i32
      %dma_wait3A_189 = tpu.memref_slice %arg4[%add3A_100, %dma_wait3A_188] : memref<49152x128xf32, #tpu.memory_space<hbm>> -> memref<128x128xf32, #tpu.memory_space<hbm>>
      tpu.wait_dma2 semaphore(%run_scoped3A : memref<!tpu.dma_semaphore, #tpu.memory_space<semaphore_mem>>) src(%arg9 : memref<128x128xf32, #tpu.memory_space<vmem>>) dst(%dma_wait3A_189 : memref<128x128xf32, #tpu.memory_space<hbm>>)
      tpu.yield
    }) : () -> ()
    %dma_start3A_101 = arith.constant 896 : i32
    %dma_start3A_102 = tpu.memref_slice %arg5[%dma_start3A_101] : memref<1536xi32, #tpu.memory_space<vmem>> -> memref<128xi32, #tpu.memory_space<vmem>>
    %dma_start3A_103 = arith.constant 0 : i32
    %dma_start3A_104 = arith.constant 0 : i32
    %dma_start3A_105 = tpu.memref_slice %arg2[%dma_start3A_103, %dma_start3A_104] : memref<4096x128xf32, #tpu.memory_space<hbm>> -> memref<4096x128xf32, #tpu.memory_space<hbm>>
    tpu.enqueue_indirect_dma source(%dma_start3A_105 : memref<4096x128xf32, #tpu.memory_space<hbm>>) target(%arg9 : memref<128x128xf32, #tpu.memory_space<vmem>>) offsets(%dma_start3A_102 : memref<128xi32, #tpu.memory_space<vmem>>) semaphore(%arg13 : memref<!tpu.dma_semaphore, #tpu.memory_space<semaphore_mem>>)
    %dma_wait3A_106 = arith.constant 512 : i32
    %dma_wait3A_107 = tpu.memref_slice %arg5[%dma_wait3A_106] : memref<1536xi32, #tpu.memory_space<vmem>> -> memref<128xi32, #tpu.memory_space<vmem>>
    %dma_wait3A_108 = arith.constant 0 : i32
    %dma_wait3A_109 = arith.constant 0 : i32
    %dma_wait3A_110 = tpu.memref_slice %arg2[%dma_wait3A_108, %dma_wait3A_109] : memref<4096x128xf32, #tpu.memory_space<hbm>> -> memref<4096x128xf32, #tpu.memory_space<hbm>>
    tpu.wait_indirect_dma semaphore(%arg10 : memref<!tpu.dma_semaphore, #tpu.memory_space<semaphore_mem>>) src(%dma_wait3A_110 : memref<4096x128xf32, #tpu.memory_space<hbm>>) dst(%arg6 : memref<128x128xf32, #tpu.memory_space<vmem>>)
    %add3A_111 = arith.constant 512 : i32
    %add3A_112 = arith.addi %add3A_37, %add3A_111 : i32
    "tpu.region"() ({
      %run_scoped3A = tpu.sem_alloc : memref<!tpu.dma_semaphore, #tpu.memory_space<semaphore_mem>>
      %dma_start3A_182 = arith.constant 0 : i32
      %dma_start3A_183 = tpu.memref_slice %arg4[%add3A_112, %dma_start3A_182] : memref<49152x128xf32, #tpu.memory_space<hbm>> -> memref<128x128xf32, #tpu.memory_space<hbm>>
      %dma_start3A_184 = arith.constant 0 : i32
      %dma_start3A_185 = tpu.memref_slice %arg4[%add3A_112, %dma_start3A_184] : memref<49152x128xf32, #tpu.memory_space<hbm>> -> memref<128x128xf32, #tpu.memory_space<hbm>>
      tpu.enqueue_dma source(%arg6 : memref<128x128xf32, #tpu.memory_space<vmem>>) target(%dma_start3A_185 : memref<128x128xf32, #tpu.memory_space<hbm>>) target_semaphore(%run_scoped3A : memref<!tpu.dma_semaphore, #tpu.memory_space<semaphore_mem>>)
      %dma_wait3A_186 = arith.constant 0 : i32
      %dma_wait3A_187 = tpu.memref_slice %arg4[%add3A_112, %dma_wait3A_186] : memref<49152x128xf32, #tpu.memory_space<hbm>> -> memref<128x128xf32, #tpu.memory_space<hbm>>
      %dma_wait3A_188 = arith.constant 0 : i32
      %dma_wait3A_189 = tpu.memref_slice %arg4[%add3A_112, %dma_wait3A_188] : memref<49152x128xf32, #tpu.memory_space<hbm>> -> memref<128x128xf32, #tpu.memory_space<hbm>>
      tpu.wait_dma2 semaphore(%run_scoped3A : memref<!tpu.dma_semaphore, #tpu.memory_space<semaphore_mem>>) src(%arg6 : memref<128x128xf32, #tpu.memory_space<vmem>>) dst(%dma_wait3A_189 : memref<128x128xf32, #tpu.memory_space<hbm>>)
      tpu.yield
    }) : () -> ()
    %dma_start3A_113 = arith.constant 1024 : i32
    %dma_start3A_114 = tpu.memref_slice %arg5[%dma_start3A_113] : memref<1536xi32, #tpu.memory_space<vmem>> -> memref<128xi32, #tpu.memory_space<vmem>>
    %dma_start3A_115 = arith.constant 0 : i32
    %dma_start3A_116 = arith.constant 0 : i32
    %dma_start3A_117 = tpu.memref_slice %arg2[%dma_start3A_115, %dma_start3A_116] : memref<4096x128xf32, #tpu.memory_space<hbm>> -> memref<4096x128xf32, #tpu.memory_space<hbm>>
    tpu.enqueue_indirect_dma source(%dma_start3A_117 : memref<4096x128xf32, #tpu.memory_space<hbm>>) target(%arg6 : memref<128x128xf32, #tpu.memory_space<vmem>>) offsets(%dma_start3A_114 : memref<128xi32, #tpu.memory_space<vmem>>) semaphore(%arg10 : memref<!tpu.dma_semaphore, #tpu.memory_space<semaphore_mem>>)
    %dma_wait3A_118 = arith.constant 640 : i32
    %dma_wait3A_119 = tpu.memref_slice %arg5[%dma_wait3A_118] : memref<1536xi32, #tpu.memory_space<vmem>> -> memref<128xi32, #tpu.memory_space<vmem>>
    %dma_wait3A_120 = arith.constant 0 : i32
    %dma_wait3A_121 = arith.constant 0 : i32
    %dma_wait3A_122 = tpu.memref_slice %arg2[%dma_wait3A_120, %dma_wait3A_121] : memref<4096x128xf32, #tpu.memory_space<hbm>> -> memref<4096x128xf32, #tpu.memory_space<hbm>>
    tpu.wait_indirect_dma semaphore(%arg11 : memref<!tpu.dma_semaphore, #tpu.memory_space<semaphore_mem>>) src(%dma_wait3A_122 : memref<4096x128xf32, #tpu.memory_space<hbm>>) dst(%arg7 : memref<128x128xf32, #tpu.memory_space<vmem>>)
    %add3A_123 = arith.constant 640 : i32
    %add3A_124 = arith.addi %add3A_37, %add3A_123 : i32
    "tpu.region"() ({
      %run_scoped3A = tpu.sem_alloc : memref<!tpu.dma_semaphore, #tpu.memory_space<semaphore_mem>>
      %dma_start3A_182 = arith.constant 0 : i32
      %dma_start3A_183 = tpu.memref_slice %arg4[%add3A_124, %dma_start3A_182] : memref<49152x128xf32, #tpu.memory_space<hbm>> -> memref<128x128xf32, #tpu.memory_space<hbm>>
      %dma_start3A_184 = arith.constant 0 : i32
      %dma_start3A_185 = tpu.memref_slice %arg4[%add3A_124, %dma_start3A_184] : memref<49152x128xf32, #tpu.memory_space<hbm>> -> memref<128x128xf32, #tpu.memory_space<hbm>>
      tpu.enqueue_dma source(%arg7 : memref<128x128xf32, #tpu.memory_space<vmem>>) target(%dma_start3A_185 : memref<128x128xf32, #tpu.memory_space<hbm>>) target_semaphore(%run_scoped3A : memref<!tpu.dma_semaphore, #tpu.memory_space<semaphore_mem>>)
      %dma_wait3A_186 = arith.constant 0 : i32
      %dma_wait3A_187 = tpu.memref_slice %arg4[%add3A_124, %dma_wait3A_186] : memref<49152x128xf32, #tpu.memory_space<hbm>> -> memref<128x128xf32, #tpu.memory_space<hbm>>
      %dma_wait3A_188 = arith.constant 0 : i32
      %dma_wait3A_189 = tpu.memref_slice %arg4[%add3A_124, %dma_wait3A_188] : memref<49152x128xf32, #tpu.memory_space<hbm>> -> memref<128x128xf32, #tpu.memory_space<hbm>>
      tpu.wait_dma2 semaphore(%run_scoped3A : memref<!tpu.dma_semaphore, #tpu.memory_space<semaphore_mem>>) src(%arg7 : memref<128x128xf32, #tpu.memory_space<vmem>>) dst(%dma_wait3A_189 : memref<128x128xf32, #tpu.memory_space<hbm>>)
      tpu.yield
    }) : () -> ()
    %dma_start3A_125 = arith.constant 1152 : i32
    %dma_start3A_126 = tpu.memref_slice %arg5[%dma_start3A_125] : memref<1536xi32, #tpu.memory_space<vmem>> -> memref<128xi32, #tpu.memory_space<vmem>>
    %dma_start3A_127 = arith.constant 0 : i32
    %dma_start3A_128 = arith.constant 0 : i32
    %dma_start3A_129 = tpu.memref_slice %arg2[%dma_start3A_127, %dma_start3A_128] : memref<4096x128xf32, #tpu.memory_space<hbm>> -> memref<4096x128xf32, #tpu.memory_space<hbm>>
    tpu.enqueue_indirect_dma source(%dma_start3A_129 : memref<4096x128xf32, #tpu.memory_space<hbm>>) target(%arg7 : memref<128x128xf32, #tpu.memory_space<vmem>>) offsets(%dma_start3A_126 : memref<128xi32, #tpu.memory_space<vmem>>) semaphore(%arg11 : memref<!tpu.dma_semaphore, #tpu.memory_space<semaphore_mem>>)
    %dma_wait3A_130 = arith.constant 768 : i32
    %dma_wait3A_131 = tpu.memref_slice %arg5[%dma_wait3A_130] : memref<1536xi32, #tpu.memory_space<vmem>> -> memref<128xi32, #tpu.memory_space<vmem>>
    %dma_wait3A_132 = arith.constant 0 : i32
    %dma_wait3A_133 = arith.constant 0 : i32
    %dma_wait3A_134 = tpu.memref_slice %arg2[%dma_wait3A_132, %dma_wait3A_133] : memref<4096x128xf32, #tpu.memory_space<hbm>> -> memref<4096x128xf32, #tpu.memory_space<hbm>>
    tpu.wait_indirect_dma semaphore(%arg12 : memref<!tpu.dma_semaphore, #tpu.memory_space<semaphore_mem>>) src(%dma_wait3A_134 : memref<4096x128xf32, #tpu.memory_space<hbm>>) dst(%arg8 : memref<128x128xf32, #tpu.memory_space<vmem>>)
    %add3A_135 = arith.constant 768 : i32
    %add3A_136 = arith.addi %add3A_37, %add3A_135 : i32
    "tpu.region"() ({
      %run_scoped3A = tpu.sem_alloc : memref<!tpu.dma_semaphore, #tpu.memory_space<semaphore_mem>>
      %dma_start3A_182 = arith.constant 0 : i32
      %dma_start3A_183 = tpu.memref_slice %arg4[%add3A_136, %dma_start3A_182] : memref<49152x128xf32, #tpu.memory_space<hbm>> -> memref<128x128xf32, #tpu.memory_space<hbm>>
      %dma_start3A_184 = arith.constant 0 : i32
      %dma_start3A_185 = tpu.memref_slice %arg4[%add3A_136, %dma_start3A_184] : memref<49152x128xf32, #tpu.memory_space<hbm>> -> memref<128x128xf32, #tpu.memory_space<hbm>>
      tpu.enqueue_dma source(%arg8 : memref<128x128xf32, #tpu.memory_space<vmem>>) target(%dma_start3A_185 : memref<128x128xf32, #tpu.memory_space<hbm>>) target_semaphore(%run_scoped3A : memref<!tpu.dma_semaphore, #tpu.memory_space<semaphore_mem>>)
      %dma_wait3A_186 = arith.constant 0 : i32
      %dma_wait3A_187 = tpu.memref_slice %arg4[%add3A_136, %dma_wait3A_186] : memref<49152x128xf32, #tpu.memory_space<hbm>> -> memref<128x128xf32, #tpu.memory_space<hbm>>
      %dma_wait3A_188 = arith.constant 0 : i32
      %dma_wait3A_189 = tpu.memref_slice %arg4[%add3A_136, %dma_wait3A_188] : memref<49152x128xf32, #tpu.memory_space<hbm>> -> memref<128x128xf32, #tpu.memory_space<hbm>>
      tpu.wait_dma2 semaphore(%run_scoped3A : memref<!tpu.dma_semaphore, #tpu.memory_space<semaphore_mem>>) src(%arg8 : memref<128x128xf32, #tpu.memory_space<vmem>>) dst(%dma_wait3A_189 : memref<128x128xf32, #tpu.memory_space<hbm>>)
      tpu.yield
    }) : () -> ()
    %dma_start3A_137 = arith.constant 1280 : i32
    %dma_start3A_138 = tpu.memref_slice %arg5[%dma_start3A_137] : memref<1536xi32, #tpu.memory_space<vmem>> -> memref<128xi32, #tpu.memory_space<vmem>>
    %dma_start3A_139 = arith.constant 0 : i32
    %dma_start3A_140 = arith.constant 0 : i32
    %dma_start3A_141 = tpu.memref_slice %arg2[%dma_start3A_139, %dma_start3A_140] : memref<4096x128xf32, #tpu.memory_space<hbm>> -> memref<4096x128xf32, #tpu.memory_space<hbm>>
    tpu.enqueue_indirect_dma source(%dma_start3A_141 : memref<4096x128xf32, #tpu.memory_space<hbm>>) target(%arg8 : memref<128x128xf32, #tpu.memory_space<vmem>>) offsets(%dma_start3A_138 : memref<128xi32, #tpu.memory_space<vmem>>) semaphore(%arg12 : memref<!tpu.dma_semaphore, #tpu.memory_space<semaphore_mem>>)
    %dma_wait3A_142 = arith.constant 896 : i32
    %dma_wait3A_143 = tpu.memref_slice %arg5[%dma_wait3A_142] : memref<1536xi32, #tpu.memory_space<vmem>> -> memref<128xi32, #tpu.memory_space<vmem>>
    %dma_wait3A_144 = arith.constant 0 : i32
    %dma_wait3A_145 = arith.constant 0 : i32
    %dma_wait3A_146 = tpu.memref_slice %arg2[%dma_wait3A_144, %dma_wait3A_145] : memref<4096x128xf32, #tpu.memory_space<hbm>> -> memref<4096x128xf32, #tpu.memory_space<hbm>>
    tpu.wait_indirect_dma semaphore(%arg13 : memref<!tpu.dma_semaphore, #tpu.memory_space<semaphore_mem>>) src(%dma_wait3A_146 : memref<4096x128xf32, #tpu.memory_space<hbm>>) dst(%arg9 : memref<128x128xf32, #tpu.memory_space<vmem>>)
    %add3A_147 = arith.constant 896 : i32
    %add3A_148 = arith.addi %add3A_37, %add3A_147 : i32
    "tpu.region"() ({
      %run_scoped3A = tpu.sem_alloc : memref<!tpu.dma_semaphore, #tpu.memory_space<semaphore_mem>>
      %dma_start3A_182 = arith.constant 0 : i32
      %dma_start3A_183 = tpu.memref_slice %arg4[%add3A_148, %dma_start3A_182] : memref<49152x128xf32, #tpu.memory_space<hbm>> -> memref<128x128xf32, #tpu.memory_space<hbm>>
      %dma_start3A_184 = arith.constant 0 : i32
      %dma_start3A_185 = tpu.memref_slice %arg4[%add3A_148, %dma_start3A_184] : memref<49152x128xf32, #tpu.memory_space<hbm>> -> memref<128x128xf32, #tpu.memory_space<hbm>>
      tpu.enqueue_dma source(%arg9 : memref<128x128xf32, #tpu.memory_space<vmem>>) target(%dma_start3A_185 : memref<128x128xf32, #tpu.memory_space<hbm>>) target_semaphore(%run_scoped3A : memref<!tpu.dma_semaphore, #tpu.memory_space<semaphore_mem>>)
      %dma_wait3A_186 = arith.constant 0 : i32
      %dma_wait3A_187 = tpu.memref_slice %arg4[%add3A_148, %dma_wait3A_186] : memref<49152x128xf32, #tpu.memory_space<hbm>> -> memref<128x128xf32, #tpu.memory_space<hbm>>
      %dma_wait3A_188 = arith.constant 0 : i32
      %dma_wait3A_189 = tpu.memref_slice %arg4[%add3A_148, %dma_wait3A_188] : memref<49152x128xf32, #tpu.memory_space<hbm>> -> memref<128x128xf32, #tpu.memory_space<hbm>>
      tpu.wait_dma2 semaphore(%run_scoped3A : memref<!tpu.dma_semaphore, #tpu.memory_space<semaphore_mem>>) src(%arg9 : memref<128x128xf32, #tpu.memory_space<vmem>>) dst(%dma_wait3A_189 : memref<128x128xf32, #tpu.memory_space<hbm>>)
      tpu.yield
    }) : () -> ()
    %dma_start3A_149 = arith.constant 1408 : i32
    %dma_start3A_150 = tpu.memref_slice %arg5[%dma_start3A_149] : memref<1536xi32, #tpu.memory_space<vmem>> -> memref<128xi32, #tpu.memory_space<vmem>>
    %dma_start3A_151 = arith.constant 0 : i32
    %dma_start3A_152 = arith.constant 0 : i32
    %dma_start3A_153 = tpu.memref_slice %arg2[%dma_start3A_151, %dma_start3A_152] : memref<4096x128xf32, #tpu.memory_space<hbm>> -> memref<4096x128xf32, #tpu.memory_space<hbm>>
    tpu.enqueue_indirect_dma source(%dma_start3A_153 : memref<4096x128xf32, #tpu.memory_space<hbm>>) target(%arg9 : memref<128x128xf32, #tpu.memory_space<vmem>>) offsets(%dma_start3A_150 : memref<128xi32, #tpu.memory_space<vmem>>) semaphore(%arg13 : memref<!tpu.dma_semaphore, #tpu.memory_space<semaphore_mem>>)
    %dma_wait3A_154 = arith.constant 1024 : i32
    %dma_wait3A_155 = tpu.memref_slice %arg5[%dma_wait3A_154] : memref<1536xi32, #tpu.memory_space<vmem>> -> memref<128xi32, #tpu.memory_space<vmem>>
    %dma_wait3A_156 = arith.constant 0 : i32
    %dma_wait3A_157 = arith.constant 0 : i32
    %dma_wait3A_158 = tpu.memref_slice %arg2[%dma_wait3A_156, %dma_wait3A_157] : memref<4096x128xf32, #tpu.memory_space<hbm>> -> memref<4096x128xf32, #tpu.memory_space<hbm>>
    tpu.wait_indirect_dma semaphore(%arg10 : memref<!tpu.dma_semaphore, #tpu.memory_space<semaphore_mem>>) src(%dma_wait3A_158 : memref<4096x128xf32, #tpu.memory_space<hbm>>) dst(%arg6 : memref<128x128xf32, #tpu.memory_space<vmem>>)
    %add3A_159 = arith.constant 1024 : i32
    %add3A_160 = arith.addi %add3A_37, %add3A_159 : i32
    "tpu.region"() ({
      %run_scoped3A = tpu.sem_alloc : memref<!tpu.dma_semaphore, #tpu.memory_space<semaphore_mem>>
      %dma_start3A_182 = arith.constant 0 : i32
      %dma_start3A_183 = tpu.memref_slice %arg4[%add3A_160, %dma_start3A_182] : memref<49152x128xf32, #tpu.memory_space<hbm>> -> memref<128x128xf32, #tpu.memory_space<hbm>>
      %dma_start3A_184 = arith.constant 0 : i32
      %dma_start3A_185 = tpu.memref_slice %arg4[%add3A_160, %dma_start3A_184] : memref<49152x128xf32, #tpu.memory_space<hbm>> -> memref<128x128xf32, #tpu.memory_space<hbm>>
      tpu.enqueue_dma source(%arg6 : memref<128x128xf32, #tpu.memory_space<vmem>>) target(%dma_start3A_185 : memref<128x128xf32, #tpu.memory_space<hbm>>) target_semaphore(%run_scoped3A : memref<!tpu.dma_semaphore, #tpu.memory_space<semaphore_mem>>)
      %dma_wait3A_186 = arith.constant 0 : i32
      %dma_wait3A_187 = tpu.memref_slice %arg4[%add3A_160, %dma_wait3A_186] : memref<49152x128xf32, #tpu.memory_space<hbm>> -> memref<128x128xf32, #tpu.memory_space<hbm>>
      %dma_wait3A_188 = arith.constant 0 : i32
      %dma_wait3A_189 = tpu.memref_slice %arg4[%add3A_160, %dma_wait3A_188] : memref<49152x128xf32, #tpu.memory_space<hbm>> -> memref<128x128xf32, #tpu.memory_space<hbm>>
      tpu.wait_dma2 semaphore(%run_scoped3A : memref<!tpu.dma_semaphore, #tpu.memory_space<semaphore_mem>>) src(%arg6 : memref<128x128xf32, #tpu.memory_space<vmem>>) dst(%dma_wait3A_189 : memref<128x128xf32, #tpu.memory_space<hbm>>)
      tpu.yield
    }) : () -> ()
    %dma_wait3A_161 = arith.constant 1152 : i32
    %dma_wait3A_162 = tpu.memref_slice %arg5[%dma_wait3A_161] : memref<1536xi32, #tpu.memory_space<vmem>> -> memref<128xi32, #tpu.memory_space<vmem>>
    %dma_wait3A_163 = arith.constant 0 : i32
    %dma_wait3A_164 = arith.constant 0 : i32
    %dma_wait3A_165 = tpu.memref_slice %arg2[%dma_wait3A_163, %dma_wait3A_164] : memref<4096x128xf32, #tpu.memory_space<hbm>> -> memref<4096x128xf32, #tpu.memory_space<hbm>>
    tpu.wait_indirect_dma semaphore(%arg11 : memref<!tpu.dma_semaphore, #tpu.memory_space<semaphore_mem>>) src(%dma_wait3A_165 : memref<4096x128xf32, #tpu.memory_space<hbm>>) dst(%arg7 : memref<128x128xf32, #tpu.memory_space<vmem>>)
    %add3A_166 = arith.constant 1152 : i32
    %add3A_167 = arith.addi %add3A_37, %add3A_166 : i32
    "tpu.region"() ({
      %run_scoped3A = tpu.sem_alloc : memref<!tpu.dma_semaphore, #tpu.memory_space<semaphore_mem>>
      %dma_start3A_182 = arith.constant 0 : i32
      %dma_start3A_183 = tpu.memref_slice %arg4[%add3A_167, %dma_start3A_182] : memref<49152x128xf32, #tpu.memory_space<hbm>> -> memref<128x128xf32, #tpu.memory_space<hbm>>
      %dma_start3A_184 = arith.constant 0 : i32
      %dma_start3A_185 = tpu.memref_slice %arg4[%add3A_167, %dma_start3A_184] : memref<49152x128xf32, #tpu.memory_space<hbm>> -> memref<128x128xf32, #tpu.memory_space<hbm>>
      tpu.enqueue_dma source(%arg7 : memref<128x128xf32, #tpu.memory_space<vmem>>) target(%dma_start3A_185 : memref<128x128xf32, #tpu.memory_space<hbm>>) target_semaphore(%run_scoped3A : memref<!tpu.dma_semaphore, #tpu.memory_space<semaphore_mem>>)
      %dma_wait3A_186 = arith.constant 0 : i32
      %dma_wait3A_187 = tpu.memref_slice %arg4[%add3A_167, %dma_wait3A_186] : memref<49152x128xf32, #tpu.memory_space<hbm>> -> memref<128x128xf32, #tpu.memory_space<hbm>>
      %dma_wait3A_188 = arith.constant 0 : i32
      %dma_wait3A_189 = tpu.memref_slice %arg4[%add3A_167, %dma_wait3A_188] : memref<49152x128xf32, #tpu.memory_space<hbm>> -> memref<128x128xf32, #tpu.memory_space<hbm>>
      tpu.wait_dma2 semaphore(%run_scoped3A : memref<!tpu.dma_semaphore, #tpu.memory_space<semaphore_mem>>) src(%arg7 : memref<128x128xf32, #tpu.memory_space<vmem>>) dst(%dma_wait3A_189 : memref<128x128xf32, #tpu.memory_space<hbm>>)
      tpu.yield
    }) : () -> ()
    %dma_wait3A_168 = arith.constant 1280 : i32
    %dma_wait3A_169 = tpu.memref_slice %arg5[%dma_wait3A_168] : memref<1536xi32, #tpu.memory_space<vmem>> -> memref<128xi32, #tpu.memory_space<vmem>>
    %dma_wait3A_170 = arith.constant 0 : i32
    %dma_wait3A_171 = arith.constant 0 : i32
    %dma_wait3A_172 = tpu.memref_slice %arg2[%dma_wait3A_170, %dma_wait3A_171] : memref<4096x128xf32, #tpu.memory_space<hbm>> -> memref<4096x128xf32, #tpu.memory_space<hbm>>
    tpu.wait_indirect_dma semaphore(%arg12 : memref<!tpu.dma_semaphore, #tpu.memory_space<semaphore_mem>>) src(%dma_wait3A_172 : memref<4096x128xf32, #tpu.memory_space<hbm>>) dst(%arg8 : memref<128x128xf32, #tpu.memory_space<vmem>>)
    %add3A_173 = arith.constant 1280 : i32
    %add3A_174 = arith.addi %add3A_37, %add3A_173 : i32
    "tpu.region"() ({
      %run_scoped3A = tpu.sem_alloc : memref<!tpu.dma_semaphore, #tpu.memory_space<semaphore_mem>>
      %dma_start3A_182 = arith.constant 0 : i32
      %dma_start3A_183 = tpu.memref_slice %arg4[%add3A_174, %dma_start3A_182] : memref<49152x128xf32, #tpu.memory_space<hbm>> -> memref<128x128xf32, #tpu.memory_space<hbm>>
      %dma_start3A_184 = arith.constant 0 : i32
      %dma_start3A_185 = tpu.memref_slice %arg4[%add3A_174, %dma_start3A_184] : memref<49152x128xf32, #tpu.memory_space<hbm>> -> memref<128x128xf32, #tpu.memory_space<hbm>>
      tpu.enqueue_dma source(%arg8 : memref<128x128xf32, #tpu.memory_space<vmem>>) target(%dma_start3A_185 : memref<128x128xf32, #tpu.memory_space<hbm>>) target_semaphore(%run_scoped3A : memref<!tpu.dma_semaphore, #tpu.memory_space<semaphore_mem>>)
      %dma_wait3A_186 = arith.constant 0 : i32
      %dma_wait3A_187 = tpu.memref_slice %arg4[%add3A_174, %dma_wait3A_186] : memref<49152x128xf32, #tpu.memory_space<hbm>> -> memref<128x128xf32, #tpu.memory_space<hbm>>
      %dma_wait3A_188 = arith.constant 0 : i32
      %dma_wait3A_189 = tpu.memref_slice %arg4[%add3A_174, %dma_wait3A_188] : memref<49152x128xf32, #tpu.memory_space<hbm>> -> memref<128x128xf32, #tpu.memory_space<hbm>>
      tpu.wait_dma2 semaphore(%run_scoped3A : memref<!tpu.dma_semaphore, #tpu.memory_space<semaphore_mem>>) src(%arg8 : memref<128x128xf32, #tpu.memory_space<vmem>>) dst(%dma_wait3A_189 : memref<128x128xf32, #tpu.memory_space<hbm>>)
      tpu.yield
    }) : () -> ()
    %dma_wait3A_175 = arith.constant 1408 : i32
    %dma_wait3A_176 = tpu.memref_slice %arg5[%dma_wait3A_175] : memref<1536xi32, #tpu.memory_space<vmem>> -> memref<128xi32, #tpu.memory_space<vmem>>
    %dma_wait3A_177 = arith.constant 0 : i32
    %dma_wait3A_178 = arith.constant 0 : i32
    %dma_wait3A_179 = tpu.memref_slice %arg2[%dma_wait3A_177, %dma_wait3A_178] : memref<4096x128xf32, #tpu.memory_space<hbm>> -> memref<4096x128xf32, #tpu.memory_space<hbm>>
    tpu.wait_indirect_dma semaphore(%arg13 : memref<!tpu.dma_semaphore, #tpu.memory_space<semaphore_mem>>) src(%dma_wait3A_179 : memref<4096x128xf32, #tpu.memory_space<hbm>>) dst(%arg9 : memref<128x128xf32, #tpu.memory_space<vmem>>)
    %add3A_180 = arith.constant 1408 : i32
    %add3A_181 = arith.addi %add3A_37, %add3A_180 : i32
    "tpu.region"() ({
      %run_scoped3A = tpu.sem_alloc : memref<!tpu.dma_semaphore, #tpu.memory_space<semaphore_mem>>
      %dma_start3A_182 = arith.constant 0 : i32
      %dma_start3A_183 = tpu.memref_slice %arg4[%add3A_181, %dma_start3A_182] : memref<49152x128xf32, #tpu.memory_space<hbm>> -> memref<128x128xf32, #tpu.memory_space<hbm>>
      %dma_start3A_184 = arith.constant 0 : i32
      %dma_start3A_185 = tpu.memref_slice %arg4[%add3A_181, %dma_start3A_184] : memref<49152x128xf32, #tpu.memory_space<hbm>> -> memref<128x128xf32, #tpu.memory_space<hbm>>
      tpu.enqueue_dma source(%arg9 : memref<128x128xf32, #tpu.memory_space<vmem>>) target(%dma_start3A_185 : memref<128x128xf32, #tpu.memory_space<hbm>>) target_semaphore(%run_scoped3A : memref<!tpu.dma_semaphore, #tpu.memory_space<semaphore_mem>>)
      %dma_wait3A_186 = arith.constant 0 : i32
      %dma_wait3A_187 = tpu.memref_slice %arg4[%add3A_181, %dma_wait3A_186] : memref<49152x128xf32, #tpu.memory_space<hbm>> -> memref<128x128xf32, #tpu.memory_space<hbm>>
      %dma_wait3A_188 = arith.constant 0 : i32
      %dma_wait3A_189 = tpu.memref_slice %arg4[%add3A_181, %dma_wait3A_188] : memref<49152x128xf32, #tpu.memory_space<hbm>> -> memref<128x128xf32, #tpu.memory_space<hbm>>
      tpu.wait_dma2 semaphore(%run_scoped3A : memref<!tpu.dma_semaphore, #tpu.memory_space<semaphore_mem>>) src(%arg9 : memref<128x128xf32, #tpu.memory_space<vmem>>) dst(%dma_wait3A_189 : memref<128x128xf32, #tpu.memory_space<hbm>>)
      tpu.yield
    }) : () -> ()
    return
  }
}

#map = affine_map<(d0, d1) -> (0, 0)>
module attributes {stable_mosaic.version = 14 : i64} {
  func.func @gather_kernel(%arg0: i32, %arg1: i32, %arg2: memref<4096x128xf32, #tpu.memory_space<hbm>>, %arg3: memref<16x3584xi32, #tpu.memory_space<hbm>>, %arg4: memref<57344x128xf32, #tpu.memory_space<hbm>>, %arg5: memref<1792xi32, #tpu.memory_space<vmem>>, %arg6: memref<128x128xf32, #tpu.memory_space<vmem>>, %arg7: memref<128x128xf32, #tpu.memory_space<vmem>>, %arg8: memref<128x128xf32, #tpu.memory_space<vmem>>, %arg9: memref<128x128xf32, #tpu.memory_space<vmem>>, %arg10: memref<!tpu.dma_semaphore, #tpu.memory_space<semaphore_mem>>, %arg11: memref<!tpu.dma_semaphore, #tpu.memory_space<semaphore_mem>>, %arg12: memref<!tpu.dma_semaphore, #tpu.memory_space<semaphore_mem>>, %arg13: memref<!tpu.dma_semaphore, #tpu.memory_space<semaphore_mem>>) attributes {dimension_semantics = [#tpu.dimension_semantics<core_parallel>, #tpu.dimension_semantics<subcore_parallel>], iteration_bounds = array<i64: 2, 16>, scalar_prefetch = 0 : i64, scratch_operands = 9 : i64, tpu.core_type = #tpu.core_type<sc_vector_subcore>, window_params = [{transform_indices = #map}, {transform_indices = #map}, {transform_indices = #map}]} {
    %mul3A = arith.constant 2 : i32
    %mul3A_0 = arith.muli %arg1, %mul3A : i32
    %add3A = arith.addi %mul3A_0, %arg0 : i32
    %jit3A = arith.constant 2 : i32
    %div3A = arith.divsi %add3A, %jit3A : i32
    %sign3A = arith.constant 0 : i32
    %sign3A_1 = arith.cmpi sgt, %add3A, %sign3A : i32
    %sign3A_2 = arith.extui %sign3A_1 : i1 to i32
    %sign3A_3 = arith.constant 0 : i32
    %sign3A_4 = arith.cmpi slt, %add3A, %sign3A_3 : i32
    %sign3A_5 = arith.extui %sign3A_4 : i1 to i32
    %sign3A_6 = arith.subi %sign3A_2, %sign3A_5 : i32
    %sign3A_7 = arith.constant 0 : i32
    %sign3A_8 = arith.cmpi sgt, %jit3A, %sign3A_7 : i32
    %sign3A_9 = arith.extui %sign3A_8 : i1 to i32
    %sign3A_10 = arith.constant 0 : i32
    %sign3A_11 = arith.cmpi slt, %jit3A, %sign3A_10 : i32
    %sign3A_12 = arith.extui %sign3A_11 : i1 to i32
    %sign3A_13 = arith.subi %sign3A_9, %sign3A_12 : i32
    %ne3A = arith.cmpi ne, %sign3A_6, %sign3A_13 : i32
    %rem3A = arith.remsi %add3A, %jit3A : i32
    %ne3A_14 = arith.constant 0 : i32
    %ne3A_15 = arith.cmpi ne, %rem3A, %ne3A_14 : i32
    %and3A = arith.andi %ne3A, %ne3A_15 : i1
    %sub3A = arith.constant 1 : i32
    %sub3A_16 = arith.subi %div3A, %sub3A : i32
    %select_n3A = arith.select %and3A, %sub3A_16, %div3A : i32
    %jit3A_17 = arith.constant 2 : i32
    %eq3A = arith.constant 0 : i32
    %eq3A_18 = arith.cmpi eq, %jit3A_17, %eq3A : i32
    %jit3A_19 = arith.constant 1 : i32
    %select_n3A_20 = arith.select %eq3A_18, %jit3A_19, %jit3A_17 : i32
    %rem3A_21 = arith.remsi %add3A, %select_n3A_20 : i32
    %ne3A_22 = arith.constant 0 : i32
    %ne3A_23 = arith.cmpi ne, %rem3A_21, %ne3A_22 : i32
    %lt3A = arith.constant 0 : i32
    %lt3A_24 = arith.cmpi slt, %rem3A_21, %lt3A : i32
    %lt3A_25 = arith.constant 0 : i32
    %lt3A_26 = arith.cmpi slt, %select_n3A_20, %lt3A_25 : i32
    %ne3A_27 = arith.xori %lt3A_24, %lt3A_26 : i1
    %and3A_28 = arith.andi %ne3A_27, %ne3A_23 : i1
    %add3A_29 = arith.addi %rem3A_21, %select_n3A_20 : i32
    %select_n3A_30 = arith.select %and3A_28, %add3A_29, %rem3A_21 : i32
    %mul3A_31 = arith.constant 256 : i32
    %mul3A_32 = arith.muli %select_n3A, %mul3A_31 : i32
    %mul3A_33 = arith.constant 14 : i32
    %mul3A_34 = arith.muli %mul3A_32, %mul3A_33 : i32
    %mul3A_35 = arith.constant 1792 : i32
    %mul3A_36 = arith.muli %select_n3A_30, %mul3A_35 : i32
    %add3A_37 = arith.addi %mul3A_34, %mul3A_36 : i32
    %mul3A_38 = arith.constant 1792 : i32
    %mul3A_39 = arith.muli %select_n3A_30, %mul3A_38 : i32
    "tpu.region"() ({
      %run_scoped3A = tpu.sem_alloc : memref<!tpu.dma_semaphore, #tpu.memory_space<semaphore_mem>>
      %dma_start3A_206 = tpu.memref_slice %arg3[%select_n3A, %mul3A_39] : memref<16x3584xi32, #tpu.memory_space<hbm>> -> memref<1x1792xi32, #tpu.memory_space<hbm>>
      %dma_start3A_207 = tpu.memref_squeeze %dma_start3A_206 : memref<1x1792xi32, #tpu.memory_space<hbm>> -> memref<1792xi32, #tpu.memory_space<hbm>>
      %dma_start3A_208 = tpu.memref_slice %arg3[%select_n3A, %mul3A_39] : memref<16x3584xi32, #tpu.memory_space<hbm>> -> memref<1x1792xi32, #tpu.memory_space<hbm>>
      %dma_start3A_209 = tpu.memref_squeeze %dma_start3A_208 : memref<1x1792xi32, #tpu.memory_space<hbm>> -> memref<1792xi32, #tpu.memory_space<hbm>>
      tpu.enqueue_dma source(%dma_start3A_209 : memref<1792xi32, #tpu.memory_space<hbm>>) target(%arg5 : memref<1792xi32, #tpu.memory_space<vmem>>) target_semaphore(%run_scoped3A : memref<!tpu.dma_semaphore, #tpu.memory_space<semaphore_mem>>)
      %dma_wait3A_210 = tpu.memref_slice %arg3[%select_n3A, %mul3A_39] : memref<16x3584xi32, #tpu.memory_space<hbm>> -> memref<1x1792xi32, #tpu.memory_space<hbm>>
      %dma_wait3A_211 = tpu.memref_squeeze %dma_wait3A_210 : memref<1x1792xi32, #tpu.memory_space<hbm>> -> memref<1792xi32, #tpu.memory_space<hbm>>
      %dma_wait3A_212 = tpu.memref_slice %arg3[%select_n3A, %mul3A_39] : memref<16x3584xi32, #tpu.memory_space<hbm>> -> memref<1x1792xi32, #tpu.memory_space<hbm>>
      %dma_wait3A_213 = tpu.memref_squeeze %dma_wait3A_212 : memref<1x1792xi32, #tpu.memory_space<hbm>> -> memref<1792xi32, #tpu.memory_space<hbm>>
      tpu.wait_dma2 semaphore(%run_scoped3A : memref<!tpu.dma_semaphore, #tpu.memory_space<semaphore_mem>>) src(%dma_wait3A_213 : memref<1792xi32, #tpu.memory_space<hbm>>) dst(%arg5 : memref<1792xi32, #tpu.memory_space<vmem>>)
      tpu.yield
    }) : () -> ()
    %dma_start3A = arith.constant 0 : i32
    %dma_start3A_40 = tpu.memref_slice %arg5[%dma_start3A] : memref<1792xi32, #tpu.memory_space<vmem>> -> memref<128xi32, #tpu.memory_space<vmem>>
    %dma_start3A_41 = arith.constant 0 : i32
    %dma_start3A_42 = arith.constant 0 : i32
    %dma_start3A_43 = tpu.memref_slice %arg2[%dma_start3A_41, %dma_start3A_42] : memref<4096x128xf32, #tpu.memory_space<hbm>> -> memref<4096x128xf32, #tpu.memory_space<hbm>>
    tpu.enqueue_indirect_dma source(%dma_start3A_43 : memref<4096x128xf32, #tpu.memory_space<hbm>>) target(%arg6 : memref<128x128xf32, #tpu.memory_space<vmem>>) offsets(%dma_start3A_40 : memref<128xi32, #tpu.memory_space<vmem>>) semaphore(%arg10 : memref<!tpu.dma_semaphore, #tpu.memory_space<semaphore_mem>>)
    %dma_start3A_44 = arith.constant 128 : i32
    %dma_start3A_45 = tpu.memref_slice %arg5[%dma_start3A_44] : memref<1792xi32, #tpu.memory_space<vmem>> -> memref<128xi32, #tpu.memory_space<vmem>>
    %dma_start3A_46 = arith.constant 0 : i32
    %dma_start3A_47 = arith.constant 0 : i32
    %dma_start3A_48 = tpu.memref_slice %arg2[%dma_start3A_46, %dma_start3A_47] : memref<4096x128xf32, #tpu.memory_space<hbm>> -> memref<4096x128xf32, #tpu.memory_space<hbm>>
    tpu.enqueue_indirect_dma source(%dma_start3A_48 : memref<4096x128xf32, #tpu.memory_space<hbm>>) target(%arg7 : memref<128x128xf32, #tpu.memory_space<vmem>>) offsets(%dma_start3A_45 : memref<128xi32, #tpu.memory_space<vmem>>) semaphore(%arg11 : memref<!tpu.dma_semaphore, #tpu.memory_space<semaphore_mem>>)
    %dma_start3A_49 = arith.constant 256 : i32
    %dma_start3A_50 = tpu.memref_slice %arg5[%dma_start3A_49] : memref<1792xi32, #tpu.memory_space<vmem>> -> memref<128xi32, #tpu.memory_space<vmem>>
    %dma_start3A_51 = arith.constant 0 : i32
    %dma_start3A_52 = arith.constant 0 : i32
    %dma_start3A_53 = tpu.memref_slice %arg2[%dma_start3A_51, %dma_start3A_52] : memref<4096x128xf32, #tpu.memory_space<hbm>> -> memref<4096x128xf32, #tpu.memory_space<hbm>>
    tpu.enqueue_indirect_dma source(%dma_start3A_53 : memref<4096x128xf32, #tpu.memory_space<hbm>>) target(%arg8 : memref<128x128xf32, #tpu.memory_space<vmem>>) offsets(%dma_start3A_50 : memref<128xi32, #tpu.memory_space<vmem>>) semaphore(%arg12 : memref<!tpu.dma_semaphore, #tpu.memory_space<semaphore_mem>>)
    %dma_start3A_54 = arith.constant 384 : i32
    %dma_start3A_55 = tpu.memref_slice %arg5[%dma_start3A_54] : memref<1792xi32, #tpu.memory_space<vmem>> -> memref<128xi32, #tpu.memory_space<vmem>>
    %dma_start3A_56 = arith.constant 0 : i32
    %dma_start3A_57 = arith.constant 0 : i32
    %dma_start3A_58 = tpu.memref_slice %arg2[%dma_start3A_56, %dma_start3A_57] : memref<4096x128xf32, #tpu.memory_space<hbm>> -> memref<4096x128xf32, #tpu.memory_space<hbm>>
    tpu.enqueue_indirect_dma source(%dma_start3A_58 : memref<4096x128xf32, #tpu.memory_space<hbm>>) target(%arg9 : memref<128x128xf32, #tpu.memory_space<vmem>>) offsets(%dma_start3A_55 : memref<128xi32, #tpu.memory_space<vmem>>) semaphore(%arg13 : memref<!tpu.dma_semaphore, #tpu.memory_space<semaphore_mem>>)
    %dma_wait3A = arith.constant 0 : i32
    %dma_wait3A_59 = tpu.memref_slice %arg5[%dma_wait3A] : memref<1792xi32, #tpu.memory_space<vmem>> -> memref<128xi32, #tpu.memory_space<vmem>>
    %dma_wait3A_60 = arith.constant 0 : i32
    %dma_wait3A_61 = arith.constant 0 : i32
    %dma_wait3A_62 = tpu.memref_slice %arg2[%dma_wait3A_60, %dma_wait3A_61] : memref<4096x128xf32, #tpu.memory_space<hbm>> -> memref<4096x128xf32, #tpu.memory_space<hbm>>
    tpu.wait_indirect_dma semaphore(%arg10 : memref<!tpu.dma_semaphore, #tpu.memory_space<semaphore_mem>>) src(%dma_wait3A_62 : memref<4096x128xf32, #tpu.memory_space<hbm>>) dst(%arg6 : memref<128x128xf32, #tpu.memory_space<vmem>>)
    %add3A_63 = arith.constant 0 : i32
    %add3A_64 = arith.addi %add3A_37, %add3A_63 : i32
    "tpu.region"() ({
      %run_scoped3A = tpu.sem_alloc : memref<!tpu.dma_semaphore, #tpu.memory_space<semaphore_mem>>
      %dma_start3A_206 = arith.constant 0 : i32
      %dma_start3A_207 = tpu.memref_slice %arg4[%add3A_64, %dma_start3A_206] : memref<57344x128xf32, #tpu.memory_space<hbm>> -> memref<128x128xf32, #tpu.memory_space<hbm>>
      %dma_start3A_208 = arith.constant 0 : i32
      %dma_start3A_209 = tpu.memref_slice %arg4[%add3A_64, %dma_start3A_208] : memref<57344x128xf32, #tpu.memory_space<hbm>> -> memref<128x128xf32, #tpu.memory_space<hbm>>
      tpu.enqueue_dma source(%arg6 : memref<128x128xf32, #tpu.memory_space<vmem>>) target(%dma_start3A_209 : memref<128x128xf32, #tpu.memory_space<hbm>>) target_semaphore(%run_scoped3A : memref<!tpu.dma_semaphore, #tpu.memory_space<semaphore_mem>>)
      %dma_wait3A_210 = arith.constant 0 : i32
      %dma_wait3A_211 = tpu.memref_slice %arg4[%add3A_64, %dma_wait3A_210] : memref<57344x128xf32, #tpu.memory_space<hbm>> -> memref<128x128xf32, #tpu.memory_space<hbm>>
      %dma_wait3A_212 = arith.constant 0 : i32
      %dma_wait3A_213 = tpu.memref_slice %arg4[%add3A_64, %dma_wait3A_212] : memref<57344x128xf32, #tpu.memory_space<hbm>> -> memref<128x128xf32, #tpu.memory_space<hbm>>
      tpu.wait_dma2 semaphore(%run_scoped3A : memref<!tpu.dma_semaphore, #tpu.memory_space<semaphore_mem>>) src(%arg6 : memref<128x128xf32, #tpu.memory_space<vmem>>) dst(%dma_wait3A_213 : memref<128x128xf32, #tpu.memory_space<hbm>>)
      tpu.yield
    }) : () -> ()
    %dma_start3A_65 = arith.constant 512 : i32
    %dma_start3A_66 = tpu.memref_slice %arg5[%dma_start3A_65] : memref<1792xi32, #tpu.memory_space<vmem>> -> memref<128xi32, #tpu.memory_space<vmem>>
    %dma_start3A_67 = arith.constant 0 : i32
    %dma_start3A_68 = arith.constant 0 : i32
    %dma_start3A_69 = tpu.memref_slice %arg2[%dma_start3A_67, %dma_start3A_68] : memref<4096x128xf32, #tpu.memory_space<hbm>> -> memref<4096x128xf32, #tpu.memory_space<hbm>>
    tpu.enqueue_indirect_dma source(%dma_start3A_69 : memref<4096x128xf32, #tpu.memory_space<hbm>>) target(%arg6 : memref<128x128xf32, #tpu.memory_space<vmem>>) offsets(%dma_start3A_66 : memref<128xi32, #tpu.memory_space<vmem>>) semaphore(%arg10 : memref<!tpu.dma_semaphore, #tpu.memory_space<semaphore_mem>>)
    %dma_wait3A_70 = arith.constant 128 : i32
    %dma_wait3A_71 = tpu.memref_slice %arg5[%dma_wait3A_70] : memref<1792xi32, #tpu.memory_space<vmem>> -> memref<128xi32, #tpu.memory_space<vmem>>
    %dma_wait3A_72 = arith.constant 0 : i32
    %dma_wait3A_73 = arith.constant 0 : i32
    %dma_wait3A_74 = tpu.memref_slice %arg2[%dma_wait3A_72, %dma_wait3A_73] : memref<4096x128xf32, #tpu.memory_space<hbm>> -> memref<4096x128xf32, #tpu.memory_space<hbm>>
    tpu.wait_indirect_dma semaphore(%arg11 : memref<!tpu.dma_semaphore, #tpu.memory_space<semaphore_mem>>) src(%dma_wait3A_74 : memref<4096x128xf32, #tpu.memory_space<hbm>>) dst(%arg7 : memref<128x128xf32, #tpu.memory_space<vmem>>)
    %add3A_75 = arith.constant 128 : i32
    %add3A_76 = arith.addi %add3A_37, %add3A_75 : i32
    "tpu.region"() ({
      %run_scoped3A = tpu.sem_alloc : memref<!tpu.dma_semaphore, #tpu.memory_space<semaphore_mem>>
      %dma_start3A_206 = arith.constant 0 : i32
      %dma_start3A_207 = tpu.memref_slice %arg4[%add3A_76, %dma_start3A_206] : memref<57344x128xf32, #tpu.memory_space<hbm>> -> memref<128x128xf32, #tpu.memory_space<hbm>>
      %dma_start3A_208 = arith.constant 0 : i32
      %dma_start3A_209 = tpu.memref_slice %arg4[%add3A_76, %dma_start3A_208] : memref<57344x128xf32, #tpu.memory_space<hbm>> -> memref<128x128xf32, #tpu.memory_space<hbm>>
      tpu.enqueue_dma source(%arg7 : memref<128x128xf32, #tpu.memory_space<vmem>>) target(%dma_start3A_209 : memref<128x128xf32, #tpu.memory_space<hbm>>) target_semaphore(%run_scoped3A : memref<!tpu.dma_semaphore, #tpu.memory_space<semaphore_mem>>)
      %dma_wait3A_210 = arith.constant 0 : i32
      %dma_wait3A_211 = tpu.memref_slice %arg4[%add3A_76, %dma_wait3A_210] : memref<57344x128xf32, #tpu.memory_space<hbm>> -> memref<128x128xf32, #tpu.memory_space<hbm>>
      %dma_wait3A_212 = arith.constant 0 : i32
      %dma_wait3A_213 = tpu.memref_slice %arg4[%add3A_76, %dma_wait3A_212] : memref<57344x128xf32, #tpu.memory_space<hbm>> -> memref<128x128xf32, #tpu.memory_space<hbm>>
      tpu.wait_dma2 semaphore(%run_scoped3A : memref<!tpu.dma_semaphore, #tpu.memory_space<semaphore_mem>>) src(%arg7 : memref<128x128xf32, #tpu.memory_space<vmem>>) dst(%dma_wait3A_213 : memref<128x128xf32, #tpu.memory_space<hbm>>)
      tpu.yield
    }) : () -> ()
    %dma_start3A_77 = arith.constant 640 : i32
    %dma_start3A_78 = tpu.memref_slice %arg5[%dma_start3A_77] : memref<1792xi32, #tpu.memory_space<vmem>> -> memref<128xi32, #tpu.memory_space<vmem>>
    %dma_start3A_79 = arith.constant 0 : i32
    %dma_start3A_80 = arith.constant 0 : i32
    %dma_start3A_81 = tpu.memref_slice %arg2[%dma_start3A_79, %dma_start3A_80] : memref<4096x128xf32, #tpu.memory_space<hbm>> -> memref<4096x128xf32, #tpu.memory_space<hbm>>
    tpu.enqueue_indirect_dma source(%dma_start3A_81 : memref<4096x128xf32, #tpu.memory_space<hbm>>) target(%arg7 : memref<128x128xf32, #tpu.memory_space<vmem>>) offsets(%dma_start3A_78 : memref<128xi32, #tpu.memory_space<vmem>>) semaphore(%arg11 : memref<!tpu.dma_semaphore, #tpu.memory_space<semaphore_mem>>)
    %dma_wait3A_82 = arith.constant 256 : i32
    %dma_wait3A_83 = tpu.memref_slice %arg5[%dma_wait3A_82] : memref<1792xi32, #tpu.memory_space<vmem>> -> memref<128xi32, #tpu.memory_space<vmem>>
    %dma_wait3A_84 = arith.constant 0 : i32
    %dma_wait3A_85 = arith.constant 0 : i32
    %dma_wait3A_86 = tpu.memref_slice %arg2[%dma_wait3A_84, %dma_wait3A_85] : memref<4096x128xf32, #tpu.memory_space<hbm>> -> memref<4096x128xf32, #tpu.memory_space<hbm>>
    tpu.wait_indirect_dma semaphore(%arg12 : memref<!tpu.dma_semaphore, #tpu.memory_space<semaphore_mem>>) src(%dma_wait3A_86 : memref<4096x128xf32, #tpu.memory_space<hbm>>) dst(%arg8 : memref<128x128xf32, #tpu.memory_space<vmem>>)
    %add3A_87 = arith.constant 256 : i32
    %add3A_88 = arith.addi %add3A_37, %add3A_87 : i32
    "tpu.region"() ({
      %run_scoped3A = tpu.sem_alloc : memref<!tpu.dma_semaphore, #tpu.memory_space<semaphore_mem>>
      %dma_start3A_206 = arith.constant 0 : i32
      %dma_start3A_207 = tpu.memref_slice %arg4[%add3A_88, %dma_start3A_206] : memref<57344x128xf32, #tpu.memory_space<hbm>> -> memref<128x128xf32, #tpu.memory_space<hbm>>
      %dma_start3A_208 = arith.constant 0 : i32
      %dma_start3A_209 = tpu.memref_slice %arg4[%add3A_88, %dma_start3A_208] : memref<57344x128xf32, #tpu.memory_space<hbm>> -> memref<128x128xf32, #tpu.memory_space<hbm>>
      tpu.enqueue_dma source(%arg8 : memref<128x128xf32, #tpu.memory_space<vmem>>) target(%dma_start3A_209 : memref<128x128xf32, #tpu.memory_space<hbm>>) target_semaphore(%run_scoped3A : memref<!tpu.dma_semaphore, #tpu.memory_space<semaphore_mem>>)
      %dma_wait3A_210 = arith.constant 0 : i32
      %dma_wait3A_211 = tpu.memref_slice %arg4[%add3A_88, %dma_wait3A_210] : memref<57344x128xf32, #tpu.memory_space<hbm>> -> memref<128x128xf32, #tpu.memory_space<hbm>>
      %dma_wait3A_212 = arith.constant 0 : i32
      %dma_wait3A_213 = tpu.memref_slice %arg4[%add3A_88, %dma_wait3A_212] : memref<57344x128xf32, #tpu.memory_space<hbm>> -> memref<128x128xf32, #tpu.memory_space<hbm>>
      tpu.wait_dma2 semaphore(%run_scoped3A : memref<!tpu.dma_semaphore, #tpu.memory_space<semaphore_mem>>) src(%arg8 : memref<128x128xf32, #tpu.memory_space<vmem>>) dst(%dma_wait3A_213 : memref<128x128xf32, #tpu.memory_space<hbm>>)
      tpu.yield
    }) : () -> ()
    %dma_start3A_89 = arith.constant 768 : i32
    %dma_start3A_90 = tpu.memref_slice %arg5[%dma_start3A_89] : memref<1792xi32, #tpu.memory_space<vmem>> -> memref<128xi32, #tpu.memory_space<vmem>>
    %dma_start3A_91 = arith.constant 0 : i32
    %dma_start3A_92 = arith.constant 0 : i32
    %dma_start3A_93 = tpu.memref_slice %arg2[%dma_start3A_91, %dma_start3A_92] : memref<4096x128xf32, #tpu.memory_space<hbm>> -> memref<4096x128xf32, #tpu.memory_space<hbm>>
    tpu.enqueue_indirect_dma source(%dma_start3A_93 : memref<4096x128xf32, #tpu.memory_space<hbm>>) target(%arg8 : memref<128x128xf32, #tpu.memory_space<vmem>>) offsets(%dma_start3A_90 : memref<128xi32, #tpu.memory_space<vmem>>) semaphore(%arg12 : memref<!tpu.dma_semaphore, #tpu.memory_space<semaphore_mem>>)
    %dma_wait3A_94 = arith.constant 384 : i32
    %dma_wait3A_95 = tpu.memref_slice %arg5[%dma_wait3A_94] : memref<1792xi32, #tpu.memory_space<vmem>> -> memref<128xi32, #tpu.memory_space<vmem>>
    %dma_wait3A_96 = arith.constant 0 : i32
    %dma_wait3A_97 = arith.constant 0 : i32
    %dma_wait3A_98 = tpu.memref_slice %arg2[%dma_wait3A_96, %dma_wait3A_97] : memref<4096x128xf32, #tpu.memory_space<hbm>> -> memref<4096x128xf32, #tpu.memory_space<hbm>>
    tpu.wait_indirect_dma semaphore(%arg13 : memref<!tpu.dma_semaphore, #tpu.memory_space<semaphore_mem>>) src(%dma_wait3A_98 : memref<4096x128xf32, #tpu.memory_space<hbm>>) dst(%arg9 : memref<128x128xf32, #tpu.memory_space<vmem>>)
    %add3A_99 = arith.constant 384 : i32
    %add3A_100 = arith.addi %add3A_37, %add3A_99 : i32
    "tpu.region"() ({
      %run_scoped3A = tpu.sem_alloc : memref<!tpu.dma_semaphore, #tpu.memory_space<semaphore_mem>>
      %dma_start3A_206 = arith.constant 0 : i32
      %dma_start3A_207 = tpu.memref_slice %arg4[%add3A_100, %dma_start3A_206] : memref<57344x128xf32, #tpu.memory_space<hbm>> -> memref<128x128xf32, #tpu.memory_space<hbm>>
      %dma_start3A_208 = arith.constant 0 : i32
      %dma_start3A_209 = tpu.memref_slice %arg4[%add3A_100, %dma_start3A_208] : memref<57344x128xf32, #tpu.memory_space<hbm>> -> memref<128x128xf32, #tpu.memory_space<hbm>>
      tpu.enqueue_dma source(%arg9 : memref<128x128xf32, #tpu.memory_space<vmem>>) target(%dma_start3A_209 : memref<128x128xf32, #tpu.memory_space<hbm>>) target_semaphore(%run_scoped3A : memref<!tpu.dma_semaphore, #tpu.memory_space<semaphore_mem>>)
      %dma_wait3A_210 = arith.constant 0 : i32
      %dma_wait3A_211 = tpu.memref_slice %arg4[%add3A_100, %dma_wait3A_210] : memref<57344x128xf32, #tpu.memory_space<hbm>> -> memref<128x128xf32, #tpu.memory_space<hbm>>
      %dma_wait3A_212 = arith.constant 0 : i32
      %dma_wait3A_213 = tpu.memref_slice %arg4[%add3A_100, %dma_wait3A_212] : memref<57344x128xf32, #tpu.memory_space<hbm>> -> memref<128x128xf32, #tpu.memory_space<hbm>>
      tpu.wait_dma2 semaphore(%run_scoped3A : memref<!tpu.dma_semaphore, #tpu.memory_space<semaphore_mem>>) src(%arg9 : memref<128x128xf32, #tpu.memory_space<vmem>>) dst(%dma_wait3A_213 : memref<128x128xf32, #tpu.memory_space<hbm>>)
      tpu.yield
    }) : () -> ()
    %dma_start3A_101 = arith.constant 896 : i32
    %dma_start3A_102 = tpu.memref_slice %arg5[%dma_start3A_101] : memref<1792xi32, #tpu.memory_space<vmem>> -> memref<128xi32, #tpu.memory_space<vmem>>
    %dma_start3A_103 = arith.constant 0 : i32
    %dma_start3A_104 = arith.constant 0 : i32
    %dma_start3A_105 = tpu.memref_slice %arg2[%dma_start3A_103, %dma_start3A_104] : memref<4096x128xf32, #tpu.memory_space<hbm>> -> memref<4096x128xf32, #tpu.memory_space<hbm>>
    tpu.enqueue_indirect_dma source(%dma_start3A_105 : memref<4096x128xf32, #tpu.memory_space<hbm>>) target(%arg9 : memref<128x128xf32, #tpu.memory_space<vmem>>) offsets(%dma_start3A_102 : memref<128xi32, #tpu.memory_space<vmem>>) semaphore(%arg13 : memref<!tpu.dma_semaphore, #tpu.memory_space<semaphore_mem>>)
    %dma_wait3A_106 = arith.constant 512 : i32
    %dma_wait3A_107 = tpu.memref_slice %arg5[%dma_wait3A_106] : memref<1792xi32, #tpu.memory_space<vmem>> -> memref<128xi32, #tpu.memory_space<vmem>>
    %dma_wait3A_108 = arith.constant 0 : i32
    %dma_wait3A_109 = arith.constant 0 : i32
    %dma_wait3A_110 = tpu.memref_slice %arg2[%dma_wait3A_108, %dma_wait3A_109] : memref<4096x128xf32, #tpu.memory_space<hbm>> -> memref<4096x128xf32, #tpu.memory_space<hbm>>
    tpu.wait_indirect_dma semaphore(%arg10 : memref<!tpu.dma_semaphore, #tpu.memory_space<semaphore_mem>>) src(%dma_wait3A_110 : memref<4096x128xf32, #tpu.memory_space<hbm>>) dst(%arg6 : memref<128x128xf32, #tpu.memory_space<vmem>>)
    %add3A_111 = arith.constant 512 : i32
    %add3A_112 = arith.addi %add3A_37, %add3A_111 : i32
    "tpu.region"() ({
      %run_scoped3A = tpu.sem_alloc : memref<!tpu.dma_semaphore, #tpu.memory_space<semaphore_mem>>
      %dma_start3A_206 = arith.constant 0 : i32
      %dma_start3A_207 = tpu.memref_slice %arg4[%add3A_112, %dma_start3A_206] : memref<57344x128xf32, #tpu.memory_space<hbm>> -> memref<128x128xf32, #tpu.memory_space<hbm>>
      %dma_start3A_208 = arith.constant 0 : i32
      %dma_start3A_209 = tpu.memref_slice %arg4[%add3A_112, %dma_start3A_208] : memref<57344x128xf32, #tpu.memory_space<hbm>> -> memref<128x128xf32, #tpu.memory_space<hbm>>
      tpu.enqueue_dma source(%arg6 : memref<128x128xf32, #tpu.memory_space<vmem>>) target(%dma_start3A_209 : memref<128x128xf32, #tpu.memory_space<hbm>>) target_semaphore(%run_scoped3A : memref<!tpu.dma_semaphore, #tpu.memory_space<semaphore_mem>>)
      %dma_wait3A_210 = arith.constant 0 : i32
      %dma_wait3A_211 = tpu.memref_slice %arg4[%add3A_112, %dma_wait3A_210] : memref<57344x128xf32, #tpu.memory_space<hbm>> -> memref<128x128xf32, #tpu.memory_space<hbm>>
      %dma_wait3A_212 = arith.constant 0 : i32
      %dma_wait3A_213 = tpu.memref_slice %arg4[%add3A_112, %dma_wait3A_212] : memref<57344x128xf32, #tpu.memory_space<hbm>> -> memref<128x128xf32, #tpu.memory_space<hbm>>
      tpu.wait_dma2 semaphore(%run_scoped3A : memref<!tpu.dma_semaphore, #tpu.memory_space<semaphore_mem>>) src(%arg6 : memref<128x128xf32, #tpu.memory_space<vmem>>) dst(%dma_wait3A_213 : memref<128x128xf32, #tpu.memory_space<hbm>>)
      tpu.yield
    }) : () -> ()
    %dma_start3A_113 = arith.constant 1024 : i32
    %dma_start3A_114 = tpu.memref_slice %arg5[%dma_start3A_113] : memref<1792xi32, #tpu.memory_space<vmem>> -> memref<128xi32, #tpu.memory_space<vmem>>
    %dma_start3A_115 = arith.constant 0 : i32
    %dma_start3A_116 = arith.constant 0 : i32
    %dma_start3A_117 = tpu.memref_slice %arg2[%dma_start3A_115, %dma_start3A_116] : memref<4096x128xf32, #tpu.memory_space<hbm>> -> memref<4096x128xf32, #tpu.memory_space<hbm>>
    tpu.enqueue_indirect_dma source(%dma_start3A_117 : memref<4096x128xf32, #tpu.memory_space<hbm>>) target(%arg6 : memref<128x128xf32, #tpu.memory_space<vmem>>) offsets(%dma_start3A_114 : memref<128xi32, #tpu.memory_space<vmem>>) semaphore(%arg10 : memref<!tpu.dma_semaphore, #tpu.memory_space<semaphore_mem>>)
    %dma_wait3A_118 = arith.constant 640 : i32
    %dma_wait3A_119 = tpu.memref_slice %arg5[%dma_wait3A_118] : memref<1792xi32, #tpu.memory_space<vmem>> -> memref<128xi32, #tpu.memory_space<vmem>>
    %dma_wait3A_120 = arith.constant 0 : i32
    %dma_wait3A_121 = arith.constant 0 : i32
    %dma_wait3A_122 = tpu.memref_slice %arg2[%dma_wait3A_120, %dma_wait3A_121] : memref<4096x128xf32, #tpu.memory_space<hbm>> -> memref<4096x128xf32, #tpu.memory_space<hbm>>
    tpu.wait_indirect_dma semaphore(%arg11 : memref<!tpu.dma_semaphore, #tpu.memory_space<semaphore_mem>>) src(%dma_wait3A_122 : memref<4096x128xf32, #tpu.memory_space<hbm>>) dst(%arg7 : memref<128x128xf32, #tpu.memory_space<vmem>>)
    %add3A_123 = arith.constant 640 : i32
    %add3A_124 = arith.addi %add3A_37, %add3A_123 : i32
    "tpu.region"() ({
      %run_scoped3A = tpu.sem_alloc : memref<!tpu.dma_semaphore, #tpu.memory_space<semaphore_mem>>
      %dma_start3A_206 = arith.constant 0 : i32
      %dma_start3A_207 = tpu.memref_slice %arg4[%add3A_124, %dma_start3A_206] : memref<57344x128xf32, #tpu.memory_space<hbm>> -> memref<128x128xf32, #tpu.memory_space<hbm>>
      %dma_start3A_208 = arith.constant 0 : i32
      %dma_start3A_209 = tpu.memref_slice %arg4[%add3A_124, %dma_start3A_208] : memref<57344x128xf32, #tpu.memory_space<hbm>> -> memref<128x128xf32, #tpu.memory_space<hbm>>
      tpu.enqueue_dma source(%arg7 : memref<128x128xf32, #tpu.memory_space<vmem>>) target(%dma_start3A_209 : memref<128x128xf32, #tpu.memory_space<hbm>>) target_semaphore(%run_scoped3A : memref<!tpu.dma_semaphore, #tpu.memory_space<semaphore_mem>>)
      %dma_wait3A_210 = arith.constant 0 : i32
      %dma_wait3A_211 = tpu.memref_slice %arg4[%add3A_124, %dma_wait3A_210] : memref<57344x128xf32, #tpu.memory_space<hbm>> -> memref<128x128xf32, #tpu.memory_space<hbm>>
      %dma_wait3A_212 = arith.constant 0 : i32
      %dma_wait3A_213 = tpu.memref_slice %arg4[%add3A_124, %dma_wait3A_212] : memref<57344x128xf32, #tpu.memory_space<hbm>> -> memref<128x128xf32, #tpu.memory_space<hbm>>
      tpu.wait_dma2 semaphore(%run_scoped3A : memref<!tpu.dma_semaphore, #tpu.memory_space<semaphore_mem>>) src(%arg7 : memref<128x128xf32, #tpu.memory_space<vmem>>) dst(%dma_wait3A_213 : memref<128x128xf32, #tpu.memory_space<hbm>>)
      tpu.yield
    }) : () -> ()
    %dma_start3A_125 = arith.constant 1152 : i32
    %dma_start3A_126 = tpu.memref_slice %arg5[%dma_start3A_125] : memref<1792xi32, #tpu.memory_space<vmem>> -> memref<128xi32, #tpu.memory_space<vmem>>
    %dma_start3A_127 = arith.constant 0 : i32
    %dma_start3A_128 = arith.constant 0 : i32
    %dma_start3A_129 = tpu.memref_slice %arg2[%dma_start3A_127, %dma_start3A_128] : memref<4096x128xf32, #tpu.memory_space<hbm>> -> memref<4096x128xf32, #tpu.memory_space<hbm>>
    tpu.enqueue_indirect_dma source(%dma_start3A_129 : memref<4096x128xf32, #tpu.memory_space<hbm>>) target(%arg7 : memref<128x128xf32, #tpu.memory_space<vmem>>) offsets(%dma_start3A_126 : memref<128xi32, #tpu.memory_space<vmem>>) semaphore(%arg11 : memref<!tpu.dma_semaphore, #tpu.memory_space<semaphore_mem>>)
    %dma_wait3A_130 = arith.constant 768 : i32
    %dma_wait3A_131 = tpu.memref_slice %arg5[%dma_wait3A_130] : memref<1792xi32, #tpu.memory_space<vmem>> -> memref<128xi32, #tpu.memory_space<vmem>>
    %dma_wait3A_132 = arith.constant 0 : i32
    %dma_wait3A_133 = arith.constant 0 : i32
    %dma_wait3A_134 = tpu.memref_slice %arg2[%dma_wait3A_132, %dma_wait3A_133] : memref<4096x128xf32, #tpu.memory_space<hbm>> -> memref<4096x128xf32, #tpu.memory_space<hbm>>
    tpu.wait_indirect_dma semaphore(%arg12 : memref<!tpu.dma_semaphore, #tpu.memory_space<semaphore_mem>>) src(%dma_wait3A_134 : memref<4096x128xf32, #tpu.memory_space<hbm>>) dst(%arg8 : memref<128x128xf32, #tpu.memory_space<vmem>>)
    %add3A_135 = arith.constant 768 : i32
    %add3A_136 = arith.addi %add3A_37, %add3A_135 : i32
    "tpu.region"() ({
      %run_scoped3A = tpu.sem_alloc : memref<!tpu.dma_semaphore, #tpu.memory_space<semaphore_mem>>
      %dma_start3A_206 = arith.constant 0 : i32
      %dma_start3A_207 = tpu.memref_slice %arg4[%add3A_136, %dma_start3A_206] : memref<57344x128xf32, #tpu.memory_space<hbm>> -> memref<128x128xf32, #tpu.memory_space<hbm>>
      %dma_start3A_208 = arith.constant 0 : i32
      %dma_start3A_209 = tpu.memref_slice %arg4[%add3A_136, %dma_start3A_208] : memref<57344x128xf32, #tpu.memory_space<hbm>> -> memref<128x128xf32, #tpu.memory_space<hbm>>
      tpu.enqueue_dma source(%arg8 : memref<128x128xf32, #tpu.memory_space<vmem>>) target(%dma_start3A_209 : memref<128x128xf32, #tpu.memory_space<hbm>>) target_semaphore(%run_scoped3A : memref<!tpu.dma_semaphore, #tpu.memory_space<semaphore_mem>>)
      %dma_wait3A_210 = arith.constant 0 : i32
      %dma_wait3A_211 = tpu.memref_slice %arg4[%add3A_136, %dma_wait3A_210] : memref<57344x128xf32, #tpu.memory_space<hbm>> -> memref<128x128xf32, #tpu.memory_space<hbm>>
      %dma_wait3A_212 = arith.constant 0 : i32
      %dma_wait3A_213 = tpu.memref_slice %arg4[%add3A_136, %dma_wait3A_212] : memref<57344x128xf32, #tpu.memory_space<hbm>> -> memref<128x128xf32, #tpu.memory_space<hbm>>
      tpu.wait_dma2 semaphore(%run_scoped3A : memref<!tpu.dma_semaphore, #tpu.memory_space<semaphore_mem>>) src(%arg8 : memref<128x128xf32, #tpu.memory_space<vmem>>) dst(%dma_wait3A_213 : memref<128x128xf32, #tpu.memory_space<hbm>>)
      tpu.yield
    }) : () -> ()
    %dma_start3A_137 = arith.constant 1280 : i32
    %dma_start3A_138 = tpu.memref_slice %arg5[%dma_start3A_137] : memref<1792xi32, #tpu.memory_space<vmem>> -> memref<128xi32, #tpu.memory_space<vmem>>
    %dma_start3A_139 = arith.constant 0 : i32
    %dma_start3A_140 = arith.constant 0 : i32
    %dma_start3A_141 = tpu.memref_slice %arg2[%dma_start3A_139, %dma_start3A_140] : memref<4096x128xf32, #tpu.memory_space<hbm>> -> memref<4096x128xf32, #tpu.memory_space<hbm>>
    tpu.enqueue_indirect_dma source(%dma_start3A_141 : memref<4096x128xf32, #tpu.memory_space<hbm>>) target(%arg8 : memref<128x128xf32, #tpu.memory_space<vmem>>) offsets(%dma_start3A_138 : memref<128xi32, #tpu.memory_space<vmem>>) semaphore(%arg12 : memref<!tpu.dma_semaphore, #tpu.memory_space<semaphore_mem>>)
    %dma_wait3A_142 = arith.constant 896 : i32
    %dma_wait3A_143 = tpu.memref_slice %arg5[%dma_wait3A_142] : memref<1792xi32, #tpu.memory_space<vmem>> -> memref<128xi32, #tpu.memory_space<vmem>>
    %dma_wait3A_144 = arith.constant 0 : i32
    %dma_wait3A_145 = arith.constant 0 : i32
    %dma_wait3A_146 = tpu.memref_slice %arg2[%dma_wait3A_144, %dma_wait3A_145] : memref<4096x128xf32, #tpu.memory_space<hbm>> -> memref<4096x128xf32, #tpu.memory_space<hbm>>
    tpu.wait_indirect_dma semaphore(%arg13 : memref<!tpu.dma_semaphore, #tpu.memory_space<semaphore_mem>>) src(%dma_wait3A_146 : memref<4096x128xf32, #tpu.memory_space<hbm>>) dst(%arg9 : memref<128x128xf32, #tpu.memory_space<vmem>>)
    %add3A_147 = arith.constant 896 : i32
    %add3A_148 = arith.addi %add3A_37, %add3A_147 : i32
    "tpu.region"() ({
      %run_scoped3A = tpu.sem_alloc : memref<!tpu.dma_semaphore, #tpu.memory_space<semaphore_mem>>
      %dma_start3A_206 = arith.constant 0 : i32
      %dma_start3A_207 = tpu.memref_slice %arg4[%add3A_148, %dma_start3A_206] : memref<57344x128xf32, #tpu.memory_space<hbm>> -> memref<128x128xf32, #tpu.memory_space<hbm>>
      %dma_start3A_208 = arith.constant 0 : i32
      %dma_start3A_209 = tpu.memref_slice %arg4[%add3A_148, %dma_start3A_208] : memref<57344x128xf32, #tpu.memory_space<hbm>> -> memref<128x128xf32, #tpu.memory_space<hbm>>
      tpu.enqueue_dma source(%arg9 : memref<128x128xf32, #tpu.memory_space<vmem>>) target(%dma_start3A_209 : memref<128x128xf32, #tpu.memory_space<hbm>>) target_semaphore(%run_scoped3A : memref<!tpu.dma_semaphore, #tpu.memory_space<semaphore_mem>>)
      %dma_wait3A_210 = arith.constant 0 : i32
      %dma_wait3A_211 = tpu.memref_slice %arg4[%add3A_148, %dma_wait3A_210] : memref<57344x128xf32, #tpu.memory_space<hbm>> -> memref<128x128xf32, #tpu.memory_space<hbm>>
      %dma_wait3A_212 = arith.constant 0 : i32
      %dma_wait3A_213 = tpu.memref_slice %arg4[%add3A_148, %dma_wait3A_212] : memref<57344x128xf32, #tpu.memory_space<hbm>> -> memref<128x128xf32, #tpu.memory_space<hbm>>
      tpu.wait_dma2 semaphore(%run_scoped3A : memref<!tpu.dma_semaphore, #tpu.memory_space<semaphore_mem>>) src(%arg9 : memref<128x128xf32, #tpu.memory_space<vmem>>) dst(%dma_wait3A_213 : memref<128x128xf32, #tpu.memory_space<hbm>>)
      tpu.yield
    }) : () -> ()
    %dma_start3A_149 = arith.constant 1408 : i32
    %dma_start3A_150 = tpu.memref_slice %arg5[%dma_start3A_149] : memref<1792xi32, #tpu.memory_space<vmem>> -> memref<128xi32, #tpu.memory_space<vmem>>
    %dma_start3A_151 = arith.constant 0 : i32
    %dma_start3A_152 = arith.constant 0 : i32
    %dma_start3A_153 = tpu.memref_slice %arg2[%dma_start3A_151, %dma_start3A_152] : memref<4096x128xf32, #tpu.memory_space<hbm>> -> memref<4096x128xf32, #tpu.memory_space<hbm>>
    tpu.enqueue_indirect_dma source(%dma_start3A_153 : memref<4096x128xf32, #tpu.memory_space<hbm>>) target(%arg9 : memref<128x128xf32, #tpu.memory_space<vmem>>) offsets(%dma_start3A_150 : memref<128xi32, #tpu.memory_space<vmem>>) semaphore(%arg13 : memref<!tpu.dma_semaphore, #tpu.memory_space<semaphore_mem>>)
    %dma_wait3A_154 = arith.constant 1024 : i32
    %dma_wait3A_155 = tpu.memref_slice %arg5[%dma_wait3A_154] : memref<1792xi32, #tpu.memory_space<vmem>> -> memref<128xi32, #tpu.memory_space<vmem>>
    %dma_wait3A_156 = arith.constant 0 : i32
    %dma_wait3A_157 = arith.constant 0 : i32
    %dma_wait3A_158 = tpu.memref_slice %arg2[%dma_wait3A_156, %dma_wait3A_157] : memref<4096x128xf32, #tpu.memory_space<hbm>> -> memref<4096x128xf32, #tpu.memory_space<hbm>>
    tpu.wait_indirect_dma semaphore(%arg10 : memref<!tpu.dma_semaphore, #tpu.memory_space<semaphore_mem>>) src(%dma_wait3A_158 : memref<4096x128xf32, #tpu.memory_space<hbm>>) dst(%arg6 : memref<128x128xf32, #tpu.memory_space<vmem>>)
    %add3A_159 = arith.constant 1024 : i32
    %add3A_160 = arith.addi %add3A_37, %add3A_159 : i32
    "tpu.region"() ({
      %run_scoped3A = tpu.sem_alloc : memref<!tpu.dma_semaphore, #tpu.memory_space<semaphore_mem>>
      %dma_start3A_206 = arith.constant 0 : i32
      %dma_start3A_207 = tpu.memref_slice %arg4[%add3A_160, %dma_start3A_206] : memref<57344x128xf32, #tpu.memory_space<hbm>> -> memref<128x128xf32, #tpu.memory_space<hbm>>
      %dma_start3A_208 = arith.constant 0 : i32
      %dma_start3A_209 = tpu.memref_slice %arg4[%add3A_160, %dma_start3A_208] : memref<57344x128xf32, #tpu.memory_space<hbm>> -> memref<128x128xf32, #tpu.memory_space<hbm>>
      tpu.enqueue_dma source(%arg6 : memref<128x128xf32, #tpu.memory_space<vmem>>) target(%dma_start3A_209 : memref<128x128xf32, #tpu.memory_space<hbm>>) target_semaphore(%run_scoped3A : memref<!tpu.dma_semaphore, #tpu.memory_space<semaphore_mem>>)
      %dma_wait3A_210 = arith.constant 0 : i32
      %dma_wait3A_211 = tpu.memref_slice %arg4[%add3A_160, %dma_wait3A_210] : memref<57344x128xf32, #tpu.memory_space<hbm>> -> memref<128x128xf32, #tpu.memory_space<hbm>>
      %dma_wait3A_212 = arith.constant 0 : i32
      %dma_wait3A_213 = tpu.memref_slice %arg4[%add3A_160, %dma_wait3A_212] : memref<57344x128xf32, #tpu.memory_space<hbm>> -> memref<128x128xf32, #tpu.memory_space<hbm>>
      tpu.wait_dma2 semaphore(%run_scoped3A : memref<!tpu.dma_semaphore, #tpu.memory_space<semaphore_mem>>) src(%arg6 : memref<128x128xf32, #tpu.memory_space<vmem>>) dst(%dma_wait3A_213 : memref<128x128xf32, #tpu.memory_space<hbm>>)
      tpu.yield
    }) : () -> ()
    %dma_start3A_161 = arith.constant 1536 : i32
    %dma_start3A_162 = tpu.memref_slice %arg5[%dma_start3A_161] : memref<1792xi32, #tpu.memory_space<vmem>> -> memref<128xi32, #tpu.memory_space<vmem>>
    %dma_start3A_163 = arith.constant 0 : i32
    %dma_start3A_164 = arith.constant 0 : i32
    %dma_start3A_165 = tpu.memref_slice %arg2[%dma_start3A_163, %dma_start3A_164] : memref<4096x128xf32, #tpu.memory_space<hbm>> -> memref<4096x128xf32, #tpu.memory_space<hbm>>
    tpu.enqueue_indirect_dma source(%dma_start3A_165 : memref<4096x128xf32, #tpu.memory_space<hbm>>) target(%arg6 : memref<128x128xf32, #tpu.memory_space<vmem>>) offsets(%dma_start3A_162 : memref<128xi32, #tpu.memory_space<vmem>>) semaphore(%arg10 : memref<!tpu.dma_semaphore, #tpu.memory_space<semaphore_mem>>)
    %dma_wait3A_166 = arith.constant 1152 : i32
    %dma_wait3A_167 = tpu.memref_slice %arg5[%dma_wait3A_166] : memref<1792xi32, #tpu.memory_space<vmem>> -> memref<128xi32, #tpu.memory_space<vmem>>
    %dma_wait3A_168 = arith.constant 0 : i32
    %dma_wait3A_169 = arith.constant 0 : i32
    %dma_wait3A_170 = tpu.memref_slice %arg2[%dma_wait3A_168, %dma_wait3A_169] : memref<4096x128xf32, #tpu.memory_space<hbm>> -> memref<4096x128xf32, #tpu.memory_space<hbm>>
    tpu.wait_indirect_dma semaphore(%arg11 : memref<!tpu.dma_semaphore, #tpu.memory_space<semaphore_mem>>) src(%dma_wait3A_170 : memref<4096x128xf32, #tpu.memory_space<hbm>>) dst(%arg7 : memref<128x128xf32, #tpu.memory_space<vmem>>)
    %add3A_171 = arith.constant 1152 : i32
    %add3A_172 = arith.addi %add3A_37, %add3A_171 : i32
    "tpu.region"() ({
      %run_scoped3A = tpu.sem_alloc : memref<!tpu.dma_semaphore, #tpu.memory_space<semaphore_mem>>
      %dma_start3A_206 = arith.constant 0 : i32
      %dma_start3A_207 = tpu.memref_slice %arg4[%add3A_172, %dma_start3A_206] : memref<57344x128xf32, #tpu.memory_space<hbm>> -> memref<128x128xf32, #tpu.memory_space<hbm>>
      %dma_start3A_208 = arith.constant 0 : i32
      %dma_start3A_209 = tpu.memref_slice %arg4[%add3A_172, %dma_start3A_208] : memref<57344x128xf32, #tpu.memory_space<hbm>> -> memref<128x128xf32, #tpu.memory_space<hbm>>
      tpu.enqueue_dma source(%arg7 : memref<128x128xf32, #tpu.memory_space<vmem>>) target(%dma_start3A_209 : memref<128x128xf32, #tpu.memory_space<hbm>>) target_semaphore(%run_scoped3A : memref<!tpu.dma_semaphore, #tpu.memory_space<semaphore_mem>>)
      %dma_wait3A_210 = arith.constant 0 : i32
      %dma_wait3A_211 = tpu.memref_slice %arg4[%add3A_172, %dma_wait3A_210] : memref<57344x128xf32, #tpu.memory_space<hbm>> -> memref<128x128xf32, #tpu.memory_space<hbm>>
      %dma_wait3A_212 = arith.constant 0 : i32
      %dma_wait3A_213 = tpu.memref_slice %arg4[%add3A_172, %dma_wait3A_212] : memref<57344x128xf32, #tpu.memory_space<hbm>> -> memref<128x128xf32, #tpu.memory_space<hbm>>
      tpu.wait_dma2 semaphore(%run_scoped3A : memref<!tpu.dma_semaphore, #tpu.memory_space<semaphore_mem>>) src(%arg7 : memref<128x128xf32, #tpu.memory_space<vmem>>) dst(%dma_wait3A_213 : memref<128x128xf32, #tpu.memory_space<hbm>>)
      tpu.yield
    }) : () -> ()
    %dma_start3A_173 = arith.constant 1664 : i32
    %dma_start3A_174 = tpu.memref_slice %arg5[%dma_start3A_173] : memref<1792xi32, #tpu.memory_space<vmem>> -> memref<128xi32, #tpu.memory_space<vmem>>
    %dma_start3A_175 = arith.constant 0 : i32
    %dma_start3A_176 = arith.constant 0 : i32
    %dma_start3A_177 = tpu.memref_slice %arg2[%dma_start3A_175, %dma_start3A_176] : memref<4096x128xf32, #tpu.memory_space<hbm>> -> memref<4096x128xf32, #tpu.memory_space<hbm>>
    tpu.enqueue_indirect_dma source(%dma_start3A_177 : memref<4096x128xf32, #tpu.memory_space<hbm>>) target(%arg7 : memref<128x128xf32, #tpu.memory_space<vmem>>) offsets(%dma_start3A_174 : memref<128xi32, #tpu.memory_space<vmem>>) semaphore(%arg11 : memref<!tpu.dma_semaphore, #tpu.memory_space<semaphore_mem>>)
    %dma_wait3A_178 = arith.constant 1280 : i32
    %dma_wait3A_179 = tpu.memref_slice %arg5[%dma_wait3A_178] : memref<1792xi32, #tpu.memory_space<vmem>> -> memref<128xi32, #tpu.memory_space<vmem>>
    %dma_wait3A_180 = arith.constant 0 : i32
    %dma_wait3A_181 = arith.constant 0 : i32
    %dma_wait3A_182 = tpu.memref_slice %arg2[%dma_wait3A_180, %dma_wait3A_181] : memref<4096x128xf32, #tpu.memory_space<hbm>> -> memref<4096x128xf32, #tpu.memory_space<hbm>>
    tpu.wait_indirect_dma semaphore(%arg12 : memref<!tpu.dma_semaphore, #tpu.memory_space<semaphore_mem>>) src(%dma_wait3A_182 : memref<4096x128xf32, #tpu.memory_space<hbm>>) dst(%arg8 : memref<128x128xf32, #tpu.memory_space<vmem>>)
    %add3A_183 = arith.constant 1280 : i32
    %add3A_184 = arith.addi %add3A_37, %add3A_183 : i32
    "tpu.region"() ({
      %run_scoped3A = tpu.sem_alloc : memref<!tpu.dma_semaphore, #tpu.memory_space<semaphore_mem>>
      %dma_start3A_206 = arith.constant 0 : i32
      %dma_start3A_207 = tpu.memref_slice %arg4[%add3A_184, %dma_start3A_206] : memref<57344x128xf32, #tpu.memory_space<hbm>> -> memref<128x128xf32, #tpu.memory_space<hbm>>
      %dma_start3A_208 = arith.constant 0 : i32
      %dma_start3A_209 = tpu.memref_slice %arg4[%add3A_184, %dma_start3A_208] : memref<57344x128xf32, #tpu.memory_space<hbm>> -> memref<128x128xf32, #tpu.memory_space<hbm>>
      tpu.enqueue_dma source(%arg8 : memref<128x128xf32, #tpu.memory_space<vmem>>) target(%dma_start3A_209 : memref<128x128xf32, #tpu.memory_space<hbm>>) target_semaphore(%run_scoped3A : memref<!tpu.dma_semaphore, #tpu.memory_space<semaphore_mem>>)
      %dma_wait3A_210 = arith.constant 0 : i32
      %dma_wait3A_211 = tpu.memref_slice %arg4[%add3A_184, %dma_wait3A_210] : memref<57344x128xf32, #tpu.memory_space<hbm>> -> memref<128x128xf32, #tpu.memory_space<hbm>>
      %dma_wait3A_212 = arith.constant 0 : i32
      %dma_wait3A_213 = tpu.memref_slice %arg4[%add3A_184, %dma_wait3A_212] : memref<57344x128xf32, #tpu.memory_space<hbm>> -> memref<128x128xf32, #tpu.memory_space<hbm>>
      tpu.wait_dma2 semaphore(%run_scoped3A : memref<!tpu.dma_semaphore, #tpu.memory_space<semaphore_mem>>) src(%arg8 : memref<128x128xf32, #tpu.memory_space<vmem>>) dst(%dma_wait3A_213 : memref<128x128xf32, #tpu.memory_space<hbm>>)
      tpu.yield
    }) : () -> ()
    %dma_wait3A_185 = arith.constant 1408 : i32
    %dma_wait3A_186 = tpu.memref_slice %arg5[%dma_wait3A_185] : memref<1792xi32, #tpu.memory_space<vmem>> -> memref<128xi32, #tpu.memory_space<vmem>>
    %dma_wait3A_187 = arith.constant 0 : i32
    %dma_wait3A_188 = arith.constant 0 : i32
    %dma_wait3A_189 = tpu.memref_slice %arg2[%dma_wait3A_187, %dma_wait3A_188] : memref<4096x128xf32, #tpu.memory_space<hbm>> -> memref<4096x128xf32, #tpu.memory_space<hbm>>
    tpu.wait_indirect_dma semaphore(%arg13 : memref<!tpu.dma_semaphore, #tpu.memory_space<semaphore_mem>>) src(%dma_wait3A_189 : memref<4096x128xf32, #tpu.memory_space<hbm>>) dst(%arg9 : memref<128x128xf32, #tpu.memory_space<vmem>>)
    %add3A_190 = arith.constant 1408 : i32
    %add3A_191 = arith.addi %add3A_37, %add3A_190 : i32
    "tpu.region"() ({
      %run_scoped3A = tpu.sem_alloc : memref<!tpu.dma_semaphore, #tpu.memory_space<semaphore_mem>>
      %dma_start3A_206 = arith.constant 0 : i32
      %dma_start3A_207 = tpu.memref_slice %arg4[%add3A_191, %dma_start3A_206] : memref<57344x128xf32, #tpu.memory_space<hbm>> -> memref<128x128xf32, #tpu.memory_space<hbm>>
      %dma_start3A_208 = arith.constant 0 : i32
      %dma_start3A_209 = tpu.memref_slice %arg4[%add3A_191, %dma_start3A_208] : memref<57344x128xf32, #tpu.memory_space<hbm>> -> memref<128x128xf32, #tpu.memory_space<hbm>>
      tpu.enqueue_dma source(%arg9 : memref<128x128xf32, #tpu.memory_space<vmem>>) target(%dma_start3A_209 : memref<128x128xf32, #tpu.memory_space<hbm>>) target_semaphore(%run_scoped3A : memref<!tpu.dma_semaphore, #tpu.memory_space<semaphore_mem>>)
      %dma_wait3A_210 = arith.constant 0 : i32
      %dma_wait3A_211 = tpu.memref_slice %arg4[%add3A_191, %dma_wait3A_210] : memref<57344x128xf32, #tpu.memory_space<hbm>> -> memref<128x128xf32, #tpu.memory_space<hbm>>
      %dma_wait3A_212 = arith.constant 0 : i32
      %dma_wait3A_213 = tpu.memref_slice %arg4[%add3A_191, %dma_wait3A_212] : memref<57344x128xf32, #tpu.memory_space<hbm>> -> memref<128x128xf32, #tpu.memory_space<hbm>>
      tpu.wait_dma2 semaphore(%run_scoped3A : memref<!tpu.dma_semaphore, #tpu.memory_space<semaphore_mem>>) src(%arg9 : memref<128x128xf32, #tpu.memory_space<vmem>>) dst(%dma_wait3A_213 : memref<128x128xf32, #tpu.memory_space<hbm>>)
      tpu.yield
    }) : () -> ()
    %dma_wait3A_192 = arith.constant 1536 : i32
    %dma_wait3A_193 = tpu.memref_slice %arg5[%dma_wait3A_192] : memref<1792xi32, #tpu.memory_space<vmem>> -> memref<128xi32, #tpu.memory_space<vmem>>
    %dma_wait3A_194 = arith.constant 0 : i32
    %dma_wait3A_195 = arith.constant 0 : i32
    %dma_wait3A_196 = tpu.memref_slice %arg2[%dma_wait3A_194, %dma_wait3A_195] : memref<4096x128xf32, #tpu.memory_space<hbm>> -> memref<4096x128xf32, #tpu.memory_space<hbm>>
    tpu.wait_indirect_dma semaphore(%arg10 : memref<!tpu.dma_semaphore, #tpu.memory_space<semaphore_mem>>) src(%dma_wait3A_196 : memref<4096x128xf32, #tpu.memory_space<hbm>>) dst(%arg6 : memref<128x128xf32, #tpu.memory_space<vmem>>)
    %add3A_197 = arith.constant 1536 : i32
    %add3A_198 = arith.addi %add3A_37, %add3A_197 : i32
    "tpu.region"() ({
      %run_scoped3A = tpu.sem_alloc : memref<!tpu.dma_semaphore, #tpu.memory_space<semaphore_mem>>
      %dma_start3A_206 = arith.constant 0 : i32
      %dma_start3A_207 = tpu.memref_slice %arg4[%add3A_198, %dma_start3A_206] : memref<57344x128xf32, #tpu.memory_space<hbm>> -> memref<128x128xf32, #tpu.memory_space<hbm>>
      %dma_start3A_208 = arith.constant 0 : i32
      %dma_start3A_209 = tpu.memref_slice %arg4[%add3A_198, %dma_start3A_208] : memref<57344x128xf32, #tpu.memory_space<hbm>> -> memref<128x128xf32, #tpu.memory_space<hbm>>
      tpu.enqueue_dma source(%arg6 : memref<128x128xf32, #tpu.memory_space<vmem>>) target(%dma_start3A_209 : memref<128x128xf32, #tpu.memory_space<hbm>>) target_semaphore(%run_scoped3A : memref<!tpu.dma_semaphore, #tpu.memory_space<semaphore_mem>>)
      %dma_wait3A_210 = arith.constant 0 : i32
      %dma_wait3A_211 = tpu.memref_slice %arg4[%add3A_198, %dma_wait3A_210] : memref<57344x128xf32, #tpu.memory_space<hbm>> -> memref<128x128xf32, #tpu.memory_space<hbm>>
      %dma_wait3A_212 = arith.constant 0 : i32
      %dma_wait3A_213 = tpu.memref_slice %arg4[%add3A_198, %dma_wait3A_212] : memref<57344x128xf32, #tpu.memory_space<hbm>> -> memref<128x128xf32, #tpu.memory_space<hbm>>
      tpu.wait_dma2 semaphore(%run_scoped3A : memref<!tpu.dma_semaphore, #tpu.memory_space<semaphore_mem>>) src(%arg6 : memref<128x128xf32, #tpu.memory_space<vmem>>) dst(%dma_wait3A_213 : memref<128x128xf32, #tpu.memory_space<hbm>>)
      tpu.yield
    }) : () -> ()
    %dma_wait3A_199 = arith.constant 1664 : i32
    %dma_wait3A_200 = tpu.memref_slice %arg5[%dma_wait3A_199] : memref<1792xi32, #tpu.memory_space<vmem>> -> memref<128xi32, #tpu.memory_space<vmem>>
    %dma_wait3A_201 = arith.constant 0 : i32
    %dma_wait3A_202 = arith.constant 0 : i32
    %dma_wait3A_203 = tpu.memref_slice %arg2[%dma_wait3A_201, %dma_wait3A_202] : memref<4096x128xf32, #tpu.memory_space<hbm>> -> memref<4096x128xf32, #tpu.memory_space<hbm>>
    tpu.wait_indirect_dma semaphore(%arg11 : memref<!tpu.dma_semaphore, #tpu.memory_space<semaphore_mem>>) src(%dma_wait3A_203 : memref<4096x128xf32, #tpu.memory_space<hbm>>) dst(%arg7 : memref<128x128xf32, #tpu.memory_space<vmem>>)
    %add3A_204 = arith.constant 1664 : i32
    %add3A_205 = arith.addi %add3A_37, %add3A_204 : i32
    "tpu.region"() ({
      %run_scoped3A = tpu.sem_alloc : memref<!tpu.dma_semaphore, #tpu.memory_space<semaphore_mem>>
      %dma_start3A_206 = arith.constant 0 : i32
      %dma_start3A_207 = tpu.memref_slice %arg4[%add3A_205, %dma_start3A_206] : memref<57344x128xf32, #tpu.memory_space<hbm>> -> memref<128x128xf32, #tpu.memory_space<hbm>>
      %dma_start3A_208 = arith.constant 0 : i32
      %dma_start3A_209 = tpu.memref_slice %arg4[%add3A_205, %dma_start3A_208] : memref<57344x128xf32, #tpu.memory_space<hbm>> -> memref<128x128xf32, #tpu.memory_space<hbm>>
      tpu.enqueue_dma source(%arg7 : memref<128x128xf32, #tpu.memory_space<vmem>>) target(%dma_start3A_209 : memref<128x128xf32, #tpu.memory_space<hbm>>) target_semaphore(%run_scoped3A : memref<!tpu.dma_semaphore, #tpu.memory_space<semaphore_mem>>)
      %dma_wait3A_210 = arith.constant 0 : i32
      %dma_wait3A_211 = tpu.memref_slice %arg4[%add3A_205, %dma_wait3A_210] : memref<57344x128xf32, #tpu.memory_space<hbm>> -> memref<128x128xf32, #tpu.memory_space<hbm>>
      %dma_wait3A_212 = arith.constant 0 : i32
      %dma_wait3A_213 = tpu.memref_slice %arg4[%add3A_205, %dma_wait3A_212] : memref<57344x128xf32, #tpu.memory_space<hbm>> -> memref<128x128xf32, #tpu.memory_space<hbm>>
      tpu.wait_dma2 semaphore(%run_scoped3A : memref<!tpu.dma_semaphore, #tpu.memory_space<semaphore_mem>>) src(%arg7 : memref<128x128xf32, #tpu.memory_space<vmem>>) dst(%dma_wait3A_213 : memref<128x128xf32, #tpu.memory_space<hbm>>)
      tpu.yield
    }) : () -> ()
    return
  }
}

#map = affine_map<(d0, d1) -> (0, 0)>
module attributes {stable_mosaic.version = 14 : i64} {
  func.func @gather_kernel(%arg0: i32, %arg1: i32, %arg2: memref<4096x256xf32, #tpu.memory_space<hbm>>, %arg3: memref<16x4096xi32, #tpu.memory_space<hbm>>, %arg4: memref<65536x256xf32, #tpu.memory_space<hbm>>, %arg5: memref<2048xi32, #tpu.memory_space<vmem>>, %arg6: memref<128x256xf32, #tpu.memory_space<vmem>>, %arg7: memref<128x256xf32, #tpu.memory_space<vmem>>, %arg8: memref<128x256xf32, #tpu.memory_space<vmem>>, %arg9: memref<!tpu.dma_semaphore, #tpu.memory_space<semaphore_mem>>, %arg10: memref<!tpu.dma_semaphore, #tpu.memory_space<semaphore_mem>>, %arg11: memref<!tpu.dma_semaphore, #tpu.memory_space<semaphore_mem>>) attributes {dimension_semantics = [#tpu.dimension_semantics<core_parallel>, #tpu.dimension_semantics<subcore_parallel>], iteration_bounds = array<i64: 2, 16>, scalar_prefetch = 0 : i64, scratch_operands = 7 : i64, tpu.core_type = #tpu.core_type<sc_vector_subcore>, window_params = [{transform_indices = #map}, {transform_indices = #map}, {transform_indices = #map}]} {
    %mul3A = arith.constant 2 : i32
    %mul3A_0 = arith.muli %arg1, %mul3A : i32
    %add3A = arith.addi %mul3A_0, %arg0 : i32
    %jit3A = arith.constant 2 : i32
    %div3A = arith.divsi %add3A, %jit3A : i32
    %sign3A = arith.constant 0 : i32
    %sign3A_1 = arith.cmpi sgt, %add3A, %sign3A : i32
    %sign3A_2 = arith.extui %sign3A_1 : i1 to i32
    %sign3A_3 = arith.constant 0 : i32
    %sign3A_4 = arith.cmpi slt, %add3A, %sign3A_3 : i32
    %sign3A_5 = arith.extui %sign3A_4 : i1 to i32
    %sign3A_6 = arith.subi %sign3A_2, %sign3A_5 : i32
    %sign3A_7 = arith.constant 0 : i32
    %sign3A_8 = arith.cmpi sgt, %jit3A, %sign3A_7 : i32
    %sign3A_9 = arith.extui %sign3A_8 : i1 to i32
    %sign3A_10 = arith.constant 0 : i32
    %sign3A_11 = arith.cmpi slt, %jit3A, %sign3A_10 : i32
    %sign3A_12 = arith.extui %sign3A_11 : i1 to i32
    %sign3A_13 = arith.subi %sign3A_9, %sign3A_12 : i32
    %ne3A = arith.cmpi ne, %sign3A_6, %sign3A_13 : i32
    %rem3A = arith.remsi %add3A, %jit3A : i32
    %ne3A_14 = arith.constant 0 : i32
    %ne3A_15 = arith.cmpi ne, %rem3A, %ne3A_14 : i32
    %and3A = arith.andi %ne3A, %ne3A_15 : i1
    %sub3A = arith.constant 1 : i32
    %sub3A_16 = arith.subi %div3A, %sub3A : i32
    %select_n3A = arith.select %and3A, %sub3A_16, %div3A : i32
    %jit3A_17 = arith.constant 2 : i32
    %eq3A = arith.constant 0 : i32
    %eq3A_18 = arith.cmpi eq, %jit3A_17, %eq3A : i32
    %jit3A_19 = arith.constant 1 : i32
    %select_n3A_20 = arith.select %eq3A_18, %jit3A_19, %jit3A_17 : i32
    %rem3A_21 = arith.remsi %add3A, %select_n3A_20 : i32
    %ne3A_22 = arith.constant 0 : i32
    %ne3A_23 = arith.cmpi ne, %rem3A_21, %ne3A_22 : i32
    %lt3A = arith.constant 0 : i32
    %lt3A_24 = arith.cmpi slt, %rem3A_21, %lt3A : i32
    %lt3A_25 = arith.constant 0 : i32
    %lt3A_26 = arith.cmpi slt, %select_n3A_20, %lt3A_25 : i32
    %ne3A_27 = arith.xori %lt3A_24, %lt3A_26 : i1
    %and3A_28 = arith.andi %ne3A_27, %ne3A_23 : i1
    %add3A_29 = arith.addi %rem3A_21, %select_n3A_20 : i32
    %select_n3A_30 = arith.select %and3A_28, %add3A_29, %rem3A_21 : i32
    %mul3A_31 = arith.constant 256 : i32
    %mul3A_32 = arith.muli %select_n3A, %mul3A_31 : i32
    %mul3A_33 = arith.constant 16 : i32
    %mul3A_34 = arith.muli %mul3A_32, %mul3A_33 : i32
    %mul3A_35 = arith.constant 2048 : i32
    %mul3A_36 = arith.muli %select_n3A_30, %mul3A_35 : i32
    %add3A_37 = arith.addi %mul3A_34, %mul3A_36 : i32
    %mul3A_38 = arith.constant 2048 : i32
    %mul3A_39 = arith.muli %select_n3A_30, %mul3A_38 : i32
    "tpu.region"() ({
      %run_scoped3A = tpu.sem_alloc : memref<!tpu.dma_semaphore, #tpu.memory_space<semaphore_mem>>
      %dma_start3A_230 = tpu.memref_slice %arg3[%select_n3A, %mul3A_39] : memref<16x4096xi32, #tpu.memory_space<hbm>> -> memref<1x2048xi32, #tpu.memory_space<hbm>>
      %dma_start3A_231 = tpu.memref_squeeze %dma_start3A_230 : memref<1x2048xi32, #tpu.memory_space<hbm>> -> memref<2048xi32, #tpu.memory_space<hbm>>
      %dma_start3A_232 = tpu.memref_slice %arg3[%select_n3A, %mul3A_39] : memref<16x4096xi32, #tpu.memory_space<hbm>> -> memref<1x2048xi32, #tpu.memory_space<hbm>>
      %dma_start3A_233 = tpu.memref_squeeze %dma_start3A_232 : memref<1x2048xi32, #tpu.memory_space<hbm>> -> memref<2048xi32, #tpu.memory_space<hbm>>
      tpu.enqueue_dma source(%dma_start3A_233 : memref<2048xi32, #tpu.memory_space<hbm>>) target(%arg5 : memref<2048xi32, #tpu.memory_space<vmem>>) target_semaphore(%run_scoped3A : memref<!tpu.dma_semaphore, #tpu.memory_space<semaphore_mem>>)
      %dma_wait3A_234 = tpu.memref_slice %arg3[%select_n3A, %mul3A_39] : memref<16x4096xi32, #tpu.memory_space<hbm>> -> memref<1x2048xi32, #tpu.memory_space<hbm>>
      %dma_wait3A_235 = tpu.memref_squeeze %dma_wait3A_234 : memref<1x2048xi32, #tpu.memory_space<hbm>> -> memref<2048xi32, #tpu.memory_space<hbm>>
      %dma_wait3A_236 = tpu.memref_slice %arg3[%select_n3A, %mul3A_39] : memref<16x4096xi32, #tpu.memory_space<hbm>> -> memref<1x2048xi32, #tpu.memory_space<hbm>>
      %dma_wait3A_237 = tpu.memref_squeeze %dma_wait3A_236 : memref<1x2048xi32, #tpu.memory_space<hbm>> -> memref<2048xi32, #tpu.memory_space<hbm>>
      tpu.wait_dma2 semaphore(%run_scoped3A : memref<!tpu.dma_semaphore, #tpu.memory_space<semaphore_mem>>) src(%dma_wait3A_237 : memref<2048xi32, #tpu.memory_space<hbm>>) dst(%arg5 : memref<2048xi32, #tpu.memory_space<vmem>>)
      tpu.yield
    }) : () -> ()
    %dma_start3A = arith.constant 0 : i32
    %dma_start3A_40 = tpu.memref_slice %arg5[%dma_start3A] : memref<2048xi32, #tpu.memory_space<vmem>> -> memref<128xi32, #tpu.memory_space<vmem>>
    %dma_start3A_41 = arith.constant 0 : i32
    %dma_start3A_42 = arith.constant 0 : i32
    %dma_start3A_43 = tpu.memref_slice %arg2[%dma_start3A_41, %dma_start3A_42] : memref<4096x256xf32, #tpu.memory_space<hbm>> -> memref<4096x256xf32, #tpu.memory_space<hbm>>
    tpu.enqueue_indirect_dma source(%dma_start3A_43 : memref<4096x256xf32, #tpu.memory_space<hbm>>) target(%arg6 : memref<128x256xf32, #tpu.memory_space<vmem>>) offsets(%dma_start3A_40 : memref<128xi32, #tpu.memory_space<vmem>>) semaphore(%arg9 : memref<!tpu.dma_semaphore, #tpu.memory_space<semaphore_mem>>)
    %dma_start3A_44 = arith.constant 128 : i32
    %dma_start3A_45 = tpu.memref_slice %arg5[%dma_start3A_44] : memref<2048xi32, #tpu.memory_space<vmem>> -> memref<128xi32, #tpu.memory_space<vmem>>
    %dma_start3A_46 = arith.constant 0 : i32
    %dma_start3A_47 = arith.constant 0 : i32
    %dma_start3A_48 = tpu.memref_slice %arg2[%dma_start3A_46, %dma_start3A_47] : memref<4096x256xf32, #tpu.memory_space<hbm>> -> memref<4096x256xf32, #tpu.memory_space<hbm>>
    tpu.enqueue_indirect_dma source(%dma_start3A_48 : memref<4096x256xf32, #tpu.memory_space<hbm>>) target(%arg7 : memref<128x256xf32, #tpu.memory_space<vmem>>) offsets(%dma_start3A_45 : memref<128xi32, #tpu.memory_space<vmem>>) semaphore(%arg10 : memref<!tpu.dma_semaphore, #tpu.memory_space<semaphore_mem>>)
    %dma_start3A_49 = arith.constant 256 : i32
    %dma_start3A_50 = tpu.memref_slice %arg5[%dma_start3A_49] : memref<2048xi32, #tpu.memory_space<vmem>> -> memref<128xi32, #tpu.memory_space<vmem>>
    %dma_start3A_51 = arith.constant 0 : i32
    %dma_start3A_52 = arith.constant 0 : i32
    %dma_start3A_53 = tpu.memref_slice %arg2[%dma_start3A_51, %dma_start3A_52] : memref<4096x256xf32, #tpu.memory_space<hbm>> -> memref<4096x256xf32, #tpu.memory_space<hbm>>
    tpu.enqueue_indirect_dma source(%dma_start3A_53 : memref<4096x256xf32, #tpu.memory_space<hbm>>) target(%arg8 : memref<128x256xf32, #tpu.memory_space<vmem>>) offsets(%dma_start3A_50 : memref<128xi32, #tpu.memory_space<vmem>>) semaphore(%arg11 : memref<!tpu.dma_semaphore, #tpu.memory_space<semaphore_mem>>)
    %dma_wait3A = arith.constant 0 : i32
    %dma_wait3A_54 = tpu.memref_slice %arg5[%dma_wait3A] : memref<2048xi32, #tpu.memory_space<vmem>> -> memref<128xi32, #tpu.memory_space<vmem>>
    %dma_wait3A_55 = arith.constant 0 : i32
    %dma_wait3A_56 = arith.constant 0 : i32
    %dma_wait3A_57 = tpu.memref_slice %arg2[%dma_wait3A_55, %dma_wait3A_56] : memref<4096x256xf32, #tpu.memory_space<hbm>> -> memref<4096x256xf32, #tpu.memory_space<hbm>>
    tpu.wait_indirect_dma semaphore(%arg9 : memref<!tpu.dma_semaphore, #tpu.memory_space<semaphore_mem>>) src(%dma_wait3A_57 : memref<4096x256xf32, #tpu.memory_space<hbm>>) dst(%arg6 : memref<128x256xf32, #tpu.memory_space<vmem>>)
    %add3A_58 = arith.constant 0 : i32
    %add3A_59 = arith.addi %add3A_37, %add3A_58 : i32
    "tpu.region"() ({
      %run_scoped3A = tpu.sem_alloc : memref<!tpu.dma_semaphore, #tpu.memory_space<semaphore_mem>>
      %dma_start3A_230 = arith.constant 0 : i32
      %dma_start3A_231 = tpu.memref_slice %arg4[%add3A_59, %dma_start3A_230] : memref<65536x256xf32, #tpu.memory_space<hbm>> -> memref<128x256xf32, #tpu.memory_space<hbm>>
      %dma_start3A_232 = arith.constant 0 : i32
      %dma_start3A_233 = tpu.memref_slice %arg4[%add3A_59, %dma_start3A_232] : memref<65536x256xf32, #tpu.memory_space<hbm>> -> memref<128x256xf32, #tpu.memory_space<hbm>>
      tpu.enqueue_dma source(%arg6 : memref<128x256xf32, #tpu.memory_space<vmem>>) target(%dma_start3A_233 : memref<128x256xf32, #tpu.memory_space<hbm>>) target_semaphore(%run_scoped3A : memref<!tpu.dma_semaphore, #tpu.memory_space<semaphore_mem>>)
      %dma_wait3A_234 = arith.constant 0 : i32
      %dma_wait3A_235 = tpu.memref_slice %arg4[%add3A_59, %dma_wait3A_234] : memref<65536x256xf32, #tpu.memory_space<hbm>> -> memref<128x256xf32, #tpu.memory_space<hbm>>
      %dma_wait3A_236 = arith.constant 0 : i32
      %dma_wait3A_237 = tpu.memref_slice %arg4[%add3A_59, %dma_wait3A_236] : memref<65536x256xf32, #tpu.memory_space<hbm>> -> memref<128x256xf32, #tpu.memory_space<hbm>>
      tpu.wait_dma2 semaphore(%run_scoped3A : memref<!tpu.dma_semaphore, #tpu.memory_space<semaphore_mem>>) src(%arg6 : memref<128x256xf32, #tpu.memory_space<vmem>>) dst(%dma_wait3A_237 : memref<128x256xf32, #tpu.memory_space<hbm>>)
      tpu.yield
    }) : () -> ()
    %dma_start3A_60 = arith.constant 384 : i32
    %dma_start3A_61 = tpu.memref_slice %arg5[%dma_start3A_60] : memref<2048xi32, #tpu.memory_space<vmem>> -> memref<128xi32, #tpu.memory_space<vmem>>
    %dma_start3A_62 = arith.constant 0 : i32
    %dma_start3A_63 = arith.constant 0 : i32
    %dma_start3A_64 = tpu.memref_slice %arg2[%dma_start3A_62, %dma_start3A_63] : memref<4096x256xf32, #tpu.memory_space<hbm>> -> memref<4096x256xf32, #tpu.memory_space<hbm>>
    tpu.enqueue_indirect_dma source(%dma_start3A_64 : memref<4096x256xf32, #tpu.memory_space<hbm>>) target(%arg6 : memref<128x256xf32, #tpu.memory_space<vmem>>) offsets(%dma_start3A_61 : memref<128xi32, #tpu.memory_space<vmem>>) semaphore(%arg9 : memref<!tpu.dma_semaphore, #tpu.memory_space<semaphore_mem>>)
    %dma_wait3A_65 = arith.constant 128 : i32
    %dma_wait3A_66 = tpu.memref_slice %arg5[%dma_wait3A_65] : memref<2048xi32, #tpu.memory_space<vmem>> -> memref<128xi32, #tpu.memory_space<vmem>>
    %dma_wait3A_67 = arith.constant 0 : i32
    %dma_wait3A_68 = arith.constant 0 : i32
    %dma_wait3A_69 = tpu.memref_slice %arg2[%dma_wait3A_67, %dma_wait3A_68] : memref<4096x256xf32, #tpu.memory_space<hbm>> -> memref<4096x256xf32, #tpu.memory_space<hbm>>
    tpu.wait_indirect_dma semaphore(%arg10 : memref<!tpu.dma_semaphore, #tpu.memory_space<semaphore_mem>>) src(%dma_wait3A_69 : memref<4096x256xf32, #tpu.memory_space<hbm>>) dst(%arg7 : memref<128x256xf32, #tpu.memory_space<vmem>>)
    %add3A_70 = arith.constant 128 : i32
    %add3A_71 = arith.addi %add3A_37, %add3A_70 : i32
    "tpu.region"() ({
      %run_scoped3A = tpu.sem_alloc : memref<!tpu.dma_semaphore, #tpu.memory_space<semaphore_mem>>
      %dma_start3A_230 = arith.constant 0 : i32
      %dma_start3A_231 = tpu.memref_slice %arg4[%add3A_71, %dma_start3A_230] : memref<65536x256xf32, #tpu.memory_space<hbm>> -> memref<128x256xf32, #tpu.memory_space<hbm>>
      %dma_start3A_232 = arith.constant 0 : i32
      %dma_start3A_233 = tpu.memref_slice %arg4[%add3A_71, %dma_start3A_232] : memref<65536x256xf32, #tpu.memory_space<hbm>> -> memref<128x256xf32, #tpu.memory_space<hbm>>
      tpu.enqueue_dma source(%arg7 : memref<128x256xf32, #tpu.memory_space<vmem>>) target(%dma_start3A_233 : memref<128x256xf32, #tpu.memory_space<hbm>>) target_semaphore(%run_scoped3A : memref<!tpu.dma_semaphore, #tpu.memory_space<semaphore_mem>>)
      %dma_wait3A_234 = arith.constant 0 : i32
      %dma_wait3A_235 = tpu.memref_slice %arg4[%add3A_71, %dma_wait3A_234] : memref<65536x256xf32, #tpu.memory_space<hbm>> -> memref<128x256xf32, #tpu.memory_space<hbm>>
      %dma_wait3A_236 = arith.constant 0 : i32
      %dma_wait3A_237 = tpu.memref_slice %arg4[%add3A_71, %dma_wait3A_236] : memref<65536x256xf32, #tpu.memory_space<hbm>> -> memref<128x256xf32, #tpu.memory_space<hbm>>
      tpu.wait_dma2 semaphore(%run_scoped3A : memref<!tpu.dma_semaphore, #tpu.memory_space<semaphore_mem>>) src(%arg7 : memref<128x256xf32, #tpu.memory_space<vmem>>) dst(%dma_wait3A_237 : memref<128x256xf32, #tpu.memory_space<hbm>>)
      tpu.yield
    }) : () -> ()
    %dma_start3A_72 = arith.constant 512 : i32
    %dma_start3A_73 = tpu.memref_slice %arg5[%dma_start3A_72] : memref<2048xi32, #tpu.memory_space<vmem>> -> memref<128xi32, #tpu.memory_space<vmem>>
    %dma_start3A_74 = arith.constant 0 : i32
    %dma_start3A_75 = arith.constant 0 : i32
    %dma_start3A_76 = tpu.memref_slice %arg2[%dma_start3A_74, %dma_start3A_75] : memref<4096x256xf32, #tpu.memory_space<hbm>> -> memref<4096x256xf32, #tpu.memory_space<hbm>>
    tpu.enqueue_indirect_dma source(%dma_start3A_76 : memref<4096x256xf32, #tpu.memory_space<hbm>>) target(%arg7 : memref<128x256xf32, #tpu.memory_space<vmem>>) offsets(%dma_start3A_73 : memref<128xi32, #tpu.memory_space<vmem>>) semaphore(%arg10 : memref<!tpu.dma_semaphore, #tpu.memory_space<semaphore_mem>>)
    %dma_wait3A_77 = arith.constant 256 : i32
    %dma_wait3A_78 = tpu.memref_slice %arg5[%dma_wait3A_77] : memref<2048xi32, #tpu.memory_space<vmem>> -> memref<128xi32, #tpu.memory_space<vmem>>
    %dma_wait3A_79 = arith.constant 0 : i32
    %dma_wait3A_80 = arith.constant 0 : i32
    %dma_wait3A_81 = tpu.memref_slice %arg2[%dma_wait3A_79, %dma_wait3A_80] : memref<4096x256xf32, #tpu.memory_space<hbm>> -> memref<4096x256xf32, #tpu.memory_space<hbm>>
    tpu.wait_indirect_dma semaphore(%arg11 : memref<!tpu.dma_semaphore, #tpu.memory_space<semaphore_mem>>) src(%dma_wait3A_81 : memref<4096x256xf32, #tpu.memory_space<hbm>>) dst(%arg8 : memref<128x256xf32, #tpu.memory_space<vmem>>)
    %add3A_82 = arith.constant 256 : i32
    %add3A_83 = arith.addi %add3A_37, %add3A_82 : i32
    "tpu.region"() ({
      %run_scoped3A = tpu.sem_alloc : memref<!tpu.dma_semaphore, #tpu.memory_space<semaphore_mem>>
      %dma_start3A_230 = arith.constant 0 : i32
      %dma_start3A_231 = tpu.memref_slice %arg4[%add3A_83, %dma_start3A_230] : memref<65536x256xf32, #tpu.memory_space<hbm>> -> memref<128x256xf32, #tpu.memory_space<hbm>>
      %dma_start3A_232 = arith.constant 0 : i32
      %dma_start3A_233 = tpu.memref_slice %arg4[%add3A_83, %dma_start3A_232] : memref<65536x256xf32, #tpu.memory_space<hbm>> -> memref<128x256xf32, #tpu.memory_space<hbm>>
      tpu.enqueue_dma source(%arg8 : memref<128x256xf32, #tpu.memory_space<vmem>>) target(%dma_start3A_233 : memref<128x256xf32, #tpu.memory_space<hbm>>) target_semaphore(%run_scoped3A : memref<!tpu.dma_semaphore, #tpu.memory_space<semaphore_mem>>)
      %dma_wait3A_234 = arith.constant 0 : i32
      %dma_wait3A_235 = tpu.memref_slice %arg4[%add3A_83, %dma_wait3A_234] : memref<65536x256xf32, #tpu.memory_space<hbm>> -> memref<128x256xf32, #tpu.memory_space<hbm>>
      %dma_wait3A_236 = arith.constant 0 : i32
      %dma_wait3A_237 = tpu.memref_slice %arg4[%add3A_83, %dma_wait3A_236] : memref<65536x256xf32, #tpu.memory_space<hbm>> -> memref<128x256xf32, #tpu.memory_space<hbm>>
      tpu.wait_dma2 semaphore(%run_scoped3A : memref<!tpu.dma_semaphore, #tpu.memory_space<semaphore_mem>>) src(%arg8 : memref<128x256xf32, #tpu.memory_space<vmem>>) dst(%dma_wait3A_237 : memref<128x256xf32, #tpu.memory_space<hbm>>)
      tpu.yield
    }) : () -> ()
    %dma_start3A_84 = arith.constant 640 : i32
    %dma_start3A_85 = tpu.memref_slice %arg5[%dma_start3A_84] : memref<2048xi32, #tpu.memory_space<vmem>> -> memref<128xi32, #tpu.memory_space<vmem>>
    %dma_start3A_86 = arith.constant 0 : i32
    %dma_start3A_87 = arith.constant 0 : i32
    %dma_start3A_88 = tpu.memref_slice %arg2[%dma_start3A_86, %dma_start3A_87] : memref<4096x256xf32, #tpu.memory_space<hbm>> -> memref<4096x256xf32, #tpu.memory_space<hbm>>
    tpu.enqueue_indirect_dma source(%dma_start3A_88 : memref<4096x256xf32, #tpu.memory_space<hbm>>) target(%arg8 : memref<128x256xf32, #tpu.memory_space<vmem>>) offsets(%dma_start3A_85 : memref<128xi32, #tpu.memory_space<vmem>>) semaphore(%arg11 : memref<!tpu.dma_semaphore, #tpu.memory_space<semaphore_mem>>)
    %dma_wait3A_89 = arith.constant 384 : i32
    %dma_wait3A_90 = tpu.memref_slice %arg5[%dma_wait3A_89] : memref<2048xi32, #tpu.memory_space<vmem>> -> memref<128xi32, #tpu.memory_space<vmem>>
    %dma_wait3A_91 = arith.constant 0 : i32
    %dma_wait3A_92 = arith.constant 0 : i32
    %dma_wait3A_93 = tpu.memref_slice %arg2[%dma_wait3A_91, %dma_wait3A_92] : memref<4096x256xf32, #tpu.memory_space<hbm>> -> memref<4096x256xf32, #tpu.memory_space<hbm>>
    tpu.wait_indirect_dma semaphore(%arg9 : memref<!tpu.dma_semaphore, #tpu.memory_space<semaphore_mem>>) src(%dma_wait3A_93 : memref<4096x256xf32, #tpu.memory_space<hbm>>) dst(%arg6 : memref<128x256xf32, #tpu.memory_space<vmem>>)
    %add3A_94 = arith.constant 384 : i32
    %add3A_95 = arith.addi %add3A_37, %add3A_94 : i32
    "tpu.region"() ({
      %run_scoped3A = tpu.sem_alloc : memref<!tpu.dma_semaphore, #tpu.memory_space<semaphore_mem>>
      %dma_start3A_230 = arith.constant 0 : i32
      %dma_start3A_231 = tpu.memref_slice %arg4[%add3A_95, %dma_start3A_230] : memref<65536x256xf32, #tpu.memory_space<hbm>> -> memref<128x256xf32, #tpu.memory_space<hbm>>
      %dma_start3A_232 = arith.constant 0 : i32
      %dma_start3A_233 = tpu.memref_slice %arg4[%add3A_95, %dma_start3A_232] : memref<65536x256xf32, #tpu.memory_space<hbm>> -> memref<128x256xf32, #tpu.memory_space<hbm>>
      tpu.enqueue_dma source(%arg6 : memref<128x256xf32, #tpu.memory_space<vmem>>) target(%dma_start3A_233 : memref<128x256xf32, #tpu.memory_space<hbm>>) target_semaphore(%run_scoped3A : memref<!tpu.dma_semaphore, #tpu.memory_space<semaphore_mem>>)
      %dma_wait3A_234 = arith.constant 0 : i32
      %dma_wait3A_235 = tpu.memref_slice %arg4[%add3A_95, %dma_wait3A_234] : memref<65536x256xf32, #tpu.memory_space<hbm>> -> memref<128x256xf32, #tpu.memory_space<hbm>>
      %dma_wait3A_236 = arith.constant 0 : i32
      %dma_wait3A_237 = tpu.memref_slice %arg4[%add3A_95, %dma_wait3A_236] : memref<65536x256xf32, #tpu.memory_space<hbm>> -> memref<128x256xf32, #tpu.memory_space<hbm>>
      tpu.wait_dma2 semaphore(%run_scoped3A : memref<!tpu.dma_semaphore, #tpu.memory_space<semaphore_mem>>) src(%arg6 : memref<128x256xf32, #tpu.memory_space<vmem>>) dst(%dma_wait3A_237 : memref<128x256xf32, #tpu.memory_space<hbm>>)
      tpu.yield
    }) : () -> ()
    %dma_start3A_96 = arith.constant 768 : i32
    %dma_start3A_97 = tpu.memref_slice %arg5[%dma_start3A_96] : memref<2048xi32, #tpu.memory_space<vmem>> -> memref<128xi32, #tpu.memory_space<vmem>>
    %dma_start3A_98 = arith.constant 0 : i32
    %dma_start3A_99 = arith.constant 0 : i32
    %dma_start3A_100 = tpu.memref_slice %arg2[%dma_start3A_98, %dma_start3A_99] : memref<4096x256xf32, #tpu.memory_space<hbm>> -> memref<4096x256xf32, #tpu.memory_space<hbm>>
    tpu.enqueue_indirect_dma source(%dma_start3A_100 : memref<4096x256xf32, #tpu.memory_space<hbm>>) target(%arg6 : memref<128x256xf32, #tpu.memory_space<vmem>>) offsets(%dma_start3A_97 : memref<128xi32, #tpu.memory_space<vmem>>) semaphore(%arg9 : memref<!tpu.dma_semaphore, #tpu.memory_space<semaphore_mem>>)
    %dma_wait3A_101 = arith.constant 512 : i32
    %dma_wait3A_102 = tpu.memref_slice %arg5[%dma_wait3A_101] : memref<2048xi32, #tpu.memory_space<vmem>> -> memref<128xi32, #tpu.memory_space<vmem>>
    %dma_wait3A_103 = arith.constant 0 : i32
    %dma_wait3A_104 = arith.constant 0 : i32
    %dma_wait3A_105 = tpu.memref_slice %arg2[%dma_wait3A_103, %dma_wait3A_104] : memref<4096x256xf32, #tpu.memory_space<hbm>> -> memref<4096x256xf32, #tpu.memory_space<hbm>>
    tpu.wait_indirect_dma semaphore(%arg10 : memref<!tpu.dma_semaphore, #tpu.memory_space<semaphore_mem>>) src(%dma_wait3A_105 : memref<4096x256xf32, #tpu.memory_space<hbm>>) dst(%arg7 : memref<128x256xf32, #tpu.memory_space<vmem>>)
    %add3A_106 = arith.constant 512 : i32
    %add3A_107 = arith.addi %add3A_37, %add3A_106 : i32
    "tpu.region"() ({
      %run_scoped3A = tpu.sem_alloc : memref<!tpu.dma_semaphore, #tpu.memory_space<semaphore_mem>>
      %dma_start3A_230 = arith.constant 0 : i32
      %dma_start3A_231 = tpu.memref_slice %arg4[%add3A_107, %dma_start3A_230] : memref<65536x256xf32, #tpu.memory_space<hbm>> -> memref<128x256xf32, #tpu.memory_space<hbm>>
      %dma_start3A_232 = arith.constant 0 : i32
      %dma_start3A_233 = tpu.memref_slice %arg4[%add3A_107, %dma_start3A_232] : memref<65536x256xf32, #tpu.memory_space<hbm>> -> memref<128x256xf32, #tpu.memory_space<hbm>>
      tpu.enqueue_dma source(%arg7 : memref<128x256xf32, #tpu.memory_space<vmem>>) target(%dma_start3A_233 : memref<128x256xf32, #tpu.memory_space<hbm>>) target_semaphore(%run_scoped3A : memref<!tpu.dma_semaphore, #tpu.memory_space<semaphore_mem>>)
      %dma_wait3A_234 = arith.constant 0 : i32
      %dma_wait3A_235 = tpu.memref_slice %arg4[%add3A_107, %dma_wait3A_234] : memref<65536x256xf32, #tpu.memory_space<hbm>> -> memref<128x256xf32, #tpu.memory_space<hbm>>
      %dma_wait3A_236 = arith.constant 0 : i32
      %dma_wait3A_237 = tpu.memref_slice %arg4[%add3A_107, %dma_wait3A_236] : memref<65536x256xf32, #tpu.memory_space<hbm>> -> memref<128x256xf32, #tpu.memory_space<hbm>>
      tpu.wait_dma2 semaphore(%run_scoped3A : memref<!tpu.dma_semaphore, #tpu.memory_space<semaphore_mem>>) src(%arg7 : memref<128x256xf32, #tpu.memory_space<vmem>>) dst(%dma_wait3A_237 : memref<128x256xf32, #tpu.memory_space<hbm>>)
      tpu.yield
    }) : () -> ()
    %dma_start3A_108 = arith.constant 896 : i32
    %dma_start3A_109 = tpu.memref_slice %arg5[%dma_start3A_108] : memref<2048xi32, #tpu.memory_space<vmem>> -> memref<128xi32, #tpu.memory_space<vmem>>
    %dma_start3A_110 = arith.constant 0 : i32
    %dma_start3A_111 = arith.constant 0 : i32
    %dma_start3A_112 = tpu.memref_slice %arg2[%dma_start3A_110, %dma_start3A_111] : memref<4096x256xf32, #tpu.memory_space<hbm>> -> memref<4096x256xf32, #tpu.memory_space<hbm>>
    tpu.enqueue_indirect_dma source(%dma_start3A_112 : memref<4096x256xf32, #tpu.memory_space<hbm>>) target(%arg7 : memref<128x256xf32, #tpu.memory_space<vmem>>) offsets(%dma_start3A_109 : memref<128xi32, #tpu.memory_space<vmem>>) semaphore(%arg10 : memref<!tpu.dma_semaphore, #tpu.memory_space<semaphore_mem>>)
    %dma_wait3A_113 = arith.constant 640 : i32
    %dma_wait3A_114 = tpu.memref_slice %arg5[%dma_wait3A_113] : memref<2048xi32, #tpu.memory_space<vmem>> -> memref<128xi32, #tpu.memory_space<vmem>>
    %dma_wait3A_115 = arith.constant 0 : i32
    %dma_wait3A_116 = arith.constant 0 : i32
    %dma_wait3A_117 = tpu.memref_slice %arg2[%dma_wait3A_115, %dma_wait3A_116] : memref<4096x256xf32, #tpu.memory_space<hbm>> -> memref<4096x256xf32, #tpu.memory_space<hbm>>
    tpu.wait_indirect_dma semaphore(%arg11 : memref<!tpu.dma_semaphore, #tpu.memory_space<semaphore_mem>>) src(%dma_wait3A_117 : memref<4096x256xf32, #tpu.memory_space<hbm>>) dst(%arg8 : memref<128x256xf32, #tpu.memory_space<vmem>>)
    %add3A_118 = arith.constant 640 : i32
    %add3A_119 = arith.addi %add3A_37, %add3A_118 : i32
    "tpu.region"() ({
      %run_scoped3A = tpu.sem_alloc : memref<!tpu.dma_semaphore, #tpu.memory_space<semaphore_mem>>
      %dma_start3A_230 = arith.constant 0 : i32
      %dma_start3A_231 = tpu.memref_slice %arg4[%add3A_119, %dma_start3A_230] : memref<65536x256xf32, #tpu.memory_space<hbm>> -> memref<128x256xf32, #tpu.memory_space<hbm>>
      %dma_start3A_232 = arith.constant 0 : i32
      %dma_start3A_233 = tpu.memref_slice %arg4[%add3A_119, %dma_start3A_232] : memref<65536x256xf32, #tpu.memory_space<hbm>> -> memref<128x256xf32, #tpu.memory_space<hbm>>
      tpu.enqueue_dma source(%arg8 : memref<128x256xf32, #tpu.memory_space<vmem>>) target(%dma_start3A_233 : memref<128x256xf32, #tpu.memory_space<hbm>>) target_semaphore(%run_scoped3A : memref<!tpu.dma_semaphore, #tpu.memory_space<semaphore_mem>>)
      %dma_wait3A_234 = arith.constant 0 : i32
      %dma_wait3A_235 = tpu.memref_slice %arg4[%add3A_119, %dma_wait3A_234] : memref<65536x256xf32, #tpu.memory_space<hbm>> -> memref<128x256xf32, #tpu.memory_space<hbm>>
      %dma_wait3A_236 = arith.constant 0 : i32
      %dma_wait3A_237 = tpu.memref_slice %arg4[%add3A_119, %dma_wait3A_236] : memref<65536x256xf32, #tpu.memory_space<hbm>> -> memref<128x256xf32, #tpu.memory_space<hbm>>
      tpu.wait_dma2 semaphore(%run_scoped3A : memref<!tpu.dma_semaphore, #tpu.memory_space<semaphore_mem>>) src(%arg8 : memref<128x256xf32, #tpu.memory_space<vmem>>) dst(%dma_wait3A_237 : memref<128x256xf32, #tpu.memory_space<hbm>>)
      tpu.yield
    }) : () -> ()
    %dma_start3A_120 = arith.constant 1024 : i32
    %dma_start3A_121 = tpu.memref_slice %arg5[%dma_start3A_120] : memref<2048xi32, #tpu.memory_space<vmem>> -> memref<128xi32, #tpu.memory_space<vmem>>
    %dma_start3A_122 = arith.constant 0 : i32
    %dma_start3A_123 = arith.constant 0 : i32
    %dma_start3A_124 = tpu.memref_slice %arg2[%dma_start3A_122, %dma_start3A_123] : memref<4096x256xf32, #tpu.memory_space<hbm>> -> memref<4096x256xf32, #tpu.memory_space<hbm>>
    tpu.enqueue_indirect_dma source(%dma_start3A_124 : memref<4096x256xf32, #tpu.memory_space<hbm>>) target(%arg8 : memref<128x256xf32, #tpu.memory_space<vmem>>) offsets(%dma_start3A_121 : memref<128xi32, #tpu.memory_space<vmem>>) semaphore(%arg11 : memref<!tpu.dma_semaphore, #tpu.memory_space<semaphore_mem>>)
    %dma_wait3A_125 = arith.constant 768 : i32
    %dma_wait3A_126 = tpu.memref_slice %arg5[%dma_wait3A_125] : memref<2048xi32, #tpu.memory_space<vmem>> -> memref<128xi32, #tpu.memory_space<vmem>>
    %dma_wait3A_127 = arith.constant 0 : i32
    %dma_wait3A_128 = arith.constant 0 : i32
    %dma_wait3A_129 = tpu.memref_slice %arg2[%dma_wait3A_127, %dma_wait3A_128] : memref<4096x256xf32, #tpu.memory_space<hbm>> -> memref<4096x256xf32, #tpu.memory_space<hbm>>
    tpu.wait_indirect_dma semaphore(%arg9 : memref<!tpu.dma_semaphore, #tpu.memory_space<semaphore_mem>>) src(%dma_wait3A_129 : memref<4096x256xf32, #tpu.memory_space<hbm>>) dst(%arg6 : memref<128x256xf32, #tpu.memory_space<vmem>>)
    %add3A_130 = arith.constant 768 : i32
    %add3A_131 = arith.addi %add3A_37, %add3A_130 : i32
    "tpu.region"() ({
      %run_scoped3A = tpu.sem_alloc : memref<!tpu.dma_semaphore, #tpu.memory_space<semaphore_mem>>
      %dma_start3A_230 = arith.constant 0 : i32
      %dma_start3A_231 = tpu.memref_slice %arg4[%add3A_131, %dma_start3A_230] : memref<65536x256xf32, #tpu.memory_space<hbm>> -> memref<128x256xf32, #tpu.memory_space<hbm>>
      %dma_start3A_232 = arith.constant 0 : i32
      %dma_start3A_233 = tpu.memref_slice %arg4[%add3A_131, %dma_start3A_232] : memref<65536x256xf32, #tpu.memory_space<hbm>> -> memref<128x256xf32, #tpu.memory_space<hbm>>
      tpu.enqueue_dma source(%arg6 : memref<128x256xf32, #tpu.memory_space<vmem>>) target(%dma_start3A_233 : memref<128x256xf32, #tpu.memory_space<hbm>>) target_semaphore(%run_scoped3A : memref<!tpu.dma_semaphore, #tpu.memory_space<semaphore_mem>>)
      %dma_wait3A_234 = arith.constant 0 : i32
      %dma_wait3A_235 = tpu.memref_slice %arg4[%add3A_131, %dma_wait3A_234] : memref<65536x256xf32, #tpu.memory_space<hbm>> -> memref<128x256xf32, #tpu.memory_space<hbm>>
      %dma_wait3A_236 = arith.constant 0 : i32
      %dma_wait3A_237 = tpu.memref_slice %arg4[%add3A_131, %dma_wait3A_236] : memref<65536x256xf32, #tpu.memory_space<hbm>> -> memref<128x256xf32, #tpu.memory_space<hbm>>
      tpu.wait_dma2 semaphore(%run_scoped3A : memref<!tpu.dma_semaphore, #tpu.memory_space<semaphore_mem>>) src(%arg6 : memref<128x256xf32, #tpu.memory_space<vmem>>) dst(%dma_wait3A_237 : memref<128x256xf32, #tpu.memory_space<hbm>>)
      tpu.yield
    }) : () -> ()
    %dma_start3A_132 = arith.constant 1152 : i32
    %dma_start3A_133 = tpu.memref_slice %arg5[%dma_start3A_132] : memref<2048xi32, #tpu.memory_space<vmem>> -> memref<128xi32, #tpu.memory_space<vmem>>
    %dma_start3A_134 = arith.constant 0 : i32
    %dma_start3A_135 = arith.constant 0 : i32
    %dma_start3A_136 = tpu.memref_slice %arg2[%dma_start3A_134, %dma_start3A_135] : memref<4096x256xf32, #tpu.memory_space<hbm>> -> memref<4096x256xf32, #tpu.memory_space<hbm>>
    tpu.enqueue_indirect_dma source(%dma_start3A_136 : memref<4096x256xf32, #tpu.memory_space<hbm>>) target(%arg6 : memref<128x256xf32, #tpu.memory_space<vmem>>) offsets(%dma_start3A_133 : memref<128xi32, #tpu.memory_space<vmem>>) semaphore(%arg9 : memref<!tpu.dma_semaphore, #tpu.memory_space<semaphore_mem>>)
    %dma_wait3A_137 = arith.constant 896 : i32
    %dma_wait3A_138 = tpu.memref_slice %arg5[%dma_wait3A_137] : memref<2048xi32, #tpu.memory_space<vmem>> -> memref<128xi32, #tpu.memory_space<vmem>>
    %dma_wait3A_139 = arith.constant 0 : i32
    %dma_wait3A_140 = arith.constant 0 : i32
    %dma_wait3A_141 = tpu.memref_slice %arg2[%dma_wait3A_139, %dma_wait3A_140] : memref<4096x256xf32, #tpu.memory_space<hbm>> -> memref<4096x256xf32, #tpu.memory_space<hbm>>
    tpu.wait_indirect_dma semaphore(%arg10 : memref<!tpu.dma_semaphore, #tpu.memory_space<semaphore_mem>>) src(%dma_wait3A_141 : memref<4096x256xf32, #tpu.memory_space<hbm>>) dst(%arg7 : memref<128x256xf32, #tpu.memory_space<vmem>>)
    %add3A_142 = arith.constant 896 : i32
    %add3A_143 = arith.addi %add3A_37, %add3A_142 : i32
    "tpu.region"() ({
      %run_scoped3A = tpu.sem_alloc : memref<!tpu.dma_semaphore, #tpu.memory_space<semaphore_mem>>
      %dma_start3A_230 = arith.constant 0 : i32
      %dma_start3A_231 = tpu.memref_slice %arg4[%add3A_143, %dma_start3A_230] : memref<65536x256xf32, #tpu.memory_space<hbm>> -> memref<128x256xf32, #tpu.memory_space<hbm>>
      %dma_start3A_232 = arith.constant 0 : i32
      %dma_start3A_233 = tpu.memref_slice %arg4[%add3A_143, %dma_start3A_232] : memref<65536x256xf32, #tpu.memory_space<hbm>> -> memref<128x256xf32, #tpu.memory_space<hbm>>
      tpu.enqueue_dma source(%arg7 : memref<128x256xf32, #tpu.memory_space<vmem>>) target(%dma_start3A_233 : memref<128x256xf32, #tpu.memory_space<hbm>>) target_semaphore(%run_scoped3A : memref<!tpu.dma_semaphore, #tpu.memory_space<semaphore_mem>>)
      %dma_wait3A_234 = arith.constant 0 : i32
      %dma_wait3A_235 = tpu.memref_slice %arg4[%add3A_143, %dma_wait3A_234] : memref<65536x256xf32, #tpu.memory_space<hbm>> -> memref<128x256xf32, #tpu.memory_space<hbm>>
      %dma_wait3A_236 = arith.constant 0 : i32
      %dma_wait3A_237 = tpu.memref_slice %arg4[%add3A_143, %dma_wait3A_236] : memref<65536x256xf32, #tpu.memory_space<hbm>> -> memref<128x256xf32, #tpu.memory_space<hbm>>
      tpu.wait_dma2 semaphore(%run_scoped3A : memref<!tpu.dma_semaphore, #tpu.memory_space<semaphore_mem>>) src(%arg7 : memref<128x256xf32, #tpu.memory_space<vmem>>) dst(%dma_wait3A_237 : memref<128x256xf32, #tpu.memory_space<hbm>>)
      tpu.yield
    }) : () -> ()
    %dma_start3A_144 = arith.constant 1280 : i32
    %dma_start3A_145 = tpu.memref_slice %arg5[%dma_start3A_144] : memref<2048xi32, #tpu.memory_space<vmem>> -> memref<128xi32, #tpu.memory_space<vmem>>
    %dma_start3A_146 = arith.constant 0 : i32
    %dma_start3A_147 = arith.constant 0 : i32
    %dma_start3A_148 = tpu.memref_slice %arg2[%dma_start3A_146, %dma_start3A_147] : memref<4096x256xf32, #tpu.memory_space<hbm>> -> memref<4096x256xf32, #tpu.memory_space<hbm>>
    tpu.enqueue_indirect_dma source(%dma_start3A_148 : memref<4096x256xf32, #tpu.memory_space<hbm>>) target(%arg7 : memref<128x256xf32, #tpu.memory_space<vmem>>) offsets(%dma_start3A_145 : memref<128xi32, #tpu.memory_space<vmem>>) semaphore(%arg10 : memref<!tpu.dma_semaphore, #tpu.memory_space<semaphore_mem>>)
    %dma_wait3A_149 = arith.constant 1024 : i32
    %dma_wait3A_150 = tpu.memref_slice %arg5[%dma_wait3A_149] : memref<2048xi32, #tpu.memory_space<vmem>> -> memref<128xi32, #tpu.memory_space<vmem>>
    %dma_wait3A_151 = arith.constant 0 : i32
    %dma_wait3A_152 = arith.constant 0 : i32
    %dma_wait3A_153 = tpu.memref_slice %arg2[%dma_wait3A_151, %dma_wait3A_152] : memref<4096x256xf32, #tpu.memory_space<hbm>> -> memref<4096x256xf32, #tpu.memory_space<hbm>>
    tpu.wait_indirect_dma semaphore(%arg11 : memref<!tpu.dma_semaphore, #tpu.memory_space<semaphore_mem>>) src(%dma_wait3A_153 : memref<4096x256xf32, #tpu.memory_space<hbm>>) dst(%arg8 : memref<128x256xf32, #tpu.memory_space<vmem>>)
    %add3A_154 = arith.constant 1024 : i32
    %add3A_155 = arith.addi %add3A_37, %add3A_154 : i32
    "tpu.region"() ({
      %run_scoped3A = tpu.sem_alloc : memref<!tpu.dma_semaphore, #tpu.memory_space<semaphore_mem>>
      %dma_start3A_230 = arith.constant 0 : i32
      %dma_start3A_231 = tpu.memref_slice %arg4[%add3A_155, %dma_start3A_230] : memref<65536x256xf32, #tpu.memory_space<hbm>> -> memref<128x256xf32, #tpu.memory_space<hbm>>
      %dma_start3A_232 = arith.constant 0 : i32
      %dma_start3A_233 = tpu.memref_slice %arg4[%add3A_155, %dma_start3A_232] : memref<65536x256xf32, #tpu.memory_space<hbm>> -> memref<128x256xf32, #tpu.memory_space<hbm>>
      tpu.enqueue_dma source(%arg8 : memref<128x256xf32, #tpu.memory_space<vmem>>) target(%dma_start3A_233 : memref<128x256xf32, #tpu.memory_space<hbm>>) target_semaphore(%run_scoped3A : memref<!tpu.dma_semaphore, #tpu.memory_space<semaphore_mem>>)
      %dma_wait3A_234 = arith.constant 0 : i32
      %dma_wait3A_235 = tpu.memref_slice %arg4[%add3A_155, %dma_wait3A_234] : memref<65536x256xf32, #tpu.memory_space<hbm>> -> memref<128x256xf32, #tpu.memory_space<hbm>>
      %dma_wait3A_236 = arith.constant 0 : i32
      %dma_wait3A_237 = tpu.memref_slice %arg4[%add3A_155, %dma_wait3A_236] : memref<65536x256xf32, #tpu.memory_space<hbm>> -> memref<128x256xf32, #tpu.memory_space<hbm>>
      tpu.wait_dma2 semaphore(%run_scoped3A : memref<!tpu.dma_semaphore, #tpu.memory_space<semaphore_mem>>) src(%arg8 : memref<128x256xf32, #tpu.memory_space<vmem>>) dst(%dma_wait3A_237 : memref<128x256xf32, #tpu.memory_space<hbm>>)
      tpu.yield
    }) : () -> ()
    %dma_start3A_156 = arith.constant 1408 : i32
    %dma_start3A_157 = tpu.memref_slice %arg5[%dma_start3A_156] : memref<2048xi32, #tpu.memory_space<vmem>> -> memref<128xi32, #tpu.memory_space<vmem>>
    %dma_start3A_158 = arith.constant 0 : i32
    %dma_start3A_159 = arith.constant 0 : i32
    %dma_start3A_160 = tpu.memref_slice %arg2[%dma_start3A_158, %dma_start3A_159] : memref<4096x256xf32, #tpu.memory_space<hbm>> -> memref<4096x256xf32, #tpu.memory_space<hbm>>
    tpu.enqueue_indirect_dma source(%dma_start3A_160 : memref<4096x256xf32, #tpu.memory_space<hbm>>) target(%arg8 : memref<128x256xf32, #tpu.memory_space<vmem>>) offsets(%dma_start3A_157 : memref<128xi32, #tpu.memory_space<vmem>>) semaphore(%arg11 : memref<!tpu.dma_semaphore, #tpu.memory_space<semaphore_mem>>)
    %dma_wait3A_161 = arith.constant 1152 : i32
    %dma_wait3A_162 = tpu.memref_slice %arg5[%dma_wait3A_161] : memref<2048xi32, #tpu.memory_space<vmem>> -> memref<128xi32, #tpu.memory_space<vmem>>
    %dma_wait3A_163 = arith.constant 0 : i32
    %dma_wait3A_164 = arith.constant 0 : i32
    %dma_wait3A_165 = tpu.memref_slice %arg2[%dma_wait3A_163, %dma_wait3A_164] : memref<4096x256xf32, #tpu.memory_space<hbm>> -> memref<4096x256xf32, #tpu.memory_space<hbm>>
    tpu.wait_indirect_dma semaphore(%arg9 : memref<!tpu.dma_semaphore, #tpu.memory_space<semaphore_mem>>) src(%dma_wait3A_165 : memref<4096x256xf32, #tpu.memory_space<hbm>>) dst(%arg6 : memref<128x256xf32, #tpu.memory_space<vmem>>)
    %add3A_166 = arith.constant 1152 : i32
    %add3A_167 = arith.addi %add3A_37, %add3A_166 : i32
    "tpu.region"() ({
      %run_scoped3A = tpu.sem_alloc : memref<!tpu.dma_semaphore, #tpu.memory_space<semaphore_mem>>
      %dma_start3A_230 = arith.constant 0 : i32
      %dma_start3A_231 = tpu.memref_slice %arg4[%add3A_167, %dma_start3A_230] : memref<65536x256xf32, #tpu.memory_space<hbm>> -> memref<128x256xf32, #tpu.memory_space<hbm>>
      %dma_start3A_232 = arith.constant 0 : i32
      %dma_start3A_233 = tpu.memref_slice %arg4[%add3A_167, %dma_start3A_232] : memref<65536x256xf32, #tpu.memory_space<hbm>> -> memref<128x256xf32, #tpu.memory_space<hbm>>
      tpu.enqueue_dma source(%arg6 : memref<128x256xf32, #tpu.memory_space<vmem>>) target(%dma_start3A_233 : memref<128x256xf32, #tpu.memory_space<hbm>>) target_semaphore(%run_scoped3A : memref<!tpu.dma_semaphore, #tpu.memory_space<semaphore_mem>>)
      %dma_wait3A_234 = arith.constant 0 : i32
      %dma_wait3A_235 = tpu.memref_slice %arg4[%add3A_167, %dma_wait3A_234] : memref<65536x256xf32, #tpu.memory_space<hbm>> -> memref<128x256xf32, #tpu.memory_space<hbm>>
      %dma_wait3A_236 = arith.constant 0 : i32
      %dma_wait3A_237 = tpu.memref_slice %arg4[%add3A_167, %dma_wait3A_236] : memref<65536x256xf32, #tpu.memory_space<hbm>> -> memref<128x256xf32, #tpu.memory_space<hbm>>
      tpu.wait_dma2 semaphore(%run_scoped3A : memref<!tpu.dma_semaphore, #tpu.memory_space<semaphore_mem>>) src(%arg6 : memref<128x256xf32, #tpu.memory_space<vmem>>) dst(%dma_wait3A_237 : memref<128x256xf32, #tpu.memory_space<hbm>>)
      tpu.yield
    }) : () -> ()
    %dma_start3A_168 = arith.constant 1536 : i32
    %dma_start3A_169 = tpu.memref_slice %arg5[%dma_start3A_168] : memref<2048xi32, #tpu.memory_space<vmem>> -> memref<128xi32, #tpu.memory_space<vmem>>
    %dma_start3A_170 = arith.constant 0 : i32
    %dma_start3A_171 = arith.constant 0 : i32
    %dma_start3A_172 = tpu.memref_slice %arg2[%dma_start3A_170, %dma_start3A_171] : memref<4096x256xf32, #tpu.memory_space<hbm>> -> memref<4096x256xf32, #tpu.memory_space<hbm>>
    tpu.enqueue_indirect_dma source(%dma_start3A_172 : memref<4096x256xf32, #tpu.memory_space<hbm>>) target(%arg6 : memref<128x256xf32, #tpu.memory_space<vmem>>) offsets(%dma_start3A_169 : memref<128xi32, #tpu.memory_space<vmem>>) semaphore(%arg9 : memref<!tpu.dma_semaphore, #tpu.memory_space<semaphore_mem>>)
    %dma_wait3A_173 = arith.constant 1280 : i32
    %dma_wait3A_174 = tpu.memref_slice %arg5[%dma_wait3A_173] : memref<2048xi32, #tpu.memory_space<vmem>> -> memref<128xi32, #tpu.memory_space<vmem>>
    %dma_wait3A_175 = arith.constant 0 : i32
    %dma_wait3A_176 = arith.constant 0 : i32
    %dma_wait3A_177 = tpu.memref_slice %arg2[%dma_wait3A_175, %dma_wait3A_176] : memref<4096x256xf32, #tpu.memory_space<hbm>> -> memref<4096x256xf32, #tpu.memory_space<hbm>>
    tpu.wait_indirect_dma semaphore(%arg10 : memref<!tpu.dma_semaphore, #tpu.memory_space<semaphore_mem>>) src(%dma_wait3A_177 : memref<4096x256xf32, #tpu.memory_space<hbm>>) dst(%arg7 : memref<128x256xf32, #tpu.memory_space<vmem>>)
    %add3A_178 = arith.constant 1280 : i32
    %add3A_179 = arith.addi %add3A_37, %add3A_178 : i32
    "tpu.region"() ({
      %run_scoped3A = tpu.sem_alloc : memref<!tpu.dma_semaphore, #tpu.memory_space<semaphore_mem>>
      %dma_start3A_230 = arith.constant 0 : i32
      %dma_start3A_231 = tpu.memref_slice %arg4[%add3A_179, %dma_start3A_230] : memref<65536x256xf32, #tpu.memory_space<hbm>> -> memref<128x256xf32, #tpu.memory_space<hbm>>
      %dma_start3A_232 = arith.constant 0 : i32
      %dma_start3A_233 = tpu.memref_slice %arg4[%add3A_179, %dma_start3A_232] : memref<65536x256xf32, #tpu.memory_space<hbm>> -> memref<128x256xf32, #tpu.memory_space<hbm>>
      tpu.enqueue_dma source(%arg7 : memref<128x256xf32, #tpu.memory_space<vmem>>) target(%dma_start3A_233 : memref<128x256xf32, #tpu.memory_space<hbm>>) target_semaphore(%run_scoped3A : memref<!tpu.dma_semaphore, #tpu.memory_space<semaphore_mem>>)
      %dma_wait3A_234 = arith.constant 0 : i32
      %dma_wait3A_235 = tpu.memref_slice %arg4[%add3A_179, %dma_wait3A_234] : memref<65536x256xf32, #tpu.memory_space<hbm>> -> memref<128x256xf32, #tpu.memory_space<hbm>>
      %dma_wait3A_236 = arith.constant 0 : i32
      %dma_wait3A_237 = tpu.memref_slice %arg4[%add3A_179, %dma_wait3A_236] : memref<65536x256xf32, #tpu.memory_space<hbm>> -> memref<128x256xf32, #tpu.memory_space<hbm>>
      tpu.wait_dma2 semaphore(%run_scoped3A : memref<!tpu.dma_semaphore, #tpu.memory_space<semaphore_mem>>) src(%arg7 : memref<128x256xf32, #tpu.memory_space<vmem>>) dst(%dma_wait3A_237 : memref<128x256xf32, #tpu.memory_space<hbm>>)
      tpu.yield
    }) : () -> ()
    %dma_start3A_180 = arith.constant 1664 : i32
    %dma_start3A_181 = tpu.memref_slice %arg5[%dma_start3A_180] : memref<2048xi32, #tpu.memory_space<vmem>> -> memref<128xi32, #tpu.memory_space<vmem>>
    %dma_start3A_182 = arith.constant 0 : i32
    %dma_start3A_183 = arith.constant 0 : i32
    %dma_start3A_184 = tpu.memref_slice %arg2[%dma_start3A_182, %dma_start3A_183] : memref<4096x256xf32, #tpu.memory_space<hbm>> -> memref<4096x256xf32, #tpu.memory_space<hbm>>
    tpu.enqueue_indirect_dma source(%dma_start3A_184 : memref<4096x256xf32, #tpu.memory_space<hbm>>) target(%arg7 : memref<128x256xf32, #tpu.memory_space<vmem>>) offsets(%dma_start3A_181 : memref<128xi32, #tpu.memory_space<vmem>>) semaphore(%arg10 : memref<!tpu.dma_semaphore, #tpu.memory_space<semaphore_mem>>)
    %dma_wait3A_185 = arith.constant 1408 : i32
    %dma_wait3A_186 = tpu.memref_slice %arg5[%dma_wait3A_185] : memref<2048xi32, #tpu.memory_space<vmem>> -> memref<128xi32, #tpu.memory_space<vmem>>
    %dma_wait3A_187 = arith.constant 0 : i32
    %dma_wait3A_188 = arith.constant 0 : i32
    %dma_wait3A_189 = tpu.memref_slice %arg2[%dma_wait3A_187, %dma_wait3A_188] : memref<4096x256xf32, #tpu.memory_space<hbm>> -> memref<4096x256xf32, #tpu.memory_space<hbm>>
    tpu.wait_indirect_dma semaphore(%arg11 : memref<!tpu.dma_semaphore, #tpu.memory_space<semaphore_mem>>) src(%dma_wait3A_189 : memref<4096x256xf32, #tpu.memory_space<hbm>>) dst(%arg8 : memref<128x256xf32, #tpu.memory_space<vmem>>)
    %add3A_190 = arith.constant 1408 : i32
    %add3A_191 = arith.addi %add3A_37, %add3A_190 : i32
    "tpu.region"() ({
      %run_scoped3A = tpu.sem_alloc : memref<!tpu.dma_semaphore, #tpu.memory_space<semaphore_mem>>
      %dma_start3A_230 = arith.constant 0 : i32
      %dma_start3A_231 = tpu.memref_slice %arg4[%add3A_191, %dma_start3A_230] : memref<65536x256xf32, #tpu.memory_space<hbm>> -> memref<128x256xf32, #tpu.memory_space<hbm>>
      %dma_start3A_232 = arith.constant 0 : i32
      %dma_start3A_233 = tpu.memref_slice %arg4[%add3A_191, %dma_start3A_232] : memref<65536x256xf32, #tpu.memory_space<hbm>> -> memref<128x256xf32, #tpu.memory_space<hbm>>
      tpu.enqueue_dma source(%arg8 : memref<128x256xf32, #tpu.memory_space<vmem>>) target(%dma_start3A_233 : memref<128x256xf32, #tpu.memory_space<hbm>>) target_semaphore(%run_scoped3A : memref<!tpu.dma_semaphore, #tpu.memory_space<semaphore_mem>>)
      %dma_wait3A_234 = arith.constant 0 : i32
      %dma_wait3A_235 = tpu.memref_slice %arg4[%add3A_191, %dma_wait3A_234] : memref<65536x256xf32, #tpu.memory_space<hbm>> -> memref<128x256xf32, #tpu.memory_space<hbm>>
      %dma_wait3A_236 = arith.constant 0 : i32
      %dma_wait3A_237 = tpu.memref_slice %arg4[%add3A_191, %dma_wait3A_236] : memref<65536x256xf32, #tpu.memory_space<hbm>> -> memref<128x256xf32, #tpu.memory_space<hbm>>
      tpu.wait_dma2 semaphore(%run_scoped3A : memref<!tpu.dma_semaphore, #tpu.memory_space<semaphore_mem>>) src(%arg8 : memref<128x256xf32, #tpu.memory_space<vmem>>) dst(%dma_wait3A_237 : memref<128x256xf32, #tpu.memory_space<hbm>>)
      tpu.yield
    }) : () -> ()
    %dma_start3A_192 = arith.constant 1792 : i32
    %dma_start3A_193 = tpu.memref_slice %arg5[%dma_start3A_192] : memref<2048xi32, #tpu.memory_space<vmem>> -> memref<128xi32, #tpu.memory_space<vmem>>
    %dma_start3A_194 = arith.constant 0 : i32
    %dma_start3A_195 = arith.constant 0 : i32
    %dma_start3A_196 = tpu.memref_slice %arg2[%dma_start3A_194, %dma_start3A_195] : memref<4096x256xf32, #tpu.memory_space<hbm>> -> memref<4096x256xf32, #tpu.memory_space<hbm>>
    tpu.enqueue_indirect_dma source(%dma_start3A_196 : memref<4096x256xf32, #tpu.memory_space<hbm>>) target(%arg8 : memref<128x256xf32, #tpu.memory_space<vmem>>) offsets(%dma_start3A_193 : memref<128xi32, #tpu.memory_space<vmem>>) semaphore(%arg11 : memref<!tpu.dma_semaphore, #tpu.memory_space<semaphore_mem>>)
    %dma_wait3A_197 = arith.constant 1536 : i32
    %dma_wait3A_198 = tpu.memref_slice %arg5[%dma_wait3A_197] : memref<2048xi32, #tpu.memory_space<vmem>> -> memref<128xi32, #tpu.memory_space<vmem>>
    %dma_wait3A_199 = arith.constant 0 : i32
    %dma_wait3A_200 = arith.constant 0 : i32
    %dma_wait3A_201 = tpu.memref_slice %arg2[%dma_wait3A_199, %dma_wait3A_200] : memref<4096x256xf32, #tpu.memory_space<hbm>> -> memref<4096x256xf32, #tpu.memory_space<hbm>>
    tpu.wait_indirect_dma semaphore(%arg9 : memref<!tpu.dma_semaphore, #tpu.memory_space<semaphore_mem>>) src(%dma_wait3A_201 : memref<4096x256xf32, #tpu.memory_space<hbm>>) dst(%arg6 : memref<128x256xf32, #tpu.memory_space<vmem>>)
    %add3A_202 = arith.constant 1536 : i32
    %add3A_203 = arith.addi %add3A_37, %add3A_202 : i32
    "tpu.region"() ({
      %run_scoped3A = tpu.sem_alloc : memref<!tpu.dma_semaphore, #tpu.memory_space<semaphore_mem>>
      %dma_start3A_230 = arith.constant 0 : i32
      %dma_start3A_231 = tpu.memref_slice %arg4[%add3A_203, %dma_start3A_230] : memref<65536x256xf32, #tpu.memory_space<hbm>> -> memref<128x256xf32, #tpu.memory_space<hbm>>
      %dma_start3A_232 = arith.constant 0 : i32
      %dma_start3A_233 = tpu.memref_slice %arg4[%add3A_203, %dma_start3A_232] : memref<65536x256xf32, #tpu.memory_space<hbm>> -> memref<128x256xf32, #tpu.memory_space<hbm>>
      tpu.enqueue_dma source(%arg6 : memref<128x256xf32, #tpu.memory_space<vmem>>) target(%dma_start3A_233 : memref<128x256xf32, #tpu.memory_space<hbm>>) target_semaphore(%run_scoped3A : memref<!tpu.dma_semaphore, #tpu.memory_space<semaphore_mem>>)
      %dma_wait3A_234 = arith.constant 0 : i32
      %dma_wait3A_235 = tpu.memref_slice %arg4[%add3A_203, %dma_wait3A_234] : memref<65536x256xf32, #tpu.memory_space<hbm>> -> memref<128x256xf32, #tpu.memory_space<hbm>>
      %dma_wait3A_236 = arith.constant 0 : i32
      %dma_wait3A_237 = tpu.memref_slice %arg4[%add3A_203, %dma_wait3A_236] : memref<65536x256xf32, #tpu.memory_space<hbm>> -> memref<128x256xf32, #tpu.memory_space<hbm>>
      tpu.wait_dma2 semaphore(%run_scoped3A : memref<!tpu.dma_semaphore, #tpu.memory_space<semaphore_mem>>) src(%arg6 : memref<128x256xf32, #tpu.memory_space<vmem>>) dst(%dma_wait3A_237 : memref<128x256xf32, #tpu.memory_space<hbm>>)
      tpu.yield
    }) : () -> ()
    %dma_start3A_204 = arith.constant 1920 : i32
    %dma_start3A_205 = tpu.memref_slice %arg5[%dma_start3A_204] : memref<2048xi32, #tpu.memory_space<vmem>> -> memref<128xi32, #tpu.memory_space<vmem>>
    %dma_start3A_206 = arith.constant 0 : i32
    %dma_start3A_207 = arith.constant 0 : i32
    %dma_start3A_208 = tpu.memref_slice %arg2[%dma_start3A_206, %dma_start3A_207] : memref<4096x256xf32, #tpu.memory_space<hbm>> -> memref<4096x256xf32, #tpu.memory_space<hbm>>
    tpu.enqueue_indirect_dma source(%dma_start3A_208 : memref<4096x256xf32, #tpu.memory_space<hbm>>) target(%arg6 : memref<128x256xf32, #tpu.memory_space<vmem>>) offsets(%dma_start3A_205 : memref<128xi32, #tpu.memory_space<vmem>>) semaphore(%arg9 : memref<!tpu.dma_semaphore, #tpu.memory_space<semaphore_mem>>)
    %dma_wait3A_209 = arith.constant 1664 : i32
    %dma_wait3A_210 = tpu.memref_slice %arg5[%dma_wait3A_209] : memref<2048xi32, #tpu.memory_space<vmem>> -> memref<128xi32, #tpu.memory_space<vmem>>
    %dma_wait3A_211 = arith.constant 0 : i32
    %dma_wait3A_212 = arith.constant 0 : i32
    %dma_wait3A_213 = tpu.memref_slice %arg2[%dma_wait3A_211, %dma_wait3A_212] : memref<4096x256xf32, #tpu.memory_space<hbm>> -> memref<4096x256xf32, #tpu.memory_space<hbm>>
    tpu.wait_indirect_dma semaphore(%arg10 : memref<!tpu.dma_semaphore, #tpu.memory_space<semaphore_mem>>) src(%dma_wait3A_213 : memref<4096x256xf32, #tpu.memory_space<hbm>>) dst(%arg7 : memref<128x256xf32, #tpu.memory_space<vmem>>)
    %add3A_214 = arith.constant 1664 : i32
    %add3A_215 = arith.addi %add3A_37, %add3A_214 : i32
    "tpu.region"() ({
      %run_scoped3A = tpu.sem_alloc : memref<!tpu.dma_semaphore, #tpu.memory_space<semaphore_mem>>
      %dma_start3A_230 = arith.constant 0 : i32
      %dma_start3A_231 = tpu.memref_slice %arg4[%add3A_215, %dma_start3A_230] : memref<65536x256xf32, #tpu.memory_space<hbm>> -> memref<128x256xf32, #tpu.memory_space<hbm>>
      %dma_start3A_232 = arith.constant 0 : i32
      %dma_start3A_233 = tpu.memref_slice %arg4[%add3A_215, %dma_start3A_232] : memref<65536x256xf32, #tpu.memory_space<hbm>> -> memref<128x256xf32, #tpu.memory_space<hbm>>
      tpu.enqueue_dma source(%arg7 : memref<128x256xf32, #tpu.memory_space<vmem>>) target(%dma_start3A_233 : memref<128x256xf32, #tpu.memory_space<hbm>>) target_semaphore(%run_scoped3A : memref<!tpu.dma_semaphore, #tpu.memory_space<semaphore_mem>>)
      %dma_wait3A_234 = arith.constant 0 : i32
      %dma_wait3A_235 = tpu.memref_slice %arg4[%add3A_215, %dma_wait3A_234] : memref<65536x256xf32, #tpu.memory_space<hbm>> -> memref<128x256xf32, #tpu.memory_space<hbm>>
      %dma_wait3A_236 = arith.constant 0 : i32
      %dma_wait3A_237 = tpu.memref_slice %arg4[%add3A_215, %dma_wait3A_236] : memref<65536x256xf32, #tpu.memory_space<hbm>> -> memref<128x256xf32, #tpu.memory_space<hbm>>
      tpu.wait_dma2 semaphore(%run_scoped3A : memref<!tpu.dma_semaphore, #tpu.memory_space<semaphore_mem>>) src(%arg7 : memref<128x256xf32, #tpu.memory_space<vmem>>) dst(%dma_wait3A_237 : memref<128x256xf32, #tpu.memory_space<hbm>>)
      tpu.yield
    }) : () -> ()
    %dma_wait3A_216 = arith.constant 1792 : i32
    %dma_wait3A_217 = tpu.memref_slice %arg5[%dma_wait3A_216] : memref<2048xi32, #tpu.memory_space<vmem>> -> memref<128xi32, #tpu.memory_space<vmem>>
    %dma_wait3A_218 = arith.constant 0 : i32
    %dma_wait3A_219 = arith.constant 0 : i32
    %dma_wait3A_220 = tpu.memref_slice %arg2[%dma_wait3A_218, %dma_wait3A_219] : memref<4096x256xf32, #tpu.memory_space<hbm>> -> memref<4096x256xf32, #tpu.memory_space<hbm>>
    tpu.wait_indirect_dma semaphore(%arg11 : memref<!tpu.dma_semaphore, #tpu.memory_space<semaphore_mem>>) src(%dma_wait3A_220 : memref<4096x256xf32, #tpu.memory_space<hbm>>) dst(%arg8 : memref<128x256xf32, #tpu.memory_space<vmem>>)
    %add3A_221 = arith.constant 1792 : i32
    %add3A_222 = arith.addi %add3A_37, %add3A_221 : i32
    "tpu.region"() ({
      %run_scoped3A = tpu.sem_alloc : memref<!tpu.dma_semaphore, #tpu.memory_space<semaphore_mem>>
      %dma_start3A_230 = arith.constant 0 : i32
      %dma_start3A_231 = tpu.memref_slice %arg4[%add3A_222, %dma_start3A_230] : memref<65536x256xf32, #tpu.memory_space<hbm>> -> memref<128x256xf32, #tpu.memory_space<hbm>>
      %dma_start3A_232 = arith.constant 0 : i32
      %dma_start3A_233 = tpu.memref_slice %arg4[%add3A_222, %dma_start3A_232] : memref<65536x256xf32, #tpu.memory_space<hbm>> -> memref<128x256xf32, #tpu.memory_space<hbm>>
      tpu.enqueue_dma source(%arg8 : memref<128x256xf32, #tpu.memory_space<vmem>>) target(%dma_start3A_233 : memref<128x256xf32, #tpu.memory_space<hbm>>) target_semaphore(%run_scoped3A : memref<!tpu.dma_semaphore, #tpu.memory_space<semaphore_mem>>)
      %dma_wait3A_234 = arith.constant 0 : i32
      %dma_wait3A_235 = tpu.memref_slice %arg4[%add3A_222, %dma_wait3A_234] : memref<65536x256xf32, #tpu.memory_space<hbm>> -> memref<128x256xf32, #tpu.memory_space<hbm>>
      %dma_wait3A_236 = arith.constant 0 : i32
      %dma_wait3A_237 = tpu.memref_slice %arg4[%add3A_222, %dma_wait3A_236] : memref<65536x256xf32, #tpu.memory_space<hbm>> -> memref<128x256xf32, #tpu.memory_space<hbm>>
      tpu.wait_dma2 semaphore(%run_scoped3A : memref<!tpu.dma_semaphore, #tpu.memory_space<semaphore_mem>>) src(%arg8 : memref<128x256xf32, #tpu.memory_space<vmem>>) dst(%dma_wait3A_237 : memref<128x256xf32, #tpu.memory_space<hbm>>)
      tpu.yield
    }) : () -> ()
    %dma_wait3A_223 = arith.constant 1920 : i32
    %dma_wait3A_224 = tpu.memref_slice %arg5[%dma_wait3A_223] : memref<2048xi32, #tpu.memory_space<vmem>> -> memref<128xi32, #tpu.memory_space<vmem>>
    %dma_wait3A_225 = arith.constant 0 : i32
    %dma_wait3A_226 = arith.constant 0 : i32
    %dma_wait3A_227 = tpu.memref_slice %arg2[%dma_wait3A_225, %dma_wait3A_226] : memref<4096x256xf32, #tpu.memory_space<hbm>> -> memref<4096x256xf32, #tpu.memory_space<hbm>>
    tpu.wait_indirect_dma semaphore(%arg9 : memref<!tpu.dma_semaphore, #tpu.memory_space<semaphore_mem>>) src(%dma_wait3A_227 : memref<4096x256xf32, #tpu.memory_space<hbm>>) dst(%arg6 : memref<128x256xf32, #tpu.memory_space<vmem>>)
    %add3A_228 = arith.constant 1920 : i32
    %add3A_229 = arith.addi %add3A_37, %add3A_228 : i32
    "tpu.region"() ({
      %run_scoped3A = tpu.sem_alloc : memref<!tpu.dma_semaphore, #tpu.memory_space<semaphore_mem>>
      %dma_start3A_230 = arith.constant 0 : i32
      %dma_start3A_231 = tpu.memref_slice %arg4[%add3A_229, %dma_start3A_230] : memref<65536x256xf32, #tpu.memory_space<hbm>> -> memref<128x256xf32, #tpu.memory_space<hbm>>
      %dma_start3A_232 = arith.constant 0 : i32
      %dma_start3A_233 = tpu.memref_slice %arg4[%add3A_229, %dma_start3A_232] : memref<65536x256xf32, #tpu.memory_space<hbm>> -> memref<128x256xf32, #tpu.memory_space<hbm>>
      tpu.enqueue_dma source(%arg6 : memref<128x256xf32, #tpu.memory_space<vmem>>) target(%dma_start3A_233 : memref<128x256xf32, #tpu.memory_space<hbm>>) target_semaphore(%run_scoped3A : memref<!tpu.dma_semaphore, #tpu.memory_space<semaphore_mem>>)
      %dma_wait3A_234 = arith.constant 0 : i32
      %dma_wait3A_235 = tpu.memref_slice %arg4[%add3A_229, %dma_wait3A_234] : memref<65536x256xf32, #tpu.memory_space<hbm>> -> memref<128x256xf32, #tpu.memory_space<hbm>>
      %dma_wait3A_236 = arith.constant 0 : i32
      %dma_wait3A_237 = tpu.memref_slice %arg4[%add3A_229, %dma_wait3A_236] : memref<65536x256xf32, #tpu.memory_space<hbm>> -> memref<128x256xf32, #tpu.memory_space<hbm>>
      tpu.wait_dma2 semaphore(%run_scoped3A : memref<!tpu.dma_semaphore, #tpu.memory_space<semaphore_mem>>) src(%arg6 : memref<128x256xf32, #tpu.memory_space<vmem>>) dst(%dma_wait3A_237 : memref<128x256xf32, #tpu.memory_space<hbm>>)
      tpu.yield
    }) : () -> ()
    return
  }
}

module attributes {stable_mosaic.version = 14 : i64} {
  func.func @_anode1_body(%arg0: memref<4096x35xf32, #tpu.memory_space<vmem>>, %arg1: memref<35x128xf32, #tpu.memory_space<vmem>>, %arg2: memref<128xf32, #tpu.memory_space<vmem>>, %arg3: memref<4096x128xf32, #tpu.memory_space<vmem>>) attributes {dimension_semantics = [], scalar_prefetch = 0 : i64, scratch_operands = 0 : i64, tpu.core_type = #tpu.core_type<tc>} {
    %get3A = arith.constant 0 : index
    %get3A_0 = arith.constant 0 : index
    %get3A_1 = vector.load %arg0[%get3A, %get3A_0] : memref<4096x35xf32, #tpu.memory_space<vmem>>, vector<4096x35xf32>
    %get3A_2 = arith.constant 0 : index
    %get3A_3 = arith.constant 0 : index
    %get3A_4 = vector.load %arg1[%get3A_2, %get3A_3] : memref<35x128xf32, #tpu.memory_space<vmem>>, vector<35x128xf32>
    %dot_general3A = arith.constant dense<0.000000e+00> : vector<4096x128xf32>
    %dot_general3A_5 = tpu.matmul %get3A_1, %get3A_4, %dot_general3A {dimension_numbers = #tpu.dot_dimension_numbers<[1], [0], [0], [1], [0, 0, 1, 1], [], []>, transpose_lhs_hint = false} : vector<4096x35xf32>, vector<35x128xf32>, vector<4096x128xf32> -> vector<4096x128xf32>
    %get3A_6 = arith.constant 0 : index
    %get3A_7 = vector.load %arg2[%get3A_6] : memref<128xf32, #tpu.memory_space<vmem>>, vector<128xf32>
    %broadcast_in_dim3A = vector.shape_cast %get3A_7 : vector<128xf32> to vector<1x128xf32>
    %add3A = vector.broadcast %broadcast_in_dim3A : vector<1x128xf32> to vector<4096x128xf32>
    %add3A_8 = arith.addf %dot_general3A_5, %add3A : vector<4096x128xf32>
    %swap3A = arith.constant 0 : index
    %swap3A_9 = arith.constant 0 : index
    %swap3A_10 = vector.load %arg3[%swap3A, %swap3A_9] : memref<4096x128xf32, #tpu.memory_space<vmem>>, vector<4096x128xf32>
    tpu.vector_store %arg3[%swap3A, %swap3A_9], %add3A_8 {strides = array<i32>} : memref<4096x128xf32, #tpu.memory_space<vmem>>, vector<4096x128xf32>,
    return
  }
}

module attributes {stable_mosaic.version = 14 : i64} {
  func.func @_edge_reduce_body(%arg0: i32, %arg1: memref<3072x128xf32, #tpu.memory_space<vmem>>, %arg2: memref<256x128xf32, #tpu.memory_space<vmem>>, %arg3: memref<256x128xf32, #tpu.memory_space<vmem>>, %arg4: memref<128x128xf32, #tpu.memory_space<vmem>>, %arg5: memref<256x128xf32, #tpu.memory_space<vmem>>, %arg6: memref<1x1x128xf32, #tpu.memory_space<vmem>>) attributes {dimension_semantics = [#tpu.dimension_semantics<arbitrary>], iteration_bounds = array<i64: 16>, scalar_prefetch = 0 : i64, scratch_operands = 0 : i64, tpu.core_type = #tpu.core_type<tc>, window_params = [{transform_indices = @transform_0, window_bounds = array<i64: 3072, 128>}, {transform_indices = @transform_1, window_bounds = array<i64: 256, 128>}, {transform_indices = @transform_2, window_bounds = array<i64: 256, 128>}, {pipeline_mode = #tpu.pipeline_mode<synchronous>, transform_indices = @transform_3, window_bounds = array<i64: 128, 128>}, {transform_indices = @transform_4, window_bounds = array<i64: 256, 128>}, {transform_indices = @transform_5, window_bounds = array<i64: 1, 1, 128>}]} {
    %get3A = arith.constant 0 : index
    %get3A_0 = arith.constant 0 : index
    %get3A_1 = vector.load %arg1[%get3A, %get3A_0] : memref<3072x128xf32, #tpu.memory_space<vmem>>, vector<3072x128xf32>
    %reshape3A = vector.shape_cast %get3A_1 : vector<3072x128xf32> to vector<256x12x128xf32>
    %get3A_2 = arith.constant 0 : index
    %get3A_3 = arith.constant 0 : index
    %get3A_4 = vector.load %arg2[%get3A_2, %get3A_3] : memref<256x128xf32, #tpu.memory_space<vmem>>, vector<256x128xf32>
    %broadcast_in_dim3A = vector.shape_cast %get3A_4 : vector<256x128xf32> to vector<256x1x128xf32>
    %sub3A = vector.broadcast %broadcast_in_dim3A : vector<256x1x128xf32> to vector<256x12x128xf32>
    %sub3A_5 = arith.subf %reshape3A, %sub3A : vector<256x12x128xf32>
    %reshape3A_6 = vector.shape_cast %sub3A_5 : vector<256x12x128xf32> to vector<3072x128xf32>
    %get3A_7 = arith.constant 0 : index
    %get3A_8 = arith.constant 0 : index
    %get3A_9 = vector.load %arg4[%get3A_7, %get3A_8] : memref<128x128xf32, #tpu.memory_space<vmem>>, vector<128x128xf32>
    %dot_general3A = arith.constant dense<0.000000e+00> : vector<3072x128xf32>
    %dot_general3A_10 = tpu.matmul %reshape3A_6, %get3A_9, %dot_general3A {dimension_numbers = #tpu.dot_dimension_numbers<[1], [0], [0], [1], [0, 0, 1, 1], [], []>, transpose_lhs_hint = false} : vector<3072x128xf32>, vector<128x128xf32>, vector<3072x128xf32> -> vector<3072x128xf32>
    %reshape3A_11 = vector.shape_cast %dot_general3A_10 : vector<3072x128xf32> to vector<256x12x128xf32>
    %get3A_12 = arith.constant 0 : index
    %get3A_13 = arith.constant 0 : index
    %get3A_14 = vector.load %arg3[%get3A_12, %get3A_13] : memref<256x128xf32, #tpu.memory_space<vmem>>, vector<256x128xf32>
    %broadcast_in_dim3A_15 = vector.shape_cast %get3A_14 : vector<256x128xf32> to vector<256x1x128xf32>
    %add3A = vector.broadcast %broadcast_in_dim3A_15 : vector<256x1x128xf32> to vector<256x12x128xf32>
    %add3A_16 = arith.addf %reshape3A_11, %add3A : vector<256x12x128xf32>
    %max3A = arith.constant 0.000000e+00 : f32
    %max3A_17 = vector.broadcast %max3A : f32 to vector<256x12x128xf32>
    %max3A_18 = arith.maximumf %add3A_16, %max3A_17 : vector<256x12x128xf32>
    %reduce_sum3A = arith.constant dense<0.000000e+00> : vector<256x128xf32>
    %reduce_sum3A_19 = vector.multi_reduction <add>, %max3A_18, %reduce_sum3A [1] : vector<256x12x128xf32> to vector<256x128xf32>
    %swap3A = arith.constant 0 : index
    %swap3A_20 = arith.constant 0 : index
    %swap3A_21 = vector.load %arg5[%swap3A, %swap3A_20] : memref<256x128xf32, #tpu.memory_space<vmem>>, vector<256x128xf32>
    tpu.vector_store %arg5[%swap3A, %swap3A_20], %reduce_sum3A_19 {strides = array<i32>} : memref<256x128xf32, #tpu.memory_space<vmem>>, vector<256x128xf32>,
    %mul3A = arith.mulf %max3A_18, %max3A_18 : vector<256x12x128xf32>
    %reduce_sum3A_22 = arith.constant dense<0.000000e+00> : vector<128xf32>
    %reduce_sum3A_23 = vector.multi_reduction <add>, %mul3A, %reduce_sum3A_22 [0, 1] : vector<256x12x128xf32> to vector<128xf32>
    %reshape3A_24 = vector.shape_cast %reduce_sum3A_23 : vector<128xf32> to vector<1x1x128xf32>
    %swap3A_25 = arith.constant 0 : index
    %swap3A_26 = arith.constant 0 : index
    %swap3A_27 = arith.constant 0 : index
    %swap3A_28 = vector.load %arg6[%swap3A_25, %swap3A_26, %swap3A_27] : memref<1x1x128xf32, #tpu.memory_space<vmem>>, vector<1x1x128xf32>
    tpu.vector_store %arg6[%swap3A_25, %swap3A_26, %swap3A_27], %reshape3A_24 {strides = array<i32>} : memref<1x1x128xf32, #tpu.memory_space<vmem>>, vector<1x1x128xf32>,
    return
  }
  func.func @transform_0(%arg0: i32) -> (i32, i32) {
    %c0_i32 = arith.constant 0 : i32
    %c0_i32_0 = arith.constant 0 : i32
    return %arg0, %c0_i32 : i32, i32
  }
  func.func @transform_1(%arg0: i32) -> (i32, i32) {
    %c0_i32 = arith.constant 0 : i32
    %c0_i32_0 = arith.constant 0 : i32
    return %arg0, %c0_i32 : i32, i32
  }
  func.func @transform_2(%arg0: i32) -> (i32, i32) {
    %c0_i32 = arith.constant 0 : i32
    %c0_i32_0 = arith.constant 0 : i32
    return %arg0, %c0_i32 : i32, i32
  }
  func.func @transform_3(%arg0: i32) -> (i32, i32) {
    %c0_i32 = arith.constant 0 : i32
    %c0_i32_0 = arith.constant 0 : i32
    %c0_i32_1 = arith.constant 0 : i32
    return %c0_i32, %c0_i32_0 : i32, i32
  }
  func.func @transform_4(%arg0: i32) -> (i32, i32) {
    %c0_i32 = arith.constant 0 : i32
    %c0_i32_0 = arith.constant 0 : i32
    return %arg0, %c0_i32 : i32, i32
  }
  func.func @transform_5(%arg0: i32) -> (i32, i32, i32) {
    %c0_i32 = arith.constant 0 : i32
    %c0_i32_0 = arith.constant 0 : i32
    %c0_i32_1 = arith.constant 0 : i32
    return %arg0, %c0_i32, %c0_i32_0 : i32, i32, i32
  }
}

module attributes {stable_mosaic.version = 14 : i64} {
  func.func @_bnproj_body(%arg0: memref<4096x128xf32, #tpu.memory_space<vmem>>, %arg1: memref<16x128xf32, #tpu.memory_space<vmem>>, %arg2: memref<128xf32, #tpu.memory_space<vmem>>, %arg3: memref<128xf32, #tpu.memory_space<vmem>>, %arg4: memref<128x256xf32, #tpu.memory_space<vmem>>, %arg5: memref<256xf32, #tpu.memory_space<vmem>>, %arg6: memref<4096x128xf32, #tpu.memory_space<vmem>>, %arg7: memref<4096x256xf32, #tpu.memory_space<vmem>>) attributes {dimension_semantics = [], scalar_prefetch = 0 : i64, scratch_operands = 0 : i64, tpu.core_type = #tpu.core_type<tc>} {
    %get3A = arith.constant 0 : index
    %get3A_0 = arith.constant 0 : index
    %get3A_1 = vector.load %arg0[%get3A, %get3A_0] : memref<4096x128xf32, #tpu.memory_space<vmem>>, vector<4096x128xf32>
    %reduce_sum3A = arith.constant dense<0.000000e+00> : vector<128xf32>
    %reduce_sum3A_2 = vector.multi_reduction <add>, %get3A_1, %reduce_sum3A [0] : vector<4096x128xf32> to vector<128xf32>
    %div3A = arith.constant 4.915200e+04 : f32
    %div3A_3 = vector.broadcast %div3A : f32 to vector<128xf32>
    %div3A_4 = arith.divf %reduce_sum3A_2, %div3A_3 : vector<128xf32>
    %get3A_5 = arith.constant 0 : index
    %get3A_6 = arith.constant 0 : index
    %get3A_7 = vector.load %arg1[%get3A_5, %get3A_6] : memref<16x128xf32, #tpu.memory_space<vmem>>, vector<16x128xf32>
    %reduce_sum3A_8 = arith.constant dense<0.000000e+00> : vector<128xf32>
    %reduce_sum3A_9 = vector.multi_reduction <add>, %get3A_7, %reduce_sum3A_8 [0] : vector<16x128xf32> to vector<128xf32>
    %div3A_10 = arith.constant 4.915200e+04 : f32
    %div3A_11 = vector.broadcast %div3A_10 : f32 to vector<128xf32>
    %div3A_12 = arith.divf %reduce_sum3A_9, %div3A_11 : vector<128xf32>
    %mul3A = arith.mulf %div3A_4, %div3A_4 : vector<128xf32>
    %sub3A = arith.subf %div3A_12, %mul3A : vector<128xf32>
    %mul3A_13 = arith.constant 0.0833333358 : f32
    %mul3A_14 = vector.broadcast %mul3A_13 : f32 to vector<4096x128xf32>
    %mul3A_15 = arith.mulf %get3A_1, %mul3A_14 : vector<4096x128xf32>
    %broadcast_in_dim3A = vector.shape_cast %div3A_4 : vector<128xf32> to vector<1x128xf32>
    %sub3A_16 = vector.broadcast %broadcast_in_dim3A : vector<1x128xf32> to vector<4096x128xf32>
    %sub3A_17 = arith.subf %mul3A_15, %sub3A_16 : vector<4096x128xf32>
    %add3A = arith.constant 9.99999974E-6 : f32
    %add3A_18 = vector.broadcast %add3A : f32 to vector<128xf32>
    %add3A_19 = arith.addf %sub3A, %add3A_18 : vector<128xf32>
    %rsqrt3A = math.rsqrt %add3A_19 : vector<128xf32>
    %broadcast_in_dim3A_20 = vector.shape_cast %rsqrt3A : vector<128xf32> to vector<1x128xf32>
    %mul3A_21 = vector.broadcast %broadcast_in_dim3A_20 : vector<1x128xf32> to vector<4096x128xf32>
    %mul3A_22 = arith.mulf %sub3A_17, %mul3A_21 : vector<4096x128xf32>
    %get3A_23 = arith.constant 0 : index
    %get3A_24 = vector.load %arg2[%get3A_23] : memref<128xf32, #tpu.memory_space<vmem>>, vector<128xf32>
    %broadcast_in_dim3A_25 = vector.shape_cast %get3A_24 : vector<128xf32> to vector<1x128xf32>
    %mul3A_26 = vector.broadcast %broadcast_in_dim3A_25 : vector<1x128xf32> to vector<4096x128xf32>
    %mul3A_27 = arith.mulf %mul3A_22, %mul3A_26 : vector<4096x128xf32>
    %get3A_28 = arith.constant 0 : index
    %get3A_29 = vector.load %arg3[%get3A_28] : memref<128xf32, #tpu.memory_space<vmem>>, vector<128xf32>
    %broadcast_in_dim3A_30 = vector.shape_cast %get3A_29 : vector<128xf32> to vector<1x128xf32>
    %add3A_31 = vector.broadcast %broadcast_in_dim3A_30 : vector<1x128xf32> to vector<4096x128xf32>
    %add3A_32 = arith.addf %mul3A_27, %add3A_31 : vector<4096x128xf32>
    %swap3A = arith.constant 0 : index
    %swap3A_33 = arith.constant 0 : index
    %swap3A_34 = vector.load %arg6[%swap3A, %swap3A_33] : memref<4096x128xf32, #tpu.memory_space<vmem>>, vector<4096x128xf32>
    tpu.vector_store %arg6[%swap3A, %swap3A_33], %add3A_32 {strides = array<i32>} : memref<4096x128xf32, #tpu.memory_space<vmem>>, vector<4096x128xf32>,
    %get3A_35 = arith.constant 0 : index
    %get3A_36 = arith.constant 0 : index
    %get3A_37 = vector.load %arg4[%get3A_35, %get3A_36] : memref<128x256xf32, #tpu.memory_space<vmem>>, vector<128x256xf32>
    %dot_general3A = arith.constant dense<0.000000e+00> : vector<4096x256xf32>
    %dot_general3A_38 = tpu.matmul %add3A_32, %get3A_37, %dot_general3A {dimension_numbers = #tpu.dot_dimension_numbers<[1], [0], [0], [1], [0, 0, 1, 1], [], []>, transpose_lhs_hint = false} : vector<4096x128xf32>, vector<128x256xf32>, vector<4096x256xf32> -> vector<4096x256xf32>
    %get3A_39 = arith.constant 0 : index
    %get3A_40 = vector.load %arg5[%get3A_39] : memref<256xf32, #tpu.memory_space<vmem>>, vector<256xf32>
    %broadcast_in_dim3A_41 = vector.shape_cast %get3A_40 : vector<256xf32> to vector<1x256xf32>
    %add3A_42 = vector.broadcast %broadcast_in_dim3A_41 : vector<1x256xf32> to vector<4096x256xf32>
    %add3A_43 = arith.addf %dot_general3A_38, %add3A_42 : vector<4096x256xf32>
    %swap3A_44 = arith.constant 0 : index
    %swap3A_45 = arith.constant 0 : index
    %swap3A_46 = vector.load %arg7[%swap3A_44, %swap3A_45] : memref<4096x256xf32, #tpu.memory_space<vmem>>, vector<4096x256xf32>
    tpu.vector_store %arg7[%swap3A_44, %swap3A_45], %add3A_43 {strides = array<i32>} : memref<4096x256xf32, #tpu.memory_space<vmem>>, vector<4096x256xf32>,
    return
  }
}

module attributes {stable_mosaic.version = 14 : i64} {
  func.func @_edge_reduce_body(%arg0: i32, %arg1: memref<3584x128xf32, #tpu.memory_space<vmem>>, %arg2: memref<256x128xf32, #tpu.memory_space<vmem>>, %arg3: memref<256x256xf32, #tpu.memory_space<vmem>>, %arg4: memref<128x256xf32, #tpu.memory_space<vmem>>, %arg5: memref<256x256xf32, #tpu.memory_space<vmem>>, %arg6: memref<1x1x256xf32, #tpu.memory_space<vmem>>) attributes {dimension_semantics = [#tpu.dimension_semantics<arbitrary>], iteration_bounds = array<i64: 16>, scalar_prefetch = 0 : i64, scratch_operands = 0 : i64, tpu.core_type = #tpu.core_type<tc>, window_params = [{transform_indices = @transform_0, window_bounds = array<i64: 3584, 128>}, {transform_indices = @transform_1, window_bounds = array<i64: 256, 128>}, {transform_indices = @transform_2, window_bounds = array<i64: 256, 256>}, {pipeline_mode = #tpu.pipeline_mode<synchronous>, transform_indices = @transform_3, window_bounds = array<i64: 128, 256>}, {transform_indices = @transform_4, window_bounds = array<i64: 256, 256>}, {transform_indices = @transform_5, window_bounds = array<i64: 1, 1, 256>}]} {
    %get3A = arith.constant 0 : index
    %get3A_0 = arith.constant 0 : index
    %get3A_1 = vector.load %arg1[%get3A, %get3A_0] : memref<3584x128xf32, #tpu.memory_space<vmem>>, vector<3584x128xf32>
    %reshape3A = vector.shape_cast %get3A_1 : vector<3584x128xf32> to vector<256x14x128xf32>
    %get3A_2 = arith.constant 0 : index
    %get3A_3 = arith.constant 0 : index
    %get3A_4 = vector.load %arg2[%get3A_2, %get3A_3] : memref<256x128xf32, #tpu.memory_space<vmem>>, vector<256x128xf32>
    %broadcast_in_dim3A = vector.shape_cast %get3A_4 : vector<256x128xf32> to vector<256x1x128xf32>
    %sub3A = vector.broadcast %broadcast_in_dim3A : vector<256x1x128xf32> to vector<256x14x128xf32>
    %sub3A_5 = arith.subf %reshape3A, %sub3A : vector<256x14x128xf32>
    %reshape3A_6 = vector.shape_cast %sub3A_5 : vector<256x14x128xf32> to vector<3584x128xf32>
    %get3A_7 = arith.constant 0 : index
    %get3A_8 = arith.constant 0 : index
    %get3A_9 = vector.load %arg4[%get3A_7, %get3A_8] : memref<128x256xf32, #tpu.memory_space<vmem>>, vector<128x256xf32>
    %dot_general3A = arith.constant dense<0.000000e+00> : vector<3584x256xf32>
    %dot_general3A_10 = tpu.matmul %reshape3A_6, %get3A_9, %dot_general3A {dimension_numbers = #tpu.dot_dimension_numbers<[1], [0], [0], [1], [0, 0, 1, 1], [], []>, transpose_lhs_hint = false} : vector<3584x128xf32>, vector<128x256xf32>, vector<3584x256xf32> -> vector<3584x256xf32>
    %reshape3A_11 = vector.shape_cast %dot_general3A_10 : vector<3584x256xf32> to vector<256x14x256xf32>
    %get3A_12 = arith.constant 0 : index
    %get3A_13 = arith.constant 0 : index
    %get3A_14 = vector.load %arg3[%get3A_12, %get3A_13] : memref<256x256xf32, #tpu.memory_space<vmem>>, vector<256x256xf32>
    %broadcast_in_dim3A_15 = vector.shape_cast %get3A_14 : vector<256x256xf32> to vector<256x1x256xf32>
    %add3A = vector.broadcast %broadcast_in_dim3A_15 : vector<256x1x256xf32> to vector<256x14x256xf32>
    %add3A_16 = arith.addf %reshape3A_11, %add3A : vector<256x14x256xf32>
    %max3A = arith.constant 0.000000e+00 : f32
    %max3A_17 = vector.broadcast %max3A : f32 to vector<256x14x256xf32>
    %max3A_18 = arith.maximumf %add3A_16, %max3A_17 : vector<256x14x256xf32>
    %reduce_sum3A = arith.constant dense<0.000000e+00> : vector<256x256xf32>
    %reduce_sum3A_19 = vector.multi_reduction <add>, %max3A_18, %reduce_sum3A [1] : vector<256x14x256xf32> to vector<256x256xf32>
    %swap3A = arith.constant 0 : index
    %swap3A_20 = arith.constant 0 : index
    %swap3A_21 = vector.load %arg5[%swap3A, %swap3A_20] : memref<256x256xf32, #tpu.memory_space<vmem>>, vector<256x256xf32>
    tpu.vector_store %arg5[%swap3A, %swap3A_20], %reduce_sum3A_19 {strides = array<i32>} : memref<256x256xf32, #tpu.memory_space<vmem>>, vector<256x256xf32>,
    %mul3A = arith.mulf %max3A_18, %max3A_18 : vector<256x14x256xf32>
    %reduce_sum3A_22 = arith.constant dense<0.000000e+00> : vector<256xf32>
    %reduce_sum3A_23 = vector.multi_reduction <add>, %mul3A, %reduce_sum3A_22 [0, 1] : vector<256x14x256xf32> to vector<256xf32>
    %reshape3A_24 = vector.shape_cast %reduce_sum3A_23 : vector<256xf32> to vector<1x1x256xf32>
    %swap3A_25 = arith.constant 0 : index
    %swap3A_26 = arith.constant 0 : index
    %swap3A_27 = arith.constant 0 : index
    %swap3A_28 = vector.load %arg6[%swap3A_25, %swap3A_26, %swap3A_27] : memref<1x1x256xf32, #tpu.memory_space<vmem>>, vector<1x1x256xf32>
    tpu.vector_store %arg6[%swap3A_25, %swap3A_26, %swap3A_27], %reshape3A_24 {strides = array<i32>} : memref<1x1x256xf32, #tpu.memory_space<vmem>>, vector<1x1x256xf32>,
    return
  }
  func.func @transform_0(%arg0: i32) -> (i32, i32) {
    %c0_i32 = arith.constant 0 : i32
    %c0_i32_0 = arith.constant 0 : i32
    return %arg0, %c0_i32 : i32, i32
  }
  func.func @transform_1(%arg0: i32) -> (i32, i32) {
    %c0_i32 = arith.constant 0 : i32
    %c0_i32_0 = arith.constant 0 : i32
    return %arg0, %c0_i32 : i32, i32
  }
  func.func @transform_2(%arg0: i32) -> (i32, i32) {
    %c0_i32 = arith.constant 0 : i32
    %c0_i32_0 = arith.constant 0 : i32
    return %arg0, %c0_i32 : i32, i32
  }
  func.func @transform_3(%arg0: i32) -> (i32, i32) {
    %c0_i32 = arith.constant 0 : i32
    %c0_i32_0 = arith.constant 0 : i32
    %c0_i32_1 = arith.constant 0 : i32
    return %c0_i32, %c0_i32_0 : i32, i32
  }
  func.func @transform_4(%arg0: i32) -> (i32, i32) {
    %c0_i32 = arith.constant 0 : i32
    %c0_i32_0 = arith.constant 0 : i32
    return %arg0, %c0_i32 : i32, i32
  }
  func.func @transform_5(%arg0: i32) -> (i32, i32, i32) {
    %c0_i32 = arith.constant 0 : i32
    %c0_i32_0 = arith.constant 0 : i32
    %c0_i32_1 = arith.constant 0 : i32
    return %arg0, %c0_i32, %c0_i32_0 : i32, i32, i32
  }
}

module attributes {stable_mosaic.version = 14 : i64} {
  func.func @_bnproj_body(%arg0: memref<4096x256xf32, #tpu.memory_space<vmem>>, %arg1: memref<16x256xf32, #tpu.memory_space<vmem>>, %arg2: memref<256xf32, #tpu.memory_space<vmem>>, %arg3: memref<256xf32, #tpu.memory_space<vmem>>, %arg4: memref<256x512xf32, #tpu.memory_space<vmem>>, %arg5: memref<512xf32, #tpu.memory_space<vmem>>, %arg6: memref<4096x256xf32, #tpu.memory_space<vmem>>, %arg7: memref<4096x512xf32, #tpu.memory_space<vmem>>) attributes {dimension_semantics = [], scalar_prefetch = 0 : i64, scratch_operands = 0 : i64, tpu.core_type = #tpu.core_type<tc>} {
    %get3A = arith.constant 0 : index
    %get3A_0 = arith.constant 0 : index
    %get3A_1 = vector.load %arg0[%get3A, %get3A_0] : memref<4096x256xf32, #tpu.memory_space<vmem>>, vector<4096x256xf32>
    %reduce_sum3A = arith.constant dense<0.000000e+00> : vector<256xf32>
    %reduce_sum3A_2 = vector.multi_reduction <add>, %get3A_1, %reduce_sum3A [0] : vector<4096x256xf32> to vector<256xf32>
    %div3A = arith.constant 5.734400e+04 : f32
    %div3A_3 = vector.broadcast %div3A : f32 to vector<256xf32>
    %div3A_4 = arith.divf %reduce_sum3A_2, %div3A_3 : vector<256xf32>
    %get3A_5 = arith.constant 0 : index
    %get3A_6 = arith.constant 0 : index
    %get3A_7 = vector.load %arg1[%get3A_5, %get3A_6] : memref<16x256xf32, #tpu.memory_space<vmem>>, vector<16x256xf32>
    %reduce_sum3A_8 = arith.constant dense<0.000000e+00> : vector<256xf32>
    %reduce_sum3A_9 = vector.multi_reduction <add>, %get3A_7, %reduce_sum3A_8 [0] : vector<16x256xf32> to vector<256xf32>
    %div3A_10 = arith.constant 5.734400e+04 : f32
    %div3A_11 = vector.broadcast %div3A_10 : f32 to vector<256xf32>
    %div3A_12 = arith.divf %reduce_sum3A_9, %div3A_11 : vector<256xf32>
    %mul3A = arith.mulf %div3A_4, %div3A_4 : vector<256xf32>
    %sub3A = arith.subf %div3A_12, %mul3A : vector<256xf32>
    %mul3A_13 = arith.constant 0.0714285746 : f32
    %mul3A_14 = vector.broadcast %mul3A_13 : f32 to vector<4096x256xf32>
    %mul3A_15 = arith.mulf %get3A_1, %mul3A_14 : vector<4096x256xf32>
    %broadcast_in_dim3A = vector.shape_cast %div3A_4 : vector<256xf32> to vector<1x256xf32>
    %sub3A_16 = vector.broadcast %broadcast_in_dim3A : vector<1x256xf32> to vector<4096x256xf32>
    %sub3A_17 = arith.subf %mul3A_15, %sub3A_16 : vector<4096x256xf32>
    %add3A = arith.constant 9.99999974E-6 : f32
    %add3A_18 = vector.broadcast %add3A : f32 to vector<256xf32>
    %add3A_19 = arith.addf %sub3A, %add3A_18 : vector<256xf32>
    %rsqrt3A = math.rsqrt %add3A_19 : vector<256xf32>
    %broadcast_in_dim3A_20 = vector.shape_cast %rsqrt3A : vector<256xf32> to vector<1x256xf32>
    %mul3A_21 = vector.broadcast %broadcast_in_dim3A_20 : vector<1x256xf32> to vector<4096x256xf32>
    %mul3A_22 = arith.mulf %sub3A_17, %mul3A_21 : vector<4096x256xf32>
    %get3A_23 = arith.constant 0 : index
    %get3A_24 = vector.load %arg2[%get3A_23] : memref<256xf32, #tpu.memory_space<vmem>>, vector<256xf32>
    %broadcast_in_dim3A_25 = vector.shape_cast %get3A_24 : vector<256xf32> to vector<1x256xf32>
    %mul3A_26 = vector.broadcast %broadcast_in_dim3A_25 : vector<1x256xf32> to vector<4096x256xf32>
    %mul3A_27 = arith.mulf %mul3A_22, %mul3A_26 : vector<4096x256xf32>
    %get3A_28 = arith.constant 0 : index
    %get3A_29 = vector.load %arg3[%get3A_28] : memref<256xf32, #tpu.memory_space<vmem>>, vector<256xf32>
    %broadcast_in_dim3A_30 = vector.shape_cast %get3A_29 : vector<256xf32> to vector<1x256xf32>
    %add3A_31 = vector.broadcast %broadcast_in_dim3A_30 : vector<1x256xf32> to vector<4096x256xf32>
    %add3A_32 = arith.addf %mul3A_27, %add3A_31 : vector<4096x256xf32>
    %swap3A = arith.constant 0 : index
    %swap3A_33 = arith.constant 0 : index
    %swap3A_34 = vector.load %arg6[%swap3A, %swap3A_33] : memref<4096x256xf32, #tpu.memory_space<vmem>>, vector<4096x256xf32>
    tpu.vector_store %arg6[%swap3A, %swap3A_33], %add3A_32 {strides = array<i32>} : memref<4096x256xf32, #tpu.memory_space<vmem>>, vector<4096x256xf32>,
    %get3A_35 = arith.constant 0 : index
    %get3A_36 = arith.constant 0 : index
    %get3A_37 = vector.load %arg4[%get3A_35, %get3A_36] : memref<256x512xf32, #tpu.memory_space<vmem>>, vector<256x512xf32>
    %dot_general3A = arith.constant dense<0.000000e+00> : vector<4096x512xf32>
    %dot_general3A_38 = tpu.matmul %add3A_32, %get3A_37, %dot_general3A {dimension_numbers = #tpu.dot_dimension_numbers<[1], [0], [0], [1], [0, 0, 1, 1], [], []>, transpose_lhs_hint = false} : vector<4096x256xf32>, vector<256x512xf32>, vector<4096x512xf32> -> vector<4096x512xf32>
    %get3A_39 = arith.constant 0 : index
    %get3A_40 = vector.load %arg5[%get3A_39] : memref<512xf32, #tpu.memory_space<vmem>>, vector<512xf32>
    %broadcast_in_dim3A_41 = vector.shape_cast %get3A_40 : vector<512xf32> to vector<1x512xf32>
    %add3A_42 = vector.broadcast %broadcast_in_dim3A_41 : vector<1x512xf32> to vector<4096x512xf32>
    %add3A_43 = arith.addf %dot_general3A_38, %add3A_42 : vector<4096x512xf32>
    %swap3A_44 = arith.constant 0 : index
    %swap3A_45 = arith.constant 0 : index
    %swap3A_46 = vector.load %arg7[%swap3A_44, %swap3A_45] : memref<4096x512xf32, #tpu.memory_space<vmem>>, vector<4096x512xf32>
    tpu.vector_store %arg7[%swap3A_44, %swap3A_45], %add3A_43 {strides = array<i32>} : memref<4096x512xf32, #tpu.memory_space<vmem>>, vector<4096x512xf32>,
    return
  }
}

module attributes {stable_mosaic.version = 14 : i64} {
  func.func @_edge_reduce_body(%arg0: i32, %arg1: memref<4096x256xf32, #tpu.memory_space<vmem>>, %arg2: memref<256x256xf32, #tpu.memory_space<vmem>>, %arg3: memref<256x512xf32, #tpu.memory_space<vmem>>, %arg4: memref<256x512xf32, #tpu.memory_space<vmem>>, %arg5: memref<256x512xf32, #tpu.memory_space<vmem>>, %arg6: memref<1x1x512xf32, #tpu.memory_space<vmem>>) attributes {dimension_semantics = [#tpu.dimension_semantics<arbitrary>], iteration_bounds = array<i64: 16>, scalar_prefetch = 0 : i64, scratch_operands = 0 : i64, tpu.core_type = #tpu.core_type<tc>, window_params = [{transform_indices = @transform_0, window_bounds = array<i64: 4096, 256>}, {transform_indices = @transform_1, window_bounds = array<i64: 256, 256>}, {transform_indices = @transform_2, window_bounds = array<i64: 256, 512>}, {pipeline_mode = #tpu.pipeline_mode<synchronous>, transform_indices = @transform_3, window_bounds = array<i64: 256, 512>}, {transform_indices = @transform_4, window_bounds = array<i64: 256, 512>}, {transform_indices = @transform_5, window_bounds = array<i64: 1, 1, 512>}]} {
    %get3A = arith.constant 0 : index
    %get3A_0 = arith.constant 0 : index
    %get3A_1 = vector.load %arg1[%get3A, %get3A_0] : memref<4096x256xf32, #tpu.memory_space<vmem>>, vector<4096x256xf32>
    %reshape3A = vector.shape_cast %get3A_1 : vector<4096x256xf32> to vector<256x16x256xf32>
    %get3A_2 = arith.constant 0 : index
    %get3A_3 = arith.constant 0 : index
    %get3A_4 = vector.load %arg2[%get3A_2, %get3A_3] : memref<256x256xf32, #tpu.memory_space<vmem>>, vector<256x256xf32>
    %broadcast_in_dim3A = vector.shape_cast %get3A_4 : vector<256x256xf32> to vector<256x1x256xf32>
    %sub3A = vector.broadcast %broadcast_in_dim3A : vector<256x1x256xf32> to vector<256x16x256xf32>
    %sub3A_5 = arith.subf %reshape3A, %sub3A : vector<256x16x256xf32>
    %reshape3A_6 = vector.shape_cast %sub3A_5 : vector<256x16x256xf32> to vector<4096x256xf32>
    %get3A_7 = arith.constant 0 : index
    %get3A_8 = arith.constant 0 : index
    %get3A_9 = vector.load %arg4[%get3A_7, %get3A_8] : memref<256x512xf32, #tpu.memory_space<vmem>>, vector<256x512xf32>
    %dot_general3A = arith.constant dense<0.000000e+00> : vector<4096x512xf32>
    %dot_general3A_10 = tpu.matmul %reshape3A_6, %get3A_9, %dot_general3A {dimension_numbers = #tpu.dot_dimension_numbers<[1], [0], [0], [1], [0, 0, 1, 1], [], []>, transpose_lhs_hint = false} : vector<4096x256xf32>, vector<256x512xf32>, vector<4096x512xf32> -> vector<4096x512xf32>
    %reshape3A_11 = vector.shape_cast %dot_general3A_10 : vector<4096x512xf32> to vector<256x16x512xf32>
    %get3A_12 = arith.constant 0 : index
    %get3A_13 = arith.constant 0 : index
    %get3A_14 = vector.load %arg3[%get3A_12, %get3A_13] : memref<256x512xf32, #tpu.memory_space<vmem>>, vector<256x512xf32>
    %broadcast_in_dim3A_15 = vector.shape_cast %get3A_14 : vector<256x512xf32> to vector<256x1x512xf32>
    %add3A = vector.broadcast %broadcast_in_dim3A_15 : vector<256x1x512xf32> to vector<256x16x512xf32>
    %add3A_16 = arith.addf %reshape3A_11, %add3A : vector<256x16x512xf32>
    %max3A = arith.constant 0.000000e+00 : f32
    %max3A_17 = vector.broadcast %max3A : f32 to vector<256x16x512xf32>
    %max3A_18 = arith.maximumf %add3A_16, %max3A_17 : vector<256x16x512xf32>
    %reduce_sum3A = arith.constant dense<0.000000e+00> : vector<256x512xf32>
    %reduce_sum3A_19 = vector.multi_reduction <add>, %max3A_18, %reduce_sum3A [1] : vector<256x16x512xf32> to vector<256x512xf32>
    %swap3A = arith.constant 0 : index
    %swap3A_20 = arith.constant 0 : index
    %swap3A_21 = vector.load %arg5[%swap3A, %swap3A_20] : memref<256x512xf32, #tpu.memory_space<vmem>>, vector<256x512xf32>
    tpu.vector_store %arg5[%swap3A, %swap3A_20], %reduce_sum3A_19 {strides = array<i32>} : memref<256x512xf32, #tpu.memory_space<vmem>>, vector<256x512xf32>,
    %mul3A = arith.mulf %max3A_18, %max3A_18 : vector<256x16x512xf32>
    %reduce_sum3A_22 = arith.constant dense<0.000000e+00> : vector<512xf32>
    %reduce_sum3A_23 = vector.multi_reduction <add>, %mul3A, %reduce_sum3A_22 [0, 1] : vector<256x16x512xf32> to vector<512xf32>
    %reshape3A_24 = vector.shape_cast %reduce_sum3A_23 : vector<512xf32> to vector<1x1x512xf32>
    %swap3A_25 = arith.constant 0 : index
    %swap3A_26 = arith.constant 0 : index
    %swap3A_27 = arith.constant 0 : index
    %swap3A_28 = vector.load %arg6[%swap3A_25, %swap3A_26, %swap3A_27] : memref<1x1x512xf32, #tpu.memory_space<vmem>>, vector<1x1x512xf32>
    tpu.vector_store %arg6[%swap3A_25, %swap3A_26, %swap3A_27], %reshape3A_24 {strides = array<i32>} : memref<1x1x512xf32, #tpu.memory_space<vmem>>, vector<1x1x512xf32>,
    return
  }
  func.func @transform_0(%arg0: i32) -> (i32, i32) {
    %c0_i32 = arith.constant 0 : i32
    %c0_i32_0 = arith.constant 0 : i32
    return %arg0, %c0_i32 : i32, i32
  }
  func.func @transform_1(%arg0: i32) -> (i32, i32) {
    %c0_i32 = arith.constant 0 : i32
    %c0_i32_0 = arith.constant 0 : i32
    return %arg0, %c0_i32 : i32, i32
  }
  func.func @transform_2(%arg0: i32) -> (i32, i32) {
    %c0_i32 = arith.constant 0 : i32
    %c0_i32_0 = arith.constant 0 : i32
    return %arg0, %c0_i32 : i32, i32
  }
  func.func @transform_3(%arg0: i32) -> (i32, i32) {
    %c0_i32 = arith.constant 0 : i32
    %c0_i32_0 = arith.constant 0 : i32
    %c0_i32_1 = arith.constant 0 : i32
    return %c0_i32, %c0_i32_0 : i32, i32
  }
  func.func @transform_4(%arg0: i32) -> (i32, i32) {
    %c0_i32 = arith.constant 0 : i32
    %c0_i32_0 = arith.constant 0 : i32
    return %arg0, %c0_i32 : i32, i32
  }
  func.func @transform_5(%arg0: i32) -> (i32, i32, i32) {
    %c0_i32 = arith.constant 0 : i32
    %c0_i32_0 = arith.constant 0 : i32
    %c0_i32_1 = arith.constant 0 : i32
    return %arg0, %c0_i32, %c0_i32_0 : i32, i32, i32
  }
}

module attributes {stable_mosaic.version = 14 : i64} {
  func.func @_head_body(%arg0: memref<4096x512xf32, #tpu.memory_space<vmem>>, %arg1: memref<16x512xf32, #tpu.memory_space<vmem>>, %arg2: memref<512xf32, #tpu.memory_space<vmem>>, %arg3: memref<512xf32, #tpu.memory_space<vmem>>, %arg4: memref<512x512xf32, #tpu.memory_space<vmem>>, %arg5: memref<512xf32, #tpu.memory_space<vmem>>, %arg6: memref<512xf32, #tpu.memory_space<vmem>>, %arg7: memref<512xf32, #tpu.memory_space<vmem>>, %arg8: memref<512x1xf32, #tpu.memory_space<vmem>>, %arg9: memref<1xf32, #tpu.memory_space<vmem>>, %arg10: memref<1xf32, #tpu.memory_space<vmem>>, %arg11: memref<1xf32, #tpu.memory_space<vmem>>, %arg12: memref<16xf32, #tpu.memory_space<vmem>>) attributes {dimension_semantics = [], scalar_prefetch = 0 : i64, scratch_operands = 0 : i64, tpu.core_type = #tpu.core_type<tc>} {
    %get3A = arith.constant 0 : index
    %get3A_0 = arith.constant 0 : index
    %get3A_1 = vector.load %arg0[%get3A, %get3A_0] : memref<4096x512xf32, #tpu.memory_space<vmem>>, vector<4096x512xf32>
    %reduce_sum3A = arith.constant dense<0.000000e+00> : vector<512xf32>
    %reduce_sum3A_2 = vector.multi_reduction <add>, %get3A_1, %reduce_sum3A [0] : vector<4096x512xf32> to vector<512xf32>
    %div3A = arith.constant 6.553600e+04 : f32
    %div3A_3 = vector.broadcast %div3A : f32 to vector<512xf32>
    %div3A_4 = arith.divf %reduce_sum3A_2, %div3A_3 : vector<512xf32>
    %get3A_5 = arith.constant 0 : index
    %get3A_6 = arith.constant 0 : index
    %get3A_7 = vector.load %arg1[%get3A_5, %get3A_6] : memref<16x512xf32, #tpu.memory_space<vmem>>, vector<16x512xf32>
    %reduce_sum3A_8 = arith.constant dense<0.000000e+00> : vector<512xf32>
    %reduce_sum3A_9 = vector.multi_reduction <add>, %get3A_7, %reduce_sum3A_8 [0] : vector<16x512xf32> to vector<512xf32>
    %div3A_10 = arith.constant 6.553600e+04 : f32
    %div3A_11 = vector.broadcast %div3A_10 : f32 to vector<512xf32>
    %div3A_12 = arith.divf %reduce_sum3A_9, %div3A_11 : vector<512xf32>
    %mul3A = arith.mulf %div3A_4, %div3A_4 : vector<512xf32>
    %sub3A = arith.subf %div3A_12, %mul3A : vector<512xf32>
    %mul3A_13 = arith.constant 6.250000e-02 : f32
    %mul3A_14 = vector.broadcast %mul3A_13 : f32 to vector<4096x512xf32>
    %mul3A_15 = arith.mulf %get3A_1, %mul3A_14 : vector<4096x512xf32>
    %broadcast_in_dim3A = vector.shape_cast %div3A_4 : vector<512xf32> to vector<1x512xf32>
    %sub3A_16 = vector.broadcast %broadcast_in_dim3A : vector<1x512xf32> to vector<4096x512xf32>
    %sub3A_17 = arith.subf %mul3A_15, %sub3A_16 : vector<4096x512xf32>
    %add3A = arith.constant 9.99999974E-6 : f32
    %add3A_18 = vector.broadcast %add3A : f32 to vector<512xf32>
    %add3A_19 = arith.addf %sub3A, %add3A_18 : vector<512xf32>
    %rsqrt3A = math.rsqrt %add3A_19 : vector<512xf32>
    %broadcast_in_dim3A_20 = vector.shape_cast %rsqrt3A : vector<512xf32> to vector<1x512xf32>
    %mul3A_21 = vector.broadcast %broadcast_in_dim3A_20 : vector<1x512xf32> to vector<4096x512xf32>
    %mul3A_22 = arith.mulf %sub3A_17, %mul3A_21 : vector<4096x512xf32>
    %get3A_23 = arith.constant 0 : index
    %get3A_24 = vector.load %arg2[%get3A_23] : memref<512xf32, #tpu.memory_space<vmem>>, vector<512xf32>
    %broadcast_in_dim3A_25 = vector.shape_cast %get3A_24 : vector<512xf32> to vector<1x512xf32>
    %mul3A_26 = vector.broadcast %broadcast_in_dim3A_25 : vector<1x512xf32> to vector<4096x512xf32>
    %mul3A_27 = arith.mulf %mul3A_22, %mul3A_26 : vector<4096x512xf32>
    %get3A_28 = arith.constant 0 : index
    %get3A_29 = vector.load %arg3[%get3A_28] : memref<512xf32, #tpu.memory_space<vmem>>, vector<512xf32>
    %broadcast_in_dim3A_30 = vector.shape_cast %get3A_29 : vector<512xf32> to vector<1x512xf32>
    %add3A_31 = vector.broadcast %broadcast_in_dim3A_30 : vector<1x512xf32> to vector<4096x512xf32>
    %add3A_32 = arith.addf %mul3A_27, %add3A_31 : vector<4096x512xf32>
    %reshape3A = vector.shape_cast %add3A_32 : vector<4096x512xf32> to vector<16x256x512xf32>
    %reduce_sum3A_33 = arith.constant dense<0.000000e+00> : vector<16x512xf32>
    %reduce_sum3A_34 = vector.multi_reduction <add>, %reshape3A, %reduce_sum3A_33 [1] : vector<16x256x512xf32> to vector<16x512xf32>
    %div3A_35 = arith.constant 2.560000e+02 : f32
    %div3A_36 = vector.broadcast %div3A_35 : f32 to vector<16x512xf32>
    %div3A_37 = arith.divf %reduce_sum3A_34, %div3A_36 : vector<16x512xf32>
    %get3A_38 = arith.constant 0 : index
    %get3A_39 = arith.constant 0 : index
    %get3A_40 = vector.load %arg4[%get3A_38, %get3A_39] : memref<512x512xf32, #tpu.memory_space<vmem>>, vector<512x512xf32>
    %dot_general3A = arith.constant dense<0.000000e+00> : vector<16x512xf32>
    %dot_general3A_41 = tpu.matmul %div3A_37, %get3A_40, %dot_general3A {dimension_numbers = #tpu.dot_dimension_numbers<[1], [0], [0], [1], [0, 0, 1, 1], [], []>, transpose_lhs_hint = false} : vector<16x512xf32>, vector<512x512xf32>, vector<16x512xf32> -> vector<16x512xf32>
    %get3A_42 = arith.constant 0 : index
    %get3A_43 = vector.load %arg5[%get3A_42] : memref<512xf32, #tpu.memory_space<vmem>>, vector<512xf32>
    %broadcast_in_dim3A_44 = vector.shape_cast %get3A_43 : vector<512xf32> to vector<1x512xf32>
    %add3A_45 = vector.broadcast %broadcast_in_dim3A_44 : vector<1x512xf32> to vector<16x512xf32>
    %add3A_46 = arith.addf %dot_general3A_41, %add3A_45 : vector<16x512xf32>
    %max3A = arith.constant 0.000000e+00 : f32
    %max3A_47 = vector.broadcast %max3A : f32 to vector<16x512xf32>
    %max3A_48 = arith.maximumf %add3A_46, %max3A_47 : vector<16x512xf32>
    %reduce_sum3A_49 = arith.constant dense<0.000000e+00> : vector<512xf32>
    %reduce_sum3A_50 = vector.multi_reduction <add>, %max3A_48, %reduce_sum3A_49 [0] : vector<16x512xf32> to vector<512xf32>
    %div3A_51 = arith.constant 1.600000e+01 : f32
    %div3A_52 = vector.broadcast %div3A_51 : f32 to vector<512xf32>
    %div3A_53 = arith.divf %reduce_sum3A_50, %div3A_52 : vector<512xf32>
    %broadcast_in_dim3A_54 = vector.shape_cast %div3A_53 : vector<512xf32> to vector<1x512xf32>
    %sub3A_55 = vector.broadcast %broadcast_in_dim3A_54 : vector<1x512xf32> to vector<16x512xf32>
    %sub3A_56 = arith.subf %max3A_48, %sub3A_55 : vector<16x512xf32>
    %square3A = arith.mulf %sub3A_56, %sub3A_56 : vector<16x512xf32>
    %reduce_sum3A_57 = arith.constant dense<0.000000e+00> : vector<512xf32>
    %reduce_sum3A_58 = vector.multi_reduction <add>, %square3A, %reduce_sum3A_57 [0] : vector<16x512xf32> to vector<512xf32>
    %div3A_59 = arith.constant 1.600000e+01 : f32
    %div3A_60 = vector.broadcast %div3A_59 : f32 to vector<512xf32>
    %div3A_61 = arith.divf %reduce_sum3A_58, %div3A_60 : vector<512xf32>
    %broadcast_in_dim3A_62 = vector.shape_cast %div3A_53 : vector<512xf32> to vector<1x512xf32>
    %sub3A_63 = vector.broadcast %broadcast_in_dim3A_62 : vector<1x512xf32> to vector<16x512xf32>
    %sub3A_64 = arith.subf %max3A_48, %sub3A_63 : vector<16x512xf32>
    %add3A_65 = arith.constant 9.99999974E-6 : f32
    %add3A_66 = vector.broadcast %add3A_65 : f32 to vector<512xf32>
    %add3A_67 = arith.addf %div3A_61, %add3A_66 : vector<512xf32>
    %rsqrt3A_68 = math.rsqrt %add3A_67 : vector<512xf32>
    %broadcast_in_dim3A_69 = vector.shape_cast %rsqrt3A_68 : vector<512xf32> to vector<1x512xf32>
    %mul3A_70 = vector.broadcast %broadcast_in_dim3A_69 : vector<1x512xf32> to vector<16x512xf32>
    %mul3A_71 = arith.mulf %sub3A_64, %mul3A_70 : vector<16x512xf32>
    %get3A_72 = arith.constant 0 : index
    %get3A_73 = vector.load %arg6[%get3A_72] : memref<512xf32, #tpu.memory_space<vmem>>, vector<512xf32>
    %broadcast_in_dim3A_74 = vector.shape_cast %get3A_73 : vector<512xf32> to vector<1x512xf32>
    %mul3A_75 = vector.broadcast %broadcast_in_dim3A_74 : vector<1x512xf32> to vector<16x512xf32>
    %mul3A_76 = arith.mulf %mul3A_71, %mul3A_75 : vector<16x512xf32>
    %get3A_77 = arith.constant 0 : index
    %get3A_78 = vector.load %arg7[%get3A_77] : memref<512xf32, #tpu.memory_space<vmem>>, vector<512xf32>
    %broadcast_in_dim3A_79 = vector.shape_cast %get3A_78 : vector<512xf32> to vector<1x512xf32>
    %add3A_80 = vector.broadcast %broadcast_in_dim3A_79 : vector<1x512xf32> to vector<16x512xf32>
    %add3A_81 = arith.addf %mul3A_76, %add3A_80 : vector<16x512xf32>
    %get3A_82 = arith.constant 0 : index
    %get3A_83 = arith.constant 0 : index
    %get3A_84 = vector.load %arg8[%get3A_82, %get3A_83] : memref<512x1xf32, #tpu.memory_space<vmem>>, vector<512x1xf32>
    %dot_general3A_85 = arith.constant dense<0.000000e+00> : vector<16x1xf32>
    %dot_general3A_86 = tpu.matmul %add3A_81, %get3A_84, %dot_general3A_85 {dimension_numbers = #tpu.dot_dimension_numbers<[1], [0], [0], [1], [0, 0, 1, 1], [], []>, transpose_lhs_hint = false} : vector<16x512xf32>, vector<512x1xf32>, vector<16x1xf32> -> vector<16x1xf32>
    %get3A_87 = arith.constant 0 : index
    %get3A_88 = vector.load %arg9[%get3A_87] : memref<1xf32, #tpu.memory_space<vmem>>, vector<1xf32>
    %broadcast_in_dim3A_89 = vector.shape_cast %get3A_88 : vector<1xf32> to vector<1x1xf32>
    %add3A_90 = vector.broadcast %broadcast_in_dim3A_89 : vector<1x1xf32> to vector<16x1xf32>
    %add3A_91 = arith.addf %dot_general3A_86, %add3A_90 : vector<16x1xf32>
    %max3A_92 = arith.constant 0.000000e+00 : f32
    %max3A_93 = vector.broadcast %max3A_92 : f32 to vector<16x1xf32>
    %max3A_94 = arith.maximumf %add3A_91, %max3A_93 : vector<16x1xf32>
    %reduce_sum3A_95 = arith.constant dense<0.000000e+00> : vector<1xf32>
    %reduce_sum3A_96 = vector.multi_reduction <add>, %max3A_94, %reduce_sum3A_95 [0] : vector<16x1xf32> to vector<1xf32>
    %div3A_97 = arith.constant 1.600000e+01 : f32
    %div3A_98 = vector.broadcast %div3A_97 : f32 to vector<1xf32>
    %div3A_99 = arith.divf %reduce_sum3A_96, %div3A_98 : vector<1xf32>
    %broadcast_in_dim3A_100 = vector.shape_cast %div3A_99 : vector<1xf32> to vector<1x1xf32>
    %sub3A_101 = vector.broadcast %broadcast_in_dim3A_100 : vector<1x1xf32> to vector<16x1xf32>
    %sub3A_102 = arith.subf %max3A_94, %sub3A_101 : vector<16x1xf32>
    %square3A_103 = arith.mulf %sub3A_102, %sub3A_102 : vector<16x1xf32>
    %reduce_sum3A_104 = arith.constant dense<0.000000e+00> : vector<1xf32>
    %reduce_sum3A_105 = vector.multi_reduction <add>, %square3A_103, %reduce_sum3A_104 [0] : vector<16x1xf32> to vector<1xf32>
    %div3A_106 = arith.constant 1.600000e+01 : f32
    %div3A_107 = vector.broadcast %div3A_106 : f32 to vector<1xf32>
    %div3A_108 = arith.divf %reduce_sum3A_105, %div3A_107 : vector<1xf32>
    %broadcast_in_dim3A_109 = vector.shape_cast %div3A_99 : vector<1xf32> to vector<1x1xf32>
    %sub3A_110 = vector.broadcast %broadcast_in_dim3A_109 : vector<1x1xf32> to vector<16x1xf32>
    %sub3A_111 = arith.subf %max3A_94, %sub3A_110 : vector<16x1xf32>
    %add3A_112 = arith.constant 9.99999974E-6 : f32
    %add3A_113 = vector.broadcast %add3A_112 : f32 to vector<1xf32>
    %add3A_114 = arith.addf %div3A_108, %add3A_113 : vector<1xf32>
    %rsqrt3A_115 = math.rsqrt %add3A_114 : vector<1xf32>
    %broadcast_in_dim3A_116 = vector.shape_cast %rsqrt3A_115 : vector<1xf32> to vector<1x1xf32>
    %mul3A_117 = vector.broadcast %broadcast_in_dim3A_116 : vector<1x1xf32> to vector<16x1xf32>
    %mul3A_118 = arith.mulf %sub3A_111, %mul3A_117 : vector<16x1xf32>
    %get3A_119 = arith.constant 0 : index
    %get3A_120 = vector.load %arg10[%get3A_119] : memref<1xf32, #tpu.memory_space<vmem>>, vector<1xf32>
    %broadcast_in_dim3A_121 = vector.shape_cast %get3A_120 : vector<1xf32> to vector<1x1xf32>
    %mul3A_122 = vector.broadcast %broadcast_in_dim3A_121 : vector<1x1xf32> to vector<16x1xf32>
    %mul3A_123 = arith.mulf %mul3A_118, %mul3A_122 : vector<16x1xf32>
    %get3A_124 = arith.constant 0 : index
    %get3A_125 = vector.load %arg11[%get3A_124] : memref<1xf32, #tpu.memory_space<vmem>>, vector<1xf32>
    %broadcast_in_dim3A_126 = vector.shape_cast %get3A_125 : vector<1xf32> to vector<1x1xf32>
    %add3A_127 = vector.broadcast %broadcast_in_dim3A_126 : vector<1x1xf32> to vector<16x1xf32>
    %add3A_128 = arith.addf %mul3A_123, %add3A_127 : vector<16x1xf32>
    %squeeze3A = vector.shape_cast %add3A_128 : vector<16x1xf32> to vector<16xf32>
    %logistic3A = arith.negf %squeeze3A : vector<16xf32>
    %logistic3A_129 = math.exp %logistic3A : vector<16xf32>
    %logistic3A_130 = arith.constant 1.000000e+00 : f32
    %logistic3A_131 = vector.broadcast %logistic3A_130 : f32 to vector<16xf32>
    %logistic3A_132 = arith.addf %logistic3A_131, %logistic3A_129 : vector<16xf32>
    %logistic3A_133 = arith.divf %logistic3A_131, %logistic3A_132 : vector<16xf32>
    %swap3A = arith.constant 0 : index
    %swap3A_134 = vector.load %arg12[%swap3A] : memref<16xf32, #tpu.memory_space<vmem>>, vector<16xf32>
    tpu.vector_store %arg12[%swap3A], %logistic3A_133 {strides = array<i32>} : memref<16xf32, #tpu.memory_space<vmem>>, vector<16xf32>,
    return
  }
}

</mosaic_0001>

<sc_bundles>
// kernel: kernel.12.cloned.1.call-start
scs
__scs_entry_jumppad:
0x0: {  	(pc) =	sbr.rel $0x88, $3  }
0x1: {  	(tag) =	ssettag $0x0;
	lr =	simm.s32 $0x1  }
0x2: {  	[smem:$0x3F8B] =	sst lr;
	_ =	strace $0xD0000000  }
0x3: {  	_ = 	snop  }
0x4: {  	_ = 	snop  }
0x5: {  	_ = 	snop  }
0x6: {  	_ = 	snop  }
0x7: {  	_ = 	snop  }
__scs_overlays_trampoline_lowered:
0x8: {  	[smem:$0x3F9A] =	sst s0  }
0x9: {  	[smem:$0x3F9B] =	sst s1  }
0xa: {  	[smem:$0x3F9C] =	sst s2  }
0xb: {  	[smem:$0x3F9D] =	sst s3  }
0xc: {  	[smem:$0x3F9E] =	sst s4  }
0xd: {  	[smem:$0x3F9F] =	sst s5  }
0xe: {  	[smem:$0x3FA0] =	sst s6  }
0xf: {  	[smem:$0x3FA1] =	sst s7  }
0x10: {  	[smem:$0x3FA2] =	sst s8  }
0x11: {  	[smem:$0x3FA3] =	sst s9;
	s0 =	simm.s32 @!p0 $0x0  }
0x12: {  	s1 =	sld [smem:$0x3F89];
	s0 =	simm.s32 @p0 $0x1  }
0x13: {  	[smem:$0x3FA4] =	sst s0;
	s0 =	simm.s32 @!p1 $0x0  }
0x14: {  	s2 =	sld [smem:$0x3F88];
	s0 =	simm.s32 @p1 $0x1  }
0x15: {  	[smem:$0x3FA5] =	sst s0;
	s0 =	simm.s32 @!p2 $0x0  }
0x16: {  	s3 =	sld [smem:$0x3FDB];
	s0 =	simm.s32 @p2 $0x1  }
0x17: {  	s4 =	simm.s32 $0x1BF5;
	[smem:$0x3FA7] =	sst s0  }
0x18: {  	s0 =	sld [smem:$0x3F8A];
	_ =	swait.ge [sflag:s4], $0x0  }
0x19: {  	s7 =	sld [smem:$0x3F8B]  }
0x1a: {  	s8 =	sadd.s32 $0xFFFFE003, lr  }
0x1b: {  	s9 =	sadd.s32 $0xFFFFFEF7, lr;
	s5 =	simm.s32 $0xFFFFFFFF;
	p2 =	slt.u32 s8, $0xFFFFF086  }
0x1c: {  	p1 =	slt.u32 s9, $0xF7A;
	s5 =	simm.s32 @!p2 $0x0  }
0x1d: {  	s5 =	simm.s32 @p1 $0x1;
	p0 =	seq.s32 s7, s2  }
0x1e: {  	s7 =	smul.u32 @!p0 $0xF7A, s2;
	p2 =	seq.s32 @!p0 s5, $0x0  }
0x1f: {  	s9 =	smul.u32 $0xF7A, s1;
	s8 =	simm.s32 @!p0 $0x1BF5;
	p2 =	por !p2, p0  }
0x20: {  	[sflag:s8] =	ssyncset.s32 @!p0 $0xFFFFF086;
	s6 =	sadd.s32 @!p0 s3, s7;
	s7 =	simm.s32 @!p0 $0x108  }
0x21: {  	s3 =	sadd.s32 s3, s9;
	s6 =	sadd.s32 @!p0 $0x88, s6;
	s7 =	simm.s32 @p2 $0x1082  }
0x22: {  	[simem:s7], [sflag:s8] =	dma.local @!p0 [hbm:s6], $0xF7A  }
0x23: {  	s9 =	sor.u32 $0xD0000000, s2;
	s6 =	simm.s32 $0x108;
	_ =	swait.ge @!p0 [sflag:s8], $0x0  }
0x24: {  	s3 =	sadd.s32 $0x88, s3;
	s6 =	simm.s32 @!p1 $0x1082;
	[sflag:s4] =	ssyncset.s32 $0xFFFFF086  }
0x25: {  	[simem:s6], [sflag:s4] =	dma.local [hbm:s3], $0xF7A  }
0x26: {  	[smem:$0x3F8B] =	sst s1;
	(tag) =	ssettag s2;
	_ =	strace s9  }
0x27: {  	s1 =	sld [smem:$0x3F9B]  }
0x28: {  	s2 =	sld [smem:$0x3F9C]  }
0x29: {  	s4 =	sld [smem:$0x3F9E]  }
0x2a: {  	p0 =	seq.s32 s5, $0x0;
	s5 =	sld [smem:$0x3F9F]  }
0x2b: {  	s6 =	sld [smem:$0x3FA0]  }
0x2c: {  	s7 =	sld [smem:$0x3FA1]  }
0x2d: {  	s3 =	simm.s32 $0x108;
	s8 =	sld [smem:$0x3FA2]  }
0x2e: {  	s3 =	simm.s32 @!p0 $0x1082;
	s9 =	sld [smem:$0x3FA3]  }
0x2f: {  	lr =	sadd.s32 s0, s3;
	s0 =	sld [smem:$0x3F9A]  }
0x30: {  	s3 =	sld [smem:$0x3F9D]  }
0x31: {  	[smem:$0x3FA6] =	sst s10  }
0x32: {  	s10 =	sld [smem:$0x3FA4];
	_ =	sdelay $0x3  }
0x33: {  	p0 =	seq.s32 s10, $0x1;
	s10 =	sld [smem:$0x3FA6];
	_ =	sdelay $0x3  }
0x34: {  	[smem:$0x3FA6] =	sst s10  }
0x35: {  	s10 =	sld [smem:$0x3FA5];
	_ =	sdelay $0x3  }
0x36: {  	p1 =	seq.s32 s10, $0x1;
	s10 =	sld [smem:$0x3FA6];
	_ =	sdelay $0x3  }
0x37: {  	[smem:$0x3FA6] =	sst s10  }
0x38: {  	s10 =	sld [smem:$0x3FA7]  }
0x39: {  	_ = 	snop;
	(pc) =	sbr.ind lr, $3  }
0x3a: {  	_ = 	snop  }
0x3b: {  	_ = 	snop  }
0x3c: {  	p2 =	seq.s32 s10, $0x1;
	s10 =	sld [smem:$0x3FA6]  }
0x3d: {  	_ =	shalt  }
0x3e: {  	_ =	shalt  }
0x3f: {  	_ =	shalt  }
0x40: {  	_ =	shalt  }
0x41: {  	_ =	shalt  }
0x42: {  	_ =	shalt  }
0x43: {  	_ =	shalt  }
0x44: {  	_ =	shalt  }
0x45: {  	_ =	shalt  }
0x46: {  	_ =	shalt  }
0x47: {  	_ =	shalt  }
0x48: {  	_ =	shalt  }
0x49: {  	_ =	shalt  }
0x4a: {  	_ =	shalt  }
0x4b: {  	_ =	shalt  }
0x4c: {  	_ =	shalt  }
0x4d: {  	_ =	shalt  }
0x4e: {  	_ =	shalt  }
0x4f: {  	_ =	shalt  }
0x50: {  	_ =	shalt  }
0x51: {  	_ =	shalt  }
0x52: {  	_ =	shalt  }
0x53: {  	_ =	shalt  }
0x54: {  	_ =	shalt  }
0x55: {  	_ =	shalt  }
0x56: {  	_ =	shalt  }
0x57: {  	_ =	shalt  }
0x58: {  	_ =	shalt  }
0x59: {  	_ =	shalt  }
0x5a: {  	_ =	shalt  }
0x5b: {  	_ =	shalt  }
0x5c: {  	_ =	shalt  }
0x5d: {  	_ =	shalt  }
0x5e: {  	_ =	shalt  }
0x5f: {  	_ =	shalt  }
0x60: {  	_ =	shalt  }
0x61: {  	_ =	shalt  }
0x62: {  	_ =	shalt  }
0x63: {  	_ =	shalt  }
0x64: {  	_ =	shalt  }
0x65: {  	_ =	shalt  }
0x66: {  	_ =	shalt  }
0x67: {  	_ =	shalt  }
0x68: {  	_ =	shalt  }
0x69: {  	_ =	shalt  }
0x6a: {  	_ =	shalt  }
0x6b: {  	_ =	shalt  }
0x6c: {  	_ =	shalt  }
0x6d: {  	_ =	shalt  }
0x6e: {  	_ =	shalt  }
0x6f: {  	_ =	shalt  }
0x70: {  	_ =	shalt  }
0x71: {  	_ =	shalt  }
0x72: {  	_ =	shalt  }
0x73: {  	_ =	shalt  }
0x74: {  	_ =	shalt  }
0x75: {  	_ =	shalt  }
0x76: {  	_ =	shalt  }
0x77: {  	_ =	shalt  }
0x78: {  	_ =	shalt  }
0x79: {  	_ =	shalt  }
0x7a: {  	_ =	shalt  }
0x7b: {  	_ =	shalt  }
0x7c: {  	_ =	shalt  }
0x7d: {  	_ =	shalt  }
0x7e: {  	_ =	shalt  }
0x7f: {  	_ =	shalt  }
0x80: {  	_ =	shalt  }
0x81: {  	_ =	shalt  }
0x82: {  	_ =	shalt  }
0x83: {  	_ =	shalt  }
0x84: {  	_ =	shalt  }
0x85: {  	_ =	shalt  }
0x86: {  	_ =	shalt  }
0x87: {  	_ =	shalt  }
.Lfunc_end0:
.L_simem_size_0:
called_computation_lowered:
.L_overlay_start_0:
0x88: {  	s2 =	sld [smem:$0x3FD9]  }
0x89: {  	s3 =	sld [smem:$0x3FFE];
	_ =	sdelay $0x1  }
0x8a: {  	s1 =	srdreg.scid  }
0x8b: {  	s0 =	sand.u32 $0x1, s1  }
0x8c: {  	s16 =	sshll.u32 s0, $0xA;
	s2 =	sadd.s32 s3, s2  }
0x8d: {  	s2 =	sadd.s32 s2, s16  }
0x8e: {  	[smem:$0x3FB2] =	sst s2  }
0x8f: {  	_ = 	snop  }
0x90: {  	(tm) =	ssettm $0x1  }
0x91: {  	s17 =	sld [smem:$0x3FFB];
	_ =	sdelay $0x3  }
0x92: {  	_ =	strace s17  }
0x93: {  	s2 =	sld [smem:$0x3FFC];
	_ =	sdelay $0x3  }
0x94: {  	_ =	strace s2  }
0x95: {  	s2 =	sld [smem:$0x3FFD];
	_ =	sdelay $0x3  }
0x96: {  	_ =	strace s2  }
0x97: {  	_ =	strace $0x8FFFFFFF  }
0x98: {  	s18 =	sld [smem:$0x3FDB];
	_ =	sdelay $0x1  }
0x99: {  	s19 =	simm.s32 $_scs_section_size  }
0x9a: {  	s4 =	simm.s32 $_size__tile_overlayer_lowered;
	s5 =	simm.s32 $_tile_overlayer_lowered  }
0x9b: {  	s22 =	simm.s32 $0x1BFF;
	s21 =	sshll.u32 s5, $0x1;
	s2 =	sadd.s32 s19, s18  }
0x9c: {  	s6 =	simm.s32 $0x0;
	s20 =	sshll.u32 s4, $0x1;
	s4 =	sadd.s32 s21, s2  }
0x9d: {  	[timem:s6], [sflag:s22] =	dma.local [hbm:s4], s20  }
0x9e: {  	_ =	swait.ge [sflag:s22], s20  }
0x9f: {  	s3 =	ssub.s32 $0x0, s20;
	[sflag:s22] =	ssyncset.done $0x0  }
0xa0: {  	[sflag:s22] =	ssyncadd.s32 s3;
	_ =	sdelay $0x1  }
0xa1: {  	s23 =	simm.s32 $0x1B8B  }
0xa2: {  	_ =	swait.ge [sflag:s23], $0x1  }
0xa3: {  	[sflag:s23] =	ssyncset.done $0x0  }
0xa4: {  	s25 =	simm.s32 $0x1B8E;
	s24 =	sld [smem:$0x3FFE];
	[sflag:s23] =	ssyncadd.s32 $0xFFFFFFFF  }
0xa5: {  	s26 =	simm.s32 $execute0_lowered;
	[smem:$0x3FD2] =	sst s25  }
0xa6: {  	s4 =	sshll.u32 s26, $0x1;
	_ =	strace $0x80000046;
	[dreg:$0x1] =	wrdreg $0xFFFFFFFF  }
0xa7: {  	s28 =	simm.s32 $_size_execute0_lowered;
	s2 =	sadd.s32 s2, s4;
	[dreg:$0x0] =	wrdreg $0x0  }
0xa8: {  	s4 =	sshll.u32 s28, $0x1;
	[dreg:$0x2] =	wrdreg s2  }
0xa9: {  	[dreg:$0x3] =	wrdreg s4  }
0xaa: {  	[dreg:$0x4] =	wrdreg $0xC0  }
0xab: {  	_ =	task [dreg:s6], $0x5FFFF  }
0xac: {  	[dreg:$0x1] =	wrdreg $0xFFFFFFFF  }
0xad: {  	[dreg:$0x0] =	wrdreg $0x60  }
0xae: {  	[dreg:$0x2] =	wrdreg s24  }
0xaf: {  	[dreg:$0x3] =	wrdreg $0x9  }
0xb0: {  	_ =	task.clear_ibuf [dreg:s6], $0x4FFFF;
	_ =	strace $0x90000046  }
0xb1: {  	s29 =	simm.s32 $0x9;
	_ =	strace $0x80000048  }
0xb2: {  	_ =	swait.ge [sflag:s29], $0x1  }
0xb3: {  	[sflag:s29] =	ssyncadd.s32 $0xFFFFFFFF  }
0xb4: {  	_ =	strace $0x90000048  }
0xb5: {  	_ =	sfence  }
0xb6: {  	s30 =	sld [smem:$0x0];
	_ =	sdelay $0x2  }
0xb7: {  	s31 =	sshll.u32 s1, $0xD;
	s1 =	sshrl.u32 s1, $0x2  }
0xb8: {  	s3 =	sand.u32 $0x4000, s31;
	s1 =	sadd.s32 s1, s30  }
0xb9: {  	s0 =	sor.u32 s3, s0;
	s1 =	sshll.u32 s1, $0x11  }
0xba: {  	s0 =	sor.u32 s1, s0  }
0xbb: {  	s0 =	sadd.s32 $0x8F2B, s0  }
0xbc: {  	[sflag:s0] =	ssyncadd.remote.s32 $0x1  }
0xbd: {  	_ =	sfence.sel $0xFFFF  }
0xbe: {  	[dreg:$0x0] =	wrdreg $0xFFFFFFFF;
	(pc) =	sbr.abs _section_cstart, $3  }
0xbf: {  	[dreg:$0x1] =	wrdreg $0xFFFFFFFF  }
0xc0: {  	_ =	task.clear_ibuf [dreg:s6], $0x2FFFF;
	_ =	strace $0x9FFFFFFF  }
0xc1: {  	(tm) =	ssettm $0x7FFFFFFF  }
tec
execute0_lowered:
.L_overlay_start_1:
0x0: {  	(tag) =	ssettag $0x1  }
0x1: {  	s0 =	srdreg.scid  }
0x2: {  	s2 =	stileid.u32;
	s1 =	sand.u32 $0x1, s0  }
0x3: {  	s0 =	sor.u32 s1, s2  }
0x4: {  	p1 =	seq.s32 s1, $0x1;
	p0 =	seq.s32 s0, $0x0  }
0x5: {  	p0 =	por !p0, !p1  }
0x6: {  	s0 =	simm.s32 $0x1;
	p0 =	por !p0, !p0  }
0x7: {  	s6 =	rddreg [dreg:$0x0];
	s0 =	simm.s32 @!p0 $0x0  }
0x8: {  	s3 =	simm.s32 $0x600;
	s31 =	sadd.s32 $0x11800, s6;
	s0 =	ssub.s32 s2, s0  }
0x9: {  	s3 =	simm.s32 @!p1 $0x0;
	s2 =	sshrl.u32 s0, $0x3;
	s5 =	smul.u32 $0xC00, s0  }
0xa: {  	s0 =	sshll.u32 s0, $0x7;
	s4 =	smul.u32 $0x6000, s2;
	s2 =	simm.s32 $0x0  }
0xb: {  	s7 =	sshll.u32 s3, $0x3;
	s0 =	sand.u32 $0x380, s0;
	[smem:$0x7FF] =	sst s2  }
0xc: {  	s3 =	sadd.s32 s3, s5;
	s4 =	sadd.s32 s7, s4;
	_ =	strace $0x80000047  }
0xd: {  	s17 =	sshll.u32 s3, $0x4;
	[dreg:$0x8] =	wrdreg s31;
	s0 =	sor.u32 s0, s4  }
0xe: {  	s18 =	sand.u32 $0x1FFFE000, s17;
	s19 =	sadd.s32 s31, s17;
	s0 =	sshrl.u32 s0, $0x3  }
0xf: {  	s20 =	sadd.s32 s18, s31;
	[dreg:$0x3] =	wrdreg s19;
	s0 =	sadd.s32 s6, s0  }
0x10: {  	s4 =	simm.s32 $0x80;
	s21 =	sadd.s32 $0x800, s20;
	[dreg:$0x2] =	wrdreg s0  }
0x11: {  	s5 =	sadd.s32 $0x1000, s20;
	[dreg:$0x4] =	wrdreg s21;
	s0 =	sshll.u32 s3, $0x7  }
0x12: {  	s22 =	sadd.s32 $0x1800, s20;
	[dreg:$0x5] =	wrdreg s5;
	s23 =	sadd.s32 $0x10000, s0  }
0x13: {  	s5 =	simm.s32 $0x400;
	s25 =	rddreg [dreg:$0x2];
	s24 =	sshrl.u32 s23, $0x3  }
0x14: {  	[tilespmem:s2], [sflag:$0x5] =	stream.strided.gather [hbm4b:s25+s4], $0x600, s5, s4, $0x38;
	[tilespmem:$0x10600] =	vst v63  }
0x15: {  	[dreg:$0x6] =	wrdreg s22;
	s3 =	sadd.s32 s31, s24  }
0x16: {  	[dreg:$0x7] =	wrdreg s3;
	s3 =	simm.s32 $0x5  }
0x17: {  	_ =	swait.ge [sflag:s3], $0x600  }
0x18: {  	[sflag:s3] =	ssyncset.done $0x0  }
0x19: {  	s7 =	simm.s32 $0x600;
	s6 =	sadd.s32 $0x1800, s6;
	[sflag:s3] =	ssyncadd.s32 $0xFFFFFA00  }
0x1a: {  	[tilespmem:s7], [sflag:$0x1] =	stream.indirect.gather [hbm4b:s6+s4], $0x80, s2, s4, $0xb8;
	[tilespmem:$0x10600] =	vst v63  }
0x1b: {  	s8 =	simm.s32 $0x4600  }
0x1c: {  	[tilespmem:s8], [sflag:$0x2] =	stream.indirect.gather [hbm4b:s6+s4], $0x80, s4, s4, $0xb8;
	[tilespmem:$0x10600] =	vst v63  }
0x1d: {  	s9 =	simm.s32 $0x100;
	s10 =	simm.s32 $0x8600  }
0x1e: {  	[tilespmem:s10], [sflag:$0x3] =	stream.indirect.gather [hbm4b:s6+s4], $0x80, s9, s4, $0xb8;
	[tilespmem:$0x10600] =	vst v63  }
0x1f: {  	s11 =	simm.s32 $0x1;
	s12 =	simm.s32 $0x180;
	s13 =	simm.s32 $0xC600  }
0x20: {  	[tilespmem:s13], [sflag:$0x4] =	stream.indirect.gather [hbm4b:s6+s4], $0x80, s12, s4, $0xb8;
	[tilespmem:$0x10600] =	vst v63  }
0x21: {  	_ =	swait.ge [sflag:s11], $0x4000  }
0x22: {  	[sflag:s11] =	ssyncset.done $0x0  }
0x23: {  	s14 =	rddreg [dreg:$0x3];
	[sflag:s11] =	ssyncadd.s32 $0xFFFFC000  }
0x24: {  	[hbm4b:s14+s2] =	stream.linear.scatter [tilespmem:s7], [sflag:$0x5], $0x4000, $0x38;
	[tilespmem:$0x10600] =	vst v63  }
0x25: {  	_ =	swait.ge [sflag:s3], $0x4000  }
0x26: {  	[sflag:s3] =	ssyncset.done $0x0  }
0x27: {  	s15 =	simm.s32 $0x2;
	s14 =	simm.s32 $0x200;
	[sflag:s3] =	ssyncadd.s32 $0xFFFFC000  }
0x28: {  	[tilespmem:s7], [sflag:$0x1] =	stream.indirect.gather [hbm4b:s6+s4], $0x80, s14, s4, $0xb8;
	[tilespmem:$0x10600] =	vst v63  }
0x29: {  	_ =	swait.ge [sflag:s15], $0x4000  }
0x2a: {  	[sflag:s15] =	ssyncset.done $0x0  }
0x2b: {  	s16 =	rddreg [dreg:$0x4];
	[sflag:s15] =	ssyncadd.s32 $0xFFFFC000  }
0x2c: {  	[hbm4b:s16+s2] =	stream.linear.scatter [tilespmem:s8], [sflag:$0x5], $0x4000, $0x38;
	[tilespmem:$0x10600] =	vst v63  }
0x2d: {  	_ =	swait.ge [sflag:s3], $0x4000  }
0x2e: {  	[sflag:s3] =	ssyncset.done $0x0  }
0x2f: {  	s17 =	simm.s32 $0x3;
	s16 =	simm.s32 $0x280;
	[sflag:s3] =	ssyncadd.s32 $0xFFFFC000  }
0x30: {  	[tilespmem:s8], [sflag:$0x2] =	stream.indirect.gather [hbm4b:s6+s4], $0x80, s16, s4, $0xb8;
	[tilespmem:$0x10600] =	vst v63  }
0x31: {  	_ =	swait.ge [sflag:s17], $0x4000  }
0x32: {  	[sflag:s17] =	ssyncset.done $0x0  }
0x33: {  	s18 =	rddreg [dreg:$0x5];
	[sflag:s17] =	ssyncadd.s32 $0xFFFFC000  }
0x34: {  	[hbm4b:s18+s2] =	stream.linear.scatter [tilespmem:s10], [sflag:$0x5], $0x4000, $0x38;
	[tilespmem:$0x10600] =	vst v63  }
0x35: {  	_ =	swait.ge [sflag:s3], $0x4000  }
0x36: {  	[sflag:s3] =	ssyncset.done $0x0  }
0x37: {  	s19 =	simm.s32 $0x4;
	s18 =	simm.s32 $0x300;
	[sflag:s3] =	ssyncadd.s32 $0xFFFFC000  }
0x38: {  	[tilespmem:s10], [sflag:$0x3] =	stream.indirect.gather [hbm4b:s6+s4], $0x80, s18, s4, $0xb8;
	[tilespmem:$0x10600] =	vst v63  }
0x39: {  	_ =	swait.ge [sflag:s19], $0x4000  }
0x3a: {  	[sflag:s19] =	ssyncset.done $0x0  }
0x3b: {  	s20 =	rddreg [dreg:$0x6];
	[sflag:s19] =	ssyncadd.s32 $0xFFFFC000  }
0x3c: {  	[hbm4b:s20+s2] =	stream.linear.scatter [tilespmem:s13], [sflag:$0x5], $0x4000, $0x38;
	[tilespmem:$0x10600] =	vst v63  }
0x3d: {  	_ =	swait.ge [sflag:s3], $0x4000  }
0x3e: {  	[sflag:s3] =	ssyncset.done $0x0  }
0x3f: {  	s20 =	simm.s32 $0x380;
	[sflag:s3] =	ssyncadd.s32 $0xFFFFC000  }
0x40: {  	[tilespmem:s13], [sflag:$0x4] =	stream.indirect.gather [hbm4b:s6+s4], $0x80, s20, s4, $0xb8;
	[tilespmem:$0x10600] =	vst v63  }
0x41: {  	_ =	swait.ge [sflag:s11], $0x4000  }
0x42: {  	[sflag:s11] =	ssyncset.done $0x0  }
0x43: {  	s21 =	rddreg [dreg:$0x7];
	[sflag:s11] =	ssyncadd.s32 $0xFFFFC000  }
0x44: {  	[hbm4b:s21+s2] =	stream.linear.scatter [tilespmem:s7], [sflag:$0x5], $0x4000, $0x38;
	[tilespmem:$0x10600] =	vst v63  }
0x45: {  	_ =	swait.ge [sflag:s3], $0x4000  }
0x46: {  	[sflag:s3] =	ssyncset.done $0x0  }
0x47: {  	[sflag:s3] =	ssyncadd.s32 $0xFFFFC000  }
0x48: {  	[tilespmem:s7], [sflag:$0x1] =	stream.indirect.gather [hbm4b:s6+s4], $0x80, s5, s4, $0xb8;
	[tilespmem:$0x10600] =	vst v63  }
0x49: {  	s26 =	sadd.s32 $0x14000, s0;
	_ =	swait.ge [sflag:s15], $0x4000  }
0x4a: {  	s21 =	sshrl.u32 s26, $0x3;
	[sflag:s15] =	ssyncset.done $0x0  }
0x4b: {  	s21 =	sadd.s32 s31, s21;
	[sflag:s15] =	ssyncadd.s32 $0xFFFFC000  }
0x4c: {  	[hbm4b:s21+s2] =	stream.linear.scatter [tilespmem:s8], [sflag:$0x5], $0x4000, $0x38;
	[tilespmem:$0x10600] =	vst v63  }
0x4d: {  	_ =	swait.ge [sflag:s3], $0x4000  }
0x4e: {  	[sflag:s3] =	ssyncset.done $0x0  }
0x4f: {  	s22 =	simm.s32 $0x480;
	[sflag:s3] =	ssyncadd.s32 $0xFFFFC000  }
0x50: {  	[tilespmem:s8], [sflag:$0x2] =	stream.indirect.gather [hbm4b:s6+s4], $0x80, s22, s4, $0xb8;
	[tilespmem:$0x10600] =	vst v63  }
0x51: {  	s23 =	sadd.s32 $0x18000, s0;
	_ =	swait.ge [sflag:s17], $0x4000  }
0x52: {  	s23 =	sshrl.u32 s23, $0x3;
	[sflag:s17] =	ssyncset.done $0x0  }
0x53: {  	s23 =	sadd.s32 s31, s23;
	[sflag:s17] =	ssyncadd.s32 $0xFFFFC000  }
0x54: {  	[hbm4b:s23+s2] =	stream.linear.scatter [tilespmem:s10], [sflag:$0x5], $0x4000, $0x38;
	[tilespmem:$0x10600] =	vst v63  }
0x55: {  	_ =	swait.ge [sflag:s3], $0x4000  }
0x56: {  	[sflag:s3] =	ssyncset.done $0x0  }
0x57: {  	s24 =	simm.s32 $0x500;
	[sflag:s3] =	ssyncadd.s32 $0xFFFFC000  }
0x58: {  	[tilespmem:s10], [sflag:$0x3] =	stream.indirect.gather [hbm4b:s6+s4], $0x80, s24, s4, $0xb8;
	[tilespmem:$0x10600] =	vst v63  }
0x59: {  	s25 =	sadd.s32 $0x1C000, s0;
	_ =	swait.ge [sflag:s19], $0x4000  }
0x5a: {  	s25 =	sshrl.u32 s25, $0x3;
	[sflag:s19] =	ssyncset.done $0x0  }
0x5b: {  	s25 =	sadd.s32 s31, s25;
	[sflag:s19] =	ssyncadd.s32 $0xFFFFC000  }
0x5c: {  	[hbm4b:s25+s2] =	stream.linear.scatter [tilespmem:s13], [sflag:$0x5], $0x4000, $0x38;
	[tilespmem:$0x10600] =	vst v63  }
0x5d: {  	_ =	swait.ge [sflag:s3], $0x4000  }
0x5e: {  	[sflag:s3] =	ssyncset.done $0x0  }
0x5f: {  	s26 =	simm.s32 $0x580;
	[sflag:s3] =	ssyncadd.s32 $0xFFFFC000  }
0x60: {  	[tilespmem:s13], [sflag:$0x4] =	stream.indirect.gather [hbm4b:s6+s4], $0x80, s26, s4, $0xb8;
	[tilespmem:$0x10600] =	vst v63  }
0x61: {  	s28 =	sadd.s32 $0x20000, s0;
	_ =	swait.ge [sflag:s11], $0x4000  }
0x62: {  	s28 =	sshrl.u32 s28, $0x3;
	[sflag:s11] =	ssyncset.done $0x0  }
0x63: {  	s28 =	sadd.s32 s31, s28;
	[sflag:s11] =	ssyncadd.s32 $0xFFFFC000  }
0x64: {  	[hbm4b:s28+s2] =	stream.linear.scatter [tilespmem:s7], [sflag:$0x5], $0x4000, $0x38;
	[tilespmem:$0x10600] =	vst v63  }
0x65: {  	_ =	swait.ge [sflag:s3], $0x4000  }
0x66: {  	[sflag:s3] =	ssyncset.done $0x0  }
0x67: {  	[sflag:s3] =	ssyncadd.s32 $0xFFFFC000  }
0x68: {  	s29 =	sadd.s32 $0x24000, s0;
	_ =	swait.ge [sflag:s15], $0x4000  }
0x69: {  	s29 =	sshrl.u32 s29, $0x3;
	[sflag:s15] =	ssyncset.done $0x0  }
0x6a: {  	s29 =	sadd.s32 s31, s29;
	[sflag:s15] =	ssyncadd.s32 $0xFFFFC000  }
0x6b: {  	[hbm4b:s29+s2] =	stream.linear.scatter [tilespmem:s8], [sflag:$0x5], $0x4000, $0x38;
	[tilespmem:$0x10600] =	vst v63  }
0x6c: {  	_ =	swait.ge [sflag:s3], $0x4000  }
0x6d: {  	[sflag:s3] =	ssyncset.done $0x0  }
0x6e: {  	[sflag:s3] =	ssyncadd.s32 $0xFFFFC000  }
0x6f: {  	s30 =	sadd.s32 $0x28000, s0;
	_ =	swait.ge [sflag:s17], $0x4000  }
0x70: {  	s1 =	ssub.s32 $0x2, s1;
	s30 =	sshrl.u32 s30, $0x3;
	[sflag:s17] =	ssyncset.done $0x0  }
0x71: {  	s30 =	sadd.s32 s31, s30;
	s31 =	sshrl.u32 s1, $0x1;
	[sflag:s17] =	ssyncadd.s32 $0xFFFFC000  }
0x72: {  	[hbm4b:s30+s2] =	stream.linear.scatter [tilespmem:s10], [sflag:$0x5], $0x4000, $0x38;
	[tilespmem:$0x10600] =	vst v63  }
0x73: {  	s1 =	ssub.s32 s1, s31;
	_ =	swait.ge [sflag:s3], $0x4000  }
0x74: {  	s1 =	smax.u32 s1, $0x1;
	[sflag:s3] =	ssyncset.done $0x0  }
0x75: {  	p0 =	sne.s32 s1, $0x1;
	[sflag:s3] =	ssyncadd.s32 $0xFFFFC000  }
.Ltmp0:
0x76: {  	s0 =	sadd.s32 $0x2C000, s0;
	_ =	swait.ge [sflag:s19], $0x4000;
	(pc) =	sbr.rel @!p0 .LBB2_2-.Ltmp0, $4  }
0x77: {  	s0 =	sshrl.u32 s0, $0x3;
	[sflag:s19] =	ssyncset.done $0x0;
	s31 =	rddreg [dreg:$0x8]  }
0x78: {  	s31 =	sadd.s32 s31, s0;
	[sflag:s19] =	ssyncadd.s32 $0xFFFFC000  }
0x79: {  	[hbm4b:s31+s2] =	stream.linear.scatter [tilespmem:s13], [sflag:$0x5], $0x4000, $0x38;
	[tilespmem:$0x10600] =	vst v63  }
0x7a: {  	s1 =	sadd.s32 $0xFFFFFFFF, s1;
	_ =	swait.ge [sflag:s3], $0x4000  }
.LBB2_1:
0x7b: {  	[sflag:s3] =	ssyncset.done $0x0  }
0x7c: {  	s0 =	rddreg [dreg:$0x2];
	[sflag:s3] =	ssyncadd.s32 $0xFFFFC000  }
0x7d: {  	[tilespmem:s2], [sflag:$0x5] =	stream.strided.gather [hbm4b:s0+s4], $0x600, s5, s4, $0x38;
	[tilespmem:$0x10600] =	vst v63  }
0x7e: {  	_ =	swait.ge [sflag:s3], $0x600  }
0x7f: {  	[sflag:s3] =	ssyncset.done $0x0  }
0x80: {  	[sflag:s3] =	ssyncadd.s32 $0xFFFFFA00  }
0x81: {  	[tilespmem:s7], [sflag:$0x1] =	stream.indirect.gather [hbm4b:s6+s4], $0x80, s2, s4, $0xb8;
	[tilespmem:$0x10600] =	vst v63  }
0x82: {  	_ = 	snop  }
0x83: {  	[tilespmem:s8], [sflag:$0x2] =	stream.indirect.gather [hbm4b:s6+s4], $0x80, s4, s4, $0xb8;
	[tilespmem:$0x10600] =	vst v63  }
0x84: {  	_ = 	snop  }
0x85: {  	[tilespmem:s10], [sflag:$0x3] =	stream.indirect.gather [hbm4b:s6+s4], $0x80, s9, s4, $0xb8;
	[tilespmem:$0x10600] =	vst v63  }
0x86: {  	_ = 	snop  }
0x87: {  	[tilespmem:s13], [sflag:$0x4] =	stream.indirect.gather [hbm4b:s6+s4], $0x80, s12, s4, $0xb8;
	[tilespmem:$0x10600] =	vst v63  }
0x88: {  	_ =	swait.ge [sflag:s11], $0x4000  }
0x89: {  	[sflag:s11] =	ssyncset.done $0x0  }
0x8a: {  	s0 =	rddreg [dreg:$0x3];
	[sflag:s11] =	ssyncadd.s32 $0xFFFFC000  }
0x8b: {  	[hbm4b:s0+s2] =	stream.linear.scatter [tilespmem:s7], [sflag:$0x5], $0x4000, $0x38;
	[tilespmem:$0x10600] =	vst v63  }
0x8c: {  	_ =	swait.ge [sflag:s3], $0x4000  }
0x8d: {  	[sflag:s3] =	ssyncset.done $0x0  }
0x8e: {  	[sflag:s3] =	ssyncadd.s32 $0xFFFFC000  }
0x8f: {  	[tilespmem:s7], [sflag:$0x1] =	stream.indirect.gather [hbm4b:s6+s4], $0x80, s14, s4, $0xb8;
	[tilespmem:$0x10600] =	vst v63  }
0x90: {  	_ =	swait.ge [sflag:s15], $0x4000  }
0x91: {  	[sflag:s15] =	ssyncset.done $0x0  }
0x92: {  	s0 =	rddreg [dreg:$0x4];
	[sflag:s15] =	ssyncadd.s32 $0xFFFFC000  }
0x93: {  	[hbm4b:s0+s2] =	stream.linear.scatter [tilespmem:s8], [sflag:$0x5], $0x4000, $0x38;
	[tilespmem:$0x10600] =	vst v63  }
0x94: {  	_ =	swait.ge [sflag:s3], $0x4000  }
0x95: {  	[sflag:s3] =	ssyncset.done $0x0  }
0x96: {  	[sflag:s3] =	ssyncadd.s32 $0xFFFFC000  }
0x97: {  	[tilespmem:s8], [sflag:$0x2] =	stream.indirect.gather [hbm4b:s6+s4], $0x80, s16, s4, $0xb8;
	[tilespmem:$0x10600] =	vst v63  }
0x98: {  	_ =	swait.ge [sflag:s17], $0x4000  }
0x99: {  	[sflag:s17] =	ssyncset.done $0x0  }
0x9a: {  	s0 =	rddreg [dreg:$0x5];
	[sflag:s17] =	ssyncadd.s32 $0xFFFFC000  }
0x9b: {  	[hbm4b:s0+s2] =	stream.linear.scatter [tilespmem:s10], [sflag:$0x5], $0x4000, $0x38;
	[tilespmem:$0x10600] =	vst v63  }
0x9c: {  	_ =	swait.ge [sflag:s3], $0x4000  }
0x9d: {  	[sflag:s3] =	ssyncset.done $0x0  }
0x9e: {  	[sflag:s3] =	ssyncadd.s32 $0xFFFFC000  }
0x9f: {  	[tilespmem:s10], [sflag:$0x3] =	stream.indirect.gather [hbm4b:s6+s4], $0x80, s18, s4, $0xb8;
	[tilespmem:$0x10600] =	vst v63  }
0xa0: {  	_ =	swait.ge [sflag:s19], $0x4000  }
0xa1: {  	[sflag:s19] =	ssyncset.done $0x0  }
0xa2: {  	s0 =	rddreg [dreg:$0x6];
	[sflag:s19] =	ssyncadd.s32 $0xFFFFC000  }
0xa3: {  	[hbm4b:s0+s2] =	stream.linear.scatter [tilespmem:s13], [sflag:$0x5], $0x4000, $0x38;
	[tilespmem:$0x10600] =	vst v63  }
0xa4: {  	_ =	swait.ge [sflag:s3], $0x4000  }
0xa5: {  	[sflag:s3] =	ssyncset.done $0x0  }
0xa6: {  	[sflag:s3] =	ssyncadd.s32 $0xFFFFC000  }
0xa7: {  	[tilespmem:s13], [sflag:$0x4] =	stream.indirect.gather [hbm4b:s6+s4], $0x80, s20, s4, $0xb8;
	[tilespmem:$0x10600] =	vst v63  }
0xa8: {  	_ =	swait.ge [sflag:s11], $0x4000  }
0xa9: {  	[sflag:s11] =	ssyncset.done $0x0  }
0xaa: {  	s0 =	rddreg [dreg:$0x7];
	[sflag:s11] =	ssyncadd.s32 $0xFFFFC000  }
0xab: {  	[hbm4b:s0+s2] =	stream.linear.scatter [tilespmem:s7], [sflag:$0x5], $0x4000, $0x38;
	[tilespmem:$0x10600] =	vst v63  }
0xac: {  	_ =	swait.ge [sflag:s3], $0x4000  }
0xad: {  	[sflag:s3] =	ssyncset.done $0x0  }
0xae: {  	[sflag:s3] =	ssyncadd.s32 $0xFFFFC000  }
0xaf: {  	[tilespmem:s7], [sflag:$0x1] =	stream.indirect.gather [hbm4b:s6+s4], $0x80, s5, s4, $0xb8;
	[tilespmem:$0x10600] =	vst v63  }
0xb0: {  	_ =	swait.ge [sflag:s15], $0x4000  }
0xb1: {  	[sflag:s15] =	ssyncset.done $0x0  }
0xb2: {  	[sflag:s15] =	ssyncadd.s32 $0xFFFFC000  }
0xb3: {  	[hbm4b:s21+s2] =	stream.linear.scatter [tilespmem:s8], [sflag:$0x5], $0x4000, $0x38;
	[tilespmem:$0x10600] =	vst v63  }
0xb4: {  	_ =	swait.ge [sflag:s3], $0x4000  }
0xb5: {  	[sflag:s3] =	ssyncset.done $0x0  }
0xb6: {  	[sflag:s3] =	ssyncadd.s32 $0xFFFFC000  }
0xb7: {  	[tilespmem:s8], [sflag:$0x2] =	stream.indirect.gather [hbm4b:s6+s4], $0x80, s22, s4, $0xb8;
	[tilespmem:$0x10600] =	vst v63  }
0xb8: {  	_ =	swait.ge [sflag:s17], $0x4000  }
0xb9: {  	[sflag:s17] =	ssyncset.done $0x0  }
0xba: {  	[sflag:s17] =	ssyncadd.s32 $0xFFFFC000  }
0xbb: {  	[hbm4b:s23+s2] =	stream.linear.scatter [tilespmem:s10], [sflag:$0x5], $0x4000, $0x38;
	[tilespmem:$0x10600] =	vst v63  }
0xbc: {  	_ =	swait.ge [sflag:s3], $0x4000  }
0xbd: {  	[sflag:s3] =	ssyncset.done $0x0  }
0xbe: {  	[sflag:s3] =	ssyncadd.s32 $0xFFFFC000  }
0xbf: {  	[tilespmem:s10], [sflag:$0x3] =	stream.indirect.gather [hbm4b:s6+s4], $0x80, s24, s4, $0xb8;
	[tilespmem:$0x10600] =	vst v63  }
0xc0: {  	_ =	swait.ge [sflag:s19], $0x4000  }
0xc1: {  	[sflag:s19] =	ssyncset.done $0x0  }
0xc2: {  	[sflag:s19] =	ssyncadd.s32 $0xFFFFC000  }
0xc3: {  	[hbm4b:s25+s2] =	stream.linear.scatter [tilespmem:s13], [sflag:$0x5], $0x4000, $0x38;
	[tilespmem:$0x10600] =	vst v63  }
0xc4: {  	_ =	swait.ge [sflag:s3], $0x4000  }
0xc5: {  	[sflag:s3] =	ssyncset.done $0x0  }
0xc6: {  	[sflag:s3] =	ssyncadd.s32 $0xFFFFC000  }
0xc7: {  	[tilespmem:s13], [sflag:$0x4] =	stream.indirect.gather [hbm4b:s6+s4], $0x80, s26, s4, $0xb8;
	[tilespmem:$0x10600] =	vst v63  }
0xc8: {  	_ =	swait.ge [sflag:s11], $0x4000  }
0xc9: {  	[sflag:s11] =	ssyncset.done $0x0  }
0xca: {  	[sflag:s11] =	ssyncadd.s32 $0xFFFFC000  }
0xcb: {  	[hbm4b:s28+s2] =	stream.linear.scatter [tilespmem:s7], [sflag:$0x5], $0x4000, $0x38;
	[tilespmem:$0x10600] =	vst v63  }
0xcc: {  	_ =	swait.ge [sflag:s3], $0x4000  }
0xcd: {  	[sflag:s3] =	ssyncset.done $0x0  }
0xce: {  	[sflag:s3] =	ssyncadd.s32 $0xFFFFC000  }
0xcf: {  	_ =	swait.ge [sflag:s15], $0x4000  }
0xd0: {  	[sflag:s15] =	ssyncset.done $0x0  }
0xd1: {  	[sflag:s15] =	ssyncadd.s32 $0xFFFFC000  }
0xd2: {  	[hbm4b:s29+s2] =	stream.linear.scatter [tilespmem:s8], [sflag:$0x5], $0x4000, $0x38;
	[tilespmem:$0x10600] =	vst v63  }
0xd3: {  	_ =	swait.ge [sflag:s3], $0x4000  }
0xd4: {  	[sflag:s3] =	ssyncset.done $0x0  }
0xd5: {  	[sflag:s3] =	ssyncadd.s32 $0xFFFFC000  }
0xd6: {  	_ =	swait.ge [sflag:s17], $0x4000  }
0xd7: {  	[sflag:s17] =	ssyncset.done $0x0  }
0xd8: {  	[sflag:s17] =	ssyncadd.s32 $0xFFFFC000  }
0xd9: {  	[hbm4b:s30+s2] =	stream.linear.scatter [tilespmem:s10], [sflag:$0x5], $0x4000, $0x38;
	[tilespmem:$0x10600] =	vst v63  }
0xda: {  	_ =	swait.ge [sflag:s3], $0x4000  }
0xdb: {  	[sflag:s3] =	ssyncset.done $0x0  }
0xdc: {  	p0 =	sne.s32 s1, $0x1;
	[sflag:s3] =	ssyncadd.s32 $0xFFFFC000  }
.Ltmp1:
0xdd: {  	_ =	swait.ge [sflag:s19], $0x4000;
	(pc) =	sbr.rel @p0 .LBB2_1-.Ltmp1, $4  }
0xde: {  	[sflag:s19] =	ssyncset.done $0x0  }
0xdf: {  	[sflag:s19] =	ssyncadd.s32 $0xFFFFC000  }
0xe0: {  	[hbm4b:s31+s2] =	stream.linear.scatter [tilespmem:s13], [sflag:$0x5], $0x4000, $0x38;
	[tilespmem:$0x10600] =	vst v63  }
0xe1: {  	s1 =	sadd.s32 $0xFFFFFFFF, s1;
	_ =	swait.ge [sflag:s3], $0x4000  }
.LBB2_2:
0xe2: {  	[sflag:s3] =	ssyncset.done $0x0  }
0xe3: {  	[sflag:s3] =	ssyncadd.s32 $0xFFFFC000  }
0xe4: {  	_ =	sfence.sel $0x180000  }
0xe5: {  	[bflag:$0x0] =	sbarrier.arrive $0xFFFF  }
0xe6: {  	_ =	strace $0x90000047  }
0xe7: {  	s0 =	stileid.u32;
	[bflag:$0x2] =	sbarrier.arrive $0xFFFF  }
0xe8: {  	p0 =	sne.s32 s0, $0x0;
	s0 =	rddreg [dreg:$0x1]  }
0xe9: {  	s0 =	sadd.s32 @!p0 $0x100000, s0  }
0xea: {  	[sflag:s0] =	ssyncadd.tile.s32 @!p0 $0x1;
	_ =	shalt  }
.Lfunc_end2:
_tile_overlayer_lowered:
.L_overlay_start_2:
0xeb: {  	(tag) =	ssettag $0x2  }
0xec: {  	s0 =	rddreg [dreg:$0x0];
	s2 =	stileid.u32  }
0xed: {  	s1 =	rddreg [dreg:$0x1];
	p0 =	sne.s32 s2, $0x0  }
0xee: {  	s3 =	rddreg [dreg:$0x2];
	[bflag:$0x3] =	sbarrier.arrive $0xFFFF;
	s2 =	simm.s32 @!p0 $0x1C05  }
0xef: {  	[timem:s3], [sflag:s2] =	dma.local @!p0 [hbm:s0], s1  }
0xf0: {  	s0 =	simm.s32 @!p0 $0x5  }
0xf1: {  	_ =	swait.ge @!p0 [sflag:s0], s1  }
0xf2: {  	s1 =	ssub.s32 @!p0 $0x0, s1;
	[sflag:s0] =	ssyncset.done @!p0 $0x0  }
0xf3: {  	[sflag:s0] =	ssyncadd.s32 @!p0 s1  }
0xf4: {  	[bflag:$0x3] =	sbarrier.arrive $0xFFFF  }
0xf5: {  	_ =	shalt  }

// kernel: kernel.15.cloned.1.call-start
scs
__scs_entry_jumppad:
0x0: {  	(pc) =	sbr.rel $0x88, $3  }
0x1: {  	(tag) =	ssettag $0x0;
	lr =	simm.s32 $0x1  }
0x2: {  	[smem:$0x3F8B] =	sst lr;
	_ =	strace $0xD0000000  }
0x3: {  	_ = 	snop  }
0x4: {  	_ = 	snop  }
0x5: {  	_ = 	snop  }
0x6: {  	_ = 	snop  }
0x7: {  	_ = 	snop  }
__scs_overlays_trampoline_lowered:
0x8: {  	[smem:$0x3F9A] =	sst s0  }
0x9: {  	[smem:$0x3F9B] =	sst s1  }
0xa: {  	[smem:$0x3F9C] =	sst s2  }
0xb: {  	[smem:$0x3F9D] =	sst s3  }
0xc: {  	[smem:$0x3F9E] =	sst s4  }
0xd: {  	[smem:$0x3F9F] =	sst s5  }
0xe: {  	[smem:$0x3FA0] =	sst s6  }
0xf: {  	[smem:$0x3FA1] =	sst s7  }
0x10: {  	[smem:$0x3FA2] =	sst s8  }
0x11: {  	[smem:$0x3FA3] =	sst s9;
	s0 =	simm.s32 @!p0 $0x0  }
0x12: {  	s1 =	sld [smem:$0x3F89];
	s0 =	simm.s32 @p0 $0x1  }
0x13: {  	[smem:$0x3FA4] =	sst s0;
	s0 =	simm.s32 @!p1 $0x0  }
0x14: {  	s2 =	sld [smem:$0x3F88];
	s0 =	simm.s32 @p1 $0x1  }
0x15: {  	[smem:$0x3FA5] =	sst s0;
	s0 =	simm.s32 @!p2 $0x0  }
0x16: {  	s3 =	sld [smem:$0x3FDB];
	s0 =	simm.s32 @p2 $0x1  }
0x17: {  	s4 =	simm.s32 $0x1BF5;
	[smem:$0x3FA7] =	sst s0  }
0x18: {  	s0 =	sld [smem:$0x3F8A];
	_ =	swait.ge [sflag:s4], $0x0  }
0x19: {  	s7 =	sld [smem:$0x3F8B]  }
0x1a: {  	s8 =	sadd.s32 $0xFFFFE003, lr  }
0x1b: {  	s9 =	sadd.s32 $0xFFFFFEF7, lr;
	s5 =	simm.s32 $0xFFFFFFFF;
	p2 =	slt.u32 s8, $0xFFFFF086  }
0x1c: {  	p1 =	slt.u32 s9, $0xF7A;
	s5 =	simm.s32 @!p2 $0x0  }
0x1d: {  	s5 =	simm.s32 @p1 $0x1;
	p0 =	seq.s32 s7, s2  }
0x1e: {  	s7 =	smul.u32 @!p0 $0xF7A, s2;
	p2 =	seq.s32 @!p0 s5, $0x0  }
0x1f: {  	s9 =	smul.u32 $0xF7A, s1;
	s8 =	simm.s32 @!p0 $0x1BF5;
	p2 =	por !p2, p0  }
0x20: {  	[sflag:s8] =	ssyncset.s32 @!p0 $0xFFFFF086;
	s6 =	sadd.s32 @!p0 s3, s7;
	s7 =	simm.s32 @!p0 $0x108  }
0x21: {  	s3 =	sadd.s32 s3, s9;
	s6 =	sadd.s32 @!p0 $0x88, s6;
	s7 =	simm.s32 @p2 $0x1082  }
0x22: {  	[simem:s7], [sflag:s8] =	dma.local @!p0 [hbm:s6], $0xF7A  }
0x23: {  	s9 =	sor.u32 $0xD0000000, s2;
	s6 =	simm.s32 $0x108;
	_ =	swait.ge @!p0 [sflag:s8], $0x0  }
0x24: {  	s3 =	sadd.s32 $0x88, s3;
	s6 =	simm.s32 @!p1 $0x1082;
	[sflag:s4] =	ssyncset.s32 $0xFFFFF086  }
0x25: {  	[simem:s6], [sflag:s4] =	dma.local [hbm:s3], $0xF7A  }
0x26: {  	[smem:$0x3F8B] =	sst s1;
	(tag) =	ssettag s2;
	_ =	strace s9  }
0x27: {  	s1 =	sld [smem:$0x3F9B]  }
0x28: {  	s2 =	sld [smem:$0x3F9C]  }
0x29: {  	s4 =	sld [smem:$0x3F9E]  }
0x2a: {  	p0 =	seq.s32 s5, $0x0;
	s5 =	sld [smem:$0x3F9F]  }
0x2b: {  	s6 =	sld [smem:$0x3FA0]  }
0x2c: {  	s7 =	sld [smem:$0x3FA1]  }
0x2d: {  	s3 =	simm.s32 $0x108;
	s8 =	sld [smem:$0x3FA2]  }
0x2e: {  	s3 =	simm.s32 @!p0 $0x1082;
	s9 =	sld [smem:$0x3FA3]  }
0x2f: {  	lr =	sadd.s32 s0, s3;
	s0 =	sld [smem:$0x3F9A]  }
0x30: {  	s3 =	sld [smem:$0x3F9D]  }
0x31: {  	[smem:$0x3FA6] =	sst s10  }
0x32: {  	s10 =	sld [smem:$0x3FA4];
	_ =	sdelay $0x3  }
0x33: {  	p0 =	seq.s32 s10, $0x1;
	s10 =	sld [smem:$0x3FA6];
	_ =	sdelay $0x3  }
0x34: {  	[smem:$0x3FA6] =	sst s10  }
0x35: {  	s10 =	sld [smem:$0x3FA5];
	_ =	sdelay $0x3  }
0x36: {  	p1 =	seq.s32 s10, $0x1;
	s10 =	sld [smem:$0x3FA6];
	_ =	sdelay $0x3  }
0x37: {  	[smem:$0x3FA6] =	sst s10  }
0x38: {  	s10 =	sld [smem:$0x3FA7]  }
0x39: {  	_ = 	snop;
	(pc) =	sbr.ind lr, $3  }
0x3a: {  	_ = 	snop  }
0x3b: {  	_ = 	snop  }
0x3c: {  	p2 =	seq.s32 s10, $0x1;
	s10 =	sld [smem:$0x3FA6]  }
0x3d: {  	_ =	shalt  }
0x3e: {  	_ =	shalt  }
0x3f: {  	_ =	shalt  }
0x40: {  	_ =	shalt  }
0x41: {  	_ =	shalt  }
0x42: {  	_ =	shalt  }
0x43: {  	_ =	shalt  }
0x44: {  	_ =	shalt  }
0x45: {  	_ =	shalt  }
0x46: {  	_ =	shalt  }
0x47: {  	_ =	shalt  }
0x48: {  	_ =	shalt  }
0x49: {  	_ =	shalt  }
0x4a: {  	_ =	shalt  }
0x4b: {  	_ =	shalt  }
0x4c: {  	_ =	shalt  }
0x4d: {  	_ =	shalt  }
0x4e: {  	_ =	shalt  }
0x4f: {  	_ =	shalt  }
0x50: {  	_ =	shalt  }
0x51: {  	_ =	shalt  }
0x52: {  	_ =	shalt  }
0x53: {  	_ =	shalt  }
0x54: {  	_ =	shalt  }
0x55: {  	_ =	shalt  }
0x56: {  	_ =	shalt  }
0x57: {  	_ =	shalt  }
0x58: {  	_ =	shalt  }
0x59: {  	_ =	shalt  }
0x5a: {  	_ =	shalt  }
0x5b: {  	_ =	shalt  }
0x5c: {  	_ =	shalt  }
0x5d: {  	_ =	shalt  }
0x5e: {  	_ =	shalt  }
0x5f: {  	_ =	shalt  }
0x60: {  	_ =	shalt  }
0x61: {  	_ =	shalt  }
0x62: {  	_ =	shalt  }
0x63: {  	_ =	shalt  }
0x64: {  	_ =	shalt  }
0x65: {  	_ =	shalt  }
0x66: {  	_ =	shalt  }
0x67: {  	_ =	shalt  }
0x68: {  	_ =	shalt  }
0x69: {  	_ =	shalt  }
0x6a: {  	_ =	shalt  }
0x6b: {  	_ =	shalt  }
0x6c: {  	_ =	shalt  }
0x6d: {  	_ =	shalt  }
0x6e: {  	_ =	shalt  }
0x6f: {  	_ =	shalt  }
0x70: {  	_ =	shalt  }
0x71: {  	_ =	shalt  }
0x72: {  	_ =	shalt  }
0x73: {  	_ =	shalt  }
0x74: {  	_ =	shalt  }
0x75: {  	_ =	shalt  }
0x76: {  	_ =	shalt  }
0x77: {  	_ =	shalt  }
0x78: {  	_ =	shalt  }
0x79: {  	_ =	shalt  }
0x7a: {  	_ =	shalt  }
0x7b: {  	_ =	shalt  }
0x7c: {  	_ =	shalt  }
0x7d: {  	_ =	shalt  }
0x7e: {  	_ =	shalt  }
0x7f: {  	_ =	shalt  }
0x80: {  	_ =	shalt  }
0x81: {  	_ =	shalt  }
0x82: {  	_ =	shalt  }
0x83: {  	_ =	shalt  }
0x84: {  	_ =	shalt  }
0x85: {  	_ =	shalt  }
0x86: {  	_ =	shalt  }
0x87: {  	_ =	shalt  }
.Lfunc_end0:
.L_simem_size_0:
called_computation.1_lowered:
.L_overlay_start_0:
0x88: {  	s2 =	sld [smem:$0x3FD9]  }
0x89: {  	s3 =	sld [smem:$0x3FFE];
	_ =	sdelay $0x1  }
0x8a: {  	s1 =	srdreg.scid  }
0x8b: {  	s0 =	sand.u32 $0x1, s1  }
0x8c: {  	s16 =	sshll.u32 s0, $0xA;
	s2 =	sadd.s32 s3, s2  }
0x8d: {  	s2 =	sadd.s32 s2, s16  }
0x8e: {  	[smem:$0x3FB2] =	sst s2  }
0x8f: {  	_ = 	snop  }
0x90: {  	(tm) =	ssettm $0x1  }
0x91: {  	s17 =	sld [smem:$0x3FFB];
	_ =	sdelay $0x3  }
0x92: {  	_ =	strace s17  }
0x93: {  	s2 =	sld [smem:$0x3FFC];
	_ =	sdelay $0x3  }
0x94: {  	_ =	strace s2  }
0x95: {  	s2 =	sld [smem:$0x3FFD];
	_ =	sdelay $0x3  }
0x96: {  	_ =	strace s2  }
0x97: {  	_ =	strace $0x8FFFFFFF  }
0x98: {  	s18 =	sld [smem:$0x3FDB];
	_ =	sdelay $0x1  }
0x99: {  	s19 =	simm.s32 $_scs_section_size  }
0x9a: {  	s4 =	simm.s32 $_size__tile_overlayer_lowered;
	s5 =	simm.s32 $_tile_overlayer_lowered  }
0x9b: {  	s22 =	simm.s32 $0x1BFF;
	s21 =	sshll.u32 s5, $0x1;
	s2 =	sadd.s32 s19, s18  }
0x9c: {  	s6 =	simm.s32 $0x0;
	s20 =	sshll.u32 s4, $0x1;
	s4 =	sadd.s32 s21, s2  }
0x9d: {  	[timem:s6], [sflag:s22] =	dma.local [hbm:s4], s20  }
0x9e: {  	_ =	swait.ge [sflag:s22], s20  }
0x9f: {  	s3 =	ssub.s32 $0x0, s20;
	[sflag:s22] =	ssyncset.done $0x0  }
0xa0: {  	[sflag:s22] =	ssyncadd.s32 s3;
	_ =	sdelay $0x1  }
0xa1: {  	s23 =	simm.s32 $0x1B8B  }
0xa2: {  	_ =	swait.ge [sflag:s23], $0x1  }
0xa3: {  	[sflag:s23] =	ssyncset.done $0x0  }
0xa4: {  	s25 =	simm.s32 $0x1B8E;
	s24 =	sld [smem:$0x3FFE];
	[sflag:s23] =	ssyncadd.s32 $0xFFFFFFFF  }
0xa5: {  	s26 =	simm.s32 $execute0_lowered;
	[smem:$0x3FD2] =	sst s25  }
0xa6: {  	s4 =	sshll.u32 s26, $0x1;
	_ =	strace $0x80000049;
	[dreg:$0x1] =	wrdreg $0xFFFFFFFF  }
0xa7: {  	s28 =	simm.s32 $_size_execute0_lowered;
	s2 =	sadd.s32 s2, s4;
	[dreg:$0x0] =	wrdreg $0x0  }
0xa8: {  	s4 =	sshll.u32 s28, $0x1;
	[dreg:$0x2] =	wrdreg s2  }
0xa9: {  	[dreg:$0x3] =	wrdreg s4  }
0xaa: {  	[dreg:$0x4] =	wrdreg $0xC0  }
0xab: {  	_ =	task [dreg:s6], $0x5FFFF  }
0xac: {  	[dreg:$0x1] =	wrdreg $0xFFFFFFFF  }
0xad: {  	[dreg:$0x0] =	wrdreg $0x60  }
0xae: {  	[dreg:$0x2] =	wrdreg s24  }
0xaf: {  	[dreg:$0x3] =	wrdreg $0x9  }
0xb0: {  	_ =	task.clear_ibuf [dreg:s6], $0x4FFFF;
	_ =	strace $0x90000049  }
0xb1: {  	s29 =	simm.s32 $0x9;
	_ =	strace $0x8000004B  }
0xb2: {  	_ =	swait.ge [sflag:s29], $0x1  }
0xb3: {  	[sflag:s29] =	ssyncadd.s32 $0xFFFFFFFF  }
0xb4: {  	_ =	strace $0x9000004B  }
0xb5: {  	_ =	sfence  }
0xb6: {  	s30 =	sld [smem:$0x0];
	_ =	sdelay $0x2  }
0xb7: {  	s31 =	sshll.u32 s1, $0xD;
	s1 =	sshrl.u32 s1, $0x2  }
0xb8: {  	s3 =	sand.u32 $0x4000, s31;
	s1 =	sadd.s32 s1, s30  }
0xb9: {  	s0 =	sor.u32 s3, s0;
	s1 =	sshll.u32 s1, $0x11  }
0xba: {  	s0 =	sor.u32 s1, s0  }
0xbb: {  	s0 =	sadd.s32 $0x8F2B, s0  }
0xbc: {  	[sflag:s0] =	ssyncadd.remote.s32 $0x1  }
0xbd: {  	_ =	sfence.sel $0xFFFF  }
0xbe: {  	[dreg:$0x0] =	wrdreg $0xFFFFFFFF;
	(pc) =	sbr.abs _section_cstart, $3  }
0xbf: {  	[dreg:$0x1] =	wrdreg $0xFFFFFFFF  }
0xc0: {  	_ =	task.clear_ibuf [dreg:s6], $0x2FFFF;
	_ =	strace $0x9FFFFFFF  }
0xc1: {  	(tm) =	ssettm $0x7FFFFFFF  }
tec
execute0_lowered:
.L_overlay_start_1:
0x0: {  	(tag) =	ssettag $0x1  }
0x1: {  	s0 =	srdreg.scid;
	s2 =	stileid.u32  }
0x2: {  	s5 =	rddreg [dreg:$0x0];
	s6 =	simm.s32 $0x700;
	s0 =	sand.u32 $0x1, s0  }
0x3: {  	s30 =	simm.s32 $0x100;
	s31 =	simm.s32 $0x180;
	s1 =	sor.u32 s0, s2  }
0x4: {  	s29 =	simm.s32 $0x200;
	p1 =	seq.s32 s0, $0x1;
	p0 =	seq.s32 s1, $0x0  }
0x5: {  	s28 =	simm.s32 $0x280;
	s0 =	ssub.s32 $0x2, s0;
	p0 =	por !p0, !p1  }
0x6: {  	s1 =	simm.s32 $0x1;
	s9 =	sshrl.u32 s0, $0x1;
	p0 =	por !p0, !p0  }
0x7: {  	s8 =	sadd.s32 $0x11C00, s5;
	s0 =	ssub.s32 s0, s9;
	s1 =	simm.s32 @!p0 $0x0  }
0x8: {  	s6 =	simm.s32 @!p1 $0x0;
	s0 =	smax.u32 s0, $0x1;
	s1 =	ssub.s32 s2, s1  }
0x9: {  	s2 =	sshrl.u32 s1, $0x3;
	s7 =	sshll.u32 s1, $0x7;
	s1 =	smul.u32 $0xE00, s1  }
0xa: {  	s4 =	sshll.u32 s6, $0x3;
	p1 =	sne.s32 s0, $0x1;
	s3 =	smul.u32 $0x7000, s2  }
0xb: {  	p0 =	por $0x0, $0x0;
	s2 =	simm.s32 $0x0;
	s18 =	sand.u32 $0x380, s7  }
0xc: {  	[smem:$0x7FF] =	sst s2;
	s1 =	sadd.s32 s6, s1;
	s3 =	sadd.s32 s4, s3  }
0xd: {  	_ =	strace $0x8000004A;
	s4 =	simm.s32 $0x700;
	s20 =	sshll.u32 s1, $0x4  }
0xe: {  	s1 =	sshll.u32 s1, $0x7;
	s7 =	sor.u32 s18, s3;
	s3 =	simm.s32 $0x1  }
0xf: {  	s21 =	sand.u32 $0x1FFFF000, s20;
	s22 =	sadd.s32 $0x8000, s1;
	s24 =	sadd.s32 $0xC000, s1  }
0x10: {  	s10 =	sadd.s32 $0x10000, s1;
	s11 =	sadd.s32 $0x14000, s1;
	s13 =	sadd.s32 $0x18000, s1  }
0x11: {  	s14 =	sadd.s32 $0x1C000, s1;
	s18 =	sadd.s32 $0x20000, s1;
	s7 =	sshrl.u32 s7, $0x3  }
0x12: {  	s6 =	sadd.s32 s21, s8;
	s23 =	sshrl.u32 s22, $0x3;
	s26 =	sshrl.u32 s10, $0x3  }
0x13: {  	s12 =	sshrl.u32 s11, $0x3;
	s16 =	sshrl.u32 s14, $0x3;
	s21 =	sadd.s32 $0x28000, s1  }
0x14: {  	s14 =	simm.s32 $0xC700;
	s7 =	sadd.s32 s7, s5;
	s6 =	sadd.s32 $0x800, s6  }
0x15: {  	s10 =	sadd.s32 s8, s26;
	s17 =	sadd.s32 s8, s16;
	[dreg:$0x4] =	wrdreg s6  }
0x16: {  	s16 =	simm.s32 $0x8700;
	s19 =	sadd.s32 $0x10000, s7;
	[dreg:$0x7] =	wrdreg s10  }
0x17: {  	s7 =	sadd.s32 s8, s20;
	s6 =	sadd.s32 s8, s23;
	[dreg:$0xa] =	wrdreg s17  }
0x18: {  	s20 =	sadd.s32 $0x24000, s1;
	s23 =	sshrl.u32 s21, $0x3;
	[dreg:$0x2] =	wrdreg s19  }
0x19: {  	s17 =	simm.s32 $0x4;
	s21 =	simm.s32 $0x580;
	[dreg:$0x3] =	wrdreg s7  }
0x1a: {  	s7 =	sshrl.u32 s24, $0x3;
	[dreg:$0x5] =	wrdreg s6;
	s6 =	sadd.s32 s8, s12  }
0x1b: {  	s19 =	sshrl.u32 s18, $0x3;
	s22 =	sshrl.u32 s20, $0x3;
	s11 =	sadd.s32 s8, s23  }
0x1c: {  	s24 =	sadd.s32 $0x2C000, s1;
	s12 =	simm.s32 $0x2;
	s18 =	simm.s32 $0x3  }
0x1d: {  	s23 =	simm.s32 $0x500;
	s20 =	simm.s32 $0x600;
	s25 =	sadd.s32 s8, s7  }
0x1e: {  	s7 =	sshrl.u32 s13, $0x3;
	[dreg:$0x8] =	wrdreg s6;
	s6 =	sadd.s32 s8, s19  }
0x1f: {  	s13 =	sadd.s32 s8, s22;
	s22 =	simm.s32 $0x400;
	[dreg:$0x6] =	wrdreg s25  }
0x20: {  	s19 =	simm.s32 $0x680;
	s15 =	sadd.s32 s8, s7;
	[dreg:$0xb] =	wrdreg s6  }
0x21: {  	s6 =	sshrl.u32 s24, $0x3;
	s25 =	sadd.s32 $0x30000, s1;
	s1 =	sadd.s32 $0x34000, s1  }
.Ltmp0:
0x22: {  	s7 =	simm.s32 $0x5;
	s24 =	simm.s32 $0x480;
	(pc) =	sbr.rel @!p1 .LBB2_3-.Ltmp0, $4  }
0x23: {  	[dreg:$0x9] =	wrdreg s15;
	s10 =	sadd.s32 s8, s6;
	s26 =	sshrl.u32 s25, $0x3  }
0x24: {  	s1 =	sshrl.u32 s1, $0x3;
	s15 =	simm.s32 $0x80;
	s25 =	simm.s32 $0x380  }
0x25: {  	s9 =	sadd.s32 s8, s26;
	s6 =	sadd.s32 s8, s1;
	s8 =	simm.s32 $0x4700  }
0x26: {  	s26 =	simm.s32 $0x300;
	s1 =	sadd.s32 $0xFFFFFFFF, s0;
	s0 =	rddreg [dreg:$0x2]  }
0x27: {  	[tilespmem:s2], [sflag:$0x5] =	stream.strided.gather [hbm4b:s0+s15], $0x700, s22, s15, $0x38;
	[tilespmem:$0x10700] =	vst v63  }
0x28: {  	_ =	swait.ge [sflag:s7], $0x700  }
0x29: {  	[sflag:s7] =	ssyncset.done $0x0  }
0x2a: {  	[sflag:s7] =	ssyncadd.s32 $0xFFFFF900  }
0x2b: {  	[tilespmem:s4], [sflag:$0x1] =	stream.indirect.gather [hbm4b:s5+s15], $0x80, s2, s15, $0xb8;
	[tilespmem:$0x10700] =	vst v63  }
0x2c: {  	_ = 	snop  }
0x2d: {  	[tilespmem:s8], [sflag:$0x2] =	stream.indirect.gather [hbm4b:s5+s15], $0x80, s15, s15, $0xb8;
	[tilespmem:$0x10700] =	vst v63  }
0x2e: {  	_ = 	snop  }
0x2f: {  	[tilespmem:s16], [sflag:$0x3] =	stream.indirect.gather [hbm4b:s5+s15], $0x80, s30, s15, $0xb8;
	[tilespmem:$0x10700] =	vst v63  }
0x30: {  	_ = 	snop  }
0x31: {  	[tilespmem:s14], [sflag:$0x4] =	stream.indirect.gather [hbm4b:s5+s15], $0x80, s31, s15, $0xb8;
	[tilespmem:$0x10700] =	vst v63  }
0x32: {  	_ =	swait.ge [sflag:s3], $0x4000  }
0x33: {  	[sflag:s3] =	ssyncset.done $0x0  }
0x34: {  	s0 =	rddreg [dreg:$0x3];
	[sflag:s3] =	ssyncadd.s32 $0xFFFFC000  }
0x35: {  	[hbm4b:s0+s2] =	stream.linear.scatter [tilespmem:s4], [sflag:$0x5], $0x4000, $0x38;
	[tilespmem:$0x10700] =	vst v63  }
0x36: {  	_ =	swait.ge [sflag:s7], $0x4000  }
0x37: {  	[sflag:s7] =	ssyncset.done $0x0  }
0x38: {  	[sflag:s7] =	ssyncadd.s32 $0xFFFFC000  }
0x39: {  	[tilespmem:s4], [sflag:$0x1] =	stream.indirect.gather [hbm4b:s5+s15], $0x80, s29, s15, $0xb8;
	[tilespmem:$0x10700] =	vst v63  }
0x3a: {  	_ =	swait.ge [sflag:s12], $0x4000  }
0x3b: {  	[sflag:s12] =	ssyncset.done $0x0  }
0x3c: {  	s0 =	rddreg [dreg:$0x4];
	[sflag:s12] =	ssyncadd.s32 $0xFFFFC000  }
0x3d: {  	[hbm4b:s0+s2] =	stream.linear.scatter [tilespmem:s8], [sflag:$0x5], $0x4000, $0x38;
	[tilespmem:$0x10700] =	vst v63  }
0x3e: {  	_ =	swait.ge [sflag:s7], $0x4000  }
0x3f: {  	[sflag:s7] =	ssyncset.done $0x0  }
0x40: {  	[sflag:s7] =	ssyncadd.s32 $0xFFFFC000  }
0x41: {  	[tilespmem:s8], [sflag:$0x2] =	stream.indirect.gather [hbm4b:s5+s15], $0x80, s28, s15, $0xb8;
	[tilespmem:$0x10700] =	vst v63  }
0x42: {  	_ =	swait.ge [sflag:s18], $0x4000  }
0x43: {  	[sflag:s18] =	ssyncset.done $0x0  }
0x44: {  	s0 =	rddreg [dreg:$0x5];
	[sflag:s18] =	ssyncadd.s32 $0xFFFFC000  }
0x45: {  	[hbm4b:s0+s2] =	stream.linear.scatter [tilespmem:s16], [sflag:$0x5], $0x4000, $0x38;
	[tilespmem:$0x10700] =	vst v63  }
0x46: {  	_ =	swait.ge [sflag:s7], $0x4000  }
0x47: {  	[sflag:s7] =	ssyncset.done $0x0  }
0x48: {  	[sflag:s7] =	ssyncadd.s32 $0xFFFFC000  }
0x49: {  	[tilespmem:s16], [sflag:$0x3] =	stream.indirect.gather [hbm4b:s5+s15], $0x80, s26, s15, $0xb8;
	[tilespmem:$0x10700] =	vst v63  }
0x4a: {  	_ =	swait.ge [sflag:s17], $0x4000  }
0x4b: {  	[sflag:s17] =	ssyncset.done $0x0  }
0x4c: {  	s0 =	rddreg [dreg:$0x6];
	[sflag:s17] =	ssyncadd.s32 $0xFFFFC000  }
0x4d: {  	[hbm4b:s0+s2] =	stream.linear.scatter [tilespmem:s14], [sflag:$0x5], $0x4000, $0x38;
	[tilespmem:$0x10700] =	vst v63  }
0x4e: {  	_ =	swait.ge [sflag:s7], $0x4000  }
0x4f: {  	[sflag:s7] =	ssyncset.done $0x0  }
0x50: {  	[sflag:s7] =	ssyncadd.s32 $0xFFFFC000  }
0x51: {  	[tilespmem:s14], [sflag:$0x4] =	stream.indirect.gather [hbm4b:s5+s15], $0x80, s25, s15, $0xb8;
	[tilespmem:$0x10700] =	vst v63  }
0x52: {  	_ =	swait.ge [sflag:s3], $0x4000  }
0x53: {  	[sflag:s3] =	ssyncset.done $0x0  }
0x54: {  	s0 =	rddreg [dreg:$0x7];
	[sflag:s3] =	ssyncadd.s32 $0xFFFFC000  }
0x55: {  	[hbm4b:s0+s2] =	stream.linear.scatter [tilespmem:s4], [sflag:$0x5], $0x4000, $0x38;
	[tilespmem:$0x10700] =	vst v63  }
0x56: {  	_ =	swait.ge [sflag:s7], $0x4000  }
0x57: {  	[sflag:s7] =	ssyncset.done $0x0  }
0x58: {  	[sflag:s7] =	ssyncadd.s32 $0xFFFFC000  }
0x59: {  	[tilespmem:s4], [sflag:$0x1] =	stream.indirect.gather [hbm4b:s5+s15], $0x80, s22, s15, $0xb8;
	[tilespmem:$0x10700] =	vst v63  }
0x5a: {  	_ =	swait.ge [sflag:s12], $0x4000  }
0x5b: {  	[sflag:s12] =	ssyncset.done $0x0  }
0x5c: {  	s0 =	rddreg [dreg:$0x8];
	[sflag:s12] =	ssyncadd.s32 $0xFFFFC000  }
0x5d: {  	[hbm4b:s0+s2] =	stream.linear.scatter [tilespmem:s8], [sflag:$0x5], $0x4000, $0x38;
	[tilespmem:$0x10700] =	vst v63  }
0x5e: {  	_ =	swait.ge [sflag:s7], $0x4000  }
0x5f: {  	[sflag:s7] =	ssyncset.done $0x0  }
0x60: {  	[sflag:s7] =	ssyncadd.s32 $0xFFFFC000  }
0x61: {  	[tilespmem:s8], [sflag:$0x2] =	stream.indirect.gather [hbm4b:s5+s15], $0x80, s24, s15, $0xb8;
	[tilespmem:$0x10700] =	vst v63  }
0x62: {  	_ =	swait.ge [sflag:s18], $0x4000  }
0x63: {  	[sflag:s18] =	ssyncset.done $0x0  }
0x64: {  	s0 =	rddreg [dreg:$0x9];
	[sflag:s18] =	ssyncadd.s32 $0xFFFFC000  }
0x65: {  	[hbm4b:s0+s2] =	stream.linear.scatter [tilespmem:s16], [sflag:$0x5], $0x4000, $0x38;
	[tilespmem:$0x10700] =	vst v63  }
0x66: {  	_ =	swait.ge [sflag:s7], $0x4000  }
0x67: {  	[sflag:s7] =	ssyncset.done $0x0  }
0x68: {  	[sflag:s7] =	ssyncadd.s32 $0xFFFFC000  }
0x69: {  	[tilespmem:s16], [sflag:$0x3] =	stream.indirect.gather [hbm4b:s5+s15], $0x80, s23, s15, $0xb8;
	[tilespmem:$0x10700] =	vst v63  }
0x6a: {  	_ =	swait.ge [sflag:s17], $0x4000  }
0x6b: {  	[sflag:s17] =	ssyncset.done $0x0  }
0x6c: {  	s0 =	rddreg [dreg:$0xa];
	[sflag:s17] =	ssyncadd.s32 $0xFFFFC000  }
0x6d: {  	[hbm4b:s0+s2] =	stream.linear.scatter [tilespmem:s14], [sflag:$0x5], $0x4000, $0x38;
	[tilespmem:$0x10700] =	vst v63  }
0x6e: {  	_ =	swait.ge [sflag:s7], $0x4000  }
0x6f: {  	[sflag:s7] =	ssyncset.done $0x0  }
0x70: {  	[sflag:s7] =	ssyncadd.s32 $0xFFFFC000  }
0x71: {  	[tilespmem:s14], [sflag:$0x4] =	stream.indirect.gather [hbm4b:s5+s15], $0x80, s21, s15, $0xb8;
	[tilespmem:$0x10700] =	vst v63  }
0x72: {  	_ =	swait.ge [sflag:s3], $0x4000  }
0x73: {  	[sflag:s3] =	ssyncset.done $0x0  }
0x74: {  	s0 =	rddreg [dreg:$0xb];
	[sflag:s3] =	ssyncadd.s32 $0xFFFFC000  }
0x75: {  	[hbm4b:s0+s2] =	stream.linear.scatter [tilespmem:s4], [sflag:$0x5], $0x4000, $0x38;
	[tilespmem:$0x10700] =	vst v63  }
0x76: {  	_ =	swait.ge [sflag:s7], $0x4000  }
0x77: {  	[sflag:s7] =	ssyncset.done $0x0  }
0x78: {  	[sflag:s7] =	ssyncadd.s32 $0xFFFFC000  }
0x79: {  	[tilespmem:s4], [sflag:$0x1] =	stream.indirect.gather [hbm4b:s5+s15], $0x80, s20, s15, $0xb8;
	[tilespmem:$0x10700] =	vst v63  }
0x7a: {  	_ =	swait.ge [sflag:s12], $0x4000  }
0x7b: {  	[sflag:s12] =	ssyncset.done $0x0  }
0x7c: {  	[sflag:s12] =	ssyncadd.s32 $0xFFFFC000  }
0x7d: {  	[hbm4b:s13+s2] =	stream.linear.scatter [tilespmem:s8], [sflag:$0x5], $0x4000, $0x38;
	[tilespmem:$0x10700] =	vst v63  }
0x7e: {  	_ =	swait.ge [sflag:s7], $0x4000  }
0x7f: {  	[sflag:s7] =	ssyncset.done $0x0  }
0x80: {  	[sflag:s7] =	ssyncadd.s32 $0xFFFFC000  }
0x81: {  	[tilespmem:s8], [sflag:$0x2] =	stream.indirect.gather [hbm4b:s5+s15], $0x80, s19, s15, $0xb8;
	[tilespmem:$0x10700] =	vst v63  }
0x82: {  	_ =	swait.ge [sflag:s18], $0x4000  }
0x83: {  	[sflag:s18] =	ssyncset.done $0x0  }
0x84: {  	[sflag:s18] =	ssyncadd.s32 $0xFFFFC000  }
0x85: {  	[hbm4b:s11+s2] =	stream.linear.scatter [tilespmem:s16], [sflag:$0x5], $0x4000, $0x38;
	[tilespmem:$0x10700] =	vst v63  }
0x86: {  	_ =	swait.ge [sflag:s7], $0x4000  }
0x87: {  	[sflag:s7] =	ssyncset.done $0x0  }
0x88: {  	[sflag:s7] =	ssyncadd.s32 $0xFFFFC000  }
0x89: {  	_ =	swait.ge [sflag:s17], $0x4000  }
0x8a: {  	[sflag:s17] =	ssyncset.done $0x0  }
0x8b: {  	[sflag:s17] =	ssyncadd.s32 $0xFFFFC000  }
0x8c: {  	[hbm4b:s10+s2] =	stream.linear.scatter [tilespmem:s14], [sflag:$0x5], $0x4000, $0x38;
	[tilespmem:$0x10700] =	vst v63  }
0x8d: {  	_ =	swait.ge [sflag:s7], $0x4000  }
0x8e: {  	[sflag:s7] =	ssyncset.done $0x0  }
0x8f: {  	[sflag:s7] =	ssyncadd.s32 $0xFFFFC000  }
0x90: {  	_ =	swait.ge [sflag:s3], $0x4000  }
0x91: {  	[sflag:s3] =	ssyncset.done $0x0  }
0x92: {  	[sflag:s3] =	ssyncadd.s32 $0xFFFFC000  }
0x93: {  	[hbm4b:s9+s2] =	stream.linear.scatter [tilespmem:s4], [sflag:$0x5], $0x4000, $0x38;
	[tilespmem:$0x10700] =	vst v63  }
0x94: {  	_ =	swait.ge [sflag:s7], $0x4000  }
0x95: {  	[sflag:s7] =	ssyncset.done $0x0  }
0x96: {  	[sflag:s7] =	ssyncadd.s32 $0xFFFFC000  }
0x97: {  	p1 =	sne.s32 s1, $0x1;
	_ =	swait.ge [sflag:s12], $0x4000  }
.Ltmp1:
0x98: {  	[sflag:s12] =	ssyncset.done $0x0;
	(pc) =	sbr.rel @!p1 .LBB2_3-.Ltmp1, $4  }
0x99: {  	[sflag:s12] =	ssyncadd.s32 $0xFFFFC000  }
0x9a: {  	[hbm4b:s6+s2] =	stream.linear.scatter [tilespmem:s8], [sflag:$0x5], $0x4000, $0x38;
	[tilespmem:$0x10700] =	vst v63  }
0x9b: {  	s1 =	sadd.s32 $0xFFFFFFFF, s1;
	_ =	swait.ge [sflag:s7], $0x4000  }
0x9c: {  	p0 =	por $0x1, $0x1;
	s0 =	rddreg [dreg:$0x2];
	[sflag:s7] =	ssyncset.done $0x0  }
.LBB2_2:
0x9d: {  	[sflag:s7] =	ssyncadd.s32 $0xFFFFC000  }
0x9e: {  	[tilespmem:s2], [sflag:$0x5] =	stream.strided.gather [hbm4b:s0+s15], $0x700, s22, s15, $0x38;
	[tilespmem:$0x10700] =	vst v63  }
0x9f: {  	_ =	swait.ge [sflag:s7], $0x700  }
0xa0: {  	[sflag:s7] =	ssyncset.done $0x0  }
0xa1: {  	[sflag:s7] =	ssyncadd.s32 $0xFFFFF900  }
0xa2: {  	[tilespmem:s4], [sflag:$0x1] =	stream.indirect.gather [hbm4b:s5+s15], $0x80, s2, s15, $0xb8;
	[tilespmem:$0x10700] =	vst v63  }
0xa3: {  	_ = 	snop  }
0xa4: {  	[tilespmem:s8], [sflag:$0x2] =	stream.indirect.gather [hbm4b:s5+s15], $0x80, s15, s15, $0xb8;
	[tilespmem:$0x10700] =	vst v63  }
0xa5: {  	_ = 	snop  }
0xa6: {  	[tilespmem:s16], [sflag:$0x3] =	stream.indirect.gather [hbm4b:s5+s15], $0x80, s30, s15, $0xb8;
	[tilespmem:$0x10700] =	vst v63  }
0xa7: {  	_ = 	snop  }
0xa8: {  	[tilespmem:s14], [sflag:$0x4] =	stream.indirect.gather [hbm4b:s5+s15], $0x80, s31, s15, $0xb8;
	[tilespmem:$0x10700] =	vst v63  }
0xa9: {  	_ =	swait.ge [sflag:s3], $0x4000  }
0xaa: {  	[sflag:s3] =	ssyncset.done $0x0  }
0xab: {  	s0 =	rddreg [dreg:$0x3];
	[sflag:s3] =	ssyncadd.s32 $0xFFFFC000  }
0xac: {  	[hbm4b:s0+s2] =	stream.linear.scatter [tilespmem:s4], [sflag:$0x5], $0x4000, $0x38;
	[tilespmem:$0x10700] =	vst v63  }
0xad: {  	_ =	swait.ge [sflag:s7], $0x4000  }
0xae: {  	[sflag:s7] =	ssyncset.done $0x0  }
0xaf: {  	[sflag:s7] =	ssyncadd.s32 $0xFFFFC000  }
0xb0: {  	[tilespmem:s4], [sflag:$0x1] =	stream.indirect.gather [hbm4b:s5+s15], $0x80, s29, s15, $0xb8;
	[tilespmem:$0x10700] =	vst v63  }
0xb1: {  	_ =	swait.ge [sflag:s12], $0x4000  }
0xb2: {  	[sflag:s12] =	ssyncset.done $0x0  }
0xb3: {  	s0 =	rddreg [dreg:$0x4];
	[sflag:s12] =	ssyncadd.s32 $0xFFFFC000  }
0xb4: {  	[hbm4b:s0+s2] =	stream.linear.scatter [tilespmem:s8], [sflag:$0x5], $0x4000, $0x38;
	[tilespmem:$0x10700] =	vst v63  }
0xb5: {  	_ =	swait.ge [sflag:s7], $0x4000  }
0xb6: {  	[sflag:s7] =	ssyncset.done $0x0  }
0xb7: {  	[sflag:s7] =	ssyncadd.s32 $0xFFFFC000  }
0xb8: {  	[tilespmem:s8], [sflag:$0x2] =	stream.indirect.gather [hbm4b:s5+s15], $0x80, s28, s15, $0xb8;
	[tilespmem:$0x10700] =	vst v63  }
0xb9: {  	_ =	swait.ge [sflag:s18], $0x4000  }
0xba: {  	[sflag:s18] =	ssyncset.done $0x0  }
0xbb: {  	s0 =	rddreg [dreg:$0x5];
	[sflag:s18] =	ssyncadd.s32 $0xFFFFC000  }
0xbc: {  	[hbm4b:s0+s2] =	stream.linear.scatter [tilespmem:s16], [sflag:$0x5], $0x4000, $0x38;
	[tilespmem:$0x10700] =	vst v63  }
0xbd: {  	_ =	swait.ge [sflag:s7], $0x4000  }
0xbe: {  	[sflag:s7] =	ssyncset.done $0x0  }
0xbf: {  	[sflag:s7] =	ssyncadd.s32 $0xFFFFC000  }
0xc0: {  	[tilespmem:s16], [sflag:$0x3] =	stream.indirect.gather [hbm4b:s5+s15], $0x80, s26, s15, $0xb8;
	[tilespmem:$0x10700] =	vst v63  }
0xc1: {  	_ =	swait.ge [sflag:s17], $0x4000  }
0xc2: {  	[sflag:s17] =	ssyncset.done $0x0  }
0xc3: {  	s0 =	rddreg [dreg:$0x6];
	[sflag:s17] =	ssyncadd.s32 $0xFFFFC000  }
0xc4: {  	[hbm4b:s0+s2] =	stream.linear.scatter [tilespmem:s14], [sflag:$0x5], $0x4000, $0x38;
	[tilespmem:$0x10700] =	vst v63  }
0xc5: {  	_ =	swait.ge [sflag:s7], $0x4000  }
0xc6: {  	[sflag:s7] =	ssyncset.done $0x0  }
0xc7: {  	[sflag:s7] =	ssyncadd.s32 $0xFFFFC000  }
0xc8: {  	[tilespmem:s14], [sflag:$0x4] =	stream.indirect.gather [hbm4b:s5+s15], $0x80, s25, s15, $0xb8;
	[tilespmem:$0x10700] =	vst v63  }
0xc9: {  	_ =	swait.ge [sflag:s3], $0x4000  }
0xca: {  	[sflag:s3] =	ssyncset.done $0x0  }
0xcb: {  	s0 =	rddreg [dreg:$0x7];
	[sflag:s3] =	ssyncadd.s32 $0xFFFFC000  }
0xcc: {  	[hbm4b:s0+s2] =	stream.linear.scatter [tilespmem:s4], [sflag:$0x5], $0x4000, $0x38;
	[tilespmem:$0x10700] =	vst v63  }
0xcd: {  	_ =	swait.ge [sflag:s7], $0x4000  }
0xce: {  	[sflag:s7] =	ssyncset.done $0x0  }
0xcf: {  	[sflag:s7] =	ssyncadd.s32 $0xFFFFC000  }
0xd0: {  	[tilespmem:s4], [sflag:$0x1] =	stream.indirect.gather [hbm4b:s5+s15], $0x80, s22, s15, $0xb8;
	[tilespmem:$0x10700] =	vst v63  }
0xd1: {  	_ =	swait.ge [sflag:s12], $0x4000  }
0xd2: {  	[sflag:s12] =	ssyncset.done $0x0  }
0xd3: {  	s0 =	rddreg [dreg:$0x8];
	[sflag:s12] =	ssyncadd.s32 $0xFFFFC000  }
0xd4: {  	[hbm4b:s0+s2] =	stream.linear.scatter [tilespmem:s8], [sflag:$0x5], $0x4000, $0x38;
	[tilespmem:$0x10700] =	vst v63  }
0xd5: {  	_ =	swait.ge [sflag:s7], $0x4000  }
0xd6: {  	[sflag:s7] =	ssyncset.done $0x0  }
0xd7: {  	[sflag:s7] =	ssyncadd.s32 $0xFFFFC000  }
0xd8: {  	[tilespmem:s8], [sflag:$0x2] =	stream.indirect.gather [hbm4b:s5+s15], $0x80, s24, s15, $0xb8;
	[tilespmem:$0x10700] =	vst v63  }
0xd9: {  	_ =	swait.ge [sflag:s18], $0x4000  }
0xda: {  	[sflag:s18] =	ssyncset.done $0x0  }
0xdb: {  	s0 =	rddreg [dreg:$0x9];
	[sflag:s18] =	ssyncadd.s32 $0xFFFFC000  }
0xdc: {  	[hbm4b:s0+s2] =	stream.linear.scatter [tilespmem:s16], [sflag:$0x5], $0x4000, $0x38;
	[tilespmem:$0x10700] =	vst v63  }
0xdd: {  	_ =	swait.ge [sflag:s7], $0x4000  }
0xde: {  	[sflag:s7] =	ssyncset.done $0x0  }
0xdf: {  	[sflag:s7] =	ssyncadd.s32 $0xFFFFC000  }
0xe0: {  	[tilespmem:s16], [sflag:$0x3] =	stream.indirect.gather [hbm4b:s5+s15], $0x80, s23, s15, $0xb8;
	[tilespmem:$0x10700] =	vst v63  }
0xe1: {  	_ =	swait.ge [sflag:s17], $0x4000  }
0xe2: {  	[sflag:s17] =	ssyncset.done $0x0  }
0xe3: {  	s0 =	rddreg [dreg:$0xa];
	[sflag:s17] =	ssyncadd.s32 $0xFFFFC000  }
0xe4: {  	[hbm4b:s0+s2] =	stream.linear.scatter [tilespmem:s14], [sflag:$0x5], $0x4000, $0x38;
	[tilespmem:$0x10700] =	vst v63  }
0xe5: {  	_ =	swait.ge [sflag:s7], $0x4000  }
0xe6: {  	[sflag:s7] =	ssyncset.done $0x0  }
0xe7: {  	[sflag:s7] =	ssyncadd.s32 $0xFFFFC000  }
0xe8: {  	[tilespmem:s14], [sflag:$0x4] =	stream.indirect.gather [hbm4b:s5+s15], $0x80, s21, s15, $0xb8;
	[tilespmem:$0x10700] =	vst v63  }
0xe9: {  	_ =	swait.ge [sflag:s3], $0x4000  }
0xea: {  	[sflag:s3] =	ssyncset.done $0x0  }
0xeb: {  	s0 =	rddreg [dreg:$0xb];
	[sflag:s3] =	ssyncadd.s32 $0xFFFFC000  }
0xec: {  	[hbm4b:s0+s2] =	stream.linear.scatter [tilespmem:s4], [sflag:$0x5], $0x4000, $0x38;
	[tilespmem:$0x10700] =	vst v63  }
0xed: {  	_ =	swait.ge [sflag:s7], $0x4000  }
0xee: {  	[sflag:s7] =	ssyncset.done $0x0  }
0xef: {  	[sflag:s7] =	ssyncadd.s32 $0xFFFFC000  }
0xf0: {  	[tilespmem:s4], [sflag:$0x1] =	stream.indirect.gather [hbm4b:s5+s15], $0x80, s20, s15, $0xb8;
	[tilespmem:$0x10700] =	vst v63  }
0xf1: {  	_ =	swait.ge [sflag:s12], $0x4000  }
0xf2: {  	[sflag:s12] =	ssyncset.done $0x0  }
0xf3: {  	[sflag:s12] =	ssyncadd.s32 $0xFFFFC000  }
0xf4: {  	[hbm4b:s13+s2] =	stream.linear.scatter [tilespmem:s8], [sflag:$0x5], $0x4000, $0x38;
	[tilespmem:$0x10700] =	vst v63  }
0xf5: {  	_ =	swait.ge [sflag:s7], $0x4000  }
0xf6: {  	[sflag:s7] =	ssyncset.done $0x0  }
0xf7: {  	[sflag:s7] =	ssyncadd.s32 $0xFFFFC000  }
0xf8: {  	[tilespmem:s8], [sflag:$0x2] =	stream.indirect.gather [hbm4b:s5+s15], $0x80, s19, s15, $0xb8;
	[tilespmem:$0x10700] =	vst v63  }
0xf9: {  	_ =	swait.ge [sflag:s18], $0x4000  }
0xfa: {  	[sflag:s18] =	ssyncset.done $0x0  }
0xfb: {  	[sflag:s18] =	ssyncadd.s32 $0xFFFFC000  }
0xfc: {  	[hbm4b:s11+s2] =	stream.linear.scatter [tilespmem:s16], [sflag:$0x5], $0x4000, $0x38;
	[tilespmem:$0x10700] =	vst v63  }
0xfd: {  	_ =	swait.ge [sflag:s7], $0x4000  }
0xfe: {  	[sflag:s7] =	ssyncset.done $0x0  }
0xff: {  	[sflag:s7] =	ssyncadd.s32 $0xFFFFC000  }
0x100: {  	_ =	swait.ge [sflag:s17], $0x4000  }
0x101: {  	[sflag:s17] =	ssyncset.done $0x0  }
0x102: {  	[sflag:s17] =	ssyncadd.s32 $0xFFFFC000  }
0x103: {  	[hbm4b:s10+s2] =	stream.linear.scatter [tilespmem:s14], [sflag:$0x5], $0x4000, $0x38;
	[tilespmem:$0x10700] =	vst v63  }
0x104: {  	_ =	swait.ge [sflag:s7], $0x4000  }
0x105: {  	[sflag:s7] =	ssyncset.done $0x0  }
0x106: {  	[sflag:s7] =	ssyncadd.s32 $0xFFFFC000  }
0x107: {  	_ =	swait.ge [sflag:s3], $0x4000  }
0x108: {  	[sflag:s3] =	ssyncset.done $0x0  }
0x109: {  	[sflag:s3] =	ssyncadd.s32 $0xFFFFC000  }
0x10a: {  	[hbm4b:s9+s2] =	stream.linear.scatter [tilespmem:s4], [sflag:$0x5], $0x4000, $0x38;
	[tilespmem:$0x10700] =	vst v63  }
0x10b: {  	_ =	swait.ge [sflag:s7], $0x4000  }
0x10c: {  	[sflag:s7] =	ssyncset.done $0x0  }
0x10d: {  	[sflag:s7] =	ssyncadd.s32 $0xFFFFC000  }
0x10e: {  	p1 =	sne.s32 s1, $0x1;
	_ =	swait.ge [sflag:s12], $0x4000  }
.Ltmp2:
0x10f: {  	[sflag:s12] =	ssyncset.done $0x0;
	(pc) =	sbr.rel @p1 .LBB2_2-.Ltmp2, $4  }
0x110: {  	[sflag:s12] =	ssyncadd.s32 $0xFFFFC000  }
0x111: {  	[hbm4b:s6+s2] =	stream.linear.scatter [tilespmem:s8], [sflag:$0x5], $0x4000, $0x38;
	[tilespmem:$0x10700] =	vst v63  }
0x112: {  	_ =	swait.ge [sflag:s7], $0x4000  }
0x113: {  	s1 =	sadd.s32 $0xFFFFFFFF, s1;
	s0 =	rddreg [dreg:$0x2];
	[sflag:s7] =	ssyncset.done $0x0  }
.LBB2_3:
0x114: {  	[sflag:s7] =	ssyncadd.s32 @p0 $0xFFFFC000  }
0x115: {  	[tilespmem:s2], [sflag:$0x5] =	stream.strided.gather [hbm4b:s0+s15], $0x700, s22, s15, $0x38;
	[tilespmem:$0x10700] =	vst v63  }
0x116: {  	_ =	swait.ge [sflag:s7], $0x700  }
0x117: {  	[sflag:s7] =	ssyncset.done $0x0  }
0x118: {  	[sflag:s7] =	ssyncadd.s32 $0xFFFFF900  }
0x119: {  	[tilespmem:s4], [sflag:$0x1] =	stream.indirect.gather [hbm4b:s5+s15], $0x80, s2, s15, $0xb8;
	[tilespmem:$0x10700] =	vst v63  }
0x11a: {  	_ = 	snop  }
0x11b: {  	[tilespmem:s8], [sflag:$0x2] =	stream.indirect.gather [hbm4b:s5+s15], $0x80, s15, s15, $0xb8;
	[tilespmem:$0x10700] =	vst v63  }
0x11c: {  	_ = 	snop  }
0x11d: {  	[tilespmem:s16], [sflag:$0x3] =	stream.indirect.gather [hbm4b:s5+s15], $0x80, s30, s15, $0xb8;
	[tilespmem:$0x10700] =	vst v63  }
0x11e: {  	_ = 	snop  }
0x11f: {  	[tilespmem:s14], [sflag:$0x4] =	stream.indirect.gather [hbm4b:s5+s15], $0x80, s31, s15, $0xb8;
	[tilespmem:$0x10700] =	vst v63  }
0x120: {  	_ =	swait.ge [sflag:s3], $0x4000  }
0x121: {  	[sflag:s3] =	ssyncset.done $0x0  }
0x122: {  	s1 =	rddreg [dreg:$0x3];
	[sflag:s3] =	ssyncadd.s32 $0xFFFFC000  }
0x123: {  	[hbm4b:s1+s2] =	stream.linear.scatter [tilespmem:s4], [sflag:$0x5], $0x4000, $0x38;
	[tilespmem:$0x10700] =	vst v63  }
0x124: {  	_ =	swait.ge [sflag:s7], $0x4000  }
0x125: {  	[sflag:s7] =	ssyncset.done $0x0  }
0x126: {  	[sflag:s7] =	ssyncadd.s32 $0xFFFFC000  }
0x127: {  	[tilespmem:s4], [sflag:$0x1] =	stream.indirect.gather [hbm4b:s5+s15], $0x80, s29, s15, $0xb8;
	[tilespmem:$0x10700] =	vst v63  }
0x128: {  	_ =	swait.ge [sflag:s12], $0x4000  }
0x129: {  	[sflag:s12] =	ssyncset.done $0x0  }
0x12a: {  	s30 =	rddreg [dreg:$0x4];
	[sflag:s12] =	ssyncadd.s32 $0xFFFFC000  }
0x12b: {  	[hbm4b:s30+s2] =	stream.linear.scatter [tilespmem:s8], [sflag:$0x5], $0x4000, $0x38;
	[tilespmem:$0x10700] =	vst v63  }
0x12c: {  	_ =	swait.ge [sflag:s7], $0x4000  }
0x12d: {  	[sflag:s7] =	ssyncset.done $0x0  }
0x12e: {  	[sflag:s7] =	ssyncadd.s32 $0xFFFFC000  }
0x12f: {  	[tilespmem:s8], [sflag:$0x2] =	stream.indirect.gather [hbm4b:s5+s15], $0x80, s28, s15, $0xb8;
	[tilespmem:$0x10700] =	vst v63  }
0x130: {  	_ =	swait.ge [sflag:s18], $0x4000  }
0x131: {  	[sflag:s18] =	ssyncset.done $0x0  }
0x132: {  	s31 =	rddreg [dreg:$0x5];
	[sflag:s18] =	ssyncadd.s32 $0xFFFFC000  }
0x133: {  	[hbm4b:s31+s2] =	stream.linear.scatter [tilespmem:s16], [sflag:$0x5], $0x4000, $0x38;
	[tilespmem:$0x10700] =	vst v63  }
0x134: {  	_ =	swait.ge [sflag:s7], $0x4000  }
0x135: {  	[sflag:s7] =	ssyncset.done $0x0  }
0x136: {  	[sflag:s7] =	ssyncadd.s32 $0xFFFFC000  }
0x137: {  	[tilespmem:s16], [sflag:$0x3] =	stream.indirect.gather [hbm4b:s5+s15], $0x80, s26, s15, $0xb8;
	[tilespmem:$0x10700] =	vst v63  }
0x138: {  	_ =	swait.ge [sflag:s17], $0x4000  }
0x139: {  	[sflag:s17] =	ssyncset.done $0x0  }
0x13a: {  	s1 =	rddreg [dreg:$0x6];
	[sflag:s17] =	ssyncadd.s32 $0xFFFFC000  }
0x13b: {  	[hbm4b:s1+s2] =	stream.linear.scatter [tilespmem:s14], [sflag:$0x5], $0x4000, $0x38;
	[tilespmem:$0x10700] =	vst v63  }
0x13c: {  	_ =	swait.ge [sflag:s7], $0x4000  }
0x13d: {  	[sflag:s7] =	ssyncset.done $0x0  }
0x13e: {  	[sflag:s7] =	ssyncadd.s32 $0xFFFFC000  }
0x13f: {  	[tilespmem:s14], [sflag:$0x4] =	stream.indirect.gather [hbm4b:s5+s15], $0x80, s25, s15, $0xb8;
	[tilespmem:$0x10700] =	vst v63  }
0x140: {  	_ =	swait.ge [sflag:s3], $0x4000  }
0x141: {  	[sflag:s3] =	ssyncset.done $0x0  }
0x142: {  	s25 =	rddreg [dreg:$0x7];
	[sflag:s3] =	ssyncadd.s32 $0xFFFFC000  }
0x143: {  	[hbm4b:s25+s2] =	stream.linear.scatter [tilespmem:s4], [sflag:$0x5], $0x4000, $0x38;
	[tilespmem:$0x10700] =	vst v63  }
0x144: {  	_ =	swait.ge [sflag:s7], $0x4000  }
0x145: {  	[sflag:s7] =	ssyncset.done $0x0  }
0x146: {  	[sflag:s7] =	ssyncadd.s32 $0xFFFFC000  }
0x147: {  	[tilespmem:s4], [sflag:$0x1] =	stream.indirect.gather [hbm4b:s5+s15], $0x80, s22, s15, $0xb8;
	[tilespmem:$0x10700] =	vst v63  }
0x148: {  	_ =	swait.ge [sflag:s12], $0x4000  }
0x149: {  	[sflag:s12] =	ssyncset.done $0x0  }
0x14a: {  	s26 =	rddreg [dreg:$0x8];
	[sflag:s12] =	ssyncadd.s32 $0xFFFFC000  }
0x14b: {  	[hbm4b:s26+s2] =	stream.linear.scatter [tilespmem:s8], [sflag:$0x5], $0x4000, $0x38;
	[tilespmem:$0x10700] =	vst v63  }
0x14c: {  	_ =	swait.ge [sflag:s7], $0x4000  }
0x14d: {  	[sflag:s7] =	ssyncset.done $0x0  }
0x14e: {  	[sflag:s7] =	ssyncadd.s32 $0xFFFFC000  }
0x14f: {  	[tilespmem:s8], [sflag:$0x2] =	stream.indirect.gather [hbm4b:s5+s15], $0x80, s24, s15, $0xb8;
	[tilespmem:$0x10700] =	vst v63  }
0x150: {  	_ =	swait.ge [sflag:s18], $0x4000  }
0x151: {  	[sflag:s18] =	ssyncset.done $0x0  }
0x152: {  	s28 =	rddreg [dreg:$0x9];
	[sflag:s18] =	ssyncadd.s32 $0xFFFFC000  }
0x153: {  	[hbm4b:s28+s2] =	stream.linear.scatter [tilespmem:s16], [sflag:$0x5], $0x4000, $0x38;
	[tilespmem:$0x10700] =	vst v63  }
0x154: {  	_ =	swait.ge [sflag:s7], $0x4000  }
0x155: {  	[sflag:s7] =	ssyncset.done $0x0  }
0x156: {  	[sflag:s7] =	ssyncadd.s32 $0xFFFFC000  }
0x157: {  	[tilespmem:s16], [sflag:$0x3] =	stream.indirect.gather [hbm4b:s5+s15], $0x80, s23, s15, $0xb8;
	[tilespmem:$0x10700] =	vst v63  }
0x158: {  	_ =	swait.ge [sflag:s17], $0x4000  }
0x159: {  	[sflag:s17] =	ssyncset.done $0x0  }
0x15a: {  	s29 =	rddreg [dreg:$0xa];
	[sflag:s17] =	ssyncadd.s32 $0xFFFFC000  }
0x15b: {  	[hbm4b:s29+s2] =	stream.linear.scatter [tilespmem:s14], [sflag:$0x5], $0x4000, $0x38;
	[tilespmem:$0x10700] =	vst v63  }
0x15c: {  	_ =	swait.ge [sflag:s7], $0x4000  }
0x15d: {  	[sflag:s7] =	ssyncset.done $0x0  }
0x15e: {  	[sflag:s7] =	ssyncadd.s32 $0xFFFFC000  }
0x15f: {  	[tilespmem:s14], [sflag:$0x4] =	stream.indirect.gather [hbm4b:s5+s15], $0x80, s21, s15, $0xb8;
	[tilespmem:$0x10700] =	vst v63  }
0x160: {  	_ =	swait.ge [sflag:s3], $0x4000  }
0x161: {  	[sflag:s3] =	ssyncset.done $0x0  }
0x162: {  	s30 =	rddreg [dreg:$0xb];
	[sflag:s3] =	ssyncadd.s32 $0xFFFFC000  }
0x163: {  	[hbm4b:s30+s2] =	stream.linear.scatter [tilespmem:s4], [sflag:$0x5], $0x4000, $0x38;
	[tilespmem:$0x10700] =	vst v63  }
0x164: {  	_ =	swait.ge [sflag:s7], $0x4000  }
0x165: {  	[sflag:s7] =	ssyncset.done $0x0  }
0x166: {  	[sflag:s7] =	ssyncadd.s32 $0xFFFFC000  }
0x167: {  	[tilespmem:s4], [sflag:$0x1] =	stream.indirect.gather [hbm4b:s5+s15], $0x80, s20, s15, $0xb8;
	[tilespmem:$0x10700] =	vst v63  }
0x168: {  	_ =	swait.ge [sflag:s12], $0x4000  }
0x169: {  	[sflag:s12] =	ssyncset.done $0x0  }
0x16a: {  	[sflag:s12] =	ssyncadd.s32 $0xFFFFC000  }
0x16b: {  	[hbm4b:s13+s2] =	stream.linear.scatter [tilespmem:s8], [sflag:$0x5], $0x4000, $0x38;
	[tilespmem:$0x10700] =	vst v63  }
0x16c: {  	_ =	swait.ge [sflag:s7], $0x4000  }
0x16d: {  	[sflag:s7] =	ssyncset.done $0x0  }
0x16e: {  	[sflag:s7] =	ssyncadd.s32 $0xFFFFC000  }
0x16f: {  	[tilespmem:s8], [sflag:$0x2] =	stream.indirect.gather [hbm4b:s5+s15], $0x80, s19, s15, $0xb8;
	[tilespmem:$0x10700] =	vst v63  }
0x170: {  	_ =	swait.ge [sflag:s18], $0x4000  }
0x171: {  	[sflag:s18] =	ssyncset.done $0x0  }
0x172: {  	[sflag:s18] =	ssyncadd.s32 $0xFFFFC000  }
0x173: {  	[hbm4b:s11+s2] =	stream.linear.scatter [tilespmem:s16], [sflag:$0x5], $0x4000, $0x38;
	[tilespmem:$0x10700] =	vst v63  }
0x174: {  	_ =	swait.ge [sflag:s7], $0x4000  }
0x175: {  	[sflag:s7] =	ssyncset.done $0x0  }
0x176: {  	[sflag:s7] =	ssyncadd.s32 $0xFFFFC000  }
0x177: {  	_ =	swait.ge [sflag:s17], $0x4000  }
0x178: {  	[sflag:s17] =	ssyncset.done $0x0  }
0x179: {  	[sflag:s17] =	ssyncadd.s32 $0xFFFFC000  }
0x17a: {  	[hbm4b:s10+s2] =	stream.linear.scatter [tilespmem:s14], [sflag:$0x5], $0x4000, $0x38;
	[tilespmem:$0x10700] =	vst v63  }
0x17b: {  	_ =	swait.ge [sflag:s7], $0x4000  }
0x17c: {  	[sflag:s7] =	ssyncset.done $0x0  }
0x17d: {  	[sflag:s7] =	ssyncadd.s32 $0xFFFFC000  }
0x17e: {  	_ =	swait.ge [sflag:s3], $0x4000  }
0x17f: {  	[sflag:s3] =	ssyncset.done $0x0  }
0x180: {  	[sflag:s3] =	ssyncadd.s32 $0xFFFFC000  }
0x181: {  	[hbm4b:s9+s2] =	stream.linear.scatter [tilespmem:s4], [sflag:$0x5], $0x4000, $0x38;
	[tilespmem:$0x10700] =	vst v63  }
0x182: {  	_ =	swait.ge [sflag:s7], $0x4000  }
0x183: {  	[sflag:s7] =	ssyncset.done $0x0  }
0x184: {  	[sflag:s7] =	ssyncadd.s32 $0xFFFFC000  }
0x185: {  	_ =	swait.ge [sflag:s12], $0x4000  }
0x186: {  	[sflag:s12] =	ssyncset.done $0x0  }
0x187: {  	[sflag:s12] =	ssyncadd.s32 $0xFFFFC000  }
0x188: {  	[hbm4b:s6+s2] =	stream.linear.scatter [tilespmem:s8], [sflag:$0x5], $0x4000, $0x38;
	[tilespmem:$0x10700] =	vst v63  }
0x189: {  	_ =	swait.ge [sflag:s7], $0x4000  }
0x18a: {  	[sflag:s7] =	ssyncset.done $0x0  }
0x18b: {  	[sflag:s7] =	ssyncadd.s32 $0xFFFFC000  }
0x18c: {  	_ =	sfence.sel $0x180000  }
0x18d: {  	[bflag:$0x0] =	sbarrier.arrive $0xFFFF  }
0x18e: {  	_ =	strace $0x9000004A  }
0x18f: {  	s31 =	stileid.u32;
	[bflag:$0x2] =	sbarrier.arrive $0xFFFF  }
0x190: {  	p0 =	sne.s32 s31, $0x0;
	s0 =	rddreg [dreg:$0x1]  }
0x191: {  	s0 =	sadd.s32 @!p0 $0x100000, s0  }
0x192: {  	[sflag:s0] =	ssyncadd.tile.s32 @!p0 $0x1;
	_ =	shalt  }
.Lfunc_end2:
_tile_overlayer_lowered:
.L_overlay_start_2:
0x193: {  	(tag) =	ssettag $0x2  }
0x194: {  	s0 =	rddreg [dreg:$0x0];
	s2 =	stileid.u32  }
0x195: {  	s1 =	rddreg [dreg:$0x1];
	p0 =	sne.s32 s2, $0x0  }
0x196: {  	s3 =	rddreg [dreg:$0x2];
	[bflag:$0x3] =	sbarrier.arrive $0xFFFF;
	s2 =	simm.s32 @!p0 $0x1C05  }
0x197: {  	[timem:s3], [sflag:s2] =	dma.local @!p0 [hbm:s0], s1  }
0x198: {  	s0 =	simm.s32 @!p0 $0x5  }
0x199: {  	_ =	swait.ge @!p0 [sflag:s0], s1  }
0x19a: {  	s1 =	ssub.s32 @!p0 $0x0, s1;
	[sflag:s0] =	ssyncset.done @!p0 $0x0  }
0x19b: {  	[sflag:s0] =	ssyncadd.s32 @!p0 s1  }
0x19c: {  	[bflag:$0x3] =	sbarrier.arrive $0xFFFF  }
0x19d: {  	_ =	shalt  }

// kernel: kernel.18.cloned.1.call-start
scs
__scs_entry_jumppad:
0x0: {  	(pc) =	sbr.rel $0x88, $3  }
0x1: {  	(tag) =	ssettag $0x0;
	lr =	simm.s32 $0x1  }
0x2: {  	[smem:$0x3F8B] =	sst lr;
	_ =	strace $0xD0000000  }
0x3: {  	_ = 	snop  }
0x4: {  	_ = 	snop  }
0x5: {  	_ = 	snop  }
0x6: {  	_ = 	snop  }
0x7: {  	_ = 	snop  }
__scs_overlays_trampoline_lowered:
0x8: {  	[smem:$0x3F9A] =	sst s0  }
0x9: {  	[smem:$0x3F9B] =	sst s1  }
0xa: {  	[smem:$0x3F9C] =	sst s2  }
0xb: {  	[smem:$0x3F9D] =	sst s3  }
0xc: {  	[smem:$0x3F9E] =	sst s4  }
0xd: {  	[smem:$0x3F9F] =	sst s5  }
0xe: {  	[smem:$0x3FA0] =	sst s6  }
0xf: {  	[smem:$0x3FA1] =	sst s7  }
0x10: {  	[smem:$0x3FA2] =	sst s8  }
0x11: {  	[smem:$0x3FA3] =	sst s9;
	s0 =	simm.s32 @!p0 $0x0  }
0x12: {  	s1 =	sld [smem:$0x3F89];
	s0 =	simm.s32 @p0 $0x1  }
0x13: {  	[smem:$0x3FA4] =	sst s0;
	s0 =	simm.s32 @!p1 $0x0  }
0x14: {  	s2 =	sld [smem:$0x3F88];
	s0 =	simm.s32 @p1 $0x1  }
0x15: {  	[smem:$0x3FA5] =	sst s0;
	s0 =	simm.s32 @!p2 $0x0  }
0x16: {  	s3 =	sld [smem:$0x3FDB];
	s0 =	simm.s32 @p2 $0x1  }
0x17: {  	s4 =	simm.s32 $0x1BF5;
	[smem:$0x3FA7] =	sst s0  }
0x18: {  	s0 =	sld [smem:$0x3F8A];
	_ =	swait.ge [sflag:s4], $0x0  }
0x19: {  	s7 =	sld [smem:$0x3F8B]  }
0x1a: {  	s8 =	sadd.s32 $0xFFFFE003, lr  }
0x1b: {  	s9 =	sadd.s32 $0xFFFFFEF7, lr;
	s5 =	simm.s32 $0xFFFFFFFF;
	p2 =	slt.u32 s8, $0xFFFFF086  }
0x1c: {  	p1 =	slt.u32 s9, $0xF7A;
	s5 =	simm.s32 @!p2 $0x0  }
0x1d: {  	s5 =	simm.s32 @p1 $0x1;
	p0 =	seq.s32 s7, s2  }
0x1e: {  	s7 =	smul.u32 @!p0 $0xF7A, s2;
	p2 =	seq.s32 @!p0 s5, $0x0  }
0x1f: {  	s9 =	smul.u32 $0xF7A, s1;
	s8 =	simm.s32 @!p0 $0x1BF5;
	p2 =	por !p2, p0  }
0x20: {  	[sflag:s8] =	ssyncset.s32 @!p0 $0xFFFFF086;
	s6 =	sadd.s32 @!p0 s3, s7;
	s7 =	simm.s32 @!p0 $0x108  }
0x21: {  	s3 =	sadd.s32 s3, s9;
	s6 =	sadd.s32 @!p0 $0x88, s6;
	s7 =	simm.s32 @p2 $0x1082  }
0x22: {  	[simem:s7], [sflag:s8] =	dma.local @!p0 [hbm:s6], $0xF7A  }
0x23: {  	s9 =	sor.u32 $0xD0000000, s2;
	s6 =	simm.s32 $0x108;
	_ =	swait.ge @!p0 [sflag:s8], $0x0  }
0x24: {  	s3 =	sadd.s32 $0x88, s3;
	s6 =	simm.s32 @!p1 $0x1082;
	[sflag:s4] =	ssyncset.s32 $0xFFFFF086  }
0x25: {  	[simem:s6], [sflag:s4] =	dma.local [hbm:s3], $0xF7A  }
0x26: {  	[smem:$0x3F8B] =	sst s1;
	(tag) =	ssettag s2;
	_ =	strace s9  }
0x27: {  	s1 =	sld [smem:$0x3F9B]  }
0x28: {  	s2 =	sld [smem:$0x3F9C]  }
0x29: {  	s4 =	sld [smem:$0x3F9E]  }
0x2a: {  	p0 =	seq.s32 s5, $0x0;
	s5 =	sld [smem:$0x3F9F]  }
0x2b: {  	s6 =	sld [smem:$0x3FA0]  }
0x2c: {  	s7 =	sld [smem:$0x3FA1]  }
0x2d: {  	s3 =	simm.s32 $0x108;
	s8 =	sld [smem:$0x3FA2]  }
0x2e: {  	s3 =	simm.s32 @!p0 $0x1082;
	s9 =	sld [smem:$0x3FA3]  }
0x2f: {  	lr =	sadd.s32 s0, s3;
	s0 =	sld [smem:$0x3F9A]  }
0x30: {  	s3 =	sld [smem:$0x3F9D]  }
0x31: {  	[smem:$0x3FA6] =	sst s10  }
0x32: {  	s10 =	sld [smem:$0x3FA4];
	_ =	sdelay $0x3  }
0x33: {  	p0 =	seq.s32 s10, $0x1;
	s10 =	sld [smem:$0x3FA6];
	_ =	sdelay $0x3  }
0x34: {  	[smem:$0x3FA6] =	sst s10  }
0x35: {  	s10 =	sld [smem:$0x3FA5];
	_ =	sdelay $0x3  }
0x36: {  	p1 =	seq.s32 s10, $0x1;
	s10 =	sld [smem:$0x3FA6];
	_ =	sdelay $0x3  }
0x37: {  	[smem:$0x3FA6] =	sst s10  }
0x38: {  	s10 =	sld [smem:$0x3FA7]  }
0x39: {  	_ = 	snop;
	(pc) =	sbr.ind lr, $3  }
0x3a: {  	_ = 	snop  }
0x3b: {  	_ = 	snop  }
0x3c: {  	p2 =	seq.s32 s10, $0x1;
	s10 =	sld [smem:$0x3FA6]  }
0x3d: {  	_ =	shalt  }
0x3e: {  	_ =	shalt  }
0x3f: {  	_ =	shalt  }
0x40: {  	_ =	shalt  }
0x41: {  	_ =	shalt  }
0x42: {  	_ =	shalt  }
0x43: {  	_ =	shalt  }
0x44: {  	_ =	shalt  }
0x45: {  	_ =	shalt  }
0x46: {  	_ =	shalt  }
0x47: {  	_ =	shalt  }
0x48: {  	_ =	shalt  }
0x49: {  	_ =	shalt  }
0x4a: {  	_ =	shalt  }
0x4b: {  	_ =	shalt  }
0x4c: {  	_ =	shalt  }
0x4d: {  	_ =	shalt  }
0x4e: {  	_ =	shalt  }
0x4f: {  	_ =	shalt  }
0x50: {  	_ =	shalt  }
0x51: {  	_ =	shalt  }
0x52: {  	_ =	shalt  }
0x53: {  	_ =	shalt  }
0x54: {  	_ =	shalt  }
0x55: {  	_ =	shalt  }
0x56: {  	_ =	shalt  }
0x57: {  	_ =	shalt  }
0x58: {  	_ =	shalt  }
0x59: {  	_ =	shalt  }
0x5a: {  	_ =	shalt  }
0x5b: {  	_ =	shalt  }
0x5c: {  	_ =	shalt  }
0x5d: {  	_ =	shalt  }
0x5e: {  	_ =	shalt  }
0x5f: {  	_ =	shalt  }
0x60: {  	_ =	shalt  }
0x61: {  	_ =	shalt  }
0x62: {  	_ =	shalt  }
0x63: {  	_ =	shalt  }
0x64: {  	_ =	shalt  }
0x65: {  	_ =	shalt  }
0x66: {  	_ =	shalt  }
0x67: {  	_ =	shalt  }
0x68: {  	_ =	shalt  }
0x69: {  	_ =	shalt  }
0x6a: {  	_ =	shalt  }
0x6b: {  	_ =	shalt  }
0x6c: {  	_ =	shalt  }
0x6d: {  	_ =	shalt  }
0x6e: {  	_ =	shalt  }
0x6f: {  	_ =	shalt  }
0x70: {  	_ =	shalt  }
0x71: {  	_ =	shalt  }
0x72: {  	_ =	shalt  }
0x73: {  	_ =	shalt  }
0x74: {  	_ =	shalt  }
0x75: {  	_ =	shalt  }
0x76: {  	_ =	shalt  }
0x77: {  	_ =	shalt  }
0x78: {  	_ =	shalt  }
0x79: {  	_ =	shalt  }
0x7a: {  	_ =	shalt  }
0x7b: {  	_ =	shalt  }
0x7c: {  	_ =	shalt  }
0x7d: {  	_ =	shalt  }
0x7e: {  	_ =	shalt  }
0x7f: {  	_ =	shalt  }
0x80: {  	_ =	shalt  }
0x81: {  	_ =	shalt  }
0x82: {  	_ =	shalt  }
0x83: {  	_ =	shalt  }
0x84: {  	_ =	shalt  }
0x85: {  	_ =	shalt  }
0x86: {  	_ =	shalt  }
0x87: {  	_ =	shalt  }
.Lfunc_end0:
.L_simem_size_0:
called_computation.2_lowered:
.L_overlay_start_0:
0x88: {  	s2 =	sld [smem:$0x3FD9]  }
0x89: {  	s3 =	sld [smem:$0x3FFE];
	_ =	sdelay $0x1  }
0x8a: {  	s1 =	srdreg.scid  }
0x8b: {  	s0 =	sand.u32 $0x1, s1  }
0x8c: {  	s16 =	sshll.u32 s0, $0xA;
	s2 =	sadd.s32 s3, s2  }
0x8d: {  	s2 =	sadd.s32 s2, s16  }
0x8e: {  	[smem:$0x3FB2] =	sst s2  }
0x8f: {  	_ = 	snop  }
0x90: {  	(tm) =	ssettm $0x1  }
0x91: {  	s17 =	sld [smem:$0x3FFB];
	_ =	sdelay $0x3  }
0x92: {  	_ =	strace s17  }
0x93: {  	s2 =	sld [smem:$0x3FFC];
	_ =	sdelay $0x3  }
0x94: {  	_ =	strace s2  }
0x95: {  	s2 =	sld [smem:$0x3FFD];
	_ =	sdelay $0x3  }
0x96: {  	_ =	strace s2  }
0x97: {  	_ =	strace $0x8FFFFFFF  }
0x98: {  	s18 =	sld [smem:$0x3FDB];
	_ =	sdelay $0x1  }
0x99: {  	s19 =	simm.s32 $_scs_section_size  }
0x9a: {  	s4 =	simm.s32 $_size__tile_overlayer_lowered;
	s5 =	simm.s32 $_tile_overlayer_lowered  }
0x9b: {  	s22 =	simm.s32 $0x1BFF;
	s21 =	sshll.u32 s5, $0x1;
	s2 =	sadd.s32 s19, s18  }
0x9c: {  	s6 =	simm.s32 $0x0;
	s20 =	sshll.u32 s4, $0x1;
	s4 =	sadd.s32 s21, s2  }
0x9d: {  	[timem:s6], [sflag:s22] =	dma.local [hbm:s4], s20  }
0x9e: {  	_ =	swait.ge [sflag:s22], s20  }
0x9f: {  	s3 =	ssub.s32 $0x0, s20;
	[sflag:s22] =	ssyncset.done $0x0  }
0xa0: {  	[sflag:s22] =	ssyncadd.s32 s3;
	_ =	sdelay $0x1  }
0xa1: {  	s23 =	simm.s32 $0x1B8B  }
0xa2: {  	_ =	swait.ge [sflag:s23], $0x1  }
0xa3: {  	[sflag:s23] =	ssyncset.done $0x0  }
0xa4: {  	s25 =	simm.s32 $0x1B8E;
	s24 =	sld [smem:$0x3FFE];
	[sflag:s23] =	ssyncadd.s32 $0xFFFFFFFF  }
0xa5: {  	s26 =	simm.s32 $execute0_lowered;
	[smem:$0x3FD2] =	sst s25  }
0xa6: {  	s4 =	sshll.u32 s26, $0x1;
	_ =	strace $0x8000004C;
	[dreg:$0x1] =	wrdreg $0xFFFFFFFF  }
0xa7: {  	s28 =	simm.s32 $_size_execute0_lowered;
	s2 =	sadd.s32 s2, s4;
	[dreg:$0x0] =	wrdreg $0x0  }
0xa8: {  	s4 =	sshll.u32 s28, $0x1;
	[dreg:$0x2] =	wrdreg s2  }
0xa9: {  	[dreg:$0x3] =	wrdreg s4  }
0xaa: {  	[dreg:$0x4] =	wrdreg $0xC0  }
0xab: {  	_ =	task [dreg:s6], $0x5FFFF  }
0xac: {  	[dreg:$0x1] =	wrdreg $0xFFFFFFFF  }
0xad: {  	[dreg:$0x0] =	wrdreg $0x60  }
0xae: {  	[dreg:$0x2] =	wrdreg s24  }
0xaf: {  	[dreg:$0x3] =	wrdreg $0x9  }
0xb0: {  	_ =	task.clear_ibuf [dreg:s6], $0x4FFFF;
	_ =	strace $0x9000004C  }
0xb1: {  	s29 =	simm.s32 $0x9;
	_ =	strace $0x8000004E  }
0xb2: {  	_ =	swait.ge [sflag:s29], $0x1  }
0xb3: {  	[sflag:s29] =	ssyncadd.s32 $0xFFFFFFFF  }
0xb4: {  	_ =	strace $0x9000004E  }
0xb5: {  	_ =	sfence  }
0xb6: {  	s30 =	sld [smem:$0x0];
	_ =	sdelay $0x2  }
0xb7: {  	s31 =	sshll.u32 s1, $0xD;
	s1 =	sshrl.u32 s1, $0x2  }
0xb8: {  	s3 =	sand.u32 $0x4000, s31;
	s1 =	sadd.s32 s1, s30  }
0xb9: {  	s0 =	sor.u32 s3, s0;
	s1 =	sshll.u32 s1, $0x11  }
0xba: {  	s0 =	sor.u32 s1, s0  }
0xbb: {  	s0 =	sadd.s32 $0x8F2B, s0  }
0xbc: {  	[sflag:s0] =	ssyncadd.remote.s32 $0x1  }
0xbd: {  	_ =	sfence.sel $0xFFFF  }
0xbe: {  	[dreg:$0x0] =	wrdreg $0xFFFFFFFF;
	(pc) =	sbr.abs _section_cstart, $3  }
0xbf: {  	[dreg:$0x1] =	wrdreg $0xFFFFFFFF  }
0xc0: {  	_ =	task.clear_ibuf [dreg:s6], $0x2FFFF;
	_ =	strace $0x9FFFFFFF  }
0xc1: {  	(tm) =	ssettm $0x7FFFFFFF  }
tec
execute0_lowered:
.L_overlay_start_1:
0x0: {  	(tag) =	ssettag $0x1  }
0x1: {  	s0 =	srdreg.scid  }
0x2: {  	s3 =	stileid.u32;
	s0 =	sand.u32 $0x1, s0  }
0x3: {  	s1 =	sor.u32 s0, s3  }
0x4: {  	p1 =	seq.s32 s0, $0x1;
	p0 =	seq.s32 s1, $0x0  }
0x5: {  	p0 =	por !p0, !p1  }
0x6: {  	s1 =	simm.s32 $0x1;
	p0 =	por !p0, !p0  }
0x7: {  	s2 =	rddreg [dreg:$0x0];
	s1 =	simm.s32 @!p0 $0x0  }
0x8: {  	s8 =	sadd.s32 $0x62000, s2;
	s7 =	sshll.u32 s0, $0x10;
	s1 =	ssub.s32 s3, s1  }
0x9: {  	s3 =	sshll.u32 s1, $0xC;
	s6 =	sshll.u32 s1, $0x7;
	s1 =	sshll.u32 s1, $0x11  }
0xa: {  	s4 =	sand.u32 $0xFFFF8000, s3;
	s3 =	simm.s32 $0x0;
	s1 =	sor.u32 s7, s1  }
0xb: {  	[smem:$0x7FF] =	sst s3;
	s9 =	sand.u32 $0x1FFF0000, s1;
	s1 =	sadd.s32 s8, s1  }
0xc: {  	s28 =	simm.s32 $0x80;
	_ =	strace $0x8000004D;
	[dreg:$0x3] =	wrdreg s1  }
0xd: {  	s29 =	simm.s32 $0x400;
	s10 =	sadd.s32 s9, s8;
	[dreg:$0x13] =	wrdreg s28  }
0xe: {  	[dreg:$0x14] =	wrdreg s29;
	s11 =	sadd.s32 $0x1000, s10  }
0xf: {  	s30 =	simm.s32 $0x2;
	s12 =	sadd.s32 $0x2000, s10;
	[dreg:$0x4] =	wrdreg s11  }
0x10: {  	s31 =	simm.s32 $0x8800;
	s13 =	sadd.s32 $0x3000, s10;
	[dreg:$0x5] =	wrdreg s12  }
0x11: {  	s5 =	sshll.u32 s0, $0xE;
	s14 =	sadd.s32 $0x4000, s10;
	[dreg:$0x6] =	wrdreg s13  }
0x12: {  	s0 =	ssub.s32 $0x2, s0;
	s15 =	sadd.s32 $0x5000, s10;
	[dreg:$0x7] =	wrdreg s14  }
0x13: {  	s26 =	sshrl.u32 s0, $0x1;
	s16 =	sadd.s32 $0x6000, s10;
	[dreg:$0x8] =	wrdreg s15  }
0x14: {  	s0 =	ssub.s32 s0, s26;
	s17 =	sadd.s32 $0x7000, s10;
	[dreg:$0x9] =	wrdreg s16  }
0x15: {  	s6 =	sand.u32 $0x380, s6;
	s18 =	sadd.s32 $0x8000, s10;
	[dreg:$0xa] =	wrdreg s17  }
0x16: {  	s7 =	simm.s32 $0x10800;
	s19 =	sadd.s32 $0x9000, s10;
	[dreg:$0xb] =	wrdreg s18  }
0x17: {  	s4 =	sor.u32 s5, s4;
	s20 =	sadd.s32 $0xA000, s10;
	[dreg:$0xc] =	wrdreg s19  }
0x18: {  	s5 =	smax.u32 s0, $0x1;
	s21 =	sadd.s32 $0xB000, s10;
	[dreg:$0xd] =	wrdreg s20  }
0x19: {  	s4 =	sor.u32 s6, s4;
	s22 =	sadd.s32 $0xC000, s10;
	[dreg:$0xe] =	wrdreg s21  }
0x1a: {  	s6 =	simm.s32 $0x4;
	s23 =	sadd.s32 $0xD000, s10;
	[dreg:$0xf] =	wrdreg s22  }
0x1b: {  	s4 =	sshrl.u32 s4, $0x3;
	s24 =	sadd.s32 $0xE000, s10;
	[dreg:$0x10] =	wrdreg s23  }
0x1c: {  	v2 =	vlaneseq.u32;
	s25 =	sadd.s32 $0xF000, s10;
	s4 =	sadd.s32 s4, s2;
	[dreg:$0x11] =	wrdreg s24  }
0x1d: {  	vm0 =	vmmov $0xffff;
	v1 =	vshrl.u32 v2, $0x3;
	s1 =	simm.s32 $0x3;
	[dreg:$0x12] =	wrdreg s25;
	s4 =	sadd.s32 $0x60000, s4  }
0x1e: {  	v0 =	vand.u32 $0x7, v2;
	v2 =	vor.u32 $0x8, v2;
	v1 =	vmul.u32 $0x8, v1;
	s22 =	simm.s32 $0x800;
	[dreg:$0x2] =	wrdreg s4;
	s4 =	simm.s32 $0x1  }
.LBB2_1:
0x1f: {  	s0 =	rddreg [dreg:$0x2]  }
0x20: {  	s24 =	rddreg [dreg:$0x13]  }
0x21: {  	s25 =	rddreg [dreg:$0x14]  }
0x22: {  	[tilespmem:s3], [sflag:$0x4] =	stream.strided.gather [hbm4b:s0+s24], $0x800, s25, s24, $0x38;
	[tilespmem:$0x18800] =	vst v63  }
0x23: {  	_ =	swait.ge [sflag:s6], $0x800  }
0x24: {  	[sflag:s6] =	ssyncset.done $0x0  }
0x25: {  	[sflag:s6] =	ssyncadd.s32 $0xFFFFF800  }
0x26: {  	v3 =	vld [tilespmem:$0x0];
	_ =	sdelay $0x4  }
0x27: {  	v4 =	vshll.u32 v3, $0x1  }
0x28: {  	v3 =	vand.u32 $0x7, v3;
	v4 =	vand.u32 $0xFFFFFFF0, v4  }
0x29: {  	v3 =	vor.u32 v3, v4  }
0x2a: {  	v4 =	vperm.xlane v3, v0;
	_ =	sdelay $0x1  }
0x2b: {  	v3 =	vperm.xlane v3, v2;
	v4 =	vadd.s32 v1, v4;
	_ =	sdelay $0x1  }
0x2c: {  	v3 =	vadd.s32 v1, v3;
	_ =	sdelay $0x2  }
0x2d: {  	[tilespmem:s22], [sflag:$0x1] =	stream.indirect_vreg.gather [hbm4b:s2+s3], $0x80, v4, vm0, $0xb8;
	[tilespmem:$0x18800] =	vst v63  }
0x2e: {  	s29 =	simm.s32 $0x1000  }
0x2f: {  	[tilespmem:s29], [sflag:$0x1] =	stream.indirect_vreg.gather [hbm4b:s2+s3], $0x80, v3, vm0, $0xb8;
	[tilespmem:$0x18800] =	vst v63  }
0x30: {  	v3 =	vld [tilespmem:$0x10];
	_ =	sdelay $0x4  }
0x31: {  	v49 =	vshll.u32 v3, $0x1  }
0x32: {  	v3 =	vand.u32 $0x7, v3;
	v4 =	vand.u32 $0xFFFFFFF0, v49  }
0x33: {  	v3 =	vor.u32 v3, v4  }
0x34: {  	v4 =	vperm.xlane v3, v0;
	_ =	sdelay $0x1  }
0x35: {  	v3 =	vperm.xlane v3, v2;
	v4 =	vadd.s32 v1, v4;
	_ =	sdelay $0x1  }
0x36: {  	v3 =	vadd.s32 v1, v3;
	_ =	sdelay $0x1  }
0x37: {  	s8 =	simm.s32 $0x1800  }
0x38: {  	[tilespmem:s8], [sflag:$0x1] =	stream.indirect_vreg.gather [hbm4b:s2+s3], $0x80, v4, vm0, $0xb8;
	[tilespmem:$0x18800] =	vst v63  }
0x39: {  	s9 =	simm.s32 $0x2000  }
0x3a: {  	[tilespmem:s9], [sflag:$0x1] =	stream.indirect_vreg.gather [hbm4b:s2+s3], $0x80, v3, vm0, $0xb8;
	[tilespmem:$0x18800] =	vst v63  }
0x3b: {  	v3 =	vld [tilespmem:$0x20];
	_ =	sdelay $0x4  }
0x3c: {  	v50 =	vshll.u32 v3, $0x1  }
0x3d: {  	v3 =	vand.u32 $0x7, v3;
	v4 =	vand.u32 $0xFFFFFFF0, v50  }
0x3e: {  	v3 =	vor.u32 v3, v4  }
0x3f: {  	v4 =	vperm.xlane v3, v0;
	_ =	sdelay $0x1  }
0x40: {  	v3 =	vperm.xlane v3, v2;
	v4 =	vadd.s32 v1, v4;
	_ =	sdelay $0x1  }
0x41: {  	v3 =	vadd.s32 v1, v3;
	_ =	sdelay $0x1  }
0x42: {  	s10 =	simm.s32 $0x2800  }
0x43: {  	[tilespmem:s10], [sflag:$0x1] =	stream.indirect_vreg.gather [hbm4b:s2+s3], $0x80, v4, vm0, $0xb8;
	[tilespmem:$0x18800] =	vst v63  }
0x44: {  	s11 =	simm.s32 $0x3000  }
0x45: {  	[tilespmem:s11], [sflag:$0x1] =	stream.indirect_vreg.gather [hbm4b:s2+s3], $0x80, v3, vm0, $0xb8;
	[tilespmem:$0x18800] =	vst v63  }
0x46: {  	v3 =	vld [tilespmem:$0x30];
	_ =	sdelay $0x4  }
0x47: {  	v51 =	vshll.u32 v3, $0x1  }
0x48: {  	v3 =	vand.u32 $0x7, v3;
	v4 =	vand.u32 $0xFFFFFFF0, v51  }
0x49: {  	v3 =	vor.u32 v3, v4  }
0x4a: {  	v4 =	vperm.xlane v3, v0;
	_ =	sdelay $0x1  }
0x4b: {  	v3 =	vperm.xlane v3, v2;
	v4 =	vadd.s32 v1, v4;
	_ =	sdelay $0x1  }
0x4c: {  	v3 =	vadd.s32 v1, v3;
	_ =	sdelay $0x1  }
0x4d: {  	s12 =	simm.s32 $0x3800  }
0x4e: {  	[tilespmem:s12], [sflag:$0x1] =	stream.indirect_vreg.gather [hbm4b:s2+s3], $0x80, v4, vm0, $0xb8;
	[tilespmem:$0x18800] =	vst v63  }
0x4f: {  	s13 =	simm.s32 $0x4000  }
0x50: {  	[tilespmem:s13], [sflag:$0x1] =	stream.indirect_vreg.gather [hbm4b:s2+s3], $0x80, v3, vm0, $0xb8;
	[tilespmem:$0x18800] =	vst v63  }
0x51: {  	v3 =	vld [tilespmem:$0x40];
	_ =	sdelay $0x4  }
0x52: {  	v52 =	vshll.u32 v3, $0x1  }
0x53: {  	v3 =	vand.u32 $0x7, v3;
	v4 =	vand.u32 $0xFFFFFFF0, v52  }
0x54: {  	v3 =	vor.u32 v3, v4  }
0x55: {  	v4 =	vperm.xlane v3, v0;
	_ =	sdelay $0x1  }
0x56: {  	v3 =	vperm.xlane v3, v2;
	v4 =	vadd.s32 v1, v4;
	_ =	sdelay $0x1  }
0x57: {  	v3 =	vadd.s32 v1, v3;
	_ =	sdelay $0x1  }
0x58: {  	s14 =	simm.s32 $0x4800  }
0x59: {  	[tilespmem:s14], [sflag:$0x1] =	stream.indirect_vreg.gather [hbm4b:s2+s3], $0x80, v4, vm0, $0xb8;
	[tilespmem:$0x18800] =	vst v63  }
0x5a: {  	s18 =	simm.s32 $0x5000  }
0x5b: {  	[tilespmem:s18], [sflag:$0x1] =	stream.indirect_vreg.gather [hbm4b:s2+s3], $0x80, v3, vm0, $0xb8;
	[tilespmem:$0x18800] =	vst v63  }
0x5c: {  	v3 =	vld [tilespmem:$0x50];
	_ =	sdelay $0x4  }
0x5d: {  	v53 =	vshll.u32 v3, $0x1  }
0x5e: {  	v3 =	vand.u32 $0x7, v3;
	v4 =	vand.u32 $0xFFFFFFF0, v53  }
0x5f: {  	v3 =	vor.u32 v3, v4  }
0x60: {  	v4 =	vperm.xlane v3, v0;
	_ =	sdelay $0x1  }
0x61: {  	v3 =	vperm.xlane v3, v2;
	v4 =	vadd.s32 v1, v4;
	_ =	sdelay $0x1  }
0x62: {  	v3 =	vadd.s32 v1, v3;
	_ =	sdelay $0x1  }
0x63: {  	s19 =	simm.s32 $0x5800  }
0x64: {  	[tilespmem:s19], [sflag:$0x1] =	stream.indirect_vreg.gather [hbm4b:s2+s3], $0x80, v4, vm0, $0xb8;
	[tilespmem:$0x18800] =	vst v63  }
0x65: {  	s20 =	simm.s32 $0x6000  }
0x66: {  	[tilespmem:s20], [sflag:$0x1] =	stream.indirect_vreg.gather [hbm4b:s2+s3], $0x80, v3, vm0, $0xb8;
	[tilespmem:$0x18800] =	vst v63  }
0x67: {  	v3 =	vld [tilespmem:$0x60];
	_ =	sdelay $0x4  }
0x68: {  	v54 =	vshll.u32 v3, $0x1  }
0x69: {  	v3 =	vand.u32 $0x7, v3;
	v4 =	vand.u32 $0xFFFFFFF0, v54  }
0x6a: {  	v3 =	vor.u32 v3, v4  }
0x6b: {  	v4 =	vperm.xlane v3, v0;
	_ =	sdelay $0x1  }
0x6c: {  	v3 =	vperm.xlane v3, v2;
	v4 =	vadd.s32 v1, v4;
	_ =	sdelay $0x1  }
0x6d: {  	v3 =	vadd.s32 v1, v3;
	_ =	sdelay $0x1  }
0x6e: {  	s21 =	simm.s32 $0x6800  }
0x6f: {  	[tilespmem:s21], [sflag:$0x1] =	stream.indirect_vreg.gather [hbm4b:s2+s3], $0x80, v4, vm0, $0xb8;
	[tilespmem:$0x18800] =	vst v63  }
0x70: {  	s24 =	simm.s32 $0x7000  }
0x71: {  	[tilespmem:s24], [sflag:$0x1] =	stream.indirect_vreg.gather [hbm4b:s2+s3], $0x80, v3, vm0, $0xb8;
	[tilespmem:$0x18800] =	vst v63  }
0x72: {  	v3 =	vld [tilespmem:$0x70];
	_ =	sdelay $0x4  }
0x73: {  	v55 =	vshll.u32 v3, $0x1  }
0x74: {  	v3 =	vand.u32 $0x7, v3;
	v4 =	vand.u32 $0xFFFFFFF0, v55  }
0x75: {  	v3 =	vor.u32 v3, v4  }
0x76: {  	v4 =	vperm.xlane v3, v0;
	_ =	sdelay $0x1  }
0x77: {  	v3 =	vperm.xlane v3, v2;
	v4 =	vadd.s32 v1, v4;
	_ =	sdelay $0x1  }
0x78: {  	v3 =	vadd.s32 v1, v3;
	_ =	sdelay $0x1  }
0x79: {  	s25 =	simm.s32 $0x7800  }
0x7a: {  	[tilespmem:s25], [sflag:$0x1] =	stream.indirect_vreg.gather [hbm4b:s2+s3], $0x80, v4, vm0, $0xb8;
	[tilespmem:$0x18800] =	vst v63  }
0x7b: {  	s26 =	simm.s32 $0x8000  }
0x7c: {  	[tilespmem:s26], [sflag:$0x1] =	stream.indirect_vreg.gather [hbm4b:s2+s3], $0x80, v3, vm0, $0xb8;
	[tilespmem:$0x18800] =	vst v63  }
0x7d: {  	v3 =	vld [tilespmem:$0x80];
	_ =	sdelay $0x4  }
0x7e: {  	v56 =	vshll.u32 v3, $0x1  }
0x7f: {  	v3 =	vand.u32 $0x7, v3;
	v4 =	vand.u32 $0xFFFFFFF0, v56  }
0x80: {  	v3 =	vor.u32 v3, v4  }
0x81: {  	v4 =	vperm.xlane v3, v0;
	_ =	sdelay $0x1  }
0x82: {  	v3 =	vperm.xlane v3, v2;
	v4 =	vadd.s32 v1, v4;
	_ =	sdelay $0x1  }
0x83: {  	v3 =	vadd.s32 v1, v3;
	_ =	sdelay $0x2  }
0x84: {  	[tilespmem:s31], [sflag:$0x2] =	stream.indirect_vreg.gather [hbm4b:s2+s3], $0x80, v4, vm0, $0xb8;
	[tilespmem:$0x18800] =	vst v63  }
0x85: {  	s28 =	simm.s32 $0x9000  }
0x86: {  	[tilespmem:s28], [sflag:$0x2] =	stream.indirect_vreg.gather [hbm4b:s2+s3], $0x80, v3, vm0, $0xb8;
	[tilespmem:$0x18800] =	vst v63  }
0x87: {  	v3 =	vld [tilespmem:$0x90];
	_ =	sdelay $0x4  }
0x88: {  	v57 =	vshll.u32 v3, $0x1  }
0x89: {  	v3 =	vand.u32 $0x7, v3;
	v4 =	vand.u32 $0xFFFFFFF0, v57  }
0x8a: {  	v3 =	vor.u32 v3, v4  }
0x8b: {  	v4 =	vperm.xlane v3, v0;
	_ =	sdelay $0x1  }
0x8c: {  	v3 =	vperm.xlane v3, v2;
	v4 =	vadd.s32 v1, v4;
	_ =	sdelay $0x1  }
0x8d: {  	v3 =	vadd.s32 v1, v3;
	_ =	sdelay $0x1  }
0x8e: {  	s29 =	simm.s32 $0x9800  }
0x8f: {  	[tilespmem:s29], [sflag:$0x2] =	stream.indirect_vreg.gather [hbm4b:s2+s3], $0x80, v4, vm0, $0xb8;
	[tilespmem:$0x18800] =	vst v63  }
0x90: {  	s25 =	simm.s32 $0xA000  }
0x91: {  	[tilespmem:s25], [sflag:$0x2] =	stream.indirect_vreg.gather [hbm4b:s2+s3], $0x80, v3, vm0, $0xb8;
	[tilespmem:$0x18800] =	vst v63  }
0x92: {  	v3 =	vld [tilespmem:$0xA0];
	_ =	sdelay $0x4  }
0x93: {  	v58 =	vshll.u32 v3, $0x1  }
0x94: {  	v3 =	vand.u32 $0x7, v3;
	v4 =	vand.u32 $0xFFFFFFF0, v58  }
0x95: {  	v3 =	vor.u32 v3, v4  }
0x96: {  	v4 =	vperm.xlane v3, v0;
	_ =	sdelay $0x1  }
0x97: {  	v3 =	vperm.xlane v3, v2;
	v4 =	vadd.s32 v1, v4;
	_ =	sdelay $0x1  }
0x98: {  	v3 =	vadd.s32 v1, v3;
	_ =	sdelay $0x1  }
0x99: {  	s26 =	simm.s32 $0xA800  }
0x9a: {  	[tilespmem:s26], [sflag:$0x2] =	stream.indirect_vreg.gather [hbm4b:s2+s3], $0x80, v4, vm0, $0xb8;
	[tilespmem:$0x18800] =	vst v63  }
0x9b: {  	s28 =	simm.s32 $0xB000  }
0x9c: {  	[tilespmem:s28], [sflag:$0x2] =	stream.indirect_vreg.gather [hbm4b:s2+s3], $0x80, v3, vm0, $0xb8;
	[tilespmem:$0x18800] =	vst v63  }
0x9d: {  	v3 =	vld [tilespmem:$0xB0];
	_ =	sdelay $0x4  }
0x9e: {  	v59 =	vshll.u32 v3, $0x1  }
0x9f: {  	v3 =	vand.u32 $0x7, v3;
	v4 =	vand.u32 $0xFFFFFFF0, v59  }
0xa0: {  	v3 =	vor.u32 v3, v4  }
0xa1: {  	v4 =	vperm.xlane v3, v0;
	_ =	sdelay $0x1  }
0xa2: {  	v3 =	vperm.xlane v3, v2;
	v4 =	vadd.s32 v1, v4;
	_ =	sdelay $0x1  }
0xa3: {  	v3 =	vadd.s32 v1, v3;
	_ =	sdelay $0x1  }
0xa4: {  	s29 =	simm.s32 $0xB800  }
0xa5: {  	[tilespmem:s29], [sflag:$0x2] =	stream.indirect_vreg.gather [hbm4b:s2+s3], $0x80, v4, vm0, $0xb8;
	[tilespmem:$0x18800] =	vst v63  }
0xa6: {  	s28 =	simm.s32 $0xC000  }
0xa7: {  	[tilespmem:s28], [sflag:$0x2] =	stream.indirect_vreg.gather [hbm4b:s2+s3], $0x80, v3, vm0, $0xb8;
	[tilespmem:$0x18800] =	vst v63  }
0xa8: {  	v3 =	vld [tilespmem:$0xC0];
	_ =	sdelay $0x4  }
0xa9: {  	v60 =	vshll.u32 v3, $0x1  }
0xaa: {  	v3 =	vand.u32 $0x7, v3;
	v4 =	vand.u32 $0xFFFFFFF0, v60  }
0xab: {  	v3 =	vor.u32 v3, v4  }
0xac: {  	v4 =	vperm.xlane v3, v0;
	_ =	sdelay $0x1  }
0xad: {  	v3 =	vperm.xlane v3, v2;
	v4 =	vadd.s32 v1, v4;
	_ =	sdelay $0x1  }
0xae: {  	v3 =	vadd.s32 v1, v3;
	_ =	sdelay $0x1  }
0xaf: {  	s29 =	simm.s32 $0xC800  }
0xb0: {  	[tilespmem:s29], [sflag:$0x2] =	stream.indirect_vreg.gather [hbm4b:s2+s3], $0x80, v4, vm0, $0xb8;
	[tilespmem:$0x18800] =	vst v63  }
0xb1: {  	s29 =	simm.s32 $0xD000  }
0xb2: {  	[tilespmem:s29], [sflag:$0x2] =	stream.indirect_vreg.gather [hbm4b:s2+s3], $0x80, v3, vm0, $0xb8;
	[tilespmem:$0x18800] =	vst v63  }
0xb3: {  	v3 =	vld [tilespmem:$0xD0];
	_ =	sdelay $0x4  }
0xb4: {  	v61 =	vshll.u32 v3, $0x1  }
0xb5: {  	v3 =	vand.u32 $0x7, v3;
	v4 =	vand.u32 $0xFFFFFFF0, v61  }
0xb6: {  	v3 =	vor.u32 v3, v4  }
0xb7: {  	v4 =	vperm.xlane v3, v0;
	_ =	sdelay $0x1  }
0xb8: {  	v3 =	vperm.xlane v3, v2;
	v4 =	vadd.s32 v1, v4;
	_ =	sdelay $0x1  }
0xb9: {  	v3 =	vadd.s32 v1, v3;
	_ =	sdelay $0x1  }
0xba: {  	s0 =	simm.s32 $0xD800  }
0xbb: {  	[tilespmem:s0], [sflag:$0x2] =	stream.indirect_vreg.gather [hbm4b:s2+s3], $0x80, v4, vm0, $0xb8;
	[tilespmem:$0x18800] =	vst v63  }
0xbc: {  	s0 =	simm.s32 $0xE000  }
0xbd: {  	[tilespmem:s0], [sflag:$0x2] =	stream.indirect_vreg.gather [hbm4b:s2+s3], $0x80, v3, vm0, $0xb8;
	[tilespmem:$0x18800] =	vst v63  }
0xbe: {  	v3 =	vld [tilespmem:$0xE0];
	_ =	sdelay $0x4  }
0xbf: {  	v62 =	vshll.u32 v3, $0x1  }
0xc0: {  	v3 =	vand.u32 $0x7, v3;
	v4 =	vand.u32 $0xFFFFFFF0, v62  }
0xc1: {  	v3 =	vor.u32 v3, v4  }
0xc2: {  	v4 =	vperm.xlane v3, v0;
	_ =	sdelay $0x1  }
0xc3: {  	v3 =	vperm.xlane v3, v2;
	v4 =	vadd.s32 v1, v4;
	_ =	sdelay $0x1  }
0xc4: {  	v3 =	vadd.s32 v1, v3;
	_ =	sdelay $0x1  }
0xc5: {  	s0 =	simm.s32 $0xE800  }
0xc6: {  	[tilespmem:s0], [sflag:$0x2] =	stream.indirect_vreg.gather [hbm4b:s2+s3], $0x80, v4, vm0, $0xb8;
	[tilespmem:$0x18800] =	vst v63  }
0xc7: {  	s0 =	simm.s32 $0xF000  }
0xc8: {  	[tilespmem:s0], [sflag:$0x2] =	stream.indirect_vreg.gather [hbm4b:s2+s3], $0x80, v3, vm0, $0xb8;
	[tilespmem:$0x18800] =	vst v63  }
0xc9: {  	v3 =	vld [tilespmem:$0xF0];
	_ =	sdelay $0x4  }
0xca: {  	v63 =	vshll.u32 v3, $0x1  }
0xcb: {  	v3 =	vand.u32 $0x7, v3;
	v4 =	vand.u32 $0xFFFFFFF0, v63  }
0xcc: {  	v3 =	vor.u32 v3, v4  }
0xcd: {  	v4 =	vperm.xlane v3, v0;
	_ =	sdelay $0x1  }
0xce: {  	v3 =	vperm.xlane v3, v2;
	v4 =	vadd.s32 v1, v4;
	_ =	sdelay $0x1  }
0xcf: {  	v3 =	vadd.s32 v1, v3;
	_ =	sdelay $0x1  }
0xd0: {  	s0 =	simm.s32 $0xF800  }
0xd1: {  	[tilespmem:s0], [sflag:$0x2] =	stream.indirect_vreg.gather [hbm4b:s2+s3], $0x80, v4, vm0, $0xb8;
	[tilespmem:$0x18800] =	vst v63  }
0xd2: {  	s0 =	simm.s32 $0x10000  }
0xd3: {  	[tilespmem:s0], [sflag:$0x2] =	stream.indirect_vreg.gather [hbm4b:s2+s3], $0x80, v3, vm0, $0xb8;
	[tilespmem:$0x18800] =	vst v63  }
0xd4: {  	v3 =	vld [tilespmem:$0x100];
	_ =	sdelay $0x4  }
0xd5: {  	v8 =	vshll.u32 v3, $0x1  }
0xd6: {  	v3 =	vand.u32 $0x7, v3;
	v4 =	vand.u32 $0xFFFFFFF0, v8  }
0xd7: {  	v3 =	vor.u32 v3, v4  }
0xd8: {  	v4 =	vperm.xlane v3, v0;
	_ =	sdelay $0x1  }
0xd9: {  	v3 =	vperm.xlane v3, v2;
	v4 =	vadd.s32 v1, v4;
	_ =	sdelay $0x1  }
0xda: {  	v3 =	vadd.s32 v1, v3;
	_ =	sdelay $0x2  }
0xdb: {  	[tilespmem:s7], [sflag:$0x3] =	stream.indirect_vreg.gather [hbm4b:s2+s3], $0x80, v4, vm0, $0xb8;
	[tilespmem:$0x18800] =	vst v63  }
0xdc: {  	s0 =	simm.s32 $0x11000  }
0xdd: {  	[tilespmem:s0], [sflag:$0x3] =	stream.indirect_vreg.gather [hbm4b:s2+s3], $0x80, v3, vm0, $0xb8;
	[tilespmem:$0x18800] =	vst v63  }
0xde: {  	v3 =	vld [tilespmem:$0x110];
	_ =	sdelay $0x4  }
0xdf: {  	v9 =	vshll.u32 v3, $0x1  }
0xe0: {  	v3 =	vand.u32 $0x7, v3;
	v4 =	vand.u32 $0xFFFFFFF0, v9  }
0xe1: {  	v3 =	vor.u32 v3, v4  }
0xe2: {  	v4 =	vperm.xlane v3, v0;
	_ =	sdelay $0x1  }
0xe3: {  	v3 =	vperm.xlane v3, v2;
	v4 =	vadd.s32 v1, v4;
	_ =	sdelay $0x1  }
0xe4: {  	v3 =	vadd.s32 v1, v3;
	_ =	sdelay $0x1  }
0xe5: {  	s0 =	simm.s32 $0x11800  }
0xe6: {  	[tilespmem:s0], [sflag:$0x3] =	stream.indirect_vreg.gather [hbm4b:s2+s3], $0x80, v4, vm0, $0xb8;
	[tilespmem:$0x18800] =	vst v63  }
0xe7: {  	s0 =	simm.s32 $0x12000  }
0xe8: {  	[tilespmem:s0], [sflag:$0x3] =	stream.indirect_vreg.gather [hbm4b:s2+s3], $0x80, v3, vm0, $0xb8;
	[tilespmem:$0x18800] =	vst v63  }
0xe9: {  	v3 =	vld [tilespmem:$0x120];
	_ =	sdelay $0x4  }
0xea: {  	v10 =	vshll.u32 v3, $0x1  }
0xeb: {  	v3 =	vand.u32 $0x7, v3;
	v4 =	vand.u32 $0xFFFFFFF0, v10  }
0xec: {  	v3 =	vor.u32 v3, v4  }
0xed: {  	v4 =	vperm.xlane v3, v0;
	_ =	sdelay $0x1  }
0xee: {  	v3 =	vperm.xlane v3, v2;
	v4 =	vadd.s32 v1, v4;
	_ =	sdelay $0x1  }
0xef: {  	v3 =	vadd.s32 v1, v3;
	_ =	sdelay $0x1  }
0xf0: {  	s0 =	simm.s32 $0x12800  }
0xf1: {  	[tilespmem:s0], [sflag:$0x3] =	stream.indirect_vreg.gather [hbm4b:s2+s3], $0x80, v4, vm0, $0xb8;
	[tilespmem:$0x18800] =	vst v63  }
0xf2: {  	s0 =	simm.s32 $0x13000  }
0xf3: {  	[tilespmem:s0], [sflag:$0x3] =	stream.indirect_vreg.gather [hbm4b:s2+s3], $0x80, v3, vm0, $0xb8;
	[tilespmem:$0x18800] =	vst v63  }
0xf4: {  	v3 =	vld [tilespmem:$0x130];
	_ =	sdelay $0x4  }
0xf5: {  	v11 =	vshll.u32 v3, $0x1  }
0xf6: {  	v3 =	vand.u32 $0x7, v3;
	v4 =	vand.u32 $0xFFFFFFF0, v11  }
0xf7: {  	v3 =	vor.u32 v3, v4  }
0xf8: {  	v4 =	vperm.xlane v3, v0;
	_ =	sdelay $0x1  }
0xf9: {  	v3 =	vperm.xlane v3, v2;
	v4 =	vadd.s32 v1, v4;
	_ =	sdelay $0x1  }
0xfa: {  	v3 =	vadd.s32 v1, v3;
	_ =	sdelay $0x1  }
0xfb: {  	s0 =	simm.s32 $0x13800  }
0xfc: {  	[tilespmem:s0], [sflag:$0x3] =	stream.indirect_vreg.gather [hbm4b:s2+s3], $0x80, v4, vm0, $0xb8;
	[tilespmem:$0x18800] =	vst v63  }
0xfd: {  	s0 =	simm.s32 $0x14000  }
0xfe: {  	[tilespmem:s0], [sflag:$0x3] =	stream.indirect_vreg.gather [hbm4b:s2+s3], $0x80, v3, vm0, $0xb8;
	[tilespmem:$0x18800] =	vst v63  }
0xff: {  	v3 =	vld [tilespmem:$0x140];
	_ =	sdelay $0x4  }
0x100: {  	v12 =	vshll.u32 v3, $0x1  }
0x101: {  	v3 =	vand.u32 $0x7, v3;
	v4 =	vand.u32 $0xFFFFFFF0, v12  }
0x102: {  	v3 =	vor.u32 v3, v4  }
0x103: {  	v4 =	vperm.xlane v3, v0;
	_ =	sdelay $0x1  }
0x104: {  	v3 =	vperm.xlane v3, v2;
	v4 =	vadd.s32 v1, v4;
	_ =	sdelay $0x1  }
0x105: {  	v3 =	vadd.s32 v1, v3;
	_ =	sdelay $0x1  }
0x106: {  	s0 =	simm.s32 $0x14800  }
0x107: {  	[tilespmem:s0], [sflag:$0x3] =	stream.indirect_vreg.gather [hbm4b:s2+s3], $0x80, v4, vm0, $0xb8;
	[tilespmem:$0x18800] =	vst v63  }
0x108: {  	s0 =	simm.s32 $0x15000  }
0x109: {  	[tilespmem:s0], [sflag:$0x3] =	stream.indirect_vreg.gather [hbm4b:s2+s3], $0x80, v3, vm0, $0xb8;
	[tilespmem:$0x18800] =	vst v63  }
0x10a: {  	v3 =	vld [tilespmem:$0x150];
	_ =	sdelay $0x4  }
0x10b: {  	v13 =	vshll.u32 v3, $0x1  }
0x10c: {  	v3 =	vand.u32 $0x7, v3;
	v4 =	vand.u32 $0xFFFFFFF0, v13  }
0x10d: {  	v3 =	vor.u32 v3, v4  }
0x10e: {  	v4 =	vperm.xlane v3, v0;
	_ =	sdelay $0x1  }
0x10f: {  	v3 =	vperm.xlane v3, v2;
	v4 =	vadd.s32 v1, v4;
	_ =	sdelay $0x1  }
0x110: {  	v3 =	vadd.s32 v1, v3;
	_ =	sdelay $0x1  }
0x111: {  	s0 =	simm.s32 $0x15800  }
0x112: {  	[tilespmem:s0], [sflag:$0x3] =	stream.indirect_vreg.gather [hbm4b:s2+s3], $0x80, v4, vm0, $0xb8;
	[tilespmem:$0x18800] =	vst v63  }
0x113: {  	s0 =	simm.s32 $0x16000  }
0x114: {  	[tilespmem:s0], [sflag:$0x3] =	stream.indirect_vreg.gather [hbm4b:s2+s3], $0x80, v3, vm0, $0xb8;
	[tilespmem:$0x18800] =	vst v63  }
0x115: {  	v3 =	vld [tilespmem:$0x160];
	_ =	sdelay $0x4  }
0x116: {  	v14 =	vshll.u32 v3, $0x1  }
0x117: {  	v3 =	vand.u32 $0x7, v3;
	v4 =	vand.u32 $0xFFFFFFF0, v14  }
0x118: {  	v3 =	vor.u32 v3, v4  }
0x119: {  	v4 =	vperm.xlane v3, v0;
	_ =	sdelay $0x1  }
0x11a: {  	v3 =	vperm.xlane v3, v2;
	v4 =	vadd.s32 v1, v4;
	_ =	sdelay $0x1  }
0x11b: {  	v3 =	vadd.s32 v1, v3;
	_ =	sdelay $0x1  }
0x11c: {  	s0 =	simm.s32 $0x16800  }
0x11d: {  	[tilespmem:s0], [sflag:$0x3] =	stream.indirect_vreg.gather [hbm4b:s2+s3], $0x80, v4, vm0, $0xb8;
	[tilespmem:$0x18800] =	vst v63  }
0x11e: {  	s0 =	simm.s32 $0x17000  }
0x11f: {  	[tilespmem:s0], [sflag:$0x3] =	stream.indirect_vreg.gather [hbm4b:s2+s3], $0x80, v3, vm0, $0xb8;
	[tilespmem:$0x18800] =	vst v63  }
0x120: {  	v3 =	vld [tilespmem:$0x170];
	_ =	sdelay $0x4  }
0x121: {  	v15 =	vshll.u32 v3, $0x1  }
0x122: {  	v3 =	vand.u32 $0x7, v3;
	v4 =	vand.u32 $0xFFFFFFF0, v15  }
0x123: {  	v3 =	vor.u32 v3, v4  }
0x124: {  	v4 =	vperm.xlane v3, v0;
	_ =	sdelay $0x1  }
0x125: {  	v3 =	vperm.xlane v3, v2;
	v4 =	vadd.s32 v1, v4;
	_ =	sdelay $0x1  }
0x126: {  	v3 =	vadd.s32 v1, v3;
	_ =	sdelay $0x1  }
0x127: {  	s0 =	simm.s32 $0x17800  }
0x128: {  	[tilespmem:s0], [sflag:$0x3] =	stream.indirect_vreg.gather [hbm4b:s2+s3], $0x80, v4, vm0, $0xb8;
	[tilespmem:$0x18800] =	vst v63  }
0x129: {  	s0 =	simm.s32 $0x18000  }
0x12a: {  	[tilespmem:s0], [sflag:$0x3] =	stream.indirect_vreg.gather [hbm4b:s2+s3], $0x80, v3, vm0, $0xb8;
	[tilespmem:$0x18800] =	vst v63  }
0x12b: {  	_ =	swait.ge [sflag:s4], $0x8000  }
0x12c: {  	[sflag:s4] =	ssyncset.done $0x0  }
0x12d: {  	s0 =	rddreg [dreg:$0x3];
	[sflag:s4] =	ssyncadd.s32 $0xFFFF8000  }
0x12e: {  	[hbm4b:s0+s3] =	stream.linear.scatter [tilespmem:s22], [sflag:$0x4], $0x8000, $0x38;
	[tilespmem:$0x18800] =	vst v63  }
0x12f: {  	_ =	swait.ge [sflag:s6], $0x8000  }
0x130: {  	[sflag:s6] =	ssyncset.done $0x0  }
0x131: {  	[sflag:s6] =	ssyncadd.s32 $0xFFFF8000  }
0x132: {  	v3 =	vld [tilespmem:$0x180];
	_ =	sdelay $0x4  }
0x133: {  	v16 =	vshll.u32 v3, $0x1  }
0x134: {  	v3 =	vand.u32 $0x7, v3;
	v4 =	vand.u32 $0xFFFFFFF0, v16  }
0x135: {  	v3 =	vor.u32 v3, v4  }
0x136: {  	v4 =	vperm.xlane v3, v0;
	_ =	sdelay $0x1  }
0x137: {  	v3 =	vperm.xlane v3, v2;
	v4 =	vadd.s32 v1, v4;
	_ =	sdelay $0x1  }
0x138: {  	v3 =	vadd.s32 v1, v3;
	_ =	sdelay $0x2  }
0x139: {  	[tilespmem:s22], [sflag:$0x1] =	stream.indirect_vreg.gather [hbm4b:s2+s3], $0x80, v4, vm0, $0xb8;
	[tilespmem:$0x18800] =	vst v63  }
0x13a: {  	s23 =	simm.s32 $0x1000  }
0x13b: {  	[tilespmem:s23], [sflag:$0x1] =	stream.indirect_vreg.gather [hbm4b:s2+s3], $0x80, v3, vm0, $0xb8;
	[tilespmem:$0x18800] =	vst v63  }
0x13c: {  	v3 =	vld [tilespmem:$0x190];
	_ =	sdelay $0x4  }
0x13d: {  	v17 =	vshll.u32 v3, $0x1  }
0x13e: {  	v3 =	vand.u32 $0x7, v3;
	v4 =	vand.u32 $0xFFFFFFF0, v17  }
0x13f: {  	v3 =	vor.u32 v3, v4  }
0x140: {  	v4 =	vperm.xlane v3, v0;
	_ =	sdelay $0x1  }
0x141: {  	v3 =	vperm.xlane v3, v2;
	v4 =	vadd.s32 v1, v4;
	_ =	sdelay $0x1  }
0x142: {  	v3 =	vadd.s32 v1, v3;
	_ =	sdelay $0x1  }
0x143: {  	s8 =	simm.s32 $0x1800  }
0x144: {  	[tilespmem:s8], [sflag:$0x1] =	stream.indirect_vreg.gather [hbm4b:s2+s3], $0x80, v4, vm0, $0xb8;
	[tilespmem:$0x18800] =	vst v63  }
0x145: {  	s15 =	simm.s32 $0x2000  }
0x146: {  	[tilespmem:s15], [sflag:$0x1] =	stream.indirect_vreg.gather [hbm4b:s2+s3], $0x80, v3, vm0, $0xb8;
	[tilespmem:$0x18800] =	vst v63  }
0x147: {  	v3 =	vld [tilespmem:$0x1A0];
	_ =	sdelay $0x4  }
0x148: {  	v18 =	vshll.u32 v3, $0x1  }
0x149: {  	v3 =	vand.u32 $0x7, v3;
	v4 =	vand.u32 $0xFFFFFFF0, v18  }
0x14a: {  	v3 =	vor.u32 v3, v4  }
0x14b: {  	v4 =	vperm.xlane v3, v0;
	_ =	sdelay $0x1  }
0x14c: {  	v3 =	vperm.xlane v3, v2;
	v4 =	vadd.s32 v1, v4;
	_ =	sdelay $0x1  }
0x14d: {  	v3 =	vadd.s32 v1, v3;
	_ =	sdelay $0x1  }
0x14e: {  	s9 =	simm.s32 $0x2800  }
0x14f: {  	[tilespmem:s9], [sflag:$0x1] =	stream.indirect_vreg.gather [hbm4b:s2+s3], $0x80, v4, vm0, $0xb8;
	[tilespmem:$0x18800] =	vst v63  }
0x150: {  	s16 =	simm.s32 $0x3000  }
0x151: {  	[tilespmem:s16], [sflag:$0x1] =	stream.indirect_vreg.gather [hbm4b:s2+s3], $0x80, v3, vm0, $0xb8;
	[tilespmem:$0x18800] =	vst v63  }
0x152: {  	v3 =	vld [tilespmem:$0x1B0];
	_ =	sdelay $0x4  }
0x153: {  	v19 =	vshll.u32 v3, $0x1  }
0x154: {  	v3 =	vand.u32 $0x7, v3;
	v4 =	vand.u32 $0xFFFFFFF0, v19  }
0x155: {  	v3 =	vor.u32 v3, v4  }
0x156: {  	v4 =	vperm.xlane v3, v0;
	_ =	sdelay $0x1  }
0x157: {  	v3 =	vperm.xlane v3, v2;
	v4 =	vadd.s32 v1, v4;
	_ =	sdelay $0x1  }
0x158: {  	v3 =	vadd.s32 v1, v3;
	_ =	sdelay $0x1  }
0x159: {  	s10 =	simm.s32 $0x3800  }
0x15a: {  	[tilespmem:s10], [sflag:$0x1] =	stream.indirect_vreg.gather [hbm4b:s2+s3], $0x80, v4, vm0, $0xb8;
	[tilespmem:$0x18800] =	vst v63  }
0x15b: {  	s17 =	simm.s32 $0x4000  }
0x15c: {  	[tilespmem:s17], [sflag:$0x1] =	stream.indirect_vreg.gather [hbm4b:s2+s3], $0x80, v3, vm0, $0xb8;
	[tilespmem:$0x18800] =	vst v63  }
0x15d: {  	v3 =	vld [tilespmem:$0x1C0];
	_ =	sdelay $0x4  }
0x15e: {  	v20 =	vshll.u32 v3, $0x1  }
0x15f: {  	v3 =	vand.u32 $0x7, v3;
	v4 =	vand.u32 $0xFFFFFFF0, v20  }
0x160: {  	v3 =	vor.u32 v3, v4  }
0x161: {  	v4 =	vperm.xlane v3, v0;
	_ =	sdelay $0x1  }
0x162: {  	v3 =	vperm.xlane v3, v2;
	v4 =	vadd.s32 v1, v4;
	_ =	sdelay $0x1  }
0x163: {  	v3 =	vadd.s32 v1, v3;
	_ =	sdelay $0x1  }
0x164: {  	s11 =	simm.s32 $0x4800  }
0x165: {  	[tilespmem:s11], [sflag:$0x1] =	stream.indirect_vreg.gather [hbm4b:s2+s3], $0x80, v4, vm0, $0xb8;
	[tilespmem:$0x18800] =	vst v63  }
0x166: {  	s18 =	simm.s32 $0x5000  }
0x167: {  	[tilespmem:s18], [sflag:$0x1] =	stream.indirect_vreg.gather [hbm4b:s2+s3], $0x80, v3, vm0, $0xb8;
	[tilespmem:$0x18800] =	vst v63  }
0x168: {  	v3 =	vld [tilespmem:$0x1D0];
	_ =	sdelay $0x4  }
0x169: {  	v21 =	vshll.u32 v3, $0x1  }
0x16a: {  	v3 =	vand.u32 $0x7, v3;
	v4 =	vand.u32 $0xFFFFFFF0, v21  }
0x16b: {  	v3 =	vor.u32 v3, v4  }
0x16c: {  	v4 =	vperm.xlane v3, v0;
	_ =	sdelay $0x1  }
0x16d: {  	v3 =	vperm.xlane v3, v2;
	v4 =	vadd.s32 v1, v4;
	_ =	sdelay $0x1  }
0x16e: {  	v3 =	vadd.s32 v1, v3;
	_ =	sdelay $0x1  }
0x16f: {  	s12 =	simm.s32 $0x5800  }
0x170: {  	[tilespmem:s12], [sflag:$0x1] =	stream.indirect_vreg.gather [hbm4b:s2+s3], $0x80, v4, vm0, $0xb8;
	[tilespmem:$0x18800] =	vst v63  }
0x171: {  	s19 =	simm.s32 $0x6000  }
0x172: {  	[tilespmem:s19], [sflag:$0x1] =	stream.indirect_vreg.gather [hbm4b:s2+s3], $0x80, v3, vm0, $0xb8;
	[tilespmem:$0x18800] =	vst v63  }
0x173: {  	v3 =	vld [tilespmem:$0x1E0];
	_ =	sdelay $0x4  }
0x174: {  	v22 =	vshll.u32 v3, $0x1  }
0x175: {  	v3 =	vand.u32 $0x7, v3;
	v4 =	vand.u32 $0xFFFFFFF0, v22  }
0x176: {  	v3 =	vor.u32 v3, v4  }
0x177: {  	v4 =	vperm.xlane v3, v0;
	_ =	sdelay $0x1  }
0x178: {  	v3 =	vperm.xlane v3, v2;
	v4 =	vadd.s32 v1, v4;
	_ =	sdelay $0x1  }
0x179: {  	v3 =	vadd.s32 v1, v3;
	_ =	sdelay $0x1  }
0x17a: {  	s13 =	simm.s32 $0x6800  }
0x17b: {  	[tilespmem:s13], [sflag:$0x1] =	stream.indirect_vreg.gather [hbm4b:s2+s3], $0x80, v4, vm0, $0xb8;
	[tilespmem:$0x18800] =	vst v63  }
0x17c: {  	s20 =	simm.s32 $0x7000  }
0x17d: {  	[tilespmem:s20], [sflag:$0x1] =	stream.indirect_vreg.gather [hbm4b:s2+s3], $0x80, v3, vm0, $0xb8;
	[tilespmem:$0x18800] =	vst v63  }
0x17e: {  	v3 =	vld [tilespmem:$0x1F0];
	_ =	sdelay $0x4  }
0x17f: {  	v23 =	vshll.u32 v3, $0x1  }
0x180: {  	v3 =	vand.u32 $0x7, v3;
	v4 =	vand.u32 $0xFFFFFFF0, v23  }
0x181: {  	v3 =	vor.u32 v3, v4  }
0x182: {  	v4 =	vperm.xlane v3, v0;
	_ =	sdelay $0x1  }
0x183: {  	v3 =	vperm.xlane v3, v2;
	v4 =	vadd.s32 v1, v4;
	_ =	sdelay $0x1  }
0x184: {  	v3 =	vadd.s32 v1, v3;
	_ =	sdelay $0x1  }
0x185: {  	s14 =	simm.s32 $0x7800  }
0x186: {  	[tilespmem:s14], [sflag:$0x1] =	stream.indirect_vreg.gather [hbm4b:s2+s3], $0x80, v4, vm0, $0xb8;
	[tilespmem:$0x18800] =	vst v63  }
0x187: {  	s21 =	simm.s32 $0x8000  }
0x188: {  	[tilespmem:s21], [sflag:$0x1] =	stream.indirect_vreg.gather [hbm4b:s2+s3], $0x80, v3, vm0, $0xb8;
	[tilespmem:$0x18800] =	vst v63  }
0x189: {  	_ =	swait.ge [sflag:s30], $0x8000  }
0x18a: {  	[sflag:s30] =	ssyncset.done $0x0  }
0x18b: {  	s0 =	rddreg [dreg:$0x4];
	[sflag:s30] =	ssyncadd.s32 $0xFFFF8000  }
0x18c: {  	[hbm4b:s0+s3] =	stream.linear.scatter [tilespmem:s31], [sflag:$0x4], $0x8000, $0x38;
	[tilespmem:$0x18800] =	vst v63  }
0x18d: {  	_ =	swait.ge [sflag:s6], $0x8000  }
0x18e: {  	[sflag:s6] =	ssyncset.done $0x0  }
0x18f: {  	[sflag:s6] =	ssyncadd.s32 $0xFFFF8000  }
0x190: {  	v3 =	vld [tilespmem:$0x200];
	_ =	sdelay $0x4  }
0x191: {  	v24 =	vshll.u32 v3, $0x1  }
0x192: {  	v3 =	vand.u32 $0x7, v3;
	v4 =	vand.u32 $0xFFFFFFF0, v24  }
0x193: {  	v3 =	vor.u32 v3, v4  }
0x194: {  	v4 =	vperm.xlane v3, v0;
	_ =	sdelay $0x1  }
0x195: {  	v3 =	vperm.xlane v3, v2;
	v4 =	vadd.s32 v1, v4;
	_ =	sdelay $0x1  }
0x196: {  	v3 =	vadd.s32 v1, v3;
	_ =	sdelay $0x2  }
0x197: {  	[tilespmem:s31], [sflag:$0x2] =	stream.indirect_vreg.gather [hbm4b:s2+s3], $0x80, v4, vm0, $0xb8;
	[tilespmem:$0x18800] =	vst v63  }
0x198: {  	s24 =	simm.s32 $0x9000  }
0x199: {  	[tilespmem:s24], [sflag:$0x2] =	stream.indirect_vreg.gather [hbm4b:s2+s3], $0x80, v3, vm0, $0xb8;
	[tilespmem:$0x18800] =	vst v63  }
0x19a: {  	v3 =	vld [tilespmem:$0x210];
	_ =	sdelay $0x4  }
0x19b: {  	v25 =	vshll.u32 v3, $0x1  }
0x19c: {  	v3 =	vand.u32 $0x7, v3;
	v4 =	vand.u32 $0xFFFFFFF0, v25  }
0x19d: {  	v3 =	vor.u32 v3, v4  }
0x19e: {  	v4 =	vperm.xlane v3, v0;
	_ =	sdelay $0x1  }
0x19f: {  	v3 =	vperm.xlane v3, v2;
	v4 =	vadd.s32 v1, v4;
	_ =	sdelay $0x1  }
0x1a0: {  	v3 =	vadd.s32 v1, v3;
	_ =	sdelay $0x1  }
0x1a1: {  	s24 =	simm.s32 $0x9800  }
0x1a2: {  	[tilespmem:s24], [sflag:$0x2] =	stream.indirect_vreg.gather [hbm4b:s2+s3], $0x80, v4, vm0, $0xb8;
	[tilespmem:$0x18800] =	vst v63  }
0x1a3: {  	s25 =	simm.s32 $0xA000  }
0x1a4: {  	[tilespmem:s25], [sflag:$0x2] =	stream.indirect_vreg.gather [hbm4b:s2+s3], $0x80, v3, vm0, $0xb8;
	[tilespmem:$0x18800] =	vst v63  }
0x1a5: {  	v3 =	vld [tilespmem:$0x220];
	_ =	sdelay $0x4  }
0x1a6: {  	v26 =	vshll.u32 v3, $0x1  }
0x1a7: {  	v3 =	vand.u32 $0x7, v3;
	v4 =	vand.u32 $0xFFFFFFF0, v26  }
0x1a8: {  	v3 =	vor.u32 v3, v4  }
0x1a9: {  	v4 =	vperm.xlane v3, v0;
	_ =	sdelay $0x1  }
0x1aa: {  	v3 =	vperm.xlane v3, v2;
	v4 =	vadd.s32 v1, v4;
	_ =	sdelay $0x1  }
0x1ab: {  	v3 =	vadd.s32 v1, v3;
	_ =	sdelay $0x1  }
0x1ac: {  	s25 =	simm.s32 $0xA800  }
0x1ad: {  	[tilespmem:s25], [sflag:$0x2] =	stream.indirect_vreg.gather [hbm4b:s2+s3], $0x80, v4, vm0, $0xb8;
	[tilespmem:$0x18800] =	vst v63  }
0x1ae: {  	s26 =	simm.s32 $0xB000  }
0x1af: {  	[tilespmem:s26], [sflag:$0x2] =	stream.indirect_vreg.gather [hbm4b:s2+s3], $0x80, v3, vm0, $0xb8;
	[tilespmem:$0x18800] =	vst v63  }
0x1b0: {  	v3 =	vld [tilespmem:$0x230];
	_ =	sdelay $0x4  }
0x1b1: {  	v27 =	vshll.u32 v3, $0x1  }
0x1b2: {  	v3 =	vand.u32 $0x7, v3;
	v4 =	vand.u32 $0xFFFFFFF0, v27  }
0x1b3: {  	v3 =	vor.u32 v3, v4  }
0x1b4: {  	v4 =	vperm.xlane v3, v0;
	_ =	sdelay $0x1  }
0x1b5: {  	v3 =	vperm.xlane v3, v2;
	v4 =	vadd.s32 v1, v4;
	_ =	sdelay $0x1  }
0x1b6: {  	v3 =	vadd.s32 v1, v3;
	_ =	sdelay $0x1  }
0x1b7: {  	s26 =	simm.s32 $0xB800  }
0x1b8: {  	[tilespmem:s26], [sflag:$0x2] =	stream.indirect_vreg.gather [hbm4b:s2+s3], $0x80, v4, vm0, $0xb8;
	[tilespmem:$0x18800] =	vst v63  }
0x1b9: {  	s28 =	simm.s32 $0xC000  }
0x1ba: {  	[tilespmem:s28], [sflag:$0x2] =	stream.indirect_vreg.gather [hbm4b:s2+s3], $0x80, v3, vm0, $0xb8;
	[tilespmem:$0x18800] =	vst v63  }
0x1bb: {  	v3 =	vld [tilespmem:$0x240];
	_ =	sdelay $0x4  }
0x1bc: {  	v28 =	vshll.u32 v3, $0x1  }
0x1bd: {  	v3 =	vand.u32 $0x7, v3;
	v4 =	vand.u32 $0xFFFFFFF0, v28  }
0x1be: {  	v3 =	vor.u32 v3, v4  }
0x1bf: {  	v4 =	vperm.xlane v3, v0;
	_ =	sdelay $0x1  }
0x1c0: {  	v3 =	vperm.xlane v3, v2;
	v4 =	vadd.s32 v1, v4;
	_ =	sdelay $0x1  }
0x1c1: {  	v3 =	vadd.s32 v1, v3;
	_ =	sdelay $0x1  }
0x1c2: {  	s28 =	simm.s32 $0xC800  }
0x1c3: {  	[tilespmem:s28], [sflag:$0x2] =	stream.indirect_vreg.gather [hbm4b:s2+s3], $0x80, v4, vm0, $0xb8;
	[tilespmem:$0x18800] =	vst v63  }
0x1c4: {  	s29 =	simm.s32 $0xD000  }
0x1c5: {  	[tilespmem:s29], [sflag:$0x2] =	stream.indirect_vreg.gather [hbm4b:s2+s3], $0x80, v3, vm0, $0xb8;
	[tilespmem:$0x18800] =	vst v63  }
0x1c6: {  	v3 =	vld [tilespmem:$0x250];
	_ =	sdelay $0x4  }
0x1c7: {  	v29 =	vshll.u32 v3, $0x1  }
0x1c8: {  	v3 =	vand.u32 $0x7, v3;
	v4 =	vand.u32 $0xFFFFFFF0, v29  }
0x1c9: {  	v3 =	vor.u32 v3, v4  }
0x1ca: {  	v4 =	vperm.xlane v3, v0;
	_ =	sdelay $0x1  }
0x1cb: {  	v3 =	vperm.xlane v3, v2;
	v4 =	vadd.s32 v1, v4;
	_ =	sdelay $0x1  }
0x1cc: {  	v3 =	vadd.s32 v1, v3;
	_ =	sdelay $0x1  }
0x1cd: {  	s24 =	simm.s32 $0xD800  }
0x1ce: {  	[tilespmem:s24], [sflag:$0x2] =	stream.indirect_vreg.gather [hbm4b:s2+s3], $0x80, v4, vm0, $0xb8;
	[tilespmem:$0x18800] =	vst v63  }
0x1cf: {  	s25 =	simm.s32 $0xE000  }
0x1d0: {  	[tilespmem:s25], [sflag:$0x2] =	stream.indirect_vreg.gather [hbm4b:s2+s3], $0x80, v3, vm0, $0xb8;
	[tilespmem:$0x18800] =	vst v63  }
0x1d1: {  	v3 =	vld [tilespmem:$0x260];
	_ =	sdelay $0x4  }
0x1d2: {  	v30 =	vshll.u32 v3, $0x1  }
0x1d3: {  	v3 =	vand.u32 $0x7, v3;
	v4 =	vand.u32 $0xFFFFFFF0, v30  }
0x1d4: {  	v3 =	vor.u32 v3, v4  }
0x1d5: {  	v4 =	vperm.xlane v3, v0;
	_ =	sdelay $0x1  }
0x1d6: {  	v3 =	vperm.xlane v3, v2;
	v4 =	vadd.s32 v1, v4;
	_ =	sdelay $0x1  }
0x1d7: {  	v3 =	vadd.s32 v1, v3;
	_ =	sdelay $0x1  }
0x1d8: {  	s26 =	simm.s32 $0xE800  }
0x1d9: {  	[tilespmem:s26], [sflag:$0x2] =	stream.indirect_vreg.gather [hbm4b:s2+s3], $0x80, v4, vm0, $0xb8;
	[tilespmem:$0x18800] =	vst v63  }
0x1da: {  	s28 =	simm.s32 $0xF000  }
0x1db: {  	[tilespmem:s28], [sflag:$0x2] =	stream.indirect_vreg.gather [hbm4b:s2+s3], $0x80, v3, vm0, $0xb8;
	[tilespmem:$0x18800] =	vst v63  }
0x1dc: {  	v3 =	vld [tilespmem:$0x270];
	_ =	sdelay $0x4  }
0x1dd: {  	v31 =	vshll.u32 v3, $0x1  }
0x1de: {  	v3 =	vand.u32 $0x7, v3;
	v4 =	vand.u32 $0xFFFFFFF0, v31  }
0x1df: {  	v3 =	vor.u32 v3, v4  }
0x1e0: {  	v4 =	vperm.xlane v3, v0;
	_ =	sdelay $0x1  }
0x1e1: {  	v3 =	vperm.xlane v3, v2;
	v4 =	vadd.s32 v1, v4;
	_ =	sdelay $0x1  }
0x1e2: {  	v3 =	vadd.s32 v1, v3;
	_ =	sdelay $0x1  }
0x1e3: {  	s29 =	simm.s32 $0xF800  }
0x1e4: {  	[tilespmem:s29], [sflag:$0x2] =	stream.indirect_vreg.gather [hbm4b:s2+s3], $0x80, v4, vm0, $0xb8;
	[tilespmem:$0x18800] =	vst v63  }
0x1e5: {  	s24 =	simm.s32 $0x10000  }
0x1e6: {  	[tilespmem:s24], [sflag:$0x2] =	stream.indirect_vreg.gather [hbm4b:s2+s3], $0x80, v3, vm0, $0xb8;
	[tilespmem:$0x18800] =	vst v63  }
0x1e7: {  	_ =	swait.ge [sflag:s1], $0x8000  }
0x1e8: {  	[sflag:s1] =	ssyncset.done $0x0  }
0x1e9: {  	s25 =	rddreg [dreg:$0x5];
	[sflag:s1] =	ssyncadd.s32 $0xFFFF8000  }
0x1ea: {  	[hbm4b:s25+s3] =	stream.linear.scatter [tilespmem:s7], [sflag:$0x4], $0x8000, $0x38;
	[tilespmem:$0x18800] =	vst v63  }
0x1eb: {  	_ =	swait.ge [sflag:s6], $0x8000  }
0x1ec: {  	[sflag:s6] =	ssyncset.done $0x0  }
0x1ed: {  	[sflag:s6] =	ssyncadd.s32 $0xFFFF8000  }
0x1ee: {  	v3 =	vld [tilespmem:$0x280];
	_ =	sdelay $0x4  }
0x1ef: {  	v32 =	vshll.u32 v3, $0x1  }
0x1f0: {  	v3 =	vand.u32 $0x7, v3;
	v4 =	vand.u32 $0xFFFFFFF0, v32  }
0x1f1: {  	v3 =	vor.u32 v3, v4  }
0x1f2: {  	v4 =	vperm.xlane v3, v0;
	_ =	sdelay $0x1  }
0x1f3: {  	v3 =	vperm.xlane v3, v2;
	v4 =	vadd.s32 v1, v4;
	_ =	sdelay $0x1  }
0x1f4: {  	v3 =	vadd.s32 v1, v3;
	_ =	sdelay $0x2  }
0x1f5: {  	[tilespmem:s7], [sflag:$0x3] =	stream.indirect_vreg.gather [hbm4b:s2+s3], $0x80, v4, vm0, $0xb8;
	[tilespmem:$0x18800] =	vst v63  }
0x1f6: {  	s26 =	simm.s32 $0x11000  }
0x1f7: {  	[tilespmem:s26], [sflag:$0x3] =	stream.indirect_vreg.gather [hbm4b:s2+s3], $0x80, v3, vm0, $0xb8;
	[tilespmem:$0x18800] =	vst v63  }
0x1f8: {  	v3 =	vld [tilespmem:$0x290];
	_ =	sdelay $0x4  }
0x1f9: {  	v33 =	vshll.u32 v3, $0x1  }
0x1fa: {  	v3 =	vand.u32 $0x7, v3;
	v4 =	vand.u32 $0xFFFFFFF0, v33  }
0x1fb: {  	v3 =	vor.u32 v3, v4  }
0x1fc: {  	v4 =	vperm.xlane v3, v0;
	_ =	sdelay $0x1  }
0x1fd: {  	v3 =	vperm.xlane v3, v2;
	v4 =	vadd.s32 v1, v4;
	_ =	sdelay $0x1  }
0x1fe: {  	v3 =	vadd.s32 v1, v3;
	_ =	sdelay $0x1  }
0x1ff: {  	s28 =	simm.s32 $0x11800  }
0x200: {  	[tilespmem:s28], [sflag:$0x3] =	stream.indirect_vreg.gather [hbm4b:s2+s3], $0x80, v4, vm0, $0xb8;
	[tilespmem:$0x18800] =	vst v63  }
0x201: {  	s29 =	simm.s32 $0x12000  }
0x202: {  	[tilespmem:s29], [sflag:$0x3] =	stream.indirect_vreg.gather [hbm4b:s2+s3], $0x80, v3, vm0, $0xb8;
	[tilespmem:$0x18800] =	vst v63  }
0x203: {  	v3 =	vld [tilespmem:$0x2A0];
	_ =	sdelay $0x4  }
0x204: {  	v34 =	vshll.u32 v3, $0x1  }
0x205: {  	v3 =	vand.u32 $0x7, v3;
	v4 =	vand.u32 $0xFFFFFFF0, v34  }
0x206: {  	v3 =	vor.u32 v3, v4  }
0x207: {  	v4 =	vperm.xlane v3, v0;
	_ =	sdelay $0x1  }
0x208: {  	v3 =	vperm.xlane v3, v2;
	v4 =	vadd.s32 v1, v4;
	_ =	sdelay $0x1  }
0x209: {  	v3 =	vadd.s32 v1, v3;
	_ =	sdelay $0x1  }
0x20a: {  	s25 =	simm.s32 $0x12800  }
0x20b: {  	[tilespmem:s25], [sflag:$0x3] =	stream.indirect_vreg.gather [hbm4b:s2+s3], $0x80, v4, vm0, $0xb8;
	[tilespmem:$0x18800] =	vst v63  }
0x20c: {  	s26 =	simm.s32 $0x13000  }
0x20d: {  	[tilespmem:s26], [sflag:$0x3] =	stream.indirect_vreg.gather [hbm4b:s2+s3], $0x80, v3, vm0, $0xb8;
	[tilespmem:$0x18800] =	vst v63  }
0x20e: {  	v3 =	vld [tilespmem:$0x2B0];
	_ =	sdelay $0x4  }
0x20f: {  	v35 =	vshll.u32 v3, $0x1  }
0x210: {  	v3 =	vand.u32 $0x7, v3;
	v4 =	vand.u32 $0xFFFFFFF0, v35  }
0x211: {  	v3 =	vor.u32 v3, v4  }
0x212: {  	v4 =	vperm.xlane v3, v0;
	_ =	sdelay $0x1  }
0x213: {  	v3 =	vperm.xlane v3, v2;
	v4 =	vadd.s32 v1, v4;
	_ =	sdelay $0x1  }
0x214: {  	v3 =	vadd.s32 v1, v3;
	_ =	sdelay $0x1  }
0x215: {  	s28 =	simm.s32 $0x13800  }
0x216: {  	[tilespmem:s28], [sflag:$0x3] =	stream.indirect_vreg.gather [hbm4b:s2+s3], $0x80, v4, vm0, $0xb8;
	[tilespmem:$0x18800] =	vst v63  }
0x217: {  	s29 =	simm.s32 $0x14000  }
0x218: {  	[tilespmem:s29], [sflag:$0x3] =	stream.indirect_vreg.gather [hbm4b:s2+s3], $0x80, v3, vm0, $0xb8;
	[tilespmem:$0x18800] =	vst v63  }
0x219: {  	v3 =	vld [tilespmem:$0x2C0];
	_ =	sdelay $0x4  }
0x21a: {  	v36 =	vshll.u32 v3, $0x1  }
0x21b: {  	v3 =	vand.u32 $0x7, v3;
	v4 =	vand.u32 $0xFFFFFFF0, v36  }
0x21c: {  	v3 =	vor.u32 v3, v4  }
0x21d: {  	v4 =	vperm.xlane v3, v0;
	_ =	sdelay $0x1  }
0x21e: {  	v3 =	vperm.xlane v3, v2;
	v4 =	vadd.s32 v1, v4;
	_ =	sdelay $0x1  }
0x21f: {  	v3 =	vadd.s32 v1, v3;
	_ =	sdelay $0x1  }
0x220: {  	s28 =	simm.s32 $0x14800  }
0x221: {  	[tilespmem:s28], [sflag:$0x3] =	stream.indirect_vreg.gather [hbm4b:s2+s3], $0x80, v4, vm0, $0xb8;
	[tilespmem:$0x18800] =	vst v63  }
0x222: {  	s29 =	simm.s32 $0x15000  }
0x223: {  	[tilespmem:s29], [sflag:$0x3] =	stream.indirect_vreg.gather [hbm4b:s2+s3], $0x80, v3, vm0, $0xb8;
	[tilespmem:$0x18800] =	vst v63  }
0x224: {  	v3 =	vld [tilespmem:$0x2D0];
	_ =	sdelay $0x4  }
0x225: {  	v37 =	vshll.u32 v3, $0x1  }
0x226: {  	v3 =	vand.u32 $0x7, v3;
	v4 =	vand.u32 $0xFFFFFFF0, v37  }
0x227: {  	v3 =	vor.u32 v3, v4  }
0x228: {  	v4 =	vperm.xlane v3, v0;
	_ =	sdelay $0x1  }
0x229: {  	v3 =	vperm.xlane v3, v2;
	v4 =	vadd.s32 v1, v4;
	_ =	sdelay $0x1  }
0x22a: {  	v3 =	vadd.s32 v1, v3;
	_ =	sdelay $0x1  }
0x22b: {  	s29 =	simm.s32 $0x15800  }
0x22c: {  	[tilespmem:s29], [sflag:$0x3] =	stream.indirect_vreg.gather [hbm4b:s2+s3], $0x80, v4, vm0, $0xb8;
	[tilespmem:$0x18800] =	vst v63  }
0x22d: {  	s0 =	simm.s32 $0x16000  }
0x22e: {  	[tilespmem:s0], [sflag:$0x3] =	stream.indirect_vreg.gather [hbm4b:s2+s3], $0x80, v3, vm0, $0xb8;
	[tilespmem:$0x18800] =	vst v63  }
0x22f: {  	v3 =	vld [tilespmem:$0x2E0];
	_ =	sdelay $0x4  }
0x230: {  	v38 =	vshll.u32 v3, $0x1  }
0x231: {  	v3 =	vand.u32 $0x7, v3;
	v4 =	vand.u32 $0xFFFFFFF0, v38  }
0x232: {  	v3 =	vor.u32 v3, v4  }
0x233: {  	v4 =	vperm.xlane v3, v0;
	_ =	sdelay $0x1  }
0x234: {  	v3 =	vperm.xlane v3, v2;
	v4 =	vadd.s32 v1, v4;
	_ =	sdelay $0x1  }
0x235: {  	v3 =	vadd.s32 v1, v3;
	_ =	sdelay $0x1  }
0x236: {  	s0 =	simm.s32 $0x16800  }
0x237: {  	[tilespmem:s0], [sflag:$0x3] =	stream.indirect_vreg.gather [hbm4b:s2+s3], $0x80, v4, vm0, $0xb8;
	[tilespmem:$0x18800] =	vst v63  }
0x238: {  	s0 =	simm.s32 $0x17000  }
0x239: {  	[tilespmem:s0], [sflag:$0x3] =	stream.indirect_vreg.gather [hbm4b:s2+s3], $0x80, v3, vm0, $0xb8;
	[tilespmem:$0x18800] =	vst v63  }
0x23a: {  	v3 =	vld [tilespmem:$0x2F0];
	_ =	sdelay $0x4  }
0x23b: {  	v39 =	vshll.u32 v3, $0x1  }
0x23c: {  	v3 =	vand.u32 $0x7, v3;
	v4 =	vand.u32 $0xFFFFFFF0, v39  }
0x23d: {  	v3 =	vor.u32 v3, v4  }
0x23e: {  	v4 =	vperm.xlane v3, v0;
	_ =	sdelay $0x1  }
0x23f: {  	v3 =	vperm.xlane v3, v2;
	v4 =	vadd.s32 v1, v4;
	_ =	sdelay $0x1  }
0x240: {  	v3 =	vadd.s32 v1, v3;
	_ =	sdelay $0x1  }
0x241: {  	s0 =	simm.s32 $0x17800  }
0x242: {  	[tilespmem:s0], [sflag:$0x3] =	stream.indirect_vreg.gather [hbm4b:s2+s3], $0x80, v4, vm0, $0xb8;
	[tilespmem:$0x18800] =	vst v63  }
0x243: {  	s0 =	simm.s32 $0x18000  }
0x244: {  	[tilespmem:s0], [sflag:$0x3] =	stream.indirect_vreg.gather [hbm4b:s2+s3], $0x80, v3, vm0, $0xb8;
	[tilespmem:$0x18800] =	vst v63  }
0x245: {  	_ =	swait.ge [sflag:s4], $0x8000  }
0x246: {  	[sflag:s4] =	ssyncset.done $0x0  }
0x247: {  	s0 =	rddreg [dreg:$0x6];
	[sflag:s4] =	ssyncadd.s32 $0xFFFF8000  }
0x248: {  	[hbm4b:s0+s3] =	stream.linear.scatter [tilespmem:s22], [sflag:$0x4], $0x8000, $0x38;
	[tilespmem:$0x18800] =	vst v63  }
0x249: {  	_ =	swait.ge [sflag:s6], $0x8000  }
0x24a: {  	[sflag:s6] =	ssyncset.done $0x0  }
0x24b: {  	[sflag:s6] =	ssyncadd.s32 $0xFFFF8000  }
0x24c: {  	v3 =	vld [tilespmem:$0x300];
	_ =	sdelay $0x4  }
0x24d: {  	v40 =	vshll.u32 v3, $0x1  }
0x24e: {  	v3 =	vand.u32 $0x7, v3;
	v4 =	vand.u32 $0xFFFFFFF0, v40  }
0x24f: {  	v3 =	vor.u32 v3, v4  }
0x250: {  	v4 =	vperm.xlane v3, v0;
	_ =	sdelay $0x1  }
0x251: {  	v3 =	vperm.xlane v3, v2;
	v4 =	vadd.s32 v1, v4;
	_ =	sdelay $0x1  }
0x252: {  	v3 =	vadd.s32 v1, v3;
	_ =	sdelay $0x2  }
0x253: {  	[tilespmem:s22], [sflag:$0x1] =	stream.indirect_vreg.gather [hbm4b:s2+s3], $0x80, v4, vm0, $0xb8;
	[tilespmem:$0x18800] =	vst v63  }
0x254: {  	s23 =	simm.s32 $0x1000  }
0x255: {  	[tilespmem:s23], [sflag:$0x1] =	stream.indirect_vreg.gather [hbm4b:s2+s3], $0x80, v3, vm0, $0xb8;
	[tilespmem:$0x18800] =	vst v63  }
0x256: {  	v3 =	vld [tilespmem:$0x310];
	_ =	sdelay $0x4  }
0x257: {  	v41 =	vshll.u32 v3, $0x1  }
0x258: {  	v3 =	vand.u32 $0x7, v3;
	v4 =	vand.u32 $0xFFFFFFF0, v41  }
0x259: {  	v3 =	vor.u32 v3, v4  }
0x25a: {  	v4 =	vperm.xlane v3, v0;
	_ =	sdelay $0x1  }
0x25b: {  	v3 =	vperm.xlane v3, v2;
	v4 =	vadd.s32 v1, v4;
	_ =	sdelay $0x1  }
0x25c: {  	v3 =	vadd.s32 v1, v3;
	_ =	sdelay $0x1  }
0x25d: {  	s8 =	simm.s32 $0x1800  }
0x25e: {  	[tilespmem:s8], [sflag:$0x1] =	stream.indirect_vreg.gather [hbm4b:s2+s3], $0x80, v4, vm0, $0xb8;
	[tilespmem:$0x18800] =	vst v63  }
0x25f: {  	s15 =	simm.s32 $0x2000  }
0x260: {  	[tilespmem:s15], [sflag:$0x1] =	stream.indirect_vreg.gather [hbm4b:s2+s3], $0x80, v3, vm0, $0xb8;
	[tilespmem:$0x18800] =	vst v63  }
0x261: {  	v3 =	vld [tilespmem:$0x320];
	_ =	sdelay $0x4  }
0x262: {  	v42 =	vshll.u32 v3, $0x1  }
0x263: {  	v3 =	vand.u32 $0x7, v3;
	v4 =	vand.u32 $0xFFFFFFF0, v42  }
0x264: {  	v3 =	vor.u32 v3, v4  }
0x265: {  	v4 =	vperm.xlane v3, v0;
	_ =	sdelay $0x1  }
0x266: {  	v3 =	vperm.xlane v3, v2;
	v4 =	vadd.s32 v1, v4;
	_ =	sdelay $0x1  }
0x267: {  	v3 =	vadd.s32 v1, v3;
	_ =	sdelay $0x1  }
0x268: {  	s9 =	simm.s32 $0x2800  }
0x269: {  	[tilespmem:s9], [sflag:$0x1] =	stream.indirect_vreg.gather [hbm4b:s2+s3], $0x80, v4, vm0, $0xb8;
	[tilespmem:$0x18800] =	vst v63  }
0x26a: {  	s16 =	simm.s32 $0x3000  }
0x26b: {  	[tilespmem:s16], [sflag:$0x1] =	stream.indirect_vreg.gather [hbm4b:s2+s3], $0x80, v3, vm0, $0xb8;
	[tilespmem:$0x18800] =	vst v63  }
0x26c: {  	v3 =	vld [tilespmem:$0x330];
	_ =	sdelay $0x4  }
0x26d: {  	v43 =	vshll.u32 v3, $0x1  }
0x26e: {  	v3 =	vand.u32 $0x7, v3;
	v4 =	vand.u32 $0xFFFFFFF0, v43  }
0x26f: {  	v3 =	vor.u32 v3, v4  }
0x270: {  	v4 =	vperm.xlane v3, v0;
	_ =	sdelay $0x1  }
0x271: {  	v3 =	vperm.xlane v3, v2;
	v4 =	vadd.s32 v1, v4;
	_ =	sdelay $0x1  }
0x272: {  	v3 =	vadd.s32 v1, v3;
	_ =	sdelay $0x1  }
0x273: {  	s10 =	simm.s32 $0x3800  }
0x274: {  	[tilespmem:s10], [sflag:$0x1] =	stream.indirect_vreg.gather [hbm4b:s2+s3], $0x80, v4, vm0, $0xb8;
	[tilespmem:$0x18800] =	vst v63  }
0x275: {  	s17 =	simm.s32 $0x4000  }
0x276: {  	[tilespmem:s17], [sflag:$0x1] =	stream.indirect_vreg.gather [hbm4b:s2+s3], $0x80, v3, vm0, $0xb8;
	[tilespmem:$0x18800] =	vst v63  }
0x277: {  	v3 =	vld [tilespmem:$0x340];
	_ =	sdelay $0x4  }
0x278: {  	v44 =	vshll.u32 v3, $0x1  }
0x279: {  	v3 =	vand.u32 $0x7, v3;
	v4 =	vand.u32 $0xFFFFFFF0, v44  }
0x27a: {  	v3 =	vor.u32 v3, v4  }
0x27b: {  	v4 =	vperm.xlane v3, v0;
	_ =	sdelay $0x1  }
0x27c: {  	v3 =	vperm.xlane v3, v2;
	v4 =	vadd.s32 v1, v4;
	_ =	sdelay $0x1  }
0x27d: {  	v3 =	vadd.s32 v1, v3;
	_ =	sdelay $0x1  }
0x27e: {  	s11 =	simm.s32 $0x4800  }
0x27f: {  	[tilespmem:s11], [sflag:$0x1] =	stream.indirect_vreg.gather [hbm4b:s2+s3], $0x80, v4, vm0, $0xb8;
	[tilespmem:$0x18800] =	vst v63  }
0x280: {  	s18 =	simm.s32 $0x5000  }
0x281: {  	[tilespmem:s18], [sflag:$0x1] =	stream.indirect_vreg.gather [hbm4b:s2+s3], $0x80, v3, vm0, $0xb8;
	[tilespmem:$0x18800] =	vst v63  }
0x282: {  	v3 =	vld [tilespmem:$0x350];
	_ =	sdelay $0x4  }
0x283: {  	v45 =	vshll.u32 v3, $0x1  }
0x284: {  	v3 =	vand.u32 $0x7, v3;
	v4 =	vand.u32 $0xFFFFFFF0, v45  }
0x285: {  	v3 =	vor.u32 v3, v4  }
0x286: {  	v4 =	vperm.xlane v3, v0;
	_ =	sdelay $0x1  }
0x287: {  	v3 =	vperm.xlane v3, v2;
	v4 =	vadd.s32 v1, v4;
	_ =	sdelay $0x1  }
0x288: {  	v3 =	vadd.s32 v1, v3;
	_ =	sdelay $0x1  }
0x289: {  	s12 =	simm.s32 $0x5800  }
0x28a: {  	[tilespmem:s12], [sflag:$0x1] =	stream.indirect_vreg.gather [hbm4b:s2+s3], $0x80, v4, vm0, $0xb8;
	[tilespmem:$0x18800] =	vst v63  }
0x28b: {  	s19 =	simm.s32 $0x6000  }
0x28c: {  	[tilespmem:s19], [sflag:$0x1] =	stream.indirect_vreg.gather [hbm4b:s2+s3], $0x80, v3, vm0, $0xb8;
	[tilespmem:$0x18800] =	vst v63  }
0x28d: {  	v3 =	vld [tilespmem:$0x360];
	_ =	sdelay $0x4  }
0x28e: {  	v46 =	vshll.u32 v3, $0x1  }
0x28f: {  	v3 =	vand.u32 $0x7, v3;
	v4 =	vand.u32 $0xFFFFFFF0, v46  }
0x290: {  	v3 =	vor.u32 v3, v4  }
0x291: {  	v4 =	vperm.xlane v3, v0;
	_ =	sdelay $0x1  }
0x292: {  	v3 =	vperm.xlane v3, v2;
	v4 =	vadd.s32 v1, v4;
	_ =	sdelay $0x1  }
0x293: {  	v3 =	vadd.s32 v1, v3;
	_ =	sdelay $0x1  }
0x294: {  	s13 =	simm.s32 $0x6800  }
0x295: {  	[tilespmem:s13], [sflag:$0x1] =	stream.indirect_vreg.gather [hbm4b:s2+s3], $0x80, v4, vm0, $0xb8;
	[tilespmem:$0x18800] =	vst v63  }
0x296: {  	s20 =	simm.s32 $0x7000  }
0x297: {  	[tilespmem:s20], [sflag:$0x1] =	stream.indirect_vreg.gather [hbm4b:s2+s3], $0x80, v3, vm0, $0xb8;
	[tilespmem:$0x18800] =	vst v63  }
0x298: {  	v3 =	vld [tilespmem:$0x370];
	_ =	sdelay $0x4  }
0x299: {  	v47 =	vshll.u32 v3, $0x1  }
0x29a: {  	v3 =	vand.u32 $0x7, v3;
	v4 =	vand.u32 $0xFFFFFFF0, v47  }
0x29b: {  	v3 =	vor.u32 v3, v4  }
0x29c: {  	v4 =	vperm.xlane v3, v0;
	_ =	sdelay $0x1  }
0x29d: {  	v3 =	vperm.xlane v3, v2;
	v4 =	vadd.s32 v1, v4;
	_ =	sdelay $0x1  }
0x29e: {  	v3 =	vadd.s32 v1, v3;
	_ =	sdelay $0x1  }
0x29f: {  	s14 =	simm.s32 $0x7800  }
0x2a0: {  	[tilespmem:s14], [sflag:$0x1] =	stream.indirect_vreg.gather [hbm4b:s2+s3], $0x80, v4, vm0, $0xb8;
	[tilespmem:$0x18800] =	vst v63  }
0x2a1: {  	s21 =	simm.s32 $0x8000  }
0x2a2: {  	[tilespmem:s21], [sflag:$0x1] =	stream.indirect_vreg.gather [hbm4b:s2+s3], $0x80, v3, vm0, $0xb8;
	[tilespmem:$0x18800] =	vst v63  }
0x2a3: {  	_ =	swait.ge [sflag:s30], $0x8000  }
0x2a4: {  	[sflag:s30] =	ssyncset.done $0x0  }
0x2a5: {  	s0 =	rddreg [dreg:$0x7];
	[sflag:s30] =	ssyncadd.s32 $0xFFFF8000  }
0x2a6: {  	[hbm4b:s0+s3] =	stream.linear.scatter [tilespmem:s31], [sflag:$0x4], $0x8000, $0x38;
	[tilespmem:$0x18800] =	vst v63  }
0x2a7: {  	_ =	swait.ge [sflag:s6], $0x8000  }
0x2a8: {  	[sflag:s6] =	ssyncset.done $0x0  }
0x2a9: {  	[sflag:s6] =	ssyncadd.s32 $0xFFFF8000  }
0x2aa: {  	v3 =	vld [tilespmem:$0x380];
	_ =	sdelay $0x4  }
0x2ab: {  	v48 =	vshll.u32 v3, $0x1  }
0x2ac: {  	v3 =	vand.u32 $0x7, v3;
	v4 =	vand.u32 $0xFFFFFFF0, v48  }
0x2ad: {  	v3 =	vor.u32 v3, v4  }
0x2ae: {  	v4 =	vperm.xlane v3, v0;
	_ =	sdelay $0x1  }
0x2af: {  	v3 =	vperm.xlane v3, v2;
	v4 =	vadd.s32 v1, v4;
	_ =	sdelay $0x1  }
0x2b0: {  	v3 =	vadd.s32 v1, v3;
	_ =	sdelay $0x2  }
0x2b1: {  	[tilespmem:s31], [sflag:$0x2] =	stream.indirect_vreg.gather [hbm4b:s2+s3], $0x80, v4, vm0, $0xb8;
	[tilespmem:$0x18800] =	vst v63  }
0x2b2: {  	s0 =	simm.s32 $0x9000  }
0x2b3: {  	[tilespmem:s0], [sflag:$0x2] =	stream.indirect_vreg.gather [hbm4b:s2+s3], $0x80, v3, vm0, $0xb8;
	[tilespmem:$0x18800] =	vst v63  }
0x2b4: {  	v3 =	vld [tilespmem:$0x390];
	_ =	sdelay $0x4  }
0x2b5: {  	v49 =	vshll.u32 v3, $0x1  }
0x2b6: {  	v3 =	vand.u32 $0x7, v3;
	v4 =	vand.u32 $0xFFFFFFF0, v49  }
0x2b7: {  	v3 =	vor.u32 v3, v4  }
0x2b8: {  	v4 =	vperm.xlane v3, v0;
	_ =	sdelay $0x1  }
0x2b9: {  	v3 =	vperm.xlane v3, v2;
	v4 =	vadd.s32 v1, v4;
	_ =	sdelay $0x1  }
0x2ba: {  	v3 =	vadd.s32 v1, v3;
	_ =	sdelay $0x1  }
0x2bb: {  	s0 =	simm.s32 $0x9800  }
0x2bc: {  	[tilespmem:s0], [sflag:$0x2] =	stream.indirect_vreg.gather [hbm4b:s2+s3], $0x80, v4, vm0, $0xb8;
	[tilespmem:$0x18800] =	vst v63  }
0x2bd: {  	s0 =	simm.s32 $0xA000  }
0x2be: {  	[tilespmem:s0], [sflag:$0x2] =	stream.indirect_vreg.gather [hbm4b:s2+s3], $0x80, v3, vm0, $0xb8;
	[tilespmem:$0x18800] =	vst v63  }
0x2bf: {  	v3 =	vld [tilespmem:$0x3A0];
	_ =	sdelay $0x4  }
0x2c0: {  	v50 =	vshll.u32 v3, $0x1  }
0x2c1: {  	v3 =	vand.u32 $0x7, v3;
	v4 =	vand.u32 $0xFFFFFFF0, v50  }
0x2c2: {  	v3 =	vor.u32 v3, v4  }
0x2c3: {  	v4 =	vperm.xlane v3, v0;
	_ =	sdelay $0x1  }
0x2c4: {  	v3 =	vperm.xlane v3, v2;
	v4 =	vadd.s32 v1, v4;
	_ =	sdelay $0x1  }
0x2c5: {  	v3 =	vadd.s32 v1, v3;
	_ =	sdelay $0x1  }
0x2c6: {  	s0 =	simm.s32 $0xA800  }
0x2c7: {  	[tilespmem:s0], [sflag:$0x2] =	stream.indirect_vreg.gather [hbm4b:s2+s3], $0x80, v4, vm0, $0xb8;
	[tilespmem:$0x18800] =	vst v63  }
0x2c8: {  	s0 =	simm.s32 $0xB000  }
0x2c9: {  	[tilespmem:s0], [sflag:$0x2] =	stream.indirect_vreg.gather [hbm4b:s2+s3], $0x80, v3, vm0, $0xb8;
	[tilespmem:$0x18800] =	vst v63  }
0x2ca: {  	v3 =	vld [tilespmem:$0x3B0];
	_ =	sdelay $0x4  }
0x2cb: {  	v51 =	vshll.u32 v3, $0x1  }
0x2cc: {  	v3 =	vand.u32 $0x7, v3;
	v4 =	vand.u32 $0xFFFFFFF0, v51  }
0x2cd: {  	v3 =	vor.u32 v3, v4  }
0x2ce: {  	v4 =	vperm.xlane v3, v0;
	_ =	sdelay $0x1  }
0x2cf: {  	v3 =	vperm.xlane v3, v2;
	v4 =	vadd.s32 v1, v4;
	_ =	sdelay $0x1  }
0x2d0: {  	v3 =	vadd.s32 v1, v3;
	_ =	sdelay $0x1  }
0x2d1: {  	s0 =	simm.s32 $0xB800  }
0x2d2: {  	[tilespmem:s0], [sflag:$0x2] =	stream.indirect_vreg.gather [hbm4b:s2+s3], $0x80, v4, vm0, $0xb8;
	[tilespmem:$0x18800] =	vst v63  }
0x2d3: {  	s0 =	simm.s32 $0xC000  }
0x2d4: {  	[tilespmem:s0], [sflag:$0x2] =	stream.indirect_vreg.gather [hbm4b:s2+s3], $0x80, v3, vm0, $0xb8;
	[tilespmem:$0x18800] =	vst v63  }
0x2d5: {  	v3 =	vld [tilespmem:$0x3C0];
	_ =	sdelay $0x4  }
0x2d6: {  	v52 =	vshll.u32 v3, $0x1  }
0x2d7: {  	v3 =	vand.u32 $0x7, v3;
	v4 =	vand.u32 $0xFFFFFFF0, v52  }
0x2d8: {  	v3 =	vor.u32 v3, v4  }
0x2d9: {  	v4 =	vperm.xlane v3, v0;
	_ =	sdelay $0x1  }
0x2da: {  	v3 =	vperm.xlane v3, v2;
	v4 =	vadd.s32 v1, v4;
	_ =	sdelay $0x1  }
0x2db: {  	v3 =	vadd.s32 v1, v3;
	_ =	sdelay $0x1  }
0x2dc: {  	s0 =	simm.s32 $0xC800  }
0x2dd: {  	[tilespmem:s0], [sflag:$0x2] =	stream.indirect_vreg.gather [hbm4b:s2+s3], $0x80, v4, vm0, $0xb8;
	[tilespmem:$0x18800] =	vst v63  }
0x2de: {  	s0 =	simm.s32 $0xD000  }
0x2df: {  	[tilespmem:s0], [sflag:$0x2] =	stream.indirect_vreg.gather [hbm4b:s2+s3], $0x80, v3, vm0, $0xb8;
	[tilespmem:$0x18800] =	vst v63  }
0x2e0: {  	v3 =	vld [tilespmem:$0x3D0];
	_ =	sdelay $0x4  }
0x2e1: {  	v53 =	vshll.u32 v3, $0x1  }
0x2e2: {  	v3 =	vand.u32 $0x7, v3;
	v4 =	vand.u32 $0xFFFFFFF0, v53  }
0x2e3: {  	v3 =	vor.u32 v3, v4  }
0x2e4: {  	v4 =	vperm.xlane v3, v0;
	_ =	sdelay $0x1  }
0x2e5: {  	v3 =	vperm.xlane v3, v2;
	v4 =	vadd.s32 v1, v4;
	_ =	sdelay $0x1  }
0x2e6: {  	v3 =	vadd.s32 v1, v3;
	_ =	sdelay $0x1  }
0x2e7: {  	s0 =	simm.s32 $0xD800  }
0x2e8: {  	[tilespmem:s0], [sflag:$0x2] =	stream.indirect_vreg.gather [hbm4b:s2+s3], $0x80, v4, vm0, $0xb8;
	[tilespmem:$0x18800] =	vst v63  }
0x2e9: {  	s0 =	simm.s32 $0xE000  }
0x2ea: {  	[tilespmem:s0], [sflag:$0x2] =	stream.indirect_vreg.gather [hbm4b:s2+s3], $0x80, v3, vm0, $0xb8;
	[tilespmem:$0x18800] =	vst v63  }
0x2eb: {  	v3 =	vld [tilespmem:$0x3E0];
	_ =	sdelay $0x4  }
0x2ec: {  	v54 =	vshll.u32 v3, $0x1  }
0x2ed: {  	v3 =	vand.u32 $0x7, v3;
	v4 =	vand.u32 $0xFFFFFFF0, v54  }
0x2ee: {  	v3 =	vor.u32 v3, v4  }
0x2ef: {  	v4 =	vperm.xlane v3, v0;
	_ =	sdelay $0x1  }
0x2f0: {  	v3 =	vperm.xlane v3, v2;
	v4 =	vadd.s32 v1, v4;
	_ =	sdelay $0x1  }
0x2f1: {  	v3 =	vadd.s32 v1, v3;
	_ =	sdelay $0x1  }
0x2f2: {  	s0 =	simm.s32 $0xE800  }
0x2f3: {  	[tilespmem:s0], [sflag:$0x2] =	stream.indirect_vreg.gather [hbm4b:s2+s3], $0x80, v4, vm0, $0xb8;
	[tilespmem:$0x18800] =	vst v63  }
0x2f4: {  	s0 =	simm.s32 $0xF000  }
0x2f5: {  	[tilespmem:s0], [sflag:$0x2] =	stream.indirect_vreg.gather [hbm4b:s2+s3], $0x80, v3, vm0, $0xb8;
	[tilespmem:$0x18800] =	vst v63  }
0x2f6: {  	v3 =	vld [tilespmem:$0x3F0];
	_ =	sdelay $0x4  }
0x2f7: {  	v55 =	vshll.u32 v3, $0x1  }
0x2f8: {  	v3 =	vand.u32 $0x7, v3;
	v4 =	vand.u32 $0xFFFFFFF0, v55  }
0x2f9: {  	v3 =	vor.u32 v3, v4  }
0x2fa: {  	v4 =	vperm.xlane v3, v0;
	_ =	sdelay $0x1  }
0x2fb: {  	v3 =	vperm.xlane v3, v2;
	v4 =	vadd.s32 v1, v4;
	_ =	sdelay $0x1  }
0x2fc: {  	v3 =	vadd.s32 v1, v3;
	_ =	sdelay $0x1  }
0x2fd: {  	s0 =	simm.s32 $0xF800  }
0x2fe: {  	[tilespmem:s0], [sflag:$0x2] =	stream.indirect_vreg.gather [hbm4b:s2+s3], $0x80, v4, vm0, $0xb8;
	[tilespmem:$0x18800] =	vst v63  }
0x2ff: {  	s0 =	simm.s32 $0x10000  }
0x300: {  	[tilespmem:s0], [sflag:$0x2] =	stream.indirect_vreg.gather [hbm4b:s2+s3], $0x80, v3, vm0, $0xb8;
	[tilespmem:$0x18800] =	vst v63  }
0x301: {  	_ =	swait.ge [sflag:s1], $0x8000  }
0x302: {  	[sflag:s1] =	ssyncset.done $0x0  }
0x303: {  	s0 =	rddreg [dreg:$0x8];
	[sflag:s1] =	ssyncadd.s32 $0xFFFF8000  }
0x304: {  	[hbm4b:s0+s3] =	stream.linear.scatter [tilespmem:s7], [sflag:$0x4], $0x8000, $0x38;
	[tilespmem:$0x18800] =	vst v63  }
0x305: {  	_ =	swait.ge [sflag:s6], $0x8000  }
0x306: {  	[sflag:s6] =	ssyncset.done $0x0  }
0x307: {  	[sflag:s6] =	ssyncadd.s32 $0xFFFF8000  }
0x308: {  	v3 =	vld [tilespmem:$0x400];
	_ =	sdelay $0x4  }
0x309: {  	v56 =	vshll.u32 v3, $0x1  }
0x30a: {  	v3 =	vand.u32 $0x7, v3;
	v4 =	vand.u32 $0xFFFFFFF0, v56  }
0x30b: {  	v3 =	vor.u32 v3, v4  }
0x30c: {  	v4 =	vperm.xlane v3, v0;
	_ =	sdelay $0x1  }
0x30d: {  	v3 =	vperm.xlane v3, v2;
	v4 =	vadd.s32 v1, v4;
	_ =	sdelay $0x1  }
0x30e: {  	v3 =	vadd.s32 v1, v3;
	_ =	sdelay $0x2  }
0x30f: {  	[tilespmem:s7], [sflag:$0x3] =	stream.indirect_vreg.gather [hbm4b:s2+s3], $0x80, v4, vm0, $0xb8;
	[tilespmem:$0x18800] =	vst v63  }
0x310: {  	s0 =	simm.s32 $0x11000  }
0x311: {  	[tilespmem:s0], [sflag:$0x3] =	stream.indirect_vreg.gather [hbm4b:s2+s3], $0x80, v3, vm0, $0xb8;
	[tilespmem:$0x18800] =	vst v63  }
0x312: {  	v3 =	vld [tilespmem:$0x410];
	_ =	sdelay $0x4  }
0x313: {  	v57 =	vshll.u32 v3, $0x1  }
0x314: {  	v3 =	vand.u32 $0x7, v3;
	v4 =	vand.u32 $0xFFFFFFF0, v57  }
0x315: {  	v3 =	vor.u32 v3, v4  }
0x316: {  	v4 =	vperm.xlane v3, v0;
	_ =	sdelay $0x1  }
0x317: {  	v3 =	vperm.xlane v3, v2;
	v4 =	vadd.s32 v1, v4;
	_ =	sdelay $0x1  }
0x318: {  	v3 =	vadd.s32 v1, v3;
	_ =	sdelay $0x1  }
0x319: {  	s24 =	simm.s32 $0x11800  }
0x31a: {  	[tilespmem:s24], [sflag:$0x3] =	stream.indirect_vreg.gather [hbm4b:s2+s3], $0x80, v4, vm0, $0xb8;
	[tilespmem:$0x18800] =	vst v63  }
0x31b: {  	s0 =	simm.s32 $0x12000  }
0x31c: {  	[tilespmem:s0], [sflag:$0x3] =	stream.indirect_vreg.gather [hbm4b:s2+s3], $0x80, v3, vm0, $0xb8;
	[tilespmem:$0x18800] =	vst v63  }
0x31d: {  	v3 =	vld [tilespmem:$0x420];
	_ =	sdelay $0x4  }
0x31e: {  	v58 =	vshll.u32 v3, $0x1  }
0x31f: {  	v3 =	vand.u32 $0x7, v3;
	v4 =	vand.u32 $0xFFFFFFF0, v58  }
0x320: {  	v3 =	vor.u32 v3, v4  }
0x321: {  	v4 =	vperm.xlane v3, v0;
	_ =	sdelay $0x1  }
0x322: {  	v3 =	vperm.xlane v3, v2;
	v4 =	vadd.s32 v1, v4;
	_ =	sdelay $0x1  }
0x323: {  	v3 =	vadd.s32 v1, v3;
	_ =	sdelay $0x1  }
0x324: {  	s25 =	simm.s32 $0x12800  }
0x325: {  	[tilespmem:s25], [sflag:$0x3] =	stream.indirect_vreg.gather [hbm4b:s2+s3], $0x80, v4, vm0, $0xb8;
	[tilespmem:$0x18800] =	vst v63  }
0x326: {  	s0 =	simm.s32 $0x13000  }
0x327: {  	[tilespmem:s0], [sflag:$0x3] =	stream.indirect_vreg.gather [hbm4b:s2+s3], $0x80, v3, vm0, $0xb8;
	[tilespmem:$0x18800] =	vst v63  }
0x328: {  	v3 =	vld [tilespmem:$0x430];
	_ =	sdelay $0x4  }
0x329: {  	v59 =	vshll.u32 v3, $0x1  }
0x32a: {  	v3 =	vand.u32 $0x7, v3;
	v4 =	vand.u32 $0xFFFFFFF0, v59  }
0x32b: {  	v3 =	vor.u32 v3, v4  }
0x32c: {  	v4 =	vperm.xlane v3, v0;
	_ =	sdelay $0x1  }
0x32d: {  	v3 =	vperm.xlane v3, v2;
	v4 =	vadd.s32 v1, v4;
	_ =	sdelay $0x1  }
0x32e: {  	v3 =	vadd.s32 v1, v3;
	_ =	sdelay $0x1  }
0x32f: {  	s26 =	simm.s32 $0x13800  }
0x330: {  	[tilespmem:s26], [sflag:$0x3] =	stream.indirect_vreg.gather [hbm4b:s2+s3], $0x80, v4, vm0, $0xb8;
	[tilespmem:$0x18800] =	vst v63  }
0x331: {  	s0 =	simm.s32 $0x14000  }
0x332: {  	[tilespmem:s0], [sflag:$0x3] =	stream.indirect_vreg.gather [hbm4b:s2+s3], $0x80, v3, vm0, $0xb8;
	[tilespmem:$0x18800] =	vst v63  }
0x333: {  	v3 =	vld [tilespmem:$0x440];
	_ =	sdelay $0x4  }
0x334: {  	v60 =	vshll.u32 v3, $0x1  }
0x335: {  	v3 =	vand.u32 $0x7, v3;
	v4 =	vand.u32 $0xFFFFFFF0, v60  }
0x336: {  	v3 =	vor.u32 v3, v4  }
0x337: {  	v4 =	vperm.xlane v3, v0;
	_ =	sdelay $0x1  }
0x338: {  	v3 =	vperm.xlane v3, v2;
	v4 =	vadd.s32 v1, v4;
	_ =	sdelay $0x1  }
0x339: {  	v3 =	vadd.s32 v1, v3;
	_ =	sdelay $0x1  }
0x33a: {  	s28 =	simm.s32 $0x14800  }
0x33b: {  	[tilespmem:s28], [sflag:$0x3] =	stream.indirect_vreg.gather [hbm4b:s2+s3], $0x80, v4, vm0, $0xb8;
	[tilespmem:$0x18800] =	vst v63  }
0x33c: {  	s0 =	simm.s32 $0x15000  }
0x33d: {  	[tilespmem:s0], [sflag:$0x3] =	stream.indirect_vreg.gather [hbm4b:s2+s3], $0x80, v3, vm0, $0xb8;
	[tilespmem:$0x18800] =	vst v63  }
0x33e: {  	v3 =	vld [tilespmem:$0x450];
	_ =	sdelay $0x4  }
0x33f: {  	v61 =	vshll.u32 v3, $0x1  }
0x340: {  	v3 =	vand.u32 $0x7, v3;
	v4 =	vand.u32 $0xFFFFFFF0, v61  }
0x341: {  	v3 =	vor.u32 v3, v4  }
0x342: {  	v4 =	vperm.xlane v3, v0;
	_ =	sdelay $0x1  }
0x343: {  	v3 =	vperm.xlane v3, v2;
	v4 =	vadd.s32 v1, v4;
	_ =	sdelay $0x1  }
0x344: {  	v3 =	vadd.s32 v1, v3;
	_ =	sdelay $0x1  }
0x345: {  	s29 =	simm.s32 $0x15800  }
0x346: {  	[tilespmem:s29], [sflag:$0x3] =	stream.indirect_vreg.gather [hbm4b:s2+s3], $0x80, v4, vm0, $0xb8;
	[tilespmem:$0x18800] =	vst v63  }
0x347: {  	s0 =	simm.s32 $0x16000  }
0x348: {  	[tilespmem:s0], [sflag:$0x3] =	stream.indirect_vreg.gather [hbm4b:s2+s3], $0x80, v3, vm0, $0xb8;
	[tilespmem:$0x18800] =	vst v63  }
0x349: {  	v3 =	vld [tilespmem:$0x460];
	_ =	sdelay $0x4  }
0x34a: {  	v62 =	vshll.u32 v3, $0x1  }
0x34b: {  	v3 =	vand.u32 $0x7, v3;
	v4 =	vand.u32 $0xFFFFFFF0, v62  }
0x34c: {  	v3 =	vor.u32 v3, v4  }
0x34d: {  	v4 =	vperm.xlane v3, v0;
	_ =	sdelay $0x1  }
0x34e: {  	v3 =	vperm.xlane v3, v2;
	v4 =	vadd.s32 v1, v4;
	_ =	sdelay $0x1  }
0x34f: {  	v3 =	vadd.s32 v1, v3;
	_ =	sdelay $0x1  }
0x350: {  	s0 =	simm.s32 $0x16800  }
0x351: {  	[tilespmem:s0], [sflag:$0x3] =	stream.indirect_vreg.gather [hbm4b:s2+s3], $0x80, v4, vm0, $0xb8;
	[tilespmem:$0x18800] =	vst v63  }
0x352: {  	s0 =	simm.s32 $0x17000  }
0x353: {  	[tilespmem:s0], [sflag:$0x3] =	stream.indirect_vreg.gather [hbm4b:s2+s3], $0x80, v3, vm0, $0xb8;
	[tilespmem:$0x18800] =	vst v63  }
0x354: {  	v3 =	vld [tilespmem:$0x470];
	_ =	sdelay $0x4  }
0x355: {  	v63 =	vshll.u32 v3, $0x1  }
0x356: {  	v3 =	vand.u32 $0x7, v3;
	v4 =	vand.u32 $0xFFFFFFF0, v63  }
0x357: {  	v3 =	vor.u32 v3, v4  }
0x358: {  	v4 =	vperm.xlane v3, v0;
	_ =	sdelay $0x1  }
0x359: {  	v3 =	vperm.xlane v3, v2;
	v4 =	vadd.s32 v1, v4;
	_ =	sdelay $0x1  }
0x35a: {  	v3 =	vadd.s32 v1, v3;
	_ =	sdelay $0x1  }
0x35b: {  	s0 =	simm.s32 $0x17800  }
0x35c: {  	[tilespmem:s0], [sflag:$0x3] =	stream.indirect_vreg.gather [hbm4b:s2+s3], $0x80, v4, vm0, $0xb8;
	[tilespmem:$0x18800] =	vst v63  }
0x35d: {  	s0 =	simm.s32 $0x18000  }
0x35e: {  	[tilespmem:s0], [sflag:$0x3] =	stream.indirect_vreg.gather [hbm4b:s2+s3], $0x80, v3, vm0, $0xb8;
	[tilespmem:$0x18800] =	vst v63  }
0x35f: {  	_ =	swait.ge [sflag:s4], $0x8000  }
0x360: {  	[sflag:s4] =	ssyncset.done $0x0  }
0x361: {  	s0 =	rddreg [dreg:$0x9];
	[sflag:s4] =	ssyncadd.s32 $0xFFFF8000  }
0x362: {  	[hbm4b:s0+s3] =	stream.linear.scatter [tilespmem:s22], [sflag:$0x4], $0x8000, $0x38;
	[tilespmem:$0x18800] =	vst v63  }
0x363: {  	_ =	swait.ge [sflag:s6], $0x8000  }
0x364: {  	[sflag:s6] =	ssyncset.done $0x0  }
0x365: {  	[sflag:s6] =	ssyncadd.s32 $0xFFFF8000  }
0x366: {  	v3 =	vld [tilespmem:$0x480];
	_ =	sdelay $0x4  }
0x367: {  	v8 =	vshll.u32 v3, $0x1  }
0x368: {  	v3 =	vand.u32 $0x7, v3;
	v4 =	vand.u32 $0xFFFFFFF0, v8  }
0x369: {  	v3 =	vor.u32 v3, v4  }
0x36a: {  	v4 =	vperm.xlane v3, v0;
	_ =	sdelay $0x1  }
0x36b: {  	v3 =	vperm.xlane v3, v2;
	v4 =	vadd.s32 v1, v4;
	_ =	sdelay $0x1  }
0x36c: {  	v3 =	vadd.s32 v1, v3;
	_ =	sdelay $0x2  }
0x36d: {  	[tilespmem:s22], [sflag:$0x1] =	stream.indirect_vreg.gather [hbm4b:s2+s3], $0x80, v4, vm0, $0xb8;
	[tilespmem:$0x18800] =	vst v63  }
0x36e: {  	s23 =	simm.s32 $0x1000  }
0x36f: {  	[tilespmem:s23], [sflag:$0x1] =	stream.indirect_vreg.gather [hbm4b:s2+s3], $0x80, v3, vm0, $0xb8;
	[tilespmem:$0x18800] =	vst v63  }
0x370: {  	v3 =	vld [tilespmem:$0x490];
	_ =	sdelay $0x4  }
0x371: {  	v9 =	vshll.u32 v3, $0x1  }
0x372: {  	v3 =	vand.u32 $0x7, v3;
	v4 =	vand.u32 $0xFFFFFFF0, v9  }
0x373: {  	v3 =	vor.u32 v3, v4  }
0x374: {  	v4 =	vperm.xlane v3, v0;
	_ =	sdelay $0x1  }
0x375: {  	v3 =	vperm.xlane v3, v2;
	v4 =	vadd.s32 v1, v4;
	_ =	sdelay $0x1  }
0x376: {  	v3 =	vadd.s32 v1, v3;
	_ =	sdelay $0x1  }
0x377: {  	s8 =	simm.s32 $0x1800  }
0x378: {  	[tilespmem:s8], [sflag:$0x1] =	stream.indirect_vreg.gather [hbm4b:s2+s3], $0x80, v4, vm0, $0xb8;
	[tilespmem:$0x18800] =	vst v63  }
0x379: {  	s15 =	simm.s32 $0x2000  }
0x37a: {  	[tilespmem:s15], [sflag:$0x1] =	stream.indirect_vreg.gather [hbm4b:s2+s3], $0x80, v3, vm0, $0xb8;
	[tilespmem:$0x18800] =	vst v63  }
0x37b: {  	v3 =	vld [tilespmem:$0x4A0];
	_ =	sdelay $0x4  }
0x37c: {  	v10 =	vshll.u32 v3, $0x1  }
0x37d: {  	v3 =	vand.u32 $0x7, v3;
	v4 =	vand.u32 $0xFFFFFFF0, v10  }
0x37e: {  	v3 =	vor.u32 v3, v4  }
0x37f: {  	v4 =	vperm.xlane v3, v0;
	_ =	sdelay $0x1  }
0x380: {  	v3 =	vperm.xlane v3, v2;
	v4 =	vadd.s32 v1, v4;
	_ =	sdelay $0x1  }
0x381: {  	v3 =	vadd.s32 v1, v3;
	_ =	sdelay $0x1  }
0x382: {  	s9 =	simm.s32 $0x2800  }
0x383: {  	[tilespmem:s9], [sflag:$0x1] =	stream.indirect_vreg.gather [hbm4b:s2+s3], $0x80, v4, vm0, $0xb8;
	[tilespmem:$0x18800] =	vst v63  }
0x384: {  	s16 =	simm.s32 $0x3000  }
0x385: {  	[tilespmem:s16], [sflag:$0x1] =	stream.indirect_vreg.gather [hbm4b:s2+s3], $0x80, v3, vm0, $0xb8;
	[tilespmem:$0x18800] =	vst v63  }
0x386: {  	v3 =	vld [tilespmem:$0x4B0];
	_ =	sdelay $0x4  }
0x387: {  	v11 =	vshll.u32 v3, $0x1  }
0x388: {  	v3 =	vand.u32 $0x7, v3;
	v4 =	vand.u32 $0xFFFFFFF0, v11  }
0x389: {  	v3 =	vor.u32 v3, v4  }
0x38a: {  	v4 =	vperm.xlane v3, v0;
	_ =	sdelay $0x1  }
0x38b: {  	v3 =	vperm.xlane v3, v2;
	v4 =	vadd.s32 v1, v4;
	_ =	sdelay $0x1  }
0x38c: {  	v3 =	vadd.s32 v1, v3;
	_ =	sdelay $0x1  }
0x38d: {  	s10 =	simm.s32 $0x3800  }
0x38e: {  	[tilespmem:s10], [sflag:$0x1] =	stream.indirect_vreg.gather [hbm4b:s2+s3], $0x80, v4, vm0, $0xb8;
	[tilespmem:$0x18800] =	vst v63  }
0x38f: {  	s17 =	simm.s32 $0x4000  }
0x390: {  	[tilespmem:s17], [sflag:$0x1] =	stream.indirect_vreg.gather [hbm4b:s2+s3], $0x80, v3, vm0, $0xb8;
	[tilespmem:$0x18800] =	vst v63  }
0x391: {  	v3 =	vld [tilespmem:$0x4C0];
	_ =	sdelay $0x4  }
0x392: {  	v12 =	vshll.u32 v3, $0x1  }
0x393: {  	v3 =	vand.u32 $0x7, v3;
	v4 =	vand.u32 $0xFFFFFFF0, v12  }
0x394: {  	v3 =	vor.u32 v3, v4  }
0x395: {  	v4 =	vperm.xlane v3, v0;
	_ =	sdelay $0x1  }
0x396: {  	v3 =	vperm.xlane v3, v2;
	v4 =	vadd.s32 v1, v4;
	_ =	sdelay $0x1  }
0x397: {  	v3 =	vadd.s32 v1, v3;
	_ =	sdelay $0x1  }
0x398: {  	s11 =	simm.s32 $0x4800  }
0x399: {  	[tilespmem:s11], [sflag:$0x1] =	stream.indirect_vreg.gather [hbm4b:s2+s3], $0x80, v4, vm0, $0xb8;
	[tilespmem:$0x18800] =	vst v63  }
0x39a: {  	s18 =	simm.s32 $0x5000  }
0x39b: {  	[tilespmem:s18], [sflag:$0x1] =	stream.indirect_vreg.gather [hbm4b:s2+s3], $0x80, v3, vm0, $0xb8;
	[tilespmem:$0x18800] =	vst v63  }
0x39c: {  	v3 =	vld [tilespmem:$0x4D0];
	_ =	sdelay $0x4  }
0x39d: {  	v13 =	vshll.u32 v3, $0x1  }
0x39e: {  	v3 =	vand.u32 $0x7, v3;
	v4 =	vand.u32 $0xFFFFFFF0, v13  }
0x39f: {  	v3 =	vor.u32 v3, v4  }
0x3a0: {  	v4 =	vperm.xlane v3, v0;
	_ =	sdelay $0x1  }
0x3a1: {  	v3 =	vperm.xlane v3, v2;
	v4 =	vadd.s32 v1, v4;
	_ =	sdelay $0x1  }
0x3a2: {  	v3 =	vadd.s32 v1, v3;
	_ =	sdelay $0x1  }
0x3a3: {  	s12 =	simm.s32 $0x5800  }
0x3a4: {  	[tilespmem:s12], [sflag:$0x1] =	stream.indirect_vreg.gather [hbm4b:s2+s3], $0x80, v4, vm0, $0xb8;
	[tilespmem:$0x18800] =	vst v63  }
0x3a5: {  	s19 =	simm.s32 $0x6000  }
0x3a6: {  	[tilespmem:s19], [sflag:$0x1] =	stream.indirect_vreg.gather [hbm4b:s2+s3], $0x80, v3, vm0, $0xb8;
	[tilespmem:$0x18800] =	vst v63  }
0x3a7: {  	v3 =	vld [tilespmem:$0x4E0];
	_ =	sdelay $0x4  }
0x3a8: {  	v14 =	vshll.u32 v3, $0x1  }
0x3a9: {  	v3 =	vand.u32 $0x7, v3;
	v4 =	vand.u32 $0xFFFFFFF0, v14  }
0x3aa: {  	v3 =	vor.u32 v3, v4  }
0x3ab: {  	v4 =	vperm.xlane v3, v0;
	_ =	sdelay $0x1  }
0x3ac: {  	v3 =	vperm.xlane v3, v2;
	v4 =	vadd.s32 v1, v4;
	_ =	sdelay $0x1  }
0x3ad: {  	v3 =	vadd.s32 v1, v3;
	_ =	sdelay $0x1  }
0x3ae: {  	s13 =	simm.s32 $0x6800  }
0x3af: {  	[tilespmem:s13], [sflag:$0x1] =	stream.indirect_vreg.gather [hbm4b:s2+s3], $0x80, v4, vm0, $0xb8;
	[tilespmem:$0x18800] =	vst v63  }
0x3b0: {  	s20 =	simm.s32 $0x7000  }
0x3b1: {  	[tilespmem:s20], [sflag:$0x1] =	stream.indirect_vreg.gather [hbm4b:s2+s3], $0x80, v3, vm0, $0xb8;
	[tilespmem:$0x18800] =	vst v63  }
0x3b2: {  	v3 =	vld [tilespmem:$0x4F0];
	_ =	sdelay $0x4  }
0x3b3: {  	v15 =	vshll.u32 v3, $0x1  }
0x3b4: {  	v3 =	vand.u32 $0x7, v3;
	v4 =	vand.u32 $0xFFFFFFF0, v15  }
0x3b5: {  	v3 =	vor.u32 v3, v4  }
0x3b6: {  	v4 =	vperm.xlane v3, v0;
	_ =	sdelay $0x1  }
0x3b7: {  	v3 =	vperm.xlane v3, v2;
	v4 =	vadd.s32 v1, v4;
	_ =	sdelay $0x1  }
0x3b8: {  	v3 =	vadd.s32 v1, v3;
	_ =	sdelay $0x1  }
0x3b9: {  	s14 =	simm.s32 $0x7800  }
0x3ba: {  	[tilespmem:s14], [sflag:$0x1] =	stream.indirect_vreg.gather [hbm4b:s2+s3], $0x80, v4, vm0, $0xb8;
	[tilespmem:$0x18800] =	vst v63  }
0x3bb: {  	s21 =	simm.s32 $0x8000  }
0x3bc: {  	[tilespmem:s21], [sflag:$0x1] =	stream.indirect_vreg.gather [hbm4b:s2+s3], $0x80, v3, vm0, $0xb8;
	[tilespmem:$0x18800] =	vst v63  }
0x3bd: {  	_ =	swait.ge [sflag:s30], $0x8000  }
0x3be: {  	[sflag:s30] =	ssyncset.done $0x0  }
0x3bf: {  	s14 =	rddreg [dreg:$0xa];
	[sflag:s30] =	ssyncadd.s32 $0xFFFF8000  }
0x3c0: {  	[hbm4b:s14+s3] =	stream.linear.scatter [tilespmem:s31], [sflag:$0x4], $0x8000, $0x38;
	[tilespmem:$0x18800] =	vst v63  }
0x3c1: {  	_ =	swait.ge [sflag:s6], $0x8000  }
0x3c2: {  	[sflag:s6] =	ssyncset.done $0x0  }
0x3c3: {  	[sflag:s6] =	ssyncadd.s32 $0xFFFF8000  }
0x3c4: {  	v3 =	vld [tilespmem:$0x500];
	_ =	sdelay $0x4  }
0x3c5: {  	v16 =	vshll.u32 v3, $0x1  }
0x3c6: {  	v3 =	vand.u32 $0x7, v3;
	v4 =	vand.u32 $0xFFFFFFF0, v16  }
0x3c7: {  	v3 =	vor.u32 v3, v4  }
0x3c8: {  	v4 =	vperm.xlane v3, v0;
	_ =	sdelay $0x1  }
0x3c9: {  	v3 =	vperm.xlane v3, v2;
	v4 =	vadd.s32 v1, v4;
	_ =	sdelay $0x1  }
0x3ca: {  	v3 =	vadd.s32 v1, v3;
	_ =	sdelay $0x2  }
0x3cb: {  	[tilespmem:s31], [sflag:$0x2] =	stream.indirect_vreg.gather [hbm4b:s2+s3], $0x80, v4, vm0, $0xb8;
	[tilespmem:$0x18800] =	vst v63  }
0x3cc: {  	s21 =	simm.s32 $0x9000  }
0x3cd: {  	[tilespmem:s21], [sflag:$0x2] =	stream.indirect_vreg.gather [hbm4b:s2+s3], $0x80, v3, vm0, $0xb8;
	[tilespmem:$0x18800] =	vst v63  }
0x3ce: {  	v3 =	vld [tilespmem:$0x510];
	_ =	sdelay $0x4  }
0x3cf: {  	v17 =	vshll.u32 v3, $0x1  }
0x3d0: {  	v3 =	vand.u32 $0x7, v3;
	v4 =	vand.u32 $0xFFFFFFF0, v17  }
0x3d1: {  	v3 =	vor.u32 v3, v4  }
0x3d2: {  	v4 =	vperm.xlane v3, v0;
	_ =	sdelay $0x1  }
0x3d3: {  	v3 =	vperm.xlane v3, v2;
	v4 =	vadd.s32 v1, v4;
	_ =	sdelay $0x1  }
0x3d4: {  	v3 =	vadd.s32 v1, v3;
	_ =	sdelay $0x1  }
0x3d5: {  	s8 =	simm.s32 $0x9800  }
0x3d6: {  	[tilespmem:s8], [sflag:$0x2] =	stream.indirect_vreg.gather [hbm4b:s2+s3], $0x80, v4, vm0, $0xb8;
	[tilespmem:$0x18800] =	vst v63  }
0x3d7: {  	s9 =	simm.s32 $0xA000  }
0x3d8: {  	[tilespmem:s9], [sflag:$0x2] =	stream.indirect_vreg.gather [hbm4b:s2+s3], $0x80, v3, vm0, $0xb8;
	[tilespmem:$0x18800] =	vst v63  }
0x3d9: {  	v3 =	vld [tilespmem:$0x520];
	_ =	sdelay $0x4  }
0x3da: {  	v18 =	vshll.u32 v3, $0x1  }
0x3db: {  	v3 =	vand.u32 $0x7, v3;
	v4 =	vand.u32 $0xFFFFFFF0, v18  }
0x3dc: {  	v3 =	vor.u32 v3, v4  }
0x3dd: {  	v4 =	vperm.xlane v3, v0;
	_ =	sdelay $0x1  }
0x3de: {  	v3 =	vperm.xlane v3, v2;
	v4 =	vadd.s32 v1, v4;
	_ =	sdelay $0x1  }
0x3df: {  	v3 =	vadd.s32 v1, v3;
	_ =	sdelay $0x1  }
0x3e0: {  	s10 =	simm.s32 $0xA800  }
0x3e1: {  	[tilespmem:s10], [sflag:$0x2] =	stream.indirect_vreg.gather [hbm4b:s2+s3], $0x80, v4, vm0, $0xb8;
	[tilespmem:$0x18800] =	vst v63  }
0x3e2: {  	s11 =	simm.s32 $0xB000  }
0x3e3: {  	[tilespmem:s11], [sflag:$0x2] =	stream.indirect_vreg.gather [hbm4b:s2+s3], $0x80, v3, vm0, $0xb8;
	[tilespmem:$0x18800] =	vst v63  }
0x3e4: {  	v3 =	vld [tilespmem:$0x530];
	_ =	sdelay $0x4  }
0x3e5: {  	v19 =	vshll.u32 v3, $0x1  }
0x3e6: {  	v3 =	vand.u32 $0x7, v3;
	v4 =	vand.u32 $0xFFFFFFF0, v19  }
0x3e7: {  	v3 =	vor.u32 v3, v4  }
0x3e8: {  	v4 =	vperm.xlane v3, v0;
	_ =	sdelay $0x1  }
0x3e9: {  	v3 =	vperm.xlane v3, v2;
	v4 =	vadd.s32 v1, v4;
	_ =	sdelay $0x1  }
0x3ea: {  	v3 =	vadd.s32 v1, v3;
	_ =	sdelay $0x1  }
0x3eb: {  	s12 =	simm.s32 $0xB800  }
0x3ec: {  	[tilespmem:s12], [sflag:$0x2] =	stream.indirect_vreg.gather [hbm4b:s2+s3], $0x80, v4, vm0, $0xb8;
	[tilespmem:$0x18800] =	vst v63  }
0x3ed: {  	s13 =	simm.s32 $0xC000  }
0x3ee: {  	[tilespmem:s13], [sflag:$0x2] =	stream.indirect_vreg.gather [hbm4b:s2+s3], $0x80, v3, vm0, $0xb8;
	[tilespmem:$0x18800] =	vst v63  }
0x3ef: {  	v3 =	vld [tilespmem:$0x540];
	_ =	sdelay $0x4  }
0x3f0: {  	v20 =	vshll.u32 v3, $0x1  }
0x3f1: {  	v3 =	vand.u32 $0x7, v3;
	v4 =	vand.u32 $0xFFFFFFF0, v20  }
0x3f2: {  	v3 =	vor.u32 v3, v4  }
0x3f3: {  	v4 =	vperm.xlane v3, v0;
	_ =	sdelay $0x1  }
0x3f4: {  	v3 =	vperm.xlane v3, v2;
	v4 =	vadd.s32 v1, v4;
	_ =	sdelay $0x1  }
0x3f5: {  	v3 =	vadd.s32 v1, v3;
	_ =	sdelay $0x1  }
0x3f6: {  	s14 =	simm.s32 $0xC800  }
0x3f7: {  	[tilespmem:s14], [sflag:$0x2] =	stream.indirect_vreg.gather [hbm4b:s2+s3], $0x80, v4, vm0, $0xb8;
	[tilespmem:$0x18800] =	vst v63  }
0x3f8: {  	s21 =	simm.s32 $0xD000  }
0x3f9: {  	[tilespmem:s21], [sflag:$0x2] =	stream.indirect_vreg.gather [hbm4b:s2+s3], $0x80, v3, vm0, $0xb8;
	[tilespmem:$0x18800] =	vst v63  }
0x3fa: {  	v3 =	vld [tilespmem:$0x550];
	_ =	sdelay $0x4  }
0x3fb: {  	v21 =	vshll.u32 v3, $0x1  }
0x3fc: {  	v3 =	vand.u32 $0x7, v3;
	v4 =	vand.u32 $0xFFFFFFF0, v21  }
0x3fd: {  	v3 =	vor.u32 v3, v4  }
0x3fe: {  	v4 =	vperm.xlane v3, v0;
	_ =	sdelay $0x1  }
0x3ff: {  	v3 =	vperm.xlane v3, v2;
	v4 =	vadd.s32 v1, v4;
	_ =	sdelay $0x1  }
0x400: {  	v3 =	vadd.s32 v1, v3;
	_ =	sdelay $0x1  }
0x401: {  	s8 =	simm.s32 $0xD800  }
0x402: {  	[tilespmem:s8], [sflag:$0x2] =	stream.indirect_vreg.gather [hbm4b:s2+s3], $0x80, v4, vm0, $0xb8;
	[tilespmem:$0x18800] =	vst v63  }
0x403: {  	s9 =	simm.s32 $0xE000  }
0x404: {  	[tilespmem:s9], [sflag:$0x2] =	stream.indirect_vreg.gather [hbm4b:s2+s3], $0x80, v3, vm0, $0xb8;
	[tilespmem:$0x18800] =	vst v63  }
0x405: {  	v3 =	vld [tilespmem:$0x560];
	_ =	sdelay $0x4  }
0x406: {  	v22 =	vshll.u32 v3, $0x1  }
0x407: {  	v3 =	vand.u32 $0x7, v3;
	v4 =	vand.u32 $0xFFFFFFF0, v22  }
0x408: {  	v3 =	vor.u32 v3, v4  }
0x409: {  	v4 =	vperm.xlane v3, v0;
	_ =	sdelay $0x1  }
0x40a: {  	v3 =	vperm.xlane v3, v2;
	v4 =	vadd.s32 v1, v4;
	_ =	sdelay $0x1  }
0x40b: {  	v3 =	vadd.s32 v1, v3;
	_ =	sdelay $0x1  }
0x40c: {  	s10 =	simm.s32 $0xE800  }
0x40d: {  	[tilespmem:s10], [sflag:$0x2] =	stream.indirect_vreg.gather [hbm4b:s2+s3], $0x80, v4, vm0, $0xb8;
	[tilespmem:$0x18800] =	vst v63  }
0x40e: {  	s11 =	simm.s32 $0xF000  }
0x40f: {  	[tilespmem:s11], [sflag:$0x2] =	stream.indirect_vreg.gather [hbm4b:s2+s3], $0x80, v3, vm0, $0xb8;
	[tilespmem:$0x18800] =	vst v63  }
0x410: {  	v3 =	vld [tilespmem:$0x570];
	_ =	sdelay $0x4  }
0x411: {  	v23 =	vshll.u32 v3, $0x1  }
0x412: {  	v3 =	vand.u32 $0x7, v3;
	v4 =	vand.u32 $0xFFFFFFF0, v23  }
0x413: {  	v3 =	vor.u32 v3, v4  }
0x414: {  	v4 =	vperm.xlane v3, v0;
	_ =	sdelay $0x1  }
0x415: {  	v3 =	vperm.xlane v3, v2;
	v4 =	vadd.s32 v1, v4;
	_ =	sdelay $0x1  }
0x416: {  	v3 =	vadd.s32 v1, v3;
	_ =	sdelay $0x1  }
0x417: {  	s12 =	simm.s32 $0xF800  }
0x418: {  	[tilespmem:s12], [sflag:$0x2] =	stream.indirect_vreg.gather [hbm4b:s2+s3], $0x80, v4, vm0, $0xb8;
	[tilespmem:$0x18800] =	vst v63  }
0x419: {  	s13 =	simm.s32 $0x10000  }
0x41a: {  	[tilespmem:s13], [sflag:$0x2] =	stream.indirect_vreg.gather [hbm4b:s2+s3], $0x80, v3, vm0, $0xb8;
	[tilespmem:$0x18800] =	vst v63  }
0x41b: {  	_ =	swait.ge [sflag:s1], $0x8000  }
0x41c: {  	[sflag:s1] =	ssyncset.done $0x0  }
0x41d: {  	s14 =	rddreg [dreg:$0xb];
	[sflag:s1] =	ssyncadd.s32 $0xFFFF8000  }
0x41e: {  	[hbm4b:s14+s3] =	stream.linear.scatter [tilespmem:s7], [sflag:$0x4], $0x8000, $0x38;
	[tilespmem:$0x18800] =	vst v63  }
0x41f: {  	_ =	swait.ge [sflag:s6], $0x8000  }
0x420: {  	[sflag:s6] =	ssyncset.done $0x0  }
0x421: {  	[sflag:s6] =	ssyncadd.s32 $0xFFFF8000  }
0x422: {  	v3 =	vld [tilespmem:$0x580];
	_ =	sdelay $0x4  }
0x423: {  	v24 =	vshll.u32 v3, $0x1  }
0x424: {  	v3 =	vand.u32 $0x7, v3;
	v4 =	vand.u32 $0xFFFFFFF0, v24  }
0x425: {  	v3 =	vor.u32 v3, v4  }
0x426: {  	v4 =	vperm.xlane v3, v0;
	_ =	sdelay $0x1  }
0x427: {  	v3 =	vperm.xlane v3, v2;
	v4 =	vadd.s32 v1, v4;
	_ =	sdelay $0x1  }
0x428: {  	v3 =	vadd.s32 v1, v3;
	_ =	sdelay $0x2  }
0x429: {  	[tilespmem:s7], [sflag:$0x3] =	stream.indirect_vreg.gather [hbm4b:s2+s3], $0x80, v4, vm0, $0xb8;
	[tilespmem:$0x18800] =	vst v63  }
0x42a: {  	s21 =	simm.s32 $0x11000  }
0x42b: {  	[tilespmem:s21], [sflag:$0x3] =	stream.indirect_vreg.gather [hbm4b:s2+s3], $0x80, v3, vm0, $0xb8;
	[tilespmem:$0x18800] =	vst v63  }
0x42c: {  	v3 =	vld [tilespmem:$0x590];
	_ =	sdelay $0x4  }
0x42d: {  	v25 =	vshll.u32 v3, $0x1  }
0x42e: {  	v3 =	vand.u32 $0x7, v3;
	v4 =	vand.u32 $0xFFFFFFF0, v25  }
0x42f: {  	v3 =	vor.u32 v3, v4  }
0x430: {  	v4 =	vperm.xlane v3, v0;
	_ =	sdelay $0x1  }
0x431: {  	v3 =	vperm.xlane v3, v2;
	v4 =	vadd.s32 v1, v4;
	_ =	sdelay $0x1  }
0x432: {  	v3 =	vadd.s32 v1, v3;
	_ =	sdelay $0x1  }
0x433: {  	s24 =	simm.s32 $0x11800  }
0x434: {  	[tilespmem:s24], [sflag:$0x3] =	stream.indirect_vreg.gather [hbm4b:s2+s3], $0x80, v4, vm0, $0xb8;
	[tilespmem:$0x18800] =	vst v63  }
0x435: {  	s24 =	simm.s32 $0x12000  }
0x436: {  	[tilespmem:s24], [sflag:$0x3] =	stream.indirect_vreg.gather [hbm4b:s2+s3], $0x80, v3, vm0, $0xb8;
	[tilespmem:$0x18800] =	vst v63  }
0x437: {  	v3 =	vld [tilespmem:$0x5A0];
	_ =	sdelay $0x4  }
0x438: {  	v26 =	vshll.u32 v3, $0x1  }
0x439: {  	v3 =	vand.u32 $0x7, v3;
	v4 =	vand.u32 $0xFFFFFFF0, v26  }
0x43a: {  	v3 =	vor.u32 v3, v4  }
0x43b: {  	v4 =	vperm.xlane v3, v0;
	_ =	sdelay $0x1  }
0x43c: {  	v3 =	vperm.xlane v3, v2;
	v4 =	vadd.s32 v1, v4;
	_ =	sdelay $0x1  }
0x43d: {  	v3 =	vadd.s32 v1, v3;
	_ =	sdelay $0x1  }
0x43e: {  	s25 =	simm.s32 $0x12800  }
0x43f: {  	[tilespmem:s25], [sflag:$0x3] =	stream.indirect_vreg.gather [hbm4b:s2+s3], $0x80, v4, vm0, $0xb8;
	[tilespmem:$0x18800] =	vst v63  }
0x440: {  	s25 =	simm.s32 $0x13000  }
0x441: {  	[tilespmem:s25], [sflag:$0x3] =	stream.indirect_vreg.gather [hbm4b:s2+s3], $0x80, v3, vm0, $0xb8;
	[tilespmem:$0x18800] =	vst v63  }
0x442: {  	v3 =	vld [tilespmem:$0x5B0];
	_ =	sdelay $0x4  }
0x443: {  	v27 =	vshll.u32 v3, $0x1  }
0x444: {  	v3 =	vand.u32 $0x7, v3;
	v4 =	vand.u32 $0xFFFFFFF0, v27  }
0x445: {  	v3 =	vor.u32 v3, v4  }
0x446: {  	v4 =	vperm.xlane v3, v0;
	_ =	sdelay $0x1  }
0x447: {  	v3 =	vperm.xlane v3, v2;
	v4 =	vadd.s32 v1, v4;
	_ =	sdelay $0x1  }
0x448: {  	v3 =	vadd.s32 v1, v3;
	_ =	sdelay $0x1  }
0x449: {  	s26 =	simm.s32 $0x13800  }
0x44a: {  	[tilespmem:s26], [sflag:$0x3] =	stream.indirect_vreg.gather [hbm4b:s2+s3], $0x80, v4, vm0, $0xb8;
	[tilespmem:$0x18800] =	vst v63  }
0x44b: {  	s26 =	simm.s32 $0x14000  }
0x44c: {  	[tilespmem:s26], [sflag:$0x3] =	stream.indirect_vreg.gather [hbm4b:s2+s3], $0x80, v3, vm0, $0xb8;
	[tilespmem:$0x18800] =	vst v63  }
0x44d: {  	v3 =	vld [tilespmem:$0x5C0];
	_ =	sdelay $0x4  }
0x44e: {  	v28 =	vshll.u32 v3, $0x1  }
0x44f: {  	v3 =	vand.u32 $0x7, v3;
	v4 =	vand.u32 $0xFFFFFFF0, v28  }
0x450: {  	v3 =	vor.u32 v3, v4  }
0x451: {  	v4 =	vperm.xlane v3, v0;
	_ =	sdelay $0x1  }
0x452: {  	v3 =	vperm.xlane v3, v2;
	v4 =	vadd.s32 v1, v4;
	_ =	sdelay $0x1  }
0x453: {  	v3 =	vadd.s32 v1, v3;
	_ =	sdelay $0x1  }
0x454: {  	s28 =	simm.s32 $0x14800  }
0x455: {  	[tilespmem:s28], [sflag:$0x3] =	stream.indirect_vreg.gather [hbm4b:s2+s3], $0x80, v4, vm0, $0xb8;
	[tilespmem:$0x18800] =	vst v63  }
0x456: {  	s28 =	simm.s32 $0x15000  }
0x457: {  	[tilespmem:s28], [sflag:$0x3] =	stream.indirect_vreg.gather [hbm4b:s2+s3], $0x80, v3, vm0, $0xb8;
	[tilespmem:$0x18800] =	vst v63  }
0x458: {  	v3 =	vld [tilespmem:$0x5D0];
	_ =	sdelay $0x4  }
0x459: {  	v29 =	vshll.u32 v3, $0x1  }
0x45a: {  	v3 =	vand.u32 $0x7, v3;
	v4 =	vand.u32 $0xFFFFFFF0, v29  }
0x45b: {  	v3 =	vor.u32 v3, v4  }
0x45c: {  	v4 =	vperm.xlane v3, v0;
	_ =	sdelay $0x1  }
0x45d: {  	v3 =	vperm.xlane v3, v2;
	v4 =	vadd.s32 v1, v4;
	_ =	sdelay $0x1  }
0x45e: {  	v3 =	vadd.s32 v1, v3;
	_ =	sdelay $0x1  }
0x45f: {  	s29 =	simm.s32 $0x15800  }
0x460: {  	[tilespmem:s29], [sflag:$0x3] =	stream.indirect_vreg.gather [hbm4b:s2+s3], $0x80, v4, vm0, $0xb8;
	[tilespmem:$0x18800] =	vst v63  }
0x461: {  	s29 =	simm.s32 $0x16000  }
0x462: {  	[tilespmem:s29], [sflag:$0x3] =	stream.indirect_vreg.gather [hbm4b:s2+s3], $0x80, v3, vm0, $0xb8;
	[tilespmem:$0x18800] =	vst v63  }
0x463: {  	v3 =	vld [tilespmem:$0x5E0];
	_ =	sdelay $0x4  }
0x464: {  	v30 =	vshll.u32 v3, $0x1  }
0x465: {  	v3 =	vand.u32 $0x7, v3;
	v4 =	vand.u32 $0xFFFFFFF0, v30  }
0x466: {  	v3 =	vor.u32 v3, v4  }
0x467: {  	v4 =	vperm.xlane v3, v0;
	_ =	sdelay $0x1  }
0x468: {  	v3 =	vperm.xlane v3, v2;
	v4 =	vadd.s32 v1, v4;
	_ =	sdelay $0x1  }
0x469: {  	v3 =	vadd.s32 v1, v3;
	_ =	sdelay $0x1  }
0x46a: {  	s8 =	simm.s32 $0x16800  }
0x46b: {  	[tilespmem:s8], [sflag:$0x3] =	stream.indirect_vreg.gather [hbm4b:s2+s3], $0x80, v4, vm0, $0xb8;
	[tilespmem:$0x18800] =	vst v63  }
0x46c: {  	s9 =	simm.s32 $0x17000  }
0x46d: {  	[tilespmem:s9], [sflag:$0x3] =	stream.indirect_vreg.gather [hbm4b:s2+s3], $0x80, v3, vm0, $0xb8;
	[tilespmem:$0x18800] =	vst v63  }
0x46e: {  	v3 =	vld [tilespmem:$0x5F0];
	_ =	sdelay $0x4  }
0x46f: {  	v31 =	vshll.u32 v3, $0x1  }
0x470: {  	v3 =	vand.u32 $0x7, v3;
	v4 =	vand.u32 $0xFFFFFFF0, v31  }
0x471: {  	v3 =	vor.u32 v3, v4  }
0x472: {  	v4 =	vperm.xlane v3, v0;
	_ =	sdelay $0x1  }
0x473: {  	v3 =	vperm.xlane v3, v2;
	v4 =	vadd.s32 v1, v4;
	_ =	sdelay $0x1  }
0x474: {  	v3 =	vadd.s32 v1, v3;
	_ =	sdelay $0x1  }
0x475: {  	s10 =	simm.s32 $0x17800  }
0x476: {  	[tilespmem:s10], [sflag:$0x3] =	stream.indirect_vreg.gather [hbm4b:s2+s3], $0x80, v4, vm0, $0xb8;
	[tilespmem:$0x18800] =	vst v63  }
0x477: {  	s11 =	simm.s32 $0x18000  }
0x478: {  	[tilespmem:s11], [sflag:$0x3] =	stream.indirect_vreg.gather [hbm4b:s2+s3], $0x80, v3, vm0, $0xb8;
	[tilespmem:$0x18800] =	vst v63  }
0x479: {  	_ =	swait.ge [sflag:s4], $0x8000  }
0x47a: {  	[sflag:s4] =	ssyncset.done $0x0  }
0x47b: {  	s12 =	rddreg [dreg:$0xc];
	[sflag:s4] =	ssyncadd.s32 $0xFFFF8000  }
0x47c: {  	[hbm4b:s12+s3] =	stream.linear.scatter [tilespmem:s22], [sflag:$0x4], $0x8000, $0x38;
	[tilespmem:$0x18800] =	vst v63  }
0x47d: {  	_ =	swait.ge [sflag:s6], $0x8000  }
0x47e: {  	[sflag:s6] =	ssyncset.done $0x0  }
0x47f: {  	[sflag:s6] =	ssyncadd.s32 $0xFFFF8000  }
0x480: {  	v3 =	vld [tilespmem:$0x600];
	_ =	sdelay $0x4  }
0x481: {  	v32 =	vshll.u32 v3, $0x1  }
0x482: {  	v3 =	vand.u32 $0x7, v3;
	v4 =	vand.u32 $0xFFFFFFF0, v32  }
0x483: {  	v3 =	vor.u32 v3, v4  }
0x484: {  	v4 =	vperm.xlane v3, v0;
	_ =	sdelay $0x1  }
0x485: {  	v3 =	vperm.xlane v3, v2;
	v4 =	vadd.s32 v1, v4;
	_ =	sdelay $0x1  }
0x486: {  	v3 =	vadd.s32 v1, v3;
	_ =	sdelay $0x2  }
0x487: {  	[tilespmem:s22], [sflag:$0x1] =	stream.indirect_vreg.gather [hbm4b:s2+s3], $0x80, v4, vm0, $0xb8;
	[tilespmem:$0x18800] =	vst v63  }
0x488: {  	s13 =	simm.s32 $0x1000  }
0x489: {  	[tilespmem:s13], [sflag:$0x1] =	stream.indirect_vreg.gather [hbm4b:s2+s3], $0x80, v3, vm0, $0xb8;
	[tilespmem:$0x18800] =	vst v63  }
0x48a: {  	v3 =	vld [tilespmem:$0x610];
	_ =	sdelay $0x4  }
0x48b: {  	v33 =	vshll.u32 v3, $0x1  }
0x48c: {  	v3 =	vand.u32 $0x7, v3;
	v4 =	vand.u32 $0xFFFFFFF0, v33  }
0x48d: {  	v3 =	vor.u32 v3, v4  }
0x48e: {  	v4 =	vperm.xlane v3, v0;
	_ =	sdelay $0x1  }
0x48f: {  	v3 =	vperm.xlane v3, v2;
	v4 =	vadd.s32 v1, v4;
	_ =	sdelay $0x1  }
0x490: {  	v3 =	vadd.s32 v1, v3;
	_ =	sdelay $0x1  }
0x491: {  	s23 =	simm.s32 $0x1800  }
0x492: {  	[tilespmem:s23], [sflag:$0x1] =	stream.indirect_vreg.gather [hbm4b:s2+s3], $0x80, v4, vm0, $0xb8;
	[tilespmem:$0x18800] =	vst v63  }
0x493: {  	s14 =	simm.s32 $0x2000  }
0x494: {  	[tilespmem:s14], [sflag:$0x1] =	stream.indirect_vreg.gather [hbm4b:s2+s3], $0x80, v3, vm0, $0xb8;
	[tilespmem:$0x18800] =	vst v63  }
0x495: {  	v3 =	vld [tilespmem:$0x620];
	_ =	sdelay $0x4  }
0x496: {  	v34 =	vshll.u32 v3, $0x1  }
0x497: {  	v3 =	vand.u32 $0x7, v3;
	v4 =	vand.u32 $0xFFFFFFF0, v34  }
0x498: {  	v3 =	vor.u32 v3, v4  }
0x499: {  	v4 =	vperm.xlane v3, v0;
	_ =	sdelay $0x1  }
0x49a: {  	v3 =	vperm.xlane v3, v2;
	v4 =	vadd.s32 v1, v4;
	_ =	sdelay $0x1  }
0x49b: {  	v3 =	vadd.s32 v1, v3;
	_ =	sdelay $0x1  }
0x49c: {  	s15 =	simm.s32 $0x2800  }
0x49d: {  	[tilespmem:s15], [sflag:$0x1] =	stream.indirect_vreg.gather [hbm4b:s2+s3], $0x80, v4, vm0, $0xb8;
	[tilespmem:$0x18800] =	vst v63  }
0x49e: {  	s15 =	simm.s32 $0x3000  }
0x49f: {  	[tilespmem:s15], [sflag:$0x1] =	stream.indirect_vreg.gather [hbm4b:s2+s3], $0x80, v3, vm0, $0xb8;
	[tilespmem:$0x18800] =	vst v63  }
0x4a0: {  	v3 =	vld [tilespmem:$0x630];
	_ =	sdelay $0x4  }
0x4a1: {  	v35 =	vshll.u32 v3, $0x1  }
0x4a2: {  	v3 =	vand.u32 $0x7, v3;
	v4 =	vand.u32 $0xFFFFFFF0, v35  }
0x4a3: {  	v3 =	vor.u32 v3, v4  }
0x4a4: {  	v4 =	vperm.xlane v3, v0;
	_ =	sdelay $0x1  }
0x4a5: {  	v3 =	vperm.xlane v3, v2;
	v4 =	vadd.s32 v1, v4;
	_ =	sdelay $0x1  }
0x4a6: {  	v3 =	vadd.s32 v1, v3;
	_ =	sdelay $0x1  }
0x4a7: {  	s16 =	simm.s32 $0x3800  }
0x4a8: {  	[tilespmem:s16], [sflag:$0x1] =	stream.indirect_vreg.gather [hbm4b:s2+s3], $0x80, v4, vm0, $0xb8;
	[tilespmem:$0x18800] =	vst v63  }
0x4a9: {  	s16 =	simm.s32 $0x4000  }
0x4aa: {  	[tilespmem:s16], [sflag:$0x1] =	stream.indirect_vreg.gather [hbm4b:s2+s3], $0x80, v3, vm0, $0xb8;
	[tilespmem:$0x18800] =	vst v63  }
0x4ab: {  	v3 =	vld [tilespmem:$0x640];
	_ =	sdelay $0x4  }
0x4ac: {  	v36 =	vshll.u32 v3, $0x1  }
0x4ad: {  	v3 =	vand.u32 $0x7, v3;
	v4 =	vand.u32 $0xFFFFFFF0, v36  }
0x4ae: {  	v3 =	vor.u32 v3, v4  }
0x4af: {  	v4 =	vperm.xlane v3, v0;
	_ =	sdelay $0x1  }
0x4b0: {  	v3 =	vperm.xlane v3, v2;
	v4 =	vadd.s32 v1, v4;
	_ =	sdelay $0x1  }
0x4b1: {  	v3 =	vadd.s32 v1, v3;
	_ =	sdelay $0x1  }
0x4b2: {  	s17 =	simm.s32 $0x4800  }
0x4b3: {  	[tilespmem:s17], [sflag:$0x1] =	stream.indirect_vreg.gather [hbm4b:s2+s3], $0x80, v4, vm0, $0xb8;
	[tilespmem:$0x18800] =	vst v63  }
0x4b4: {  	s17 =	simm.s32 $0x5000  }
0x4b5: {  	[tilespmem:s17], [sflag:$0x1] =	stream.indirect_vreg.gather [hbm4b:s2+s3], $0x80, v3, vm0, $0xb8;
	[tilespmem:$0x18800] =	vst v63  }
0x4b6: {  	v3 =	vld [tilespmem:$0x650];
	_ =	sdelay $0x4  }
0x4b7: {  	v37 =	vshll.u32 v3, $0x1  }
0x4b8: {  	v3 =	vand.u32 $0x7, v3;
	v4 =	vand.u32 $0xFFFFFFF0, v37  }
0x4b9: {  	v3 =	vor.u32 v3, v4  }
0x4ba: {  	v4 =	vperm.xlane v3, v0;
	_ =	sdelay $0x1  }
0x4bb: {  	v3 =	vperm.xlane v3, v2;
	v4 =	vadd.s32 v1, v4;
	_ =	sdelay $0x1  }
0x4bc: {  	v3 =	vadd.s32 v1, v3;
	_ =	sdelay $0x1  }
0x4bd: {  	s18 =	simm.s32 $0x5800  }
0x4be: {  	[tilespmem:s18], [sflag:$0x1] =	stream.indirect_vreg.gather [hbm4b:s2+s3], $0x80, v4, vm0, $0xb8;
	[tilespmem:$0x18800] =	vst v63  }
0x4bf: {  	s18 =	simm.s32 $0x6000  }
0x4c0: {  	[tilespmem:s18], [sflag:$0x1] =	stream.indirect_vreg.gather [hbm4b:s2+s3], $0x80, v3, vm0, $0xb8;
	[tilespmem:$0x18800] =	vst v63  }
0x4c1: {  	v3 =	vld [tilespmem:$0x660];
	_ =	sdelay $0x4  }
0x4c2: {  	v38 =	vshll.u32 v3, $0x1  }
0x4c3: {  	v3 =	vand.u32 $0x7, v3;
	v4 =	vand.u32 $0xFFFFFFF0, v38  }
0x4c4: {  	v3 =	vor.u32 v3, v4  }
0x4c5: {  	v4 =	vperm.xlane v3, v0;
	_ =	sdelay $0x1  }
0x4c6: {  	v3 =	vperm.xlane v3, v2;
	v4 =	vadd.s32 v1, v4;
	_ =	sdelay $0x1  }
0x4c7: {  	v3 =	vadd.s32 v1, v3;
	_ =	sdelay $0x1  }
0x4c8: {  	s19 =	simm.s32 $0x6800  }
0x4c9: {  	[tilespmem:s19], [sflag:$0x1] =	stream.indirect_vreg.gather [hbm4b:s2+s3], $0x80, v4, vm0, $0xb8;
	[tilespmem:$0x18800] =	vst v63  }
0x4ca: {  	s19 =	simm.s32 $0x7000  }
0x4cb: {  	[tilespmem:s19], [sflag:$0x1] =	stream.indirect_vreg.gather [hbm4b:s2+s3], $0x80, v3, vm0, $0xb8;
	[tilespmem:$0x18800] =	vst v63  }
0x4cc: {  	v3 =	vld [tilespmem:$0x670];
	_ =	sdelay $0x4  }
0x4cd: {  	v39 =	vshll.u32 v3, $0x1  }
0x4ce: {  	v3 =	vand.u32 $0x7, v3;
	v4 =	vand.u32 $0xFFFFFFF0, v39  }
0x4cf: {  	v3 =	vor.u32 v3, v4  }
0x4d0: {  	v4 =	vperm.xlane v3, v0;
	_ =	sdelay $0x1  }
0x4d1: {  	v3 =	vperm.xlane v3, v2;
	v4 =	vadd.s32 v1, v4;
	_ =	sdelay $0x1  }
0x4d2: {  	v3 =	vadd.s32 v1, v3;
	_ =	sdelay $0x1  }
0x4d3: {  	s20 =	simm.s32 $0x7800  }
0x4d4: {  	[tilespmem:s20], [sflag:$0x1] =	stream.indirect_vreg.gather [hbm4b:s2+s3], $0x80, v4, vm0, $0xb8;
	[tilespmem:$0x18800] =	vst v63  }
0x4d5: {  	s20 =	simm.s32 $0x8000  }
0x4d6: {  	[tilespmem:s20], [sflag:$0x1] =	stream.indirect_vreg.gather [hbm4b:s2+s3], $0x80, v3, vm0, $0xb8;
	[tilespmem:$0x18800] =	vst v63  }
0x4d7: {  	_ =	swait.ge [sflag:s30], $0x8000  }
0x4d8: {  	[sflag:s30] =	ssyncset.done $0x0  }
0x4d9: {  	s0 =	rddreg [dreg:$0xd];
	[sflag:s30] =	ssyncadd.s32 $0xFFFF8000  }
0x4da: {  	[hbm4b:s0+s3] =	stream.linear.scatter [tilespmem:s31], [sflag:$0x4], $0x8000, $0x38;
	[tilespmem:$0x18800] =	vst v63  }
0x4db: {  	_ =	swait.ge [sflag:s6], $0x8000  }
0x4dc: {  	[sflag:s6] =	ssyncset.done $0x0  }
0x4dd: {  	[sflag:s6] =	ssyncadd.s32 $0xFFFF8000  }
0x4de: {  	v3 =	vld [tilespmem:$0x680];
	_ =	sdelay $0x4  }
0x4df: {  	v40 =	vshll.u32 v3, $0x1  }
0x4e0: {  	v3 =	vand.u32 $0x7, v3;
	v4 =	vand.u32 $0xFFFFFFF0, v40  }
0x4e1: {  	v3 =	vor.u32 v3, v4  }
0x4e2: {  	v4 =	vperm.xlane v3, v0;
	_ =	sdelay $0x1  }
0x4e3: {  	v3 =	vperm.xlane v3, v2;
	v4 =	vadd.s32 v1, v4;
	_ =	sdelay $0x1  }
0x4e4: {  	v3 =	vadd.s32 v1, v3;
	_ =	sdelay $0x2  }
0x4e5: {  	[tilespmem:s31], [sflag:$0x2] =	stream.indirect_vreg.gather [hbm4b:s2+s3], $0x80, v4, vm0, $0xb8;
	[tilespmem:$0x18800] =	vst v63  }
0x4e6: {  	s0 =	simm.s32 $0x9000  }
0x4e7: {  	[tilespmem:s0], [sflag:$0x2] =	stream.indirect_vreg.gather [hbm4b:s2+s3], $0x80, v3, vm0, $0xb8;
	[tilespmem:$0x18800] =	vst v63  }
0x4e8: {  	v3 =	vld [tilespmem:$0x690];
	_ =	sdelay $0x4  }
0x4e9: {  	v41 =	vshll.u32 v3, $0x1  }
0x4ea: {  	v3 =	vand.u32 $0x7, v3;
	v4 =	vand.u32 $0xFFFFFFF0, v41  }
0x4eb: {  	v3 =	vor.u32 v3, v4  }
0x4ec: {  	v4 =	vperm.xlane v3, v0;
	_ =	sdelay $0x1  }
0x4ed: {  	v3 =	vperm.xlane v3, v2;
	v4 =	vadd.s32 v1, v4;
	_ =	sdelay $0x1  }
0x4ee: {  	v3 =	vadd.s32 v1, v3;
	_ =	sdelay $0x1  }
0x4ef: {  	s0 =	simm.s32 $0x9800  }
0x4f0: {  	[tilespmem:s0], [sflag:$0x2] =	stream.indirect_vreg.gather [hbm4b:s2+s3], $0x80, v4, vm0, $0xb8;
	[tilespmem:$0x18800] =	vst v63  }
0x4f1: {  	s0 =	simm.s32 $0xA000  }
0x4f2: {  	[tilespmem:s0], [sflag:$0x2] =	stream.indirect_vreg.gather [hbm4b:s2+s3], $0x80, v3, vm0, $0xb8;
	[tilespmem:$0x18800] =	vst v63  }
0x4f3: {  	v3 =	vld [tilespmem:$0x6A0];
	_ =	sdelay $0x4  }
0x4f4: {  	v42 =	vshll.u32 v3, $0x1  }
0x4f5: {  	v3 =	vand.u32 $0x7, v3;
	v4 =	vand.u32 $0xFFFFFFF0, v42  }
0x4f6: {  	v3 =	vor.u32 v3, v4  }
0x4f7: {  	v4 =	vperm.xlane v3, v0;
	_ =	sdelay $0x1  }
0x4f8: {  	v3 =	vperm.xlane v3, v2;
	v4 =	vadd.s32 v1, v4;
	_ =	sdelay $0x1  }
0x4f9: {  	v3 =	vadd.s32 v1, v3;
	_ =	sdelay $0x1  }
0x4fa: {  	s0 =	simm.s32 $0xA800  }
0x4fb: {  	[tilespmem:s0], [sflag:$0x2] =	stream.indirect_vreg.gather [hbm4b:s2+s3], $0x80, v4, vm0, $0xb8;
	[tilespmem:$0x18800] =	vst v63  }
0x4fc: {  	s0 =	simm.s32 $0xB000  }
0x4fd: {  	[tilespmem:s0], [sflag:$0x2] =	stream.indirect_vreg.gather [hbm4b:s2+s3], $0x80, v3, vm0, $0xb8;
	[tilespmem:$0x18800] =	vst v63  }
0x4fe: {  	v3 =	vld [tilespmem:$0x6B0];
	_ =	sdelay $0x4  }
0x4ff: {  	v43 =	vshll.u32 v3, $0x1  }
0x500: {  	v3 =	vand.u32 $0x7, v3;
	v4 =	vand.u32 $0xFFFFFFF0, v43  }
0x501: {  	v3 =	vor.u32 v3, v4  }
0x502: {  	v4 =	vperm.xlane v3, v0;
	_ =	sdelay $0x1  }
0x503: {  	v3 =	vperm.xlane v3, v2;
	v4 =	vadd.s32 v1, v4;
	_ =	sdelay $0x1  }
0x504: {  	v3 =	vadd.s32 v1, v3;
	_ =	sdelay $0x1  }
0x505: {  	s0 =	simm.s32 $0xB800  }
0x506: {  	[tilespmem:s0], [sflag:$0x2] =	stream.indirect_vreg.gather [hbm4b:s2+s3], $0x80, v4, vm0, $0xb8;
	[tilespmem:$0x18800] =	vst v63  }
0x507: {  	s0 =	simm.s32 $0xC000  }
0x508: {  	[tilespmem:s0], [sflag:$0x2] =	stream.indirect_vreg.gather [hbm4b:s2+s3], $0x80, v3, vm0, $0xb8;
	[tilespmem:$0x18800] =	vst v63  }
0x509: {  	v3 =	vld [tilespmem:$0x6C0];
	_ =	sdelay $0x4  }
0x50a: {  	v44 =	vshll.u32 v3, $0x1  }
0x50b: {  	v3 =	vand.u32 $0x7, v3;
	v4 =	vand.u32 $0xFFFFFFF0, v44  }
0x50c: {  	v3 =	vor.u32 v3, v4  }
0x50d: {  	v4 =	vperm.xlane v3, v0;
	_ =	sdelay $0x1  }
0x50e: {  	v3 =	vperm.xlane v3, v2;
	v4 =	vadd.s32 v1, v4;
	_ =	sdelay $0x1  }
0x50f: {  	v3 =	vadd.s32 v1, v3;
	_ =	sdelay $0x1  }
0x510: {  	s0 =	simm.s32 $0xC800  }
0x511: {  	[tilespmem:s0], [sflag:$0x2] =	stream.indirect_vreg.gather [hbm4b:s2+s3], $0x80, v4, vm0, $0xb8;
	[tilespmem:$0x18800] =	vst v63  }
0x512: {  	s0 =	simm.s32 $0xD000  }
0x513: {  	[tilespmem:s0], [sflag:$0x2] =	stream.indirect_vreg.gather [hbm4b:s2+s3], $0x80, v3, vm0, $0xb8;
	[tilespmem:$0x18800] =	vst v63  }
0x514: {  	v3 =	vld [tilespmem:$0x6D0];
	_ =	sdelay $0x4  }
0x515: {  	v45 =	vshll.u32 v3, $0x1  }
0x516: {  	v3 =	vand.u32 $0x7, v3;
	v4 =	vand.u32 $0xFFFFFFF0, v45  }
0x517: {  	v3 =	vor.u32 v3, v4  }
0x518: {  	v4 =	vperm.xlane v3, v0;
	_ =	sdelay $0x1  }
0x519: {  	v3 =	vperm.xlane v3, v2;
	v4 =	vadd.s32 v1, v4;
	_ =	sdelay $0x1  }
0x51a: {  	v3 =	vadd.s32 v1, v3;
	_ =	sdelay $0x1  }
0x51b: {  	s0 =	simm.s32 $0xD800  }
0x51c: {  	[tilespmem:s0], [sflag:$0x2] =	stream.indirect_vreg.gather [hbm4b:s2+s3], $0x80, v4, vm0, $0xb8;
	[tilespmem:$0x18800] =	vst v63  }
0x51d: {  	s0 =	simm.s32 $0xE000  }
0x51e: {  	[tilespmem:s0], [sflag:$0x2] =	stream.indirect_vreg.gather [hbm4b:s2+s3], $0x80, v3, vm0, $0xb8;
	[tilespmem:$0x18800] =	vst v63  }
0x51f: {  	v3 =	vld [tilespmem:$0x6E0];
	_ =	sdelay $0x4  }
0x520: {  	v46 =	vshll.u32 v3, $0x1  }
0x521: {  	v3 =	vand.u32 $0x7, v3;
	v4 =	vand.u32 $0xFFFFFFF0, v46  }
0x522: {  	v3 =	vor.u32 v3, v4  }
0x523: {  	v4 =	vperm.xlane v3, v0;
	_ =	sdelay $0x1  }
0x524: {  	v3 =	vperm.xlane v3, v2;
	v4 =	vadd.s32 v1, v4;
	_ =	sdelay $0x1  }
0x525: {  	v3 =	vadd.s32 v1, v3;
	_ =	sdelay $0x1  }
0x526: {  	s0 =	simm.s32 $0xE800  }
0x527: {  	[tilespmem:s0], [sflag:$0x2] =	stream.indirect_vreg.gather [hbm4b:s2+s3], $0x80, v4, vm0, $0xb8;
	[tilespmem:$0x18800] =	vst v63  }
0x528: {  	s0 =	simm.s32 $0xF000  }
0x529: {  	[tilespmem:s0], [sflag:$0x2] =	stream.indirect_vreg.gather [hbm4b:s2+s3], $0x80, v3, vm0, $0xb8;
	[tilespmem:$0x18800] =	vst v63  }
0x52a: {  	v3 =	vld [tilespmem:$0x6F0];
	_ =	sdelay $0x4  }
0x52b: {  	v47 =	vshll.u32 v3, $0x1  }
0x52c: {  	v3 =	vand.u32 $0x7, v3;
	v4 =	vand.u32 $0xFFFFFFF0, v47  }
0x52d: {  	v3 =	vor.u32 v3, v4  }
0x52e: {  	v4 =	vperm.xlane v3, v0;
	_ =	sdelay $0x1  }
0x52f: {  	v3 =	vperm.xlane v3, v2;
	v4 =	vadd.s32 v1, v4;
	_ =	sdelay $0x1  }
0x530: {  	v3 =	vadd.s32 v1, v3;
	_ =	sdelay $0x1  }
0x531: {  	s0 =	simm.s32 $0xF800  }
0x532: {  	[tilespmem:s0], [sflag:$0x2] =	stream.indirect_vreg.gather [hbm4b:s2+s3], $0x80, v4, vm0, $0xb8;
	[tilespmem:$0x18800] =	vst v63  }
0x533: {  	s0 =	simm.s32 $0x10000  }
0x534: {  	[tilespmem:s0], [sflag:$0x2] =	stream.indirect_vreg.gather [hbm4b:s2+s3], $0x80, v3, vm0, $0xb8;
	[tilespmem:$0x18800] =	vst v63  }
0x535: {  	_ =	swait.ge [sflag:s1], $0x8000  }
0x536: {  	[sflag:s1] =	ssyncset.done $0x0  }
0x537: {  	s0 =	rddreg [dreg:$0xe];
	[sflag:s1] =	ssyncadd.s32 $0xFFFF8000  }
0x538: {  	[hbm4b:s0+s3] =	stream.linear.scatter [tilespmem:s7], [sflag:$0x4], $0x8000, $0x38;
	[tilespmem:$0x18800] =	vst v63  }
0x539: {  	_ =	swait.ge [sflag:s6], $0x8000  }
0x53a: {  	[sflag:s6] =	ssyncset.done $0x0  }
0x53b: {  	[sflag:s6] =	ssyncadd.s32 $0xFFFF8000  }
0x53c: {  	v3 =	vld [tilespmem:$0x700];
	_ =	sdelay $0x4  }
0x53d: {  	v48 =	vshll.u32 v3, $0x1  }
0x53e: {  	v3 =	vand.u32 $0x7, v3;
	v4 =	vand.u32 $0xFFFFFFF0, v48  }
0x53f: {  	v3 =	vor.u32 v3, v4  }
0x540: {  	v4 =	vperm.xlane v3, v0;
	_ =	sdelay $0x1  }
0x541: {  	v3 =	vperm.xlane v3, v2;
	v4 =	vadd.s32 v1, v4;
	_ =	sdelay $0x1  }
0x542: {  	v3 =	vadd.s32 v1, v3;
	_ =	sdelay $0x2  }
0x543: {  	[tilespmem:s7], [sflag:$0x3] =	stream.indirect_vreg.gather [hbm4b:s2+s3], $0x80, v4, vm0, $0xb8;
	[tilespmem:$0x18800] =	vst v63  }
0x544: {  	s0 =	simm.s32 $0x11000  }
0x545: {  	[tilespmem:s0], [sflag:$0x3] =	stream.indirect_vreg.gather [hbm4b:s2+s3], $0x80, v3, vm0, $0xb8;
	[tilespmem:$0x18800] =	vst v63  }
0x546: {  	v3 =	vld [tilespmem:$0x710];
	_ =	sdelay $0x4  }
0x547: {  	v49 =	vshll.u32 v3, $0x1  }
0x548: {  	v3 =	vand.u32 $0x7, v3;
	v4 =	vand.u32 $0xFFFFFFF0, v49  }
0x549: {  	v3 =	vor.u32 v3, v4  }
0x54a: {  	v4 =	vperm.xlane v3, v0;
	_ =	sdelay $0x1  }
0x54b: {  	v3 =	vperm.xlane v3, v2;
	v4 =	vadd.s32 v1, v4;
	_ =	sdelay $0x1  }
0x54c: {  	v3 =	vadd.s32 v1, v3;
	_ =	sdelay $0x1  }
0x54d: {  	s21 =	simm.s32 $0x11800  }
0x54e: {  	[tilespmem:s21], [sflag:$0x3] =	stream.indirect_vreg.gather [hbm4b:s2+s3], $0x80, v4, vm0, $0xb8;
	[tilespmem:$0x18800] =	vst v63  }
0x54f: {  	s21 =	simm.s32 $0x12000  }
0x550: {  	[tilespmem:s21], [sflag:$0x3] =	stream.indirect_vreg.gather [hbm4b:s2+s3], $0x80, v3, vm0, $0xb8;
	[tilespmem:$0x18800] =	vst v63  }
0x551: {  	v3 =	vld [tilespmem:$0x720];
	_ =	sdelay $0x4  }
0x552: {  	v50 =	vshll.u32 v3, $0x1  }
0x553: {  	v3 =	vand.u32 $0x7, v3;
	v4 =	vand.u32 $0xFFFFFFF0, v50  }
0x554: {  	v3 =	vor.u32 v3, v4  }
0x555: {  	v4 =	vperm.xlane v3, v0;
	_ =	sdelay $0x1  }
0x556: {  	v3 =	vperm.xlane v3, v2;
	v4 =	vadd.s32 v1, v4;
	_ =	sdelay $0x1  }
0x557: {  	v3 =	vadd.s32 v1, v3;
	_ =	sdelay $0x1  }
0x558: {  	s24 =	simm.s32 $0x12800  }
0x559: {  	[tilespmem:s24], [sflag:$0x3] =	stream.indirect_vreg.gather [hbm4b:s2+s3], $0x80, v4, vm0, $0xb8;
	[tilespmem:$0x18800] =	vst v63  }
0x55a: {  	s24 =	simm.s32 $0x13000  }
0x55b: {  	[tilespmem:s24], [sflag:$0x3] =	stream.indirect_vreg.gather [hbm4b:s2+s3], $0x80, v3, vm0, $0xb8;
	[tilespmem:$0x18800] =	vst v63  }
0x55c: {  	v3 =	vld [tilespmem:$0x730];
	_ =	sdelay $0x4  }
0x55d: {  	v51 =	vshll.u32 v3, $0x1  }
0x55e: {  	v3 =	vand.u32 $0x7, v3;
	v4 =	vand.u32 $0xFFFFFFF0, v51  }
0x55f: {  	v3 =	vor.u32 v3, v4  }
0x560: {  	v4 =	vperm.xlane v3, v0;
	_ =	sdelay $0x1  }
0x561: {  	v3 =	vperm.xlane v3, v2;
	v4 =	vadd.s32 v1, v4;
	_ =	sdelay $0x1  }
0x562: {  	v3 =	vadd.s32 v1, v3;
	_ =	sdelay $0x1  }
0x563: {  	s25 =	simm.s32 $0x13800  }
0x564: {  	[tilespmem:s25], [sflag:$0x3] =	stream.indirect_vreg.gather [hbm4b:s2+s3], $0x80, v4, vm0, $0xb8;
	[tilespmem:$0x18800] =	vst v63  }
0x565: {  	s25 =	simm.s32 $0x14000  }
0x566: {  	[tilespmem:s25], [sflag:$0x3] =	stream.indirect_vreg.gather [hbm4b:s2+s3], $0x80, v3, vm0, $0xb8;
	[tilespmem:$0x18800] =	vst v63  }
0x567: {  	v3 =	vld [tilespmem:$0x740];
	_ =	sdelay $0x4  }
0x568: {  	v52 =	vshll.u32 v3, $0x1  }
0x569: {  	v3 =	vand.u32 $0x7, v3;
	v4 =	vand.u32 $0xFFFFFFF0, v52  }
0x56a: {  	v3 =	vor.u32 v3, v4  }
0x56b: {  	v4 =	vperm.xlane v3, v0;
	_ =	sdelay $0x1  }
0x56c: {  	v3 =	vperm.xlane v3, v2;
	v4 =	vadd.s32 v1, v4;
	_ =	sdelay $0x1  }
0x56d: {  	v3 =	vadd.s32 v1, v3;
	_ =	sdelay $0x1  }
0x56e: {  	s26 =	simm.s32 $0x14800  }
0x56f: {  	[tilespmem:s26], [sflag:$0x3] =	stream.indirect_vreg.gather [hbm4b:s2+s3], $0x80, v4, vm0, $0xb8;
	[tilespmem:$0x18800] =	vst v63  }
0x570: {  	s26 =	simm.s32 $0x15000  }
0x571: {  	[tilespmem:s26], [sflag:$0x3] =	stream.indirect_vreg.gather [hbm4b:s2+s3], $0x80, v3, vm0, $0xb8;
	[tilespmem:$0x18800] =	vst v63  }
0x572: {  	v3 =	vld [tilespmem:$0x750];
	_ =	sdelay $0x4  }
0x573: {  	v53 =	vshll.u32 v3, $0x1  }
0x574: {  	v3 =	vand.u32 $0x7, v3;
	v4 =	vand.u32 $0xFFFFFFF0, v53  }
0x575: {  	v3 =	vor.u32 v3, v4  }
0x576: {  	v4 =	vperm.xlane v3, v0;
	_ =	sdelay $0x1  }
0x577: {  	v3 =	vperm.xlane v3, v2;
	v4 =	vadd.s32 v1, v4;
	_ =	sdelay $0x1  }
0x578: {  	v3 =	vadd.s32 v1, v3;
	_ =	sdelay $0x1  }
0x579: {  	s28 =	simm.s32 $0x15800  }
0x57a: {  	[tilespmem:s28], [sflag:$0x3] =	stream.indirect_vreg.gather [hbm4b:s2+s3], $0x80, v4, vm0, $0xb8;
	[tilespmem:$0x18800] =	vst v63  }
0x57b: {  	s28 =	simm.s32 $0x16000  }
0x57c: {  	[tilespmem:s28], [sflag:$0x3] =	stream.indirect_vreg.gather [hbm4b:s2+s3], $0x80, v3, vm0, $0xb8;
	[tilespmem:$0x18800] =	vst v63  }
0x57d: {  	v3 =	vld [tilespmem:$0x760];
	_ =	sdelay $0x4  }
0x57e: {  	v54 =	vshll.u32 v3, $0x1  }
0x57f: {  	v3 =	vand.u32 $0x7, v3;
	v4 =	vand.u32 $0xFFFFFFF0, v54  }
0x580: {  	v3 =	vor.u32 v3, v4  }
0x581: {  	v4 =	vperm.xlane v3, v0;
	_ =	sdelay $0x1  }
0x582: {  	v3 =	vperm.xlane v3, v2;
	v4 =	vadd.s32 v1, v4;
	_ =	sdelay $0x1  }
0x583: {  	v3 =	vadd.s32 v1, v3;
	_ =	sdelay $0x1  }
0x584: {  	s29 =	simm.s32 $0x16800  }
0x585: {  	[tilespmem:s29], [sflag:$0x3] =	stream.indirect_vreg.gather [hbm4b:s2+s3], $0x80, v4, vm0, $0xb8;
	[tilespmem:$0x18800] =	vst v63  }
0x586: {  	s29 =	simm.s32 $0x17000  }
0x587: {  	[tilespmem:s29], [sflag:$0x3] =	stream.indirect_vreg.gather [hbm4b:s2+s3], $0x80, v3, vm0, $0xb8;
	[tilespmem:$0x18800] =	vst v63  }
0x588: {  	v3 =	vld [tilespmem:$0x770];
	_ =	sdelay $0x4  }
0x589: {  	v55 =	vshll.u32 v3, $0x1  }
0x58a: {  	v3 =	vand.u32 $0x7, v3;
	v4 =	vand.u32 $0xFFFFFFF0, v55  }
0x58b: {  	v3 =	vor.u32 v3, v4  }
0x58c: {  	v4 =	vperm.xlane v3, v0;
	_ =	sdelay $0x1  }
0x58d: {  	v3 =	vperm.xlane v3, v2;
	v4 =	vadd.s32 v1, v4;
	_ =	sdelay $0x1  }
0x58e: {  	v3 =	vadd.s32 v1, v3;
	_ =	sdelay $0x1  }
0x58f: {  	s8 =	simm.s32 $0x17800  }
0x590: {  	[tilespmem:s8], [sflag:$0x3] =	stream.indirect_vreg.gather [hbm4b:s2+s3], $0x80, v4, vm0, $0xb8;
	[tilespmem:$0x18800] =	vst v63  }
0x591: {  	s8 =	simm.s32 $0x18000  }
0x592: {  	[tilespmem:s8], [sflag:$0x3] =	stream.indirect_vreg.gather [hbm4b:s2+s3], $0x80, v3, vm0, $0xb8;
	[tilespmem:$0x18800] =	vst v63  }
0x593: {  	_ =	swait.ge [sflag:s4], $0x8000  }
0x594: {  	[sflag:s4] =	ssyncset.done $0x0  }
0x595: {  	s21 =	rddreg [dreg:$0xf];
	[sflag:s4] =	ssyncadd.s32 $0xFFFF8000  }
0x596: {  	[hbm4b:s21+s3] =	stream.linear.scatter [tilespmem:s22], [sflag:$0x4], $0x8000, $0x38;
	[tilespmem:$0x18800] =	vst v63  }
0x597: {  	_ =	swait.ge [sflag:s6], $0x8000  }
0x598: {  	[sflag:s6] =	ssyncset.done $0x0  }
0x599: {  	[sflag:s6] =	ssyncadd.s32 $0xFFFF8000  }
0x59a: {  	v3 =	vld [tilespmem:$0x780];
	_ =	sdelay $0x4  }
0x59b: {  	v56 =	vshll.u32 v3, $0x1  }
0x59c: {  	v3 =	vand.u32 $0x7, v3;
	v4 =	vand.u32 $0xFFFFFFF0, v56  }
0x59d: {  	v3 =	vor.u32 v3, v4  }
0x59e: {  	v4 =	vperm.xlane v3, v0;
	_ =	sdelay $0x1  }
0x59f: {  	v3 =	vperm.xlane v3, v2;
	v4 =	vadd.s32 v1, v4;
	_ =	sdelay $0x1  }
0x5a0: {  	v3 =	vadd.s32 v1, v3;
	_ =	sdelay $0x2  }
0x5a1: {  	[tilespmem:s22], [sflag:$0x1] =	stream.indirect_vreg.gather [hbm4b:s2+s3], $0x80, v4, vm0, $0xb8;
	[tilespmem:$0x18800] =	vst v63  }
0x5a2: {  	s10 =	simm.s32 $0x1000  }
0x5a3: {  	[tilespmem:s10], [sflag:$0x1] =	stream.indirect_vreg.gather [hbm4b:s2+s3], $0x80, v3, vm0, $0xb8;
	[tilespmem:$0x18800] =	vst v63  }
0x5a4: {  	v3 =	vld [tilespmem:$0x790];
	_ =	sdelay $0x4  }
0x5a5: {  	v57 =	vshll.u32 v3, $0x1  }
0x5a6: {  	v3 =	vand.u32 $0x7, v3;
	v4 =	vand.u32 $0xFFFFFFF0, v57  }
0x5a7: {  	v3 =	vor.u32 v3, v4  }
0x5a8: {  	v4 =	vperm.xlane v3, v0;
	_ =	sdelay $0x1  }
0x5a9: {  	v3 =	vperm.xlane v3, v2;
	v4 =	vadd.s32 v1, v4;
	_ =	sdelay $0x1  }
0x5aa: {  	v3 =	vadd.s32 v1, v3;
	_ =	sdelay $0x1  }
0x5ab: {  	s9 =	simm.s32 $0x1800  }
0x5ac: {  	[tilespmem:s9], [sflag:$0x1] =	stream.indirect_vreg.gather [hbm4b:s2+s3], $0x80, v4, vm0, $0xb8;
	[tilespmem:$0x18800] =	vst v63  }
0x5ad: {  	s11 =	simm.s32 $0x2000  }
0x5ae: {  	[tilespmem:s11], [sflag:$0x1] =	stream.indirect_vreg.gather [hbm4b:s2+s3], $0x80, v3, vm0, $0xb8;
	[tilespmem:$0x18800] =	vst v63  }
0x5af: {  	v3 =	vld [tilespmem:$0x7A0];
	_ =	sdelay $0x4  }
0x5b0: {  	v58 =	vshll.u32 v3, $0x1  }
0x5b1: {  	v3 =	vand.u32 $0x7, v3;
	v4 =	vand.u32 $0xFFFFFFF0, v58  }
0x5b2: {  	v3 =	vor.u32 v3, v4  }
0x5b3: {  	v4 =	vperm.xlane v3, v0;
	_ =	sdelay $0x1  }
0x5b4: {  	v3 =	vperm.xlane v3, v2;
	v4 =	vadd.s32 v1, v4;
	_ =	sdelay $0x1  }
0x5b5: {  	v3 =	vadd.s32 v1, v3;
	_ =	sdelay $0x1  }
0x5b6: {  	s23 =	simm.s32 $0x2800  }
0x5b7: {  	[tilespmem:s23], [sflag:$0x1] =	stream.indirect_vreg.gather [hbm4b:s2+s3], $0x80, v4, vm0, $0xb8;
	[tilespmem:$0x18800] =	vst v63  }
0x5b8: {  	s12 =	simm.s32 $0x3000  }
0x5b9: {  	[tilespmem:s12], [sflag:$0x1] =	stream.indirect_vreg.gather [hbm4b:s2+s3], $0x80, v3, vm0, $0xb8;
	[tilespmem:$0x18800] =	vst v63  }
0x5ba: {  	v3 =	vld [tilespmem:$0x7B0];
	_ =	sdelay $0x4  }
0x5bb: {  	v59 =	vshll.u32 v3, $0x1  }
0x5bc: {  	v3 =	vand.u32 $0x7, v3;
	v4 =	vand.u32 $0xFFFFFFF0, v59  }
0x5bd: {  	v3 =	vor.u32 v3, v4  }
0x5be: {  	v4 =	vperm.xlane v3, v0;
	_ =	sdelay $0x1  }
0x5bf: {  	v3 =	vperm.xlane v3, v2;
	v4 =	vadd.s32 v1, v4;
	_ =	sdelay $0x1  }
0x5c0: {  	v3 =	vadd.s32 v1, v3;
	_ =	sdelay $0x1  }
0x5c1: {  	s15 =	simm.s32 $0x3800  }
0x5c2: {  	[tilespmem:s15], [sflag:$0x1] =	stream.indirect_vreg.gather [hbm4b:s2+s3], $0x80, v4, vm0, $0xb8;
	[tilespmem:$0x18800] =	vst v63  }
0x5c3: {  	s13 =	simm.s32 $0x4000  }
0x5c4: {  	[tilespmem:s13], [sflag:$0x1] =	stream.indirect_vreg.gather [hbm4b:s2+s3], $0x80, v3, vm0, $0xb8;
	[tilespmem:$0x18800] =	vst v63  }
0x5c5: {  	v3 =	vld [tilespmem:$0x7C0];
	_ =	sdelay $0x4  }
0x5c6: {  	v60 =	vshll.u32 v3, $0x1  }
0x5c7: {  	v3 =	vand.u32 $0x7, v3;
	v4 =	vand.u32 $0xFFFFFFF0, v60  }
0x5c8: {  	v3 =	vor.u32 v3, v4  }
0x5c9: {  	v4 =	vperm.xlane v3, v0;
	_ =	sdelay $0x1  }
0x5ca: {  	v3 =	vperm.xlane v3, v2;
	v4 =	vadd.s32 v1, v4;
	_ =	sdelay $0x1  }
0x5cb: {  	v3 =	vadd.s32 v1, v3;
	_ =	sdelay $0x1  }
0x5cc: {  	s16 =	simm.s32 $0x4800  }
0x5cd: {  	[tilespmem:s16], [sflag:$0x1] =	stream.indirect_vreg.gather [hbm4b:s2+s3], $0x80, v4, vm0, $0xb8;
	[tilespmem:$0x18800] =	vst v63  }
0x5ce: {  	s14 =	simm.s32 $0x5000  }
0x5cf: {  	[tilespmem:s14], [sflag:$0x1] =	stream.indirect_vreg.gather [hbm4b:s2+s3], $0x80, v3, vm0, $0xb8;
	[tilespmem:$0x18800] =	vst v63  }
0x5d0: {  	v3 =	vld [tilespmem:$0x7D0];
	_ =	sdelay $0x4  }
0x5d1: {  	v61 =	vshll.u32 v3, $0x1  }
0x5d2: {  	v3 =	vand.u32 $0x7, v3;
	v4 =	vand.u32 $0xFFFFFFF0, v61  }
0x5d3: {  	v3 =	vor.u32 v3, v4  }
0x5d4: {  	v4 =	vperm.xlane v3, v0;
	_ =	sdelay $0x1  }
0x5d5: {  	v3 =	vperm.xlane v3, v2;
	v4 =	vadd.s32 v1, v4;
	_ =	sdelay $0x1  }
0x5d6: {  	v3 =	vadd.s32 v1, v3;
	_ =	sdelay $0x1  }
0x5d7: {  	s17 =	simm.s32 $0x5800  }
0x5d8: {  	[tilespmem:s17], [sflag:$0x1] =	stream.indirect_vreg.gather [hbm4b:s2+s3], $0x80, v4, vm0, $0xb8;
	[tilespmem:$0x18800] =	vst v63  }
0x5d9: {  	s24 =	simm.s32 $0x6000  }
0x5da: {  	[tilespmem:s24], [sflag:$0x1] =	stream.indirect_vreg.gather [hbm4b:s2+s3], $0x80, v3, vm0, $0xb8;
	[tilespmem:$0x18800] =	vst v63  }
0x5db: {  	v3 =	vld [tilespmem:$0x7E0];
	_ =	sdelay $0x4  }
0x5dc: {  	v62 =	vshll.u32 v3, $0x1  }
0x5dd: {  	v3 =	vand.u32 $0x7, v3;
	v4 =	vand.u32 $0xFFFFFFF0, v62  }
0x5de: {  	v3 =	vor.u32 v3, v4  }
0x5df: {  	v4 =	vperm.xlane v3, v0;
	_ =	sdelay $0x1  }
0x5e0: {  	v3 =	vperm.xlane v3, v2;
	v4 =	vadd.s32 v1, v4;
	_ =	sdelay $0x1  }
0x5e1: {  	v3 =	vadd.s32 v1, v3;
	_ =	sdelay $0x1  }
0x5e2: {  	s18 =	simm.s32 $0x6800  }
0x5e3: {  	[tilespmem:s18], [sflag:$0x1] =	stream.indirect_vreg.gather [hbm4b:s2+s3], $0x80, v4, vm0, $0xb8;
	[tilespmem:$0x18800] =	vst v63  }
0x5e4: {  	s25 =	simm.s32 $0x7000  }
0x5e5: {  	[tilespmem:s25], [sflag:$0x1] =	stream.indirect_vreg.gather [hbm4b:s2+s3], $0x80, v3, vm0, $0xb8;
	[tilespmem:$0x18800] =	vst v63  }
0x5e6: {  	v3 =	vld [tilespmem:$0x7F0];
	_ =	sdelay $0x4  }
0x5e7: {  	v63 =	vshll.u32 v3, $0x1  }
0x5e8: {  	v3 =	vand.u32 $0x7, v3;
	v4 =	vand.u32 $0xFFFFFFF0, v63  }
0x5e9: {  	v3 =	vor.u32 v3, v4  }
0x5ea: {  	v4 =	vperm.xlane v3, v0;
	_ =	sdelay $0x1  }
0x5eb: {  	v3 =	vperm.xlane v3, v2;
	v4 =	vadd.s32 v1, v4;
	_ =	sdelay $0x1  }
0x5ec: {  	v3 =	vadd.s32 v1, v3;
	_ =	sdelay $0x1  }
0x5ed: {  	s19 =	simm.s32 $0x7800  }
0x5ee: {  	[tilespmem:s19], [sflag:$0x1] =	stream.indirect_vreg.gather [hbm4b:s2+s3], $0x80, v4, vm0, $0xb8;
	[tilespmem:$0x18800] =	vst v63  }
0x5ef: {  	s20 =	simm.s32 $0x8000  }
0x5f0: {  	[tilespmem:s20], [sflag:$0x1] =	stream.indirect_vreg.gather [hbm4b:s2+s3], $0x80, v3, vm0, $0xb8;
	[tilespmem:$0x18800] =	vst v63  }
0x5f1: {  	_ =	swait.ge [sflag:s30], $0x8000  }
0x5f2: {  	[sflag:s30] =	ssyncset.done $0x0  }
0x5f3: {  	s26 =	rddreg [dreg:$0x10];
	[sflag:s30] =	ssyncadd.s32 $0xFFFF8000  }
0x5f4: {  	[hbm4b:s26+s3] =	stream.linear.scatter [tilespmem:s31], [sflag:$0x4], $0x8000, $0x38;
	[tilespmem:$0x18800] =	vst v63  }
0x5f5: {  	_ =	swait.ge [sflag:s6], $0x8000  }
0x5f6: {  	[sflag:s6] =	ssyncset.done $0x0  }
0x5f7: {  	[sflag:s6] =	ssyncadd.s32 $0xFFFF8000  }
0x5f8: {  	_ =	swait.ge [sflag:s1], $0x8000  }
0x5f9: {  	[sflag:s1] =	ssyncset.done $0x0  }
0x5fa: {  	s28 =	rddreg [dreg:$0x11];
	[sflag:s1] =	ssyncadd.s32 $0xFFFF8000  }
0x5fb: {  	[hbm4b:s28+s3] =	stream.linear.scatter [tilespmem:s7], [sflag:$0x4], $0x8000, $0x38;
	[tilespmem:$0x18800] =	vst v63  }
0x5fc: {  	_ =	swait.ge [sflag:s6], $0x8000  }
0x5fd: {  	[sflag:s6] =	ssyncset.done $0x0  }
0x5fe: {  	[sflag:s6] =	ssyncadd.s32 $0xFFFF8000  }
0x5ff: {  	_ =	swait.ge [sflag:s4], $0x8000  }
0x600: {  	p0 =	sne.s32 s5, $0x1;
	[sflag:s4] =	ssyncset.done $0x0  }
.Ltmp0:
0x601: {  	s29 =	rddreg [dreg:$0x12];
	[sflag:s4] =	ssyncadd.s32 $0xFFFF8000;
	(pc) =	sbr.rel @p0 .LBB2_1-.Ltmp0, $4  }
0x602: {  	[hbm4b:s29+s3] =	stream.linear.scatter [tilespmem:s22], [sflag:$0x4], $0x8000, $0x38;
	[tilespmem:$0x18800] =	vst v63  }
0x603: {  	_ =	swait.ge [sflag:s6], $0x8000  }
0x604: {  	[sflag:s6] =	ssyncset.done $0x0  }
0x605: {  	s5 =	sadd.s32 $0xFFFFFFFF, s5;
	[sflag:s6] =	ssyncadd.s32 $0xFFFF8000  }
0x606: {  	_ =	sfence.sel $0x180000  }
0x607: {  	[bflag:$0x0] =	sbarrier.arrive $0xFFFF  }
0x608: {  	_ =	strace $0x9000004D  }
0x609: {  	s0 =	stileid.u32;
	[bflag:$0x2] =	sbarrier.arrive $0xFFFF  }
0x60a: {  	p0 =	sne.s32 s0, $0x0;
	s0 =	rddreg [dreg:$0x1]  }
0x60b: {  	s0 =	sadd.s32 @!p0 $0x100000, s0  }
0x60c: {  	[sflag:s0] =	ssyncadd.tile.s32 @!p0 $0x1;
	_ =	shalt  }
.Lfunc_end2:
_tile_overlayer_lowered:
.L_overlay_start_2:
0x60d: {  	(tag) =	ssettag $0x2  }
0x60e: {  	s0 =	rddreg [dreg:$0x0];
	s2 =	stileid.u32  }
0x60f: {  	s1 =	rddreg [dreg:$0x1];
	p0 =	sne.s32 s2, $0x0  }
0x610: {  	s3 =	rddreg [dreg:$0x2];
	[bflag:$0x3] =	sbarrier.arrive $0xFFFF;
	s2 =	simm.s32 @!p0 $0x1C04  }
0x611: {  	[timem:s3], [sflag:s2] =	dma.local @!p0 [hbm:s0], s1  }
0x612: {  	s0 =	simm.s32 @!p0 $0x4  }
0x613: {  	_ =	swait.ge @!p0 [sflag:s0], s1  }
0x614: {  	s1 =	ssub.s32 @!p0 $0x0, s1;
	[sflag:s0] =	ssyncset.done @!p0 $0x0  }
0x615: {  	[sflag:s0] =	ssyncadd.s32 @!p0 s1  }
0x616: {  	[bflag:$0x3] =	sbarrier.arrive $0xFFFF  }
0x617: {  	_ =	shalt  }

</sc_bundles>
